<compile_context>
chip_gen: v7x
topology: tpu7x:2x2x1
jax: 0.10.2.dev20260603
libtpu: 0.0.44.dev20260713+nightly
codegen_flags: <defaults>
</compile_context>

<pallas_src>
import functools

import jax
import jax.numpy as jnp
from jax import lax
from jax.experimental import pallas as pl
from jax.experimental.pallas import tpu as pltpu
from jax.experimental.pallas import tpu_sc as plsc

TOPK = 64
LANES = 16
BINS = 256
HSTRIDE = BINS + 17
UNROLL = 4


def _mono_u32(v):
    u = lax.bitcast_convert_type(v, jnp.uint32)
    msb = jnp.uint32(0x80000000)
    return jnp.where(u >= msb, u ^ jnp.uint32(0xFFFFFFFF), u ^ msb)


def _make_kernel(B, L, D):
    n_vec = L // LANES

    mesh = plsc.VectorSubcoreMesh(core_axis_name="c", subcore_axis_name="s")

    @functools.partial(
        pl.kernel,
        mesh=mesh,
        compiler_params=pltpu.CompilerParams(needs_layout_passes=False),
        out_type=(
            jax.ShapeDtypeStruct((B, TOPK), jnp.int32),
            jax.ShapeDtypeStruct((B, TOPK, D), jnp.float32),
            jax.ShapeDtypeStruct((B, TOPK), jnp.float32),
        ),
        scratch_types=[
            pltpu.VMEM((L,), jnp.float32),
            pltpu.VMEM((L + LANES,), jnp.float32),
            pltpu.VMEM((L + LANES,), jnp.int32),
            pltpu.VMEM((L + LANES,), jnp.int32),
            pltpu.VMEM((LANES * HSTRIDE,), jnp.int32),
            pltpu.VMEM((LANES * HSTRIDE,), jnp.int32),
            pltpu.VMEM((LANES * HSTRIDE,), jnp.int32),
            pltpu.VMEM((LANES * HSTRIDE,), jnp.int32),
            pltpu.VMEM((L // 2,), jnp.float32),
            pltpu.VMEM((L // 2,), jnp.int32),
            pltpu.VMEM((BINS,), jnp.int32),
            pltpu.VMEM((BINS,), jnp.int32),
            pltpu.VMEM((TOPK,), jnp.int32),
            pltpu.VMEM((TOPK,), jnp.float32),
            pltpu.VMEM((TOPK, D), jnp.float32),
            pltpu.SemaphoreType.DMA,
            pltpu.SemaphoreType.DMA,
            pltpu.SemaphoreType.DMA,
        ],
    )
    def run(scores_hbm, hidden_hbm, idx_out, hid_out, scr_out,
            srow, cflt, ckey, cidx, h16, h16b, h16c, h16d, cfltB, cidxB,
            hist, rcum, selidx, selscr, hrows, sem, sem2, osem):
        nc = 2
        wid = lax.axis_index("s") * nc + lax.axis_index("c")

        @pl.when(wid < B)
        def _body():
            r = wid
            stage = pltpu.async_copy(scores_hbm.at[r], srow, sem)

            lane = lax.iota(jnp.int32, LANES)
            lane_off = lane * HSTRIDE
            ones = jnp.ones((LANES,), jnp.int32)

            def zero_body(j, _):
                z = jnp.zeros((LANES,), jnp.int32)
                sl = pl.ds(j * LANES, LANES)
                h16[sl] = z
                h16b[sl] = z
                h16c[sl] = z
                h16d[sl] = z
                return 0
            lax.fori_loop(0, (LANES * HSTRIDE) // LANES, zero_body, 0)
            stage.wait()

            banks = (h16, h16b, h16c, h16d)
            SAMPLE = 2

            def l0_body(i, _):
                for u in range(UNROLL):
                    off = (i * UNROLL + u) * SAMPLE * LANES
                    v = srow[pl.ds(off, LANES)]
                    key = _mono_u32(v)
                    digit = (key >> jnp.uint32(24)).astype(jnp.int32)
                    plsc.addupdate_scatter(banks[u % 4], [lane_off + digit],
                                           ones)
                return 0
            lax.fori_loop(0, n_vec // (SAMPLE * UNROLL), l0_body, 0)

            def reduce_hist(nbanks):
                zeros = jnp.zeros((LANES,), jnp.int32)

                def red_body(j, _):
                    acc = jnp.zeros((LANES,), jnp.int32)
                    for l in range(LANES):
                        sl = pl.ds(l * HSTRIDE + j * LANES, LANES)
                        for b in range(nbanks):
                            acc = acc + banks[b][sl]
                        h16[sl] = zeros
                    hist[pl.ds(j * LANES, LANES)] = acc
                    return 0
                lax.fori_loop(0, BINS // LANES, red_body, 0)

            def pick_digit(rem):
                carry = jnp.zeros((LANES,), jnp.int32)
                cnt = jnp.zeros((LANES,), jnp.int32)
                for j in range(BINS // LANES - 1, -1, -1):
                    h = hist[pl.ds(j * LANES, LANES)]
                    rc = lax.rev(plsc.cumsum(lax.rev(h, (0,))) + carry, (0,))
                    rcum[pl.ds(j * LANES, LANES)] = rc
                    cnt = cnt + plsc.all_reduce_population_count(rc >= rem)
                    carry = carry + jnp.sum(h)
                d = cnt - 1
                rcum_d = plsc.load_gather(rcum, [d])
                hist_d = plsc.load_gather(hist, [d])
                rem = rem - (rcum_d - hist_d)
                return d, rem

            rem = jnp.full((LANES,), TOPK, jnp.int32)
            reduce_hist(4)
            d0, _ = pick_digit(rem)
            d0_u = d0.astype(jnp.uint32)

            k0 = d0_u << jnp.uint32(24)
            msb = jnp.uint32(0x80000000)
            f_lo = lax.bitcast_convert_type(
                jnp.where(k0 >= msb, k0 ^ msb, k0 ^ jnp.uint32(0xFFFFFFFF)),
                jnp.float32)

            halfL = L // 2

            def l1_body(i, c):
                ca, cb = c
                for u in range(2):
                    offa = i * (LANES * 2) + u * LANES
                    offb = halfL + offa
                    va = srow[pl.ds(offa, LANES)]
                    vb = srow[pl.ds(offb, LANES)]
                    ma = va >= f_lo
                    mb = vb >= f_lo
                    cnta = plsc.cumsum(ma.astype(jnp.int32))
                    cntb = plsc.cumsum(mb.astype(jnp.int32))
                    plsc.store_scatter(cflt, [ca + cnta - 1], va, mask=ma)
                    plsc.store_scatter(cidx, [ca + cnta - 1], lane + offa,
                                       mask=ma)
                    plsc.store_scatter(cfltB, [cb + cntb - 1], vb, mask=mb)
                    plsc.store_scatter(cidxB, [cb + cntb - 1], lane + offb,
                                       mask=mb)
                    ca = ca + plsc.all_reduce_population_count(ma)
                    cb = cb + plsc.all_reduce_population_count(mb)
                return ca, cb
            zero_v = jnp.zeros((LANES,), jnp.int32)
            ca, cb = lax.fori_loop(0, halfL // (LANES * 2), l1_body,
                                   (zero_v, zero_v))
            n_a = jnp.max(ca)
            n_cv = ca + cb
            n_c = jnp.max(n_cv)
            ncv_vec = (n_c + LANES - 1) // LANES

            def app_body(j, _):
                src = pl.ds(j * LANES, LANES)
                dst = pl.ds(n_a + j * LANES, LANES)
                cflt[dst] = cfltB[src]
                cidx[dst] = cidxB[src]
                return 0
            lax.fori_loop(0, (jnp.max(cb) + LANES - 1) // LANES, app_body, 0)

            prefix = jnp.zeros((LANES,), jnp.uint32)
            for shift in (24, 16, 8, 0):
                hi_sh = shift + 8
                pfx = prefix

                def lv_body(i, _):
                    sl = pl.ds(i * LANES, LANES)
                    if shift == 24:
                        key = _mono_u32(cflt[sl])
                        ckey[sl] = lax.bitcast_convert_type(key, jnp.int32)
                        m = (lane + i * LANES) < n_cv
                    else:
                        key = lax.bitcast_convert_type(ckey[sl], jnp.uint32)
                        valid = (lane + i * LANES) < n_cv
                        m = jnp.logical_and(
                            valid,
                            (key >> jnp.uint32(hi_sh)) == (pfx >> jnp.uint32(hi_sh)))
                    digit = ((key >> jnp.uint32(shift)) & jnp.uint32(0xFF)).astype(jnp.int32)
                    plsc.addupdate_scatter(h16, [lane_off + digit], ones, mask=m)
                    return 0
                lax.fori_loop(0, ncv_vec, lv_body, 0)
                reduce_hist(1)
                d, rem = pick_digit(rem)
                prefix = prefix | (d.astype(jnp.uint32) << jnp.uint32(shift))

            thresh = prefix
            need_eq = rem

            def sel_body(i, c):
                cursor, eqseen = c
                key = lax.bitcast_convert_type(
                    ckey[pl.ds(i * LANES, LANES)], jnp.uint32)
                idxv = cidx[pl.ds(i * LANES, LANES)]
                valid = (lane + i * LANES) < n_cv
                m_gt = jnp.logical_and(valid, key > thresh)
                m_eq = jnp.logical_and(valid, key == thresh)
                inc_eq = plsc.cumsum(m_eq.astype(jnp.int32))
                accept = jnp.logical_and(m_eq, (eqseen + inc_eq) <= need_eq)
                take = jnp.logical_or(m_gt, accept)
                tc = plsc.cumsum(take.astype(jnp.int32))
                pos = cursor + tc - 1
                plsc.store_scatter(selidx, [pos], idxv, mask=take)
                cursor = cursor + plsc.all_reduce_population_count(take)
                eqseen = eqseen + plsc.all_reduce_population_count(m_eq)
                return cursor, eqseen
            lax.fori_loop(0, ncv_vec, sel_body, (zero_v, zero_v))

            half = TOPK // 2
            g0 = pltpu.async_copy(
                hidden_hbm.at[r].at[selidx.at[pl.ds(0, half)]],
                hrows.at[pl.ds(0, half)], sem)
            g1 = pltpu.async_copy(
                hidden_hbm.at[r].at[selidx.at[pl.ds(half, half)]],
                hrows.at[pl.ds(half, half)], sem2)

            for j in range(TOPK // LANES):
                iv = selidx[pl.ds(j * LANES, LANES)]
                selscr[pl.ds(j * LANES, LANES)] = plsc.load_gather(srow, [iv])
            pltpu.sync_copy(selidx, idx_out.at[r])
            pltpu.sync_copy(selscr, scr_out.at[r])

            g0.wait()
            o0 = pltpu.async_copy(hrows.at[pl.ds(0, half)],
                                  hid_out.at[r].at[pl.ds(0, half)], osem)
            g1.wait()
            o1 = pltpu.async_copy(hrows.at[pl.ds(half, half)],
                                  hid_out.at[r].at[pl.ds(half, half)], osem)
            o0.wait()
            o1.wait()

    return run


def kernel(scores, hidden_states):
    B, L = scores.shape
    D = hidden_states.shape[-1]
    run = _make_kernel(B, L, D)
    return run(scores, hidden_states)

# --- scband reference (transcript-rebuilt; emitter-appended) ---
"""Pipeline reference for scband-anchor-selector-24215025615159 (READ-ONLY COPY).

The authoritative reference and input builder live on the scoring server;
editing this copy changes nothing except your own understanding.
"""

import jax, jax.numpy as jnp
import numpy as np

TOP_K = 64

def setup_inputs(seed: int = 0) -> dict:
    key = jax.random.key(seed)
    k1, k2 = jax.random.split(key)
    scores = jax.random.normal(k1, (16, 8192), dtype=jnp.float32)
    hidden_states = jax.random.normal(k2, (16, 8192, 1024), dtype=jnp.float32)
    return {"scores": scores, "hidden_states": hidden_states}

def reference(scores, hidden_states):
    B, L = scores.shape
    k = min(TOP_K, L)
    # deterministic top-k (eval mode)
    _, top_idx = jax.lax.top_k(scores, k)
    selected_indices = jnp.sort(top_idx, axis=-1)
    D = hidden_states.shape[-1]
    gather_idx = jnp.broadcast_to(selected_indices[:, :, None], (B, k, D))
    selected_hidden = jnp.take_along_axis(hidden_states, gather_idx, axis=1)
    selected_scores = jnp.take_along_axis(scores, selected_indices, axis=1)
    return (selected_indices, selected_hidden, selected_scores)

if __name__ == "__main__":
    import jax
    _d = setup_inputs()
    print(jax.jit(kernel)(*tuple(_d.values())))

</pallas_src>

<mosaic_0001>
#map = affine_map<(d0, d1) -> (0, 0)>
#map1 = affine_map<(d0, d1) -> (0, 0, 0)>
module attributes {stable_mosaic.version = 14 : i64} {
  func.func @run(%arg0: i32, %arg1: i32, %arg2: memref<16x8192xf32, #tpu.memory_space<hbm>>, %arg3: memref<16x8192x1024xf32, #tpu.memory_space<hbm>>, %arg4: memref<16x64xi32, #tpu.memory_space<hbm>>, %arg5: memref<16x64x1024xf32, #tpu.memory_space<hbm>>, %arg6: memref<16x64xf32, #tpu.memory_space<hbm>>, %arg7: memref<8192xf32, #tpu.memory_space<vmem>>, %arg8: memref<8208xf32, #tpu.memory_space<vmem>>, %arg9: memref<8208xi32, #tpu.memory_space<vmem>>, %arg10: memref<8208xi32, #tpu.memory_space<vmem>>, %arg11: memref<4368xi32, #tpu.memory_space<vmem>>, %arg12: memref<4368xi32, #tpu.memory_space<vmem>>, %arg13: memref<4368xi32, #tpu.memory_space<vmem>>, %arg14: memref<4368xi32, #tpu.memory_space<vmem>>, %arg15: memref<4096xf32, #tpu.memory_space<vmem>>, %arg16: memref<4096xi32, #tpu.memory_space<vmem>>, %arg17: memref<256xi32, #tpu.memory_space<vmem>>, %arg18: memref<256xi32, #tpu.memory_space<vmem>>, %arg19: memref<64xi32, #tpu.memory_space<vmem>>, %arg20: memref<64xf32, #tpu.memory_space<vmem>>, %arg21: memref<64x1024xf32, #tpu.memory_space<vmem>>, %arg22: memref<!tpu.dma_semaphore, #tpu.memory_space<semaphore_mem>>, %arg23: memref<!tpu.dma_semaphore, #tpu.memory_space<semaphore_mem>>, %arg24: memref<!tpu.dma_semaphore, #tpu.memory_space<semaphore_mem>>) attributes {dimension_semantics = [#tpu.dimension_semantics<core_parallel>, #tpu.dimension_semantics<subcore_parallel>], iteration_bounds = array<i64: 2, 16>, scalar_prefetch = 0 : i64, scratch_operands = 18 : i64, tpu.core_type = #tpu.core_type<sc_vector_subcore>, window_params = [{transform_indices = #map}, {transform_indices = #map1}, {transform_indices = #map}, {transform_indices = #map1}, {transform_indices = #map}]} {
    %mul3A = arith.constant 2 : i32
    %mul3A_0 = arith.muli %arg1, %mul3A : i32
    %add3A = arith.addi %mul3A_0, %arg0 : i32
    %lt3A = arith.constant 16 : i32
    %lt3A_1 = arith.cmpi slt, %add3A, %lt3A : i32
    %convert_element_type3A = arith.extui %lt3A_1 : i1 to i32
    %cond3A = arith.constant 0 : i32
    %cond3A_2 = arith.cmpi ne, %convert_element_type3A, %cond3A : i32
    scf.if %cond3A_2 {
      %dma_start3A = arith.constant 0 : i32
      %dma_start3A_3 = tpu.memref_slice %arg2[%add3A, %dma_start3A] : memref<16x8192xf32, #tpu.memory_space<hbm>> -> memref<1x8192xf32, #tpu.memory_space<hbm>>
      %dma_start3A_4 = tpu.memref_squeeze %dma_start3A_3 : memref<1x8192xf32, #tpu.memory_space<hbm>> -> memref<8192xf32, #tpu.memory_space<hbm>>
      %dma_start3A_5 = arith.constant 0 : i32
      %dma_start3A_6 = tpu.memref_slice %arg2[%add3A, %dma_start3A_5] : memref<16x8192xf32, #tpu.memory_space<hbm>> -> memref<1x8192xf32, #tpu.memory_space<hbm>>
      %dma_start3A_7 = tpu.memref_squeeze %dma_start3A_6 : memref<1x8192xf32, #tpu.memory_space<hbm>> -> memref<8192xf32, #tpu.memory_space<hbm>>
      tpu.enqueue_dma source(%dma_start3A_7 : memref<8192xf32, #tpu.memory_space<hbm>>) target(%arg7 : memref<8192xf32, #tpu.memory_space<vmem>>) target_semaphore(%arg22 : memref<!tpu.dma_semaphore, #tpu.memory_space<semaphore_mem>>)
      %iota3A = tpu.iota {dimensions = array<i32: 0>} : vector<16xi32>
      %mul3A_8 = arith.constant 273 : i32
      %mul3A_9 = vector.broadcast %mul3A_8 : i32 to vector<16xi32>
      %mul3A_10 = arith.muli %iota3A, %mul3A_9 : vector<16xi32>
      %broadcast_in_dim3A = arith.constant 1 : i32
      %broadcast_in_dim3A_11 = vector.broadcast %broadcast_in_dim3A : i32 to vector<16xi32>
      %scan3A = arith.constant 0 : i32
      %scan3A_12 = arith.constant 0 : i32
      %scan3A_13 = arith.constant 273 : i32
      %scan3A_14 = arith.addi %scan3A_12, %scan3A_13 : i32
      %scan3A_15 = arith.constant 1 : i32
      %scan3A_16 = scf.for %scan3A_2610 = %scan3A_12 to %scan3A_14 step %scan3A_15 iter_args(%scan3A_2611 = %scan3A) -> (i32)  : i32 {
        %broadcast_in_dim3A_2612 = arith.constant 0 : i32
        %broadcast_in_dim3A_2613 = vector.broadcast %broadcast_in_dim3A_2612 : i32 to vector<16xi32>
        %mul3A_2614 = arith.constant 16 : i32
        %mul3A_2615 = arith.muli %scan3A_2610, %mul3A_2614 : i32
        %swap3A_2616 = arith.index_cast %mul3A_2615 : i32 to index
        %swap3A_2617 = tpu.vector_load %arg11[%swap3A_2616] {strides = array<i32>} : memref<4368xi32, #tpu.memory_space<vmem>>, vector<16xi32>,
        tpu.vector_store %arg11[%swap3A_2616], %broadcast_in_dim3A_2613 {strides = array<i32>} : memref<4368xi32, #tpu.memory_space<vmem>>, vector<16xi32>,
        %swap3A_2618 = arith.index_cast %mul3A_2615 : i32 to index
        %swap3A_2619 = tpu.vector_load %arg12[%swap3A_2618] {strides = array<i32>} : memref<4368xi32, #tpu.memory_space<vmem>>, vector<16xi32>,
        tpu.vector_store %arg12[%swap3A_2618], %broadcast_in_dim3A_2613 {strides = array<i32>} : memref<4368xi32, #tpu.memory_space<vmem>>, vector<16xi32>,
        %swap3A_2620 = arith.index_cast %mul3A_2615 : i32 to index
        %swap3A_2621 = tpu.vector_load %arg13[%swap3A_2620] {strides = array<i32>} : memref<4368xi32, #tpu.memory_space<vmem>>, vector<16xi32>,
        tpu.vector_store %arg13[%swap3A_2620], %broadcast_in_dim3A_2613 {strides = array<i32>} : memref<4368xi32, #tpu.memory_space<vmem>>, vector<16xi32>,
        %swap3A_2622 = arith.index_cast %mul3A_2615 : i32 to index
        %swap3A_2623 = tpu.vector_load %arg14[%swap3A_2622] {strides = array<i32>} : memref<4368xi32, #tpu.memory_space<vmem>>, vector<16xi32>,
        tpu.vector_store %arg14[%swap3A_2622], %broadcast_in_dim3A_2613 {strides = array<i32>} : memref<4368xi32, #tpu.memory_space<vmem>>, vector<16xi32>,
        %scan3A_2624 = arith.constant 0 : i32
        scf.yield %scan3A_2624 : i32
      }
      %scan3A_17 = arith.constant 273 : i32
      %dma_wait3A = arith.constant 0 : i32
      %dma_wait3A_18 = tpu.memref_slice %arg2[%add3A, %dma_wait3A] : memref<16x8192xf32, #tpu.memory_space<hbm>> -> memref<1x8192xf32, #tpu.memory_space<hbm>>
      %dma_wait3A_19 = tpu.memref_squeeze %dma_wait3A_18 : memref<1x8192xf32, #tpu.memory_space<hbm>> -> memref<8192xf32, #tpu.memory_space<hbm>>
      %dma_wait3A_20 = arith.constant 0 : i32
      %dma_wait3A_21 = tpu.memref_slice %arg2[%add3A, %dma_wait3A_20] : memref<16x8192xf32, #tpu.memory_space<hbm>> -> memref<1x8192xf32, #tpu.memory_space<hbm>>
      %dma_wait3A_22 = tpu.memref_squeeze %dma_wait3A_21 : memref<1x8192xf32, #tpu.memory_space<hbm>> -> memref<8192xf32, #tpu.memory_space<hbm>>
      tpu.wait_dma2 semaphore(%arg22 : memref<!tpu.dma_semaphore, #tpu.memory_space<semaphore_mem>>) src(%dma_wait3A_22 : memref<8192xf32, #tpu.memory_space<hbm>>) dst(%arg7 : memref<8192xf32, #tpu.memory_space<vmem>>)
      %scan3A_23 = arith.constant 0 : i32
      %scan3A_24 = arith.constant 0 : i32
      %scan3A_25 = arith.constant 64 : i32
      %scan3A_26 = arith.addi %scan3A_24, %scan3A_25 : i32
      %scan3A_27 = arith.constant 1 : i32
      %scan3A_28 = scf.for %scan3A_2610 = %scan3A_24 to %scan3A_26 step %scan3A_27 iter_args(%scan3A_2611 = %scan3A_23) -> (i32)  : i32 {
        %mul3A_2612 = arith.constant 4 : i32
        %mul3A_2613 = arith.muli %scan3A_2610, %mul3A_2612 : i32
        %add3A_2614 = arith.constant 0 : i32
        %add3A_2615 = arith.addi %mul3A_2613, %add3A_2614 : i32
        %mul3A_2616 = arith.constant 2 : i32
        %mul3A_2617 = arith.muli %add3A_2615, %mul3A_2616 : i32
        %mul3A_2618 = arith.constant 16 : i32
        %mul3A_2619 = arith.muli %mul3A_2617, %mul3A_2618 : i32
        %get3A_2620 = arith.index_cast %mul3A_2619 : i32 to index
        %get3A_2621 = tpu.vector_load %arg7[%get3A_2620] {strides = array<i32>} : memref<8192xf32, #tpu.memory_space<vmem>>, vector<16xf32>,
        %bitcast_convert_type3A_2622 = tpu.bitcast %get3A_2621 : vector<16xf32> -> vector<16xi32>
        %ge3A_2623 = arith.constant -2147483648 : i32
        %ge3A_2624 = vector.broadcast %ge3A_2623 : i32 to vector<16xi32>
        %ge3A_2625 = arith.cmpi uge, %bitcast_convert_type3A_2622, %ge3A_2624 : vector<16xi32>
        %xor3A_2626 = arith.constant -1 : i32
        %xor3A_2627 = vector.broadcast %xor3A_2626 : i32 to vector<16xi32>
        %xor3A_2628 = arith.xori %bitcast_convert_type3A_2622, %xor3A_2627 : vector<16xi32>
        %xor3A_2629 = arith.constant -2147483648 : i32
        %xor3A_2630 = vector.broadcast %xor3A_2629 : i32 to vector<16xi32>
        %xor3A_2631 = arith.xori %bitcast_convert_type3A_2622, %xor3A_2630 : vector<16xi32>
        %select_n3A_2632 = arith.select %ge3A_2625, %xor3A_2628, %xor3A_2631 : vector<16xi1>, vector<16xi32>
        %shift_right_logical3A = arith.constant 24 : i32
        %shift_right_logical3A_2633 = vector.broadcast %shift_right_logical3A : i32 to vector<16xi32>
        %shift_right_logical3A_2634 = arith.shrui %select_n3A_2632, %shift_right_logical3A_2633 : vector<16xi32>
        %add3A_2635 = arith.addi %mul3A_10, %shift_right_logical3A_2634 : vector<16xi32>
        tpu.vector_store_idx %arg11[%add3A_2635], %broadcast_in_dim3A_11 {add = true} : memref<4368xi32, #tpu.memory_space<vmem>>[vector<16xi32>], vector<16xi32>,
        %mul3A_2636 = arith.constant 4 : i32
        %mul3A_2637 = arith.muli %scan3A_2610, %mul3A_2636 : i32
        %add3A_2638 = arith.constant 1 : i32
        %add3A_2639 = arith.addi %mul3A_2637, %add3A_2638 : i32
        %mul3A_2640 = arith.constant 2 : i32
        %mul3A_2641 = arith.muli %add3A_2639, %mul3A_2640 : i32
        %mul3A_2642 = arith.constant 16 : i32
        %mul3A_2643 = arith.muli %mul3A_2641, %mul3A_2642 : i32
        %get3A_2644 = arith.index_cast %mul3A_2643 : i32 to index
        %get3A_2645 = tpu.vector_load %arg7[%get3A_2644] {strides = array<i32>} : memref<8192xf32, #tpu.memory_space<vmem>>, vector<16xf32>,
        %bitcast_convert_type3A_2646 = tpu.bitcast %get3A_2645 : vector<16xf32> -> vector<16xi32>
        %ge3A_2647 = arith.constant -2147483648 : i32
        %ge3A_2648 = vector.broadcast %ge3A_2647 : i32 to vector<16xi32>
        %ge3A_2649 = arith.cmpi uge, %bitcast_convert_type3A_2646, %ge3A_2648 : vector<16xi32>
        %xor3A_2650 = arith.constant -1 : i32
        %xor3A_2651 = vector.broadcast %xor3A_2650 : i32 to vector<16xi32>
        %xor3A_2652 = arith.xori %bitcast_convert_type3A_2646, %xor3A_2651 : vector<16xi32>
        %xor3A_2653 = arith.constant -2147483648 : i32
        %xor3A_2654 = vector.broadcast %xor3A_2653 : i32 to vector<16xi32>
        %xor3A_2655 = arith.xori %bitcast_convert_type3A_2646, %xor3A_2654 : vector<16xi32>
        %select_n3A_2656 = arith.select %ge3A_2649, %xor3A_2652, %xor3A_2655 : vector<16xi1>, vector<16xi32>
        %shift_right_logical3A_2657 = arith.constant 24 : i32
        %shift_right_logical3A_2658 = vector.broadcast %shift_right_logical3A_2657 : i32 to vector<16xi32>
        %shift_right_logical3A_2659 = arith.shrui %select_n3A_2656, %shift_right_logical3A_2658 : vector<16xi32>
        %add3A_2660 = arith.addi %mul3A_10, %shift_right_logical3A_2659 : vector<16xi32>
        tpu.vector_store_idx %arg12[%add3A_2660], %broadcast_in_dim3A_11 {add = true} : memref<4368xi32, #tpu.memory_space<vmem>>[vector<16xi32>], vector<16xi32>,
        %mul3A_2661 = arith.constant 4 : i32
        %mul3A_2662 = arith.muli %scan3A_2610, %mul3A_2661 : i32
        %add3A_2663 = arith.constant 2 : i32
        %add3A_2664 = arith.addi %mul3A_2662, %add3A_2663 : i32
        %mul3A_2665 = arith.constant 2 : i32
        %mul3A_2666 = arith.muli %add3A_2664, %mul3A_2665 : i32
        %mul3A_2667 = arith.constant 16 : i32
        %mul3A_2668 = arith.muli %mul3A_2666, %mul3A_2667 : i32
        %get3A_2669 = arith.index_cast %mul3A_2668 : i32 to index
        %get3A_2670 = tpu.vector_load %arg7[%get3A_2669] {strides = array<i32>} : memref<8192xf32, #tpu.memory_space<vmem>>, vector<16xf32>,
        %bitcast_convert_type3A_2671 = tpu.bitcast %get3A_2670 : vector<16xf32> -> vector<16xi32>
        %ge3A_2672 = arith.constant -2147483648 : i32
        %ge3A_2673 = vector.broadcast %ge3A_2672 : i32 to vector<16xi32>
        %ge3A_2674 = arith.cmpi uge, %bitcast_convert_type3A_2671, %ge3A_2673 : vector<16xi32>
        %xor3A_2675 = arith.constant -1 : i32
        %xor3A_2676 = vector.broadcast %xor3A_2675 : i32 to vector<16xi32>
        %xor3A_2677 = arith.xori %bitcast_convert_type3A_2671, %xor3A_2676 : vector<16xi32>
        %xor3A_2678 = arith.constant -2147483648 : i32
        %xor3A_2679 = vector.broadcast %xor3A_2678 : i32 to vector<16xi32>
        %xor3A_2680 = arith.xori %bitcast_convert_type3A_2671, %xor3A_2679 : vector<16xi32>
        %select_n3A_2681 = arith.select %ge3A_2674, %xor3A_2677, %xor3A_2680 : vector<16xi1>, vector<16xi32>
        %shift_right_logical3A_2682 = arith.constant 24 : i32
        %shift_right_logical3A_2683 = vector.broadcast %shift_right_logical3A_2682 : i32 to vector<16xi32>
        %shift_right_logical3A_2684 = arith.shrui %select_n3A_2681, %shift_right_logical3A_2683 : vector<16xi32>
        %add3A_2685 = arith.addi %mul3A_10, %shift_right_logical3A_2684 : vector<16xi32>
        tpu.vector_store_idx %arg13[%add3A_2685], %broadcast_in_dim3A_11 {add = true} : memref<4368xi32, #tpu.memory_space<vmem>>[vector<16xi32>], vector<16xi32>,
        %mul3A_2686 = arith.constant 4 : i32
        %mul3A_2687 = arith.muli %scan3A_2610, %mul3A_2686 : i32
        %add3A_2688 = arith.constant 3 : i32
        %add3A_2689 = arith.addi %mul3A_2687, %add3A_2688 : i32
        %mul3A_2690 = arith.constant 2 : i32
        %mul3A_2691 = arith.muli %add3A_2689, %mul3A_2690 : i32
        %mul3A_2692 = arith.constant 16 : i32
        %mul3A_2693 = arith.muli %mul3A_2691, %mul3A_2692 : i32
        %get3A_2694 = arith.index_cast %mul3A_2693 : i32 to index
        %get3A_2695 = tpu.vector_load %arg7[%get3A_2694] {strides = array<i32>} : memref<8192xf32, #tpu.memory_space<vmem>>, vector<16xf32>,
        %bitcast_convert_type3A_2696 = tpu.bitcast %get3A_2695 : vector<16xf32> -> vector<16xi32>
        %ge3A_2697 = arith.constant -2147483648 : i32
        %ge3A_2698 = vector.broadcast %ge3A_2697 : i32 to vector<16xi32>
        %ge3A_2699 = arith.cmpi uge, %bitcast_convert_type3A_2696, %ge3A_2698 : vector<16xi32>
        %xor3A_2700 = arith.constant -1 : i32
        %xor3A_2701 = vector.broadcast %xor3A_2700 : i32 to vector<16xi32>
        %xor3A_2702 = arith.xori %bitcast_convert_type3A_2696, %xor3A_2701 : vector<16xi32>
        %xor3A_2703 = arith.constant -2147483648 : i32
        %xor3A_2704 = vector.broadcast %xor3A_2703 : i32 to vector<16xi32>
        %xor3A_2705 = arith.xori %bitcast_convert_type3A_2696, %xor3A_2704 : vector<16xi32>
        %select_n3A_2706 = arith.select %ge3A_2699, %xor3A_2702, %xor3A_2705 : vector<16xi1>, vector<16xi32>
        %shift_right_logical3A_2707 = arith.constant 24 : i32
        %shift_right_logical3A_2708 = vector.broadcast %shift_right_logical3A_2707 : i32 to vector<16xi32>
        %shift_right_logical3A_2709 = arith.shrui %select_n3A_2706, %shift_right_logical3A_2708 : vector<16xi32>
        %add3A_2710 = arith.addi %mul3A_10, %shift_right_logical3A_2709 : vector<16xi32>
        tpu.vector_store_idx %arg14[%add3A_2710], %broadcast_in_dim3A_11 {add = true} : memref<4368xi32, #tpu.memory_space<vmem>>[vector<16xi32>], vector<16xi32>,
        %scan3A_2711 = arith.constant 0 : i32
        scf.yield %scan3A_2711 : i32
      }
      %scan3A_29 = arith.constant 64 : i32
      %broadcast_in_dim3A_30 = arith.constant 64 : i32
      %broadcast_in_dim3A_31 = vector.broadcast %broadcast_in_dim3A_30 : i32 to vector<16xi32>
      %broadcast_in_dim3A_32 = arith.constant 0 : i32
      %broadcast_in_dim3A_33 = vector.broadcast %broadcast_in_dim3A_32 : i32 to vector<16xi32>
      %scan3A_34 = arith.constant 0 : i32
      %scan3A_35 = arith.constant 0 : i32
      %scan3A_36 = arith.constant 16 : i32
      %scan3A_37 = arith.addi %scan3A_35, %scan3A_36 : i32
      %scan3A_38 = arith.constant 1 : i32
      %scan3A_39 = scf.for %scan3A_2610 = %scan3A_35 to %scan3A_37 step %scan3A_38 iter_args(%scan3A_2611 = %scan3A_34) -> (i32)  : i32 {
        %broadcast_in_dim3A_2612 = arith.constant 0 : i32
        %broadcast_in_dim3A_2613 = vector.broadcast %broadcast_in_dim3A_2612 : i32 to vector<16xi32>
        %mul3A_2614 = arith.constant 16 : i32
        %mul3A_2615 = arith.muli %scan3A_2610, %mul3A_2614 : i32
        %add3A_2616 = arith.constant 0 : i32
        %add3A_2617 = arith.addi %add3A_2616, %mul3A_2615 : i32
        %get3A_2618 = arith.index_cast %add3A_2617 : i32 to index
        %get3A_2619 = tpu.vector_load %arg11[%get3A_2618] {strides = array<i32>} : memref<4368xi32, #tpu.memory_space<vmem>>, vector<16xi32>,
        %add3A_2620 = arith.addi %broadcast_in_dim3A_2613, %get3A_2619 : vector<16xi32>
        %get3A_2621 = arith.index_cast %add3A_2617 : i32 to index
        %get3A_2622 = tpu.vector_load %arg12[%get3A_2621] {strides = array<i32>} : memref<4368xi32, #tpu.memory_space<vmem>>, vector<16xi32>,
        %add3A_2623 = arith.addi %add3A_2620, %get3A_2622 : vector<16xi32>
        %get3A_2624 = arith.index_cast %add3A_2617 : i32 to index
        %get3A_2625 = tpu.vector_load %arg13[%get3A_2624] {strides = array<i32>} : memref<4368xi32, #tpu.memory_space<vmem>>, vector<16xi32>,
        %add3A_2626 = arith.addi %add3A_2623, %get3A_2625 : vector<16xi32>
        %get3A_2627 = arith.index_cast %add3A_2617 : i32 to index
        %get3A_2628 = tpu.vector_load %arg14[%get3A_2627] {strides = array<i32>} : memref<4368xi32, #tpu.memory_space<vmem>>, vector<16xi32>,
        %add3A_2629 = arith.addi %add3A_2626, %get3A_2628 : vector<16xi32>
        %swap3A_2630 = arith.index_cast %add3A_2617 : i32 to index
        %swap3A_2631 = tpu.vector_load %arg11[%swap3A_2630] {strides = array<i32>} : memref<4368xi32, #tpu.memory_space<vmem>>, vector<16xi32>,
        tpu.vector_store %arg11[%swap3A_2630], %broadcast_in_dim3A_33 {strides = array<i32>} : memref<4368xi32, #tpu.memory_space<vmem>>, vector<16xi32>,
        %mul3A_2632 = arith.constant 16 : i32
        %mul3A_2633 = arith.muli %scan3A_2610, %mul3A_2632 : i32
        %add3A_2634 = arith.constant 273 : i32
        %add3A_2635 = arith.addi %add3A_2634, %mul3A_2633 : i32
        %get3A_2636 = arith.index_cast %add3A_2635 : i32 to index
        %get3A_2637 = tpu.vector_load %arg11[%get3A_2636] {strides = array<i32>} : memref<4368xi32, #tpu.memory_space<vmem>>, vector<16xi32>,
        %add3A_2638 = arith.addi %add3A_2629, %get3A_2637 : vector<16xi32>
        %get3A_2639 = arith.index_cast %add3A_2635 : i32 to index
        %get3A_2640 = tpu.vector_load %arg12[%get3A_2639] {strides = array<i32>} : memref<4368xi32, #tpu.memory_space<vmem>>, vector<16xi32>,
        %add3A_2641 = arith.addi %add3A_2638, %get3A_2640 : vector<16xi32>
        %get3A_2642 = arith.index_cast %add3A_2635 : i32 to index
        %get3A_2643 = tpu.vector_load %arg13[%get3A_2642] {strides = array<i32>} : memref<4368xi32, #tpu.memory_space<vmem>>, vector<16xi32>,
        %add3A_2644 = arith.addi %add3A_2641, %get3A_2643 : vector<16xi32>
        %get3A_2645 = arith.index_cast %add3A_2635 : i32 to index
        %get3A_2646 = tpu.vector_load %arg14[%get3A_2645] {strides = array<i32>} : memref<4368xi32, #tpu.memory_space<vmem>>, vector<16xi32>,
        %add3A_2647 = arith.addi %add3A_2644, %get3A_2646 : vector<16xi32>
        %swap3A_2648 = arith.index_cast %add3A_2635 : i32 to index
        %swap3A_2649 = tpu.vector_load %arg11[%swap3A_2648] {strides = array<i32>} : memref<4368xi32, #tpu.memory_space<vmem>>, vector<16xi32>,
        tpu.vector_store %arg11[%swap3A_2648], %broadcast_in_dim3A_33 {strides = array<i32>} : memref<4368xi32, #tpu.memory_space<vmem>>, vector<16xi32>,
        %mul3A_2650 = arith.constant 16 : i32
        %mul3A_2651 = arith.muli %scan3A_2610, %mul3A_2650 : i32
        %add3A_2652 = arith.constant 546 : i32
        %add3A_2653 = arith.addi %add3A_2652, %mul3A_2651 : i32
        %get3A_2654 = arith.index_cast %add3A_2653 : i32 to index
        %get3A_2655 = tpu.vector_load %arg11[%get3A_2654] {strides = array<i32>} : memref<4368xi32, #tpu.memory_space<vmem>>, vector<16xi32>,
        %add3A_2656 = arith.addi %add3A_2647, %get3A_2655 : vector<16xi32>
        %get3A_2657 = arith.index_cast %add3A_2653 : i32 to index
        %get3A_2658 = tpu.vector_load %arg12[%get3A_2657] {strides = array<i32>} : memref<4368xi32, #tpu.memory_space<vmem>>, vector<16xi32>,
        %add3A_2659 = arith.addi %add3A_2656, %get3A_2658 : vector<16xi32>
        %get3A_2660 = arith.index_cast %add3A_2653 : i32 to index
        %get3A_2661 = tpu.vector_load %arg13[%get3A_2660] {strides = array<i32>} : memref<4368xi32, #tpu.memory_space<vmem>>, vector<16xi32>,
        %add3A_2662 = arith.addi %add3A_2659, %get3A_2661 : vector<16xi32>
        %get3A_2663 = arith.index_cast %add3A_2653 : i32 to index
        %get3A_2664 = tpu.vector_load %arg14[%get3A_2663] {strides = array<i32>} : memref<4368xi32, #tpu.memory_space<vmem>>, vector<16xi32>,
        %add3A_2665 = arith.addi %add3A_2662, %get3A_2664 : vector<16xi32>
        %swap3A_2666 = arith.index_cast %add3A_2653 : i32 to index
        %swap3A_2667 = tpu.vector_load %arg11[%swap3A_2666] {strides = array<i32>} : memref<4368xi32, #tpu.memory_space<vmem>>, vector<16xi32>,
        tpu.vector_store %arg11[%swap3A_2666], %broadcast_in_dim3A_33 {strides = array<i32>} : memref<4368xi32, #tpu.memory_space<vmem>>, vector<16xi32>,
        %mul3A_2668 = arith.constant 16 : i32
        %mul3A_2669 = arith.muli %scan3A_2610, %mul3A_2668 : i32
        %add3A_2670 = arith.constant 819 : i32
        %add3A_2671 = arith.addi %add3A_2670, %mul3A_2669 : i32
        %get3A_2672 = arith.index_cast %add3A_2671 : i32 to index
        %get3A_2673 = tpu.vector_load %arg11[%get3A_2672] {strides = array<i32>} : memref<4368xi32, #tpu.memory_space<vmem>>, vector<16xi32>,
        %add3A_2674 = arith.addi %add3A_2665, %get3A_2673 : vector<16xi32>
        %get3A_2675 = arith.index_cast %add3A_2671 : i32 to index
        %get3A_2676 = tpu.vector_load %arg12[%get3A_2675] {strides = array<i32>} : memref<4368xi32, #tpu.memory_space<vmem>>, vector<16xi32>,
        %add3A_2677 = arith.addi %add3A_2674, %get3A_2676 : vector<16xi32>
        %get3A_2678 = arith.index_cast %add3A_2671 : i32 to index
        %get3A_2679 = tpu.vector_load %arg13[%get3A_2678] {strides = array<i32>} : memref<4368xi32, #tpu.memory_space<vmem>>, vector<16xi32>,
        %add3A_2680 = arith.addi %add3A_2677, %get3A_2679 : vector<16xi32>
        %get3A_2681 = arith.index_cast %add3A_2671 : i32 to index
        %get3A_2682 = tpu.vector_load %arg14[%get3A_2681] {strides = array<i32>} : memref<4368xi32, #tpu.memory_space<vmem>>, vector<16xi32>,
        %add3A_2683 = arith.addi %add3A_2680, %get3A_2682 : vector<16xi32>
        %swap3A_2684 = arith.index_cast %add3A_2671 : i32 to index
        %swap3A_2685 = tpu.vector_load %arg11[%swap3A_2684] {strides = array<i32>} : memref<4368xi32, #tpu.memory_space<vmem>>, vector<16xi32>,
        tpu.vector_store %arg11[%swap3A_2684], %broadcast_in_dim3A_33 {strides = array<i32>} : memref<4368xi32, #tpu.memory_space<vmem>>, vector<16xi32>,
        %mul3A_2686 = arith.constant 16 : i32
        %mul3A_2687 = arith.muli %scan3A_2610, %mul3A_2686 : i32
        %add3A_2688 = arith.constant 1092 : i32
        %add3A_2689 = arith.addi %add3A_2688, %mul3A_2687 : i32
        %get3A_2690 = arith.index_cast %add3A_2689 : i32 to index
        %get3A_2691 = tpu.vector_load %arg11[%get3A_2690] {strides = array<i32>} : memref<4368xi32, #tpu.memory_space<vmem>>, vector<16xi32>,
        %add3A_2692 = arith.addi %add3A_2683, %get3A_2691 : vector<16xi32>
        %get3A_2693 = arith.index_cast %add3A_2689 : i32 to index
        %get3A_2694 = tpu.vector_load %arg12[%get3A_2693] {strides = array<i32>} : memref<4368xi32, #tpu.memory_space<vmem>>, vector<16xi32>,
        %add3A_2695 = arith.addi %add3A_2692, %get3A_2694 : vector<16xi32>
        %get3A_2696 = arith.index_cast %add3A_2689 : i32 to index
        %get3A_2697 = tpu.vector_load %arg13[%get3A_2696] {strides = array<i32>} : memref<4368xi32, #tpu.memory_space<vmem>>, vector<16xi32>,
        %add3A_2698 = arith.addi %add3A_2695, %get3A_2697 : vector<16xi32>
        %get3A_2699 = arith.index_cast %add3A_2689 : i32 to index
        %get3A_2700 = tpu.vector_load %arg14[%get3A_2699] {strides = array<i32>} : memref<4368xi32, #tpu.memory_space<vmem>>, vector<16xi32>,
        %add3A_2701 = arith.addi %add3A_2698, %get3A_2700 : vector<16xi32>
        %swap3A_2702 = arith.index_cast %add3A_2689 : i32 to index
        %swap3A_2703 = tpu.vector_load %arg11[%swap3A_2702] {strides = array<i32>} : memref<4368xi32, #tpu.memory_space<vmem>>, vector<16xi32>,
        tpu.vector_store %arg11[%swap3A_2702], %broadcast_in_dim3A_33 {strides = array<i32>} : memref<4368xi32, #tpu.memory_space<vmem>>, vector<16xi32>,
        %mul3A_2704 = arith.constant 16 : i32
        %mul3A_2705 = arith.muli %scan3A_2610, %mul3A_2704 : i32
        %add3A_2706 = arith.constant 1365 : i32
        %add3A_2707 = arith.addi %add3A_2706, %mul3A_2705 : i32
        %get3A_2708 = arith.index_cast %add3A_2707 : i32 to index
        %get3A_2709 = tpu.vector_load %arg11[%get3A_2708] {strides = array<i32>} : memref<4368xi32, #tpu.memory_space<vmem>>, vector<16xi32>,
        %add3A_2710 = arith.addi %add3A_2701, %get3A_2709 : vector<16xi32>
        %get3A_2711 = arith.index_cast %add3A_2707 : i32 to index
        %get3A_2712 = tpu.vector_load %arg12[%get3A_2711] {strides = array<i32>} : memref<4368xi32, #tpu.memory_space<vmem>>, vector<16xi32>,
        %add3A_2713 = arith.addi %add3A_2710, %get3A_2712 : vector<16xi32>
        %get3A_2714 = arith.index_cast %add3A_2707 : i32 to index
        %get3A_2715 = tpu.vector_load %arg13[%get3A_2714] {strides = array<i32>} : memref<4368xi32, #tpu.memory_space<vmem>>, vector<16xi32>,
        %add3A_2716 = arith.addi %add3A_2713, %get3A_2715 : vector<16xi32>
        %get3A_2717 = arith.index_cast %add3A_2707 : i32 to index
        %get3A_2718 = tpu.vector_load %arg14[%get3A_2717] {strides = array<i32>} : memref<4368xi32, #tpu.memory_space<vmem>>, vector<16xi32>,
        %add3A_2719 = arith.addi %add3A_2716, %get3A_2718 : vector<16xi32>
        %swap3A_2720 = arith.index_cast %add3A_2707 : i32 to index
        %swap3A_2721 = tpu.vector_load %arg11[%swap3A_2720] {strides = array<i32>} : memref<4368xi32, #tpu.memory_space<vmem>>, vector<16xi32>,
        tpu.vector_store %arg11[%swap3A_2720], %broadcast_in_dim3A_33 {strides = array<i32>} : memref<4368xi32, #tpu.memory_space<vmem>>, vector<16xi32>,
        %mul3A_2722 = arith.constant 16 : i32
        %mul3A_2723 = arith.muli %scan3A_2610, %mul3A_2722 : i32
        %add3A_2724 = arith.constant 1638 : i32
        %add3A_2725 = arith.addi %add3A_2724, %mul3A_2723 : i32
        %get3A_2726 = arith.index_cast %add3A_2725 : i32 to index
        %get3A_2727 = tpu.vector_load %arg11[%get3A_2726] {strides = array<i32>} : memref<4368xi32, #tpu.memory_space<vmem>>, vector<16xi32>,
        %add3A_2728 = arith.addi %add3A_2719, %get3A_2727 : vector<16xi32>
        %get3A_2729 = arith.index_cast %add3A_2725 : i32 to index
        %get3A_2730 = tpu.vector_load %arg12[%get3A_2729] {strides = array<i32>} : memref<4368xi32, #tpu.memory_space<vmem>>, vector<16xi32>,
        %add3A_2731 = arith.addi %add3A_2728, %get3A_2730 : vector<16xi32>
        %get3A_2732 = arith.index_cast %add3A_2725 : i32 to index
        %get3A_2733 = tpu.vector_load %arg13[%get3A_2732] {strides = array<i32>} : memref<4368xi32, #tpu.memory_space<vmem>>, vector<16xi32>,
        %add3A_2734 = arith.addi %add3A_2731, %get3A_2733 : vector<16xi32>
        %get3A_2735 = arith.index_cast %add3A_2725 : i32 to index
        %get3A_2736 = tpu.vector_load %arg14[%get3A_2735] {strides = array<i32>} : memref<4368xi32, #tpu.memory_space<vmem>>, vector<16xi32>,
        %add3A_2737 = arith.addi %add3A_2734, %get3A_2736 : vector<16xi32>
        %swap3A_2738 = arith.index_cast %add3A_2725 : i32 to index
        %swap3A_2739 = tpu.vector_load %arg11[%swap3A_2738] {strides = array<i32>} : memref<4368xi32, #tpu.memory_space<vmem>>, vector<16xi32>,
        tpu.vector_store %arg11[%swap3A_2738], %broadcast_in_dim3A_33 {strides = array<i32>} : memref<4368xi32, #tpu.memory_space<vmem>>, vector<16xi32>,
        %mul3A_2740 = arith.constant 16 : i32
        %mul3A_2741 = arith.muli %scan3A_2610, %mul3A_2740 : i32
        %add3A_2742 = arith.constant 1911 : i32
        %add3A_2743 = arith.addi %add3A_2742, %mul3A_2741 : i32
        %get3A_2744 = arith.index_cast %add3A_2743 : i32 to index
        %get3A_2745 = tpu.vector_load %arg11[%get3A_2744] {strides = array<i32>} : memref<4368xi32, #tpu.memory_space<vmem>>, vector<16xi32>,
        %add3A_2746 = arith.addi %add3A_2737, %get3A_2745 : vector<16xi32>
        %get3A_2747 = arith.index_cast %add3A_2743 : i32 to index
        %get3A_2748 = tpu.vector_load %arg12[%get3A_2747] {strides = array<i32>} : memref<4368xi32, #tpu.memory_space<vmem>>, vector<16xi32>,
        %add3A_2749 = arith.addi %add3A_2746, %get3A_2748 : vector<16xi32>
        %get3A_2750 = arith.index_cast %add3A_2743 : i32 to index
        %get3A_2751 = tpu.vector_load %arg13[%get3A_2750] {strides = array<i32>} : memref<4368xi32, #tpu.memory_space<vmem>>, vector<16xi32>,
        %add3A_2752 = arith.addi %add3A_2749, %get3A_2751 : vector<16xi32>
        %get3A_2753 = arith.index_cast %add3A_2743 : i32 to index
        %get3A_2754 = tpu.vector_load %arg14[%get3A_2753] {strides = array<i32>} : memref<4368xi32, #tpu.memory_space<vmem>>, vector<16xi32>,
        %add3A_2755 = arith.addi %add3A_2752, %get3A_2754 : vector<16xi32>
        %swap3A_2756 = arith.index_cast %add3A_2743 : i32 to index
        %swap3A_2757 = tpu.vector_load %arg11[%swap3A_2756] {strides = array<i32>} : memref<4368xi32, #tpu.memory_space<vmem>>, vector<16xi32>,
        tpu.vector_store %arg11[%swap3A_2756], %broadcast_in_dim3A_33 {strides = array<i32>} : memref<4368xi32, #tpu.memory_space<vmem>>, vector<16xi32>,
        %mul3A_2758 = arith.constant 16 : i32
        %mul3A_2759 = arith.muli %scan3A_2610, %mul3A_2758 : i32
        %add3A_2760 = arith.constant 2184 : i32
        %add3A_2761 = arith.addi %add3A_2760, %mul3A_2759 : i32
        %get3A_2762 = arith.index_cast %add3A_2761 : i32 to index
        %get3A_2763 = tpu.vector_load %arg11[%get3A_2762] {strides = array<i32>} : memref<4368xi32, #tpu.memory_space<vmem>>, vector<16xi32>,
        %add3A_2764 = arith.addi %add3A_2755, %get3A_2763 : vector<16xi32>
        %get3A_2765 = arith.index_cast %add3A_2761 : i32 to index
        %get3A_2766 = tpu.vector_load %arg12[%get3A_2765] {strides = array<i32>} : memref<4368xi32, #tpu.memory_space<vmem>>, vector<16xi32>,
        %add3A_2767 = arith.addi %add3A_2764, %get3A_2766 : vector<16xi32>
        %get3A_2768 = arith.index_cast %add3A_2761 : i32 to index
        %get3A_2769 = tpu.vector_load %arg13[%get3A_2768] {strides = array<i32>} : memref<4368xi32, #tpu.memory_space<vmem>>, vector<16xi32>,
        %add3A_2770 = arith.addi %add3A_2767, %get3A_2769 : vector<16xi32>
        %get3A_2771 = arith.index_cast %add3A_2761 : i32 to index
        %get3A_2772 = tpu.vector_load %arg14[%get3A_2771] {strides = array<i32>} : memref<4368xi32, #tpu.memory_space<vmem>>, vector<16xi32>,
        %add3A_2773 = arith.addi %add3A_2770, %get3A_2772 : vector<16xi32>
        %swap3A_2774 = arith.index_cast %add3A_2761 : i32 to index
        %swap3A_2775 = tpu.vector_load %arg11[%swap3A_2774] {strides = array<i32>} : memref<4368xi32, #tpu.memory_space<vmem>>, vector<16xi32>,
        tpu.vector_store %arg11[%swap3A_2774], %broadcast_in_dim3A_33 {strides = array<i32>} : memref<4368xi32, #tpu.memory_space<vmem>>, vector<16xi32>,
        %mul3A_2776 = arith.constant 16 : i32
        %mul3A_2777 = arith.muli %scan3A_2610, %mul3A_2776 : i32
        %add3A_2778 = arith.constant 2457 : i32
        %add3A_2779 = arith.addi %add3A_2778, %mul3A_2777 : i32
        %get3A_2780 = arith.index_cast %add3A_2779 : i32 to index
        %get3A_2781 = tpu.vector_load %arg11[%get3A_2780] {strides = array<i32>} : memref<4368xi32, #tpu.memory_space<vmem>>, vector<16xi32>,
        %add3A_2782 = arith.addi %add3A_2773, %get3A_2781 : vector<16xi32>
        %get3A_2783 = arith.index_cast %add3A_2779 : i32 to index
        %get3A_2784 = tpu.vector_load %arg12[%get3A_2783] {strides = array<i32>} : memref<4368xi32, #tpu.memory_space<vmem>>, vector<16xi32>,
        %add3A_2785 = arith.addi %add3A_2782, %get3A_2784 : vector<16xi32>
        %get3A_2786 = arith.index_cast %add3A_2779 : i32 to index
        %get3A_2787 = tpu.vector_load %arg13[%get3A_2786] {strides = array<i32>} : memref<4368xi32, #tpu.memory_space<vmem>>, vector<16xi32>,
        %add3A_2788 = arith.addi %add3A_2785, %get3A_2787 : vector<16xi32>
        %get3A_2789 = arith.index_cast %add3A_2779 : i32 to index
        %get3A_2790 = tpu.vector_load %arg14[%get3A_2789] {strides = array<i32>} : memref<4368xi32, #tpu.memory_space<vmem>>, vector<16xi32>,
        %add3A_2791 = arith.addi %add3A_2788, %get3A_2790 : vector<16xi32>
        %swap3A_2792 = arith.index_cast %add3A_2779 : i32 to index
        %swap3A_2793 = tpu.vector_load %arg11[%swap3A_2792] {strides = array<i32>} : memref<4368xi32, #tpu.memory_space<vmem>>, vector<16xi32>,
        tpu.vector_store %arg11[%swap3A_2792], %broadcast_in_dim3A_33 {strides = array<i32>} : memref<4368xi32, #tpu.memory_space<vmem>>, vector<16xi32>,
        %mul3A_2794 = arith.constant 16 : i32
        %mul3A_2795 = arith.muli %scan3A_2610, %mul3A_2794 : i32
        %add3A_2796 = arith.constant 2730 : i32
        %add3A_2797 = arith.addi %add3A_2796, %mul3A_2795 : i32
        %get3A_2798 = arith.index_cast %add3A_2797 : i32 to index
        %get3A_2799 = tpu.vector_load %arg11[%get3A_2798] {strides = array<i32>} : memref<4368xi32, #tpu.memory_space<vmem>>, vector<16xi32>,
        %add3A_2800 = arith.addi %add3A_2791, %get3A_2799 : vector<16xi32>
        %get3A_2801 = arith.index_cast %add3A_2797 : i32 to index
        %get3A_2802 = tpu.vector_load %arg12[%get3A_2801] {strides = array<i32>} : memref<4368xi32, #tpu.memory_space<vmem>>, vector<16xi32>,
        %add3A_2803 = arith.addi %add3A_2800, %get3A_2802 : vector<16xi32>
        %get3A_2804 = arith.index_cast %add3A_2797 : i32 to index
        %get3A_2805 = tpu.vector_load %arg13[%get3A_2804] {strides = array<i32>} : memref<4368xi32, #tpu.memory_space<vmem>>, vector<16xi32>,
        %add3A_2806 = arith.addi %add3A_2803, %get3A_2805 : vector<16xi32>
        %get3A_2807 = arith.index_cast %add3A_2797 : i32 to index
        %get3A_2808 = tpu.vector_load %arg14[%get3A_2807] {strides = array<i32>} : memref<4368xi32, #tpu.memory_space<vmem>>, vector<16xi32>,
        %add3A_2809 = arith.addi %add3A_2806, %get3A_2808 : vector<16xi32>
        %swap3A_2810 = arith.index_cast %add3A_2797 : i32 to index
        %swap3A_2811 = tpu.vector_load %arg11[%swap3A_2810] {strides = array<i32>} : memref<4368xi32, #tpu.memory_space<vmem>>, vector<16xi32>,
        tpu.vector_store %arg11[%swap3A_2810], %broadcast_in_dim3A_33 {strides = array<i32>} : memref<4368xi32, #tpu.memory_space<vmem>>, vector<16xi32>,
        %mul3A_2812 = arith.constant 16 : i32
        %mul3A_2813 = arith.muli %scan3A_2610, %mul3A_2812 : i32
        %add3A_2814 = arith.constant 3003 : i32
        %add3A_2815 = arith.addi %add3A_2814, %mul3A_2813 : i32
        %get3A_2816 = arith.index_cast %add3A_2815 : i32 to index
        %get3A_2817 = tpu.vector_load %arg11[%get3A_2816] {strides = array<i32>} : memref<4368xi32, #tpu.memory_space<vmem>>, vector<16xi32>,
        %add3A_2818 = arith.addi %add3A_2809, %get3A_2817 : vector<16xi32>
        %get3A_2819 = arith.index_cast %add3A_2815 : i32 to index
        %get3A_2820 = tpu.vector_load %arg12[%get3A_2819] {strides = array<i32>} : memref<4368xi32, #tpu.memory_space<vmem>>, vector<16xi32>,
        %add3A_2821 = arith.addi %add3A_2818, %get3A_2820 : vector<16xi32>
        %get3A_2822 = arith.index_cast %add3A_2815 : i32 to index
        %get3A_2823 = tpu.vector_load %arg13[%get3A_2822] {strides = array<i32>} : memref<4368xi32, #tpu.memory_space<vmem>>, vector<16xi32>,
        %add3A_2824 = arith.addi %add3A_2821, %get3A_2823 : vector<16xi32>
        %get3A_2825 = arith.index_cast %add3A_2815 : i32 to index
        %get3A_2826 = tpu.vector_load %arg14[%get3A_2825] {strides = array<i32>} : memref<4368xi32, #tpu.memory_space<vmem>>, vector<16xi32>,
        %add3A_2827 = arith.addi %add3A_2824, %get3A_2826 : vector<16xi32>
        %swap3A_2828 = arith.index_cast %add3A_2815 : i32 to index
        %swap3A_2829 = tpu.vector_load %arg11[%swap3A_2828] {strides = array<i32>} : memref<4368xi32, #tpu.memory_space<vmem>>, vector<16xi32>,
        tpu.vector_store %arg11[%swap3A_2828], %broadcast_in_dim3A_33 {strides = array<i32>} : memref<4368xi32, #tpu.memory_space<vmem>>, vector<16xi32>,
        %mul3A_2830 = arith.constant 16 : i32
        %mul3A_2831 = arith.muli %scan3A_2610, %mul3A_2830 : i32
        %add3A_2832 = arith.constant 3276 : i32
        %add3A_2833 = arith.addi %add3A_2832, %mul3A_2831 : i32
        %get3A_2834 = arith.index_cast %add3A_2833 : i32 to index
        %get3A_2835 = tpu.vector_load %arg11[%get3A_2834] {strides = array<i32>} : memref<4368xi32, #tpu.memory_space<vmem>>, vector<16xi32>,
        %add3A_2836 = arith.addi %add3A_2827, %get3A_2835 : vector<16xi32>
        %get3A_2837 = arith.index_cast %add3A_2833 : i32 to index
        %get3A_2838 = tpu.vector_load %arg12[%get3A_2837] {strides = array<i32>} : memref<4368xi32, #tpu.memory_space<vmem>>, vector<16xi32>,
        %add3A_2839 = arith.addi %add3A_2836, %get3A_2838 : vector<16xi32>
        %get3A_2840 = arith.index_cast %add3A_2833 : i32 to index
        %get3A_2841 = tpu.vector_load %arg13[%get3A_2840] {strides = array<i32>} : memref<4368xi32, #tpu.memory_space<vmem>>, vector<16xi32>,
        %add3A_2842 = arith.addi %add3A_2839, %get3A_2841 : vector<16xi32>
        %get3A_2843 = arith.index_cast %add3A_2833 : i32 to index
        %get3A_2844 = tpu.vector_load %arg14[%get3A_2843] {strides = array<i32>} : memref<4368xi32, #tpu.memory_space<vmem>>, vector<16xi32>,
        %add3A_2845 = arith.addi %add3A_2842, %get3A_2844 : vector<16xi32>
        %swap3A_2846 = arith.index_cast %add3A_2833 : i32 to index
        %swap3A_2847 = tpu.vector_load %arg11[%swap3A_2846] {strides = array<i32>} : memref<4368xi32, #tpu.memory_space<vmem>>, vector<16xi32>,
        tpu.vector_store %arg11[%swap3A_2846], %broadcast_in_dim3A_33 {strides = array<i32>} : memref<4368xi32, #tpu.memory_space<vmem>>, vector<16xi32>,
        %mul3A_2848 = arith.constant 16 : i32
        %mul3A_2849 = arith.muli %scan3A_2610, %mul3A_2848 : i32
        %add3A_2850 = arith.constant 3549 : i32
        %add3A_2851 = arith.addi %add3A_2850, %mul3A_2849 : i32
        %get3A_2852 = arith.index_cast %add3A_2851 : i32 to index
        %get3A_2853 = tpu.vector_load %arg11[%get3A_2852] {strides = array<i32>} : memref<4368xi32, #tpu.memory_space<vmem>>, vector<16xi32>,
        %add3A_2854 = arith.addi %add3A_2845, %get3A_2853 : vector<16xi32>
        %get3A_2855 = arith.index_cast %add3A_2851 : i32 to index
        %get3A_2856 = tpu.vector_load %arg12[%get3A_2855] {strides = array<i32>} : memref<4368xi32, #tpu.memory_space<vmem>>, vector<16xi32>,
        %add3A_2857 = arith.addi %add3A_2854, %get3A_2856 : vector<16xi32>
        %get3A_2858 = arith.index_cast %add3A_2851 : i32 to index
        %get3A_2859 = tpu.vector_load %arg13[%get3A_2858] {strides = array<i32>} : memref<4368xi32, #tpu.memory_space<vmem>>, vector<16xi32>,
        %add3A_2860 = arith.addi %add3A_2857, %get3A_2859 : vector<16xi32>
        %get3A_2861 = arith.index_cast %add3A_2851 : i32 to index
        %get3A_2862 = tpu.vector_load %arg14[%get3A_2861] {strides = array<i32>} : memref<4368xi32, #tpu.memory_space<vmem>>, vector<16xi32>,
        %add3A_2863 = arith.addi %add3A_2860, %get3A_2862 : vector<16xi32>
        %swap3A_2864 = arith.index_cast %add3A_2851 : i32 to index
        %swap3A_2865 = tpu.vector_load %arg11[%swap3A_2864] {strides = array<i32>} : memref<4368xi32, #tpu.memory_space<vmem>>, vector<16xi32>,
        tpu.vector_store %arg11[%swap3A_2864], %broadcast_in_dim3A_33 {strides = array<i32>} : memref<4368xi32, #tpu.memory_space<vmem>>, vector<16xi32>,
        %mul3A_2866 = arith.constant 16 : i32
        %mul3A_2867 = arith.muli %scan3A_2610, %mul3A_2866 : i32
        %add3A_2868 = arith.constant 3822 : i32
        %add3A_2869 = arith.addi %add3A_2868, %mul3A_2867 : i32
        %get3A_2870 = arith.index_cast %add3A_2869 : i32 to index
        %get3A_2871 = tpu.vector_load %arg11[%get3A_2870] {strides = array<i32>} : memref<4368xi32, #tpu.memory_space<vmem>>, vector<16xi32>,
        %add3A_2872 = arith.addi %add3A_2863, %get3A_2871 : vector<16xi32>
        %get3A_2873 = arith.index_cast %add3A_2869 : i32 to index
        %get3A_2874 = tpu.vector_load %arg12[%get3A_2873] {strides = array<i32>} : memref<4368xi32, #tpu.memory_space<vmem>>, vector<16xi32>,
        %add3A_2875 = arith.addi %add3A_2872, %get3A_2874 : vector<16xi32>
        %get3A_2876 = arith.index_cast %add3A_2869 : i32 to index
        %get3A_2877 = tpu.vector_load %arg13[%get3A_2876] {strides = array<i32>} : memref<4368xi32, #tpu.memory_space<vmem>>, vector<16xi32>,
        %add3A_2878 = arith.addi %add3A_2875, %get3A_2877 : vector<16xi32>
        %get3A_2879 = arith.index_cast %add3A_2869 : i32 to index
        %get3A_2880 = tpu.vector_load %arg14[%get3A_2879] {strides = array<i32>} : memref<4368xi32, #tpu.memory_space<vmem>>, vector<16xi32>,
        %add3A_2881 = arith.addi %add3A_2878, %get3A_2880 : vector<16xi32>
        %swap3A_2882 = arith.index_cast %add3A_2869 : i32 to index
        %swap3A_2883 = tpu.vector_load %arg11[%swap3A_2882] {strides = array<i32>} : memref<4368xi32, #tpu.memory_space<vmem>>, vector<16xi32>,
        tpu.vector_store %arg11[%swap3A_2882], %broadcast_in_dim3A_33 {strides = array<i32>} : memref<4368xi32, #tpu.memory_space<vmem>>, vector<16xi32>,
        %mul3A_2884 = arith.constant 16 : i32
        %mul3A_2885 = arith.muli %scan3A_2610, %mul3A_2884 : i32
        %add3A_2886 = arith.constant 4095 : i32
        %add3A_2887 = arith.addi %add3A_2886, %mul3A_2885 : i32
        %get3A_2888 = arith.index_cast %add3A_2887 : i32 to index
        %get3A_2889 = tpu.vector_load %arg11[%get3A_2888] {strides = array<i32>} : memref<4368xi32, #tpu.memory_space<vmem>>, vector<16xi32>,
        %add3A_2890 = arith.addi %add3A_2881, %get3A_2889 : vector<16xi32>
        %get3A_2891 = arith.index_cast %add3A_2887 : i32 to index
        %get3A_2892 = tpu.vector_load %arg12[%get3A_2891] {strides = array<i32>} : memref<4368xi32, #tpu.memory_space<vmem>>, vector<16xi32>,
        %add3A_2893 = arith.addi %add3A_2890, %get3A_2892 : vector<16xi32>
        %get3A_2894 = arith.index_cast %add3A_2887 : i32 to index
        %get3A_2895 = tpu.vector_load %arg13[%get3A_2894] {strides = array<i32>} : memref<4368xi32, #tpu.memory_space<vmem>>, vector<16xi32>,
        %add3A_2896 = arith.addi %add3A_2893, %get3A_2895 : vector<16xi32>
        %get3A_2897 = arith.index_cast %add3A_2887 : i32 to index
        %get3A_2898 = tpu.vector_load %arg14[%get3A_2897] {strides = array<i32>} : memref<4368xi32, #tpu.memory_space<vmem>>, vector<16xi32>,
        %add3A_2899 = arith.addi %add3A_2896, %get3A_2898 : vector<16xi32>
        %swap3A_2900 = arith.index_cast %add3A_2887 : i32 to index
        %swap3A_2901 = tpu.vector_load %arg11[%swap3A_2900] {strides = array<i32>} : memref<4368xi32, #tpu.memory_space<vmem>>, vector<16xi32>,
        tpu.vector_store %arg11[%swap3A_2900], %broadcast_in_dim3A_33 {strides = array<i32>} : memref<4368xi32, #tpu.memory_space<vmem>>, vector<16xi32>,
        %mul3A_2902 = arith.constant 16 : i32
        %mul3A_2903 = arith.muli %scan3A_2610, %mul3A_2902 : i32
        %swap3A_2904 = arith.index_cast %mul3A_2903 : i32 to index
        %swap3A_2905 = tpu.vector_load %arg17[%swap3A_2904] {strides = array<i32>} : memref<256xi32, #tpu.memory_space<vmem>>, vector<16xi32>,
        tpu.vector_store %arg17[%swap3A_2904], %add3A_2899 {strides = array<i32>} : memref<256xi32, #tpu.memory_space<vmem>>, vector<16xi32>,
        %scan3A_2906 = arith.constant 0 : i32
        scf.yield %scan3A_2906 : i32
      }
      %scan3A_40 = arith.constant 16 : i32
      %broadcast_in_dim3A_41 = arith.constant 0 : i32
      %broadcast_in_dim3A_42 = vector.broadcast %broadcast_in_dim3A_41 : i32 to vector<16xi32>
      %broadcast_in_dim3A_43 = arith.constant 0 : i32
      %broadcast_in_dim3A_44 = vector.broadcast %broadcast_in_dim3A_43 : i32 to vector<16xi32>
      %get3A = arith.constant 240 : index
      %get3A_45 = tpu.vector_load %arg17[%get3A] {strides = array<i32>} : memref<256xi32, #tpu.memory_space<vmem>>, vector<16xi32>,
      %rev3A = arith.constant 15 : i32
      %rev3A_46 = vector.broadcast %rev3A : i32 to vector<16xi32>
      %rev3A_47 = tpu.iota {dimensions = array<i32: 0>} : vector<16xi32>
      %rev3A_48 = arith.subi %rev3A_46, %rev3A_47 : vector<16xi32>
      %rev3A_49 = tpu.dynamic_gather %get3A_45[%rev3A_48] in [0] : vector<16xi32>, vector<16xi32> -> vector<16xi32>
      %broadcast_in_dim3A_50 = arith.constant true
      %broadcast_in_dim3A_51 = vector.broadcast %broadcast_in_dim3A_50 : i1 to vector<16xi1>
      %masked_cumsum3A = tpu.scan <sum>, %rev3A_49 masked %broadcast_in_dim3A_51 : vector<16xi32>, vector<16xi1> -> vector<16xi32>
      %add3A_52 = arith.addi %masked_cumsum3A, %broadcast_in_dim3A_42 : vector<16xi32>
      %rev3A_53 = arith.constant 15 : i32
      %rev3A_54 = vector.broadcast %rev3A_53 : i32 to vector<16xi32>
      %rev3A_55 = tpu.iota {dimensions = array<i32: 0>} : vector<16xi32>
      %rev3A_56 = arith.subi %rev3A_54, %rev3A_55 : vector<16xi32>
      %rev3A_57 = tpu.dynamic_gather %add3A_52[%rev3A_56] in [0] : vector<16xi32>, vector<16xi32> -> vector<16xi32>
      %swap3A = arith.constant 240 : index
      %swap3A_58 = tpu.vector_load %arg18[%swap3A] {strides = array<i32>} : memref<256xi32, #tpu.memory_space<vmem>>, vector<16xi32>,
      tpu.vector_store %arg18[%swap3A], %rev3A_57 {strides = array<i32>} : memref<256xi32, #tpu.memory_space<vmem>>, vector<16xi32>,
      %ge3A = arith.cmpi sge, %rev3A_57, %broadcast_in_dim3A_31 : vector<16xi32>
      %all_reduce_population_count3A = tpu.all_reduce %ge3A {dim = 0 : i64, kind = #tpu.reduction_kind<sum>} : vector<16xi1> -> vector<16xi32>
      %add3A_59 = arith.addi %broadcast_in_dim3A_44, %all_reduce_population_count3A : vector<16xi32>
      %reduce_sum3A = arith.constant true
      %reduce_sum3A_60 = vector.broadcast %reduce_sum3A : i1 to vector<16xi1>
      %reduce_sum3A_61 = tpu.scan <sum>, %get3A_45 masked %reduce_sum3A_60 : vector<16xi32>, vector<16xi1> -> vector<16xi32>
      %reduce_sum3A_62 = vector.extract %reduce_sum3A_61[15] : i32 from vector<16xi32>
      %add3A_63 = vector.broadcast %reduce_sum3A_62 : i32 to vector<16xi32>
      %add3A_64 = arith.addi %broadcast_in_dim3A_42, %add3A_63 : vector<16xi32>
      %get3A_65 = arith.constant 224 : index
      %get3A_66 = tpu.vector_load %arg17[%get3A_65] {strides = array<i32>} : memref<256xi32, #tpu.memory_space<vmem>>, vector<16xi32>,
      %rev3A_67 = arith.constant 15 : i32
      %rev3A_68 = vector.broadcast %rev3A_67 : i32 to vector<16xi32>
      %rev3A_69 = tpu.iota {dimensions = array<i32: 0>} : vector<16xi32>
      %rev3A_70 = arith.subi %rev3A_68, %rev3A_69 : vector<16xi32>
      %rev3A_71 = tpu.dynamic_gather %get3A_66[%rev3A_70] in [0] : vector<16xi32>, vector<16xi32> -> vector<16xi32>
      %broadcast_in_dim3A_72 = arith.constant true
      %broadcast_in_dim3A_73 = vector.broadcast %broadcast_in_dim3A_72 : i1 to vector<16xi1>
      %masked_cumsum3A_74 = tpu.scan <sum>, %rev3A_71 masked %broadcast_in_dim3A_73 : vector<16xi32>, vector<16xi1> -> vector<16xi32>
      %add3A_75 = arith.addi %masked_cumsum3A_74, %add3A_64 : vector<16xi32>
      %rev3A_76 = arith.constant 15 : i32
      %rev3A_77 = vector.broadcast %rev3A_76 : i32 to vector<16xi32>
      %rev3A_78 = tpu.iota {dimensions = array<i32: 0>} : vector<16xi32>
      %rev3A_79 = arith.subi %rev3A_77, %rev3A_78 : vector<16xi32>
      %rev3A_80 = tpu.dynamic_gather %add3A_75[%rev3A_79] in [0] : vector<16xi32>, vector<16xi32> -> vector<16xi32>
      %swap3A_81 = arith.constant 224 : index
      %swap3A_82 = tpu.vector_load %arg18[%swap3A_81] {strides = array<i32>} : memref<256xi32, #tpu.memory_space<vmem>>, vector<16xi32>,
      tpu.vector_store %arg18[%swap3A_81], %rev3A_80 {strides = array<i32>} : memref<256xi32, #tpu.memory_space<vmem>>, vector<16xi32>,
      %ge3A_83 = arith.cmpi sge, %rev3A_80, %broadcast_in_dim3A_31 : vector<16xi32>
      %all_reduce_population_count3A_84 = tpu.all_reduce %ge3A_83 {dim = 0 : i64, kind = #tpu.reduction_kind<sum>} : vector<16xi1> -> vector<16xi32>
      %add3A_85 = arith.addi %add3A_59, %all_reduce_population_count3A_84 : vector<16xi32>
      %reduce_sum3A_86 = arith.constant true
      %reduce_sum3A_87 = vector.broadcast %reduce_sum3A_86 : i1 to vector<16xi1>
      %reduce_sum3A_88 = tpu.scan <sum>, %get3A_66 masked %reduce_sum3A_87 : vector<16xi32>, vector<16xi1> -> vector<16xi32>
      %reduce_sum3A_89 = vector.extract %reduce_sum3A_88[15] : i32 from vector<16xi32>
      %add3A_90 = vector.broadcast %reduce_sum3A_89 : i32 to vector<16xi32>
      %add3A_91 = arith.addi %add3A_64, %add3A_90 : vector<16xi32>
      %get3A_92 = arith.constant 208 : index
      %get3A_93 = tpu.vector_load %arg17[%get3A_92] {strides = array<i32>} : memref<256xi32, #tpu.memory_space<vmem>>, vector<16xi32>,
      %rev3A_94 = arith.constant 15 : i32
      %rev3A_95 = vector.broadcast %rev3A_94 : i32 to vector<16xi32>
      %rev3A_96 = tpu.iota {dimensions = array<i32: 0>} : vector<16xi32>
      %rev3A_97 = arith.subi %rev3A_95, %rev3A_96 : vector<16xi32>
      %rev3A_98 = tpu.dynamic_gather %get3A_93[%rev3A_97] in [0] : vector<16xi32>, vector<16xi32> -> vector<16xi32>
      %broadcast_in_dim3A_99 = arith.constant true
      %broadcast_in_dim3A_100 = vector.broadcast %broadcast_in_dim3A_99 : i1 to vector<16xi1>
      %masked_cumsum3A_101 = tpu.scan <sum>, %rev3A_98 masked %broadcast_in_dim3A_100 : vector<16xi32>, vector<16xi1> -> vector<16xi32>
      %add3A_102 = arith.addi %masked_cumsum3A_101, %add3A_91 : vector<16xi32>
      %rev3A_103 = arith.constant 15 : i32
      %rev3A_104 = vector.broadcast %rev3A_103 : i32 to vector<16xi32>
      %rev3A_105 = tpu.iota {dimensions = array<i32: 0>} : vector<16xi32>
      %rev3A_106 = arith.subi %rev3A_104, %rev3A_105 : vector<16xi32>
      %rev3A_107 = tpu.dynamic_gather %add3A_102[%rev3A_106] in [0] : vector<16xi32>, vector<16xi32> -> vector<16xi32>
      %swap3A_108 = arith.constant 208 : index
      %swap3A_109 = tpu.vector_load %arg18[%swap3A_108] {strides = array<i32>} : memref<256xi32, #tpu.memory_space<vmem>>, vector<16xi32>,
      tpu.vector_store %arg18[%swap3A_108], %rev3A_107 {strides = array<i32>} : memref<256xi32, #tpu.memory_space<vmem>>, vector<16xi32>,
      %ge3A_110 = arith.cmpi sge, %rev3A_107, %broadcast_in_dim3A_31 : vector<16xi32>
      %all_reduce_population_count3A_111 = tpu.all_reduce %ge3A_110 {dim = 0 : i64, kind = #tpu.reduction_kind<sum>} : vector<16xi1> -> vector<16xi32>
      %add3A_112 = arith.addi %add3A_85, %all_reduce_population_count3A_111 : vector<16xi32>
      %reduce_sum3A_113 = arith.constant true
      %reduce_sum3A_114 = vector.broadcast %reduce_sum3A_113 : i1 to vector<16xi1>
      %reduce_sum3A_115 = tpu.scan <sum>, %get3A_93 masked %reduce_sum3A_114 : vector<16xi32>, vector<16xi1> -> vector<16xi32>
      %reduce_sum3A_116 = vector.extract %reduce_sum3A_115[15] : i32 from vector<16xi32>
      %add3A_117 = vector.broadcast %reduce_sum3A_116 : i32 to vector<16xi32>
      %add3A_118 = arith.addi %add3A_91, %add3A_117 : vector<16xi32>
      %get3A_119 = arith.constant 192 : index
      %get3A_120 = tpu.vector_load %arg17[%get3A_119] {strides = array<i32>} : memref<256xi32, #tpu.memory_space<vmem>>, vector<16xi32>,
      %rev3A_121 = arith.constant 15 : i32
      %rev3A_122 = vector.broadcast %rev3A_121 : i32 to vector<16xi32>
      %rev3A_123 = tpu.iota {dimensions = array<i32: 0>} : vector<16xi32>
      %rev3A_124 = arith.subi %rev3A_122, %rev3A_123 : vector<16xi32>
      %rev3A_125 = tpu.dynamic_gather %get3A_120[%rev3A_124] in [0] : vector<16xi32>, vector<16xi32> -> vector<16xi32>
      %broadcast_in_dim3A_126 = arith.constant true
      %broadcast_in_dim3A_127 = vector.broadcast %broadcast_in_dim3A_126 : i1 to vector<16xi1>
      %masked_cumsum3A_128 = tpu.scan <sum>, %rev3A_125 masked %broadcast_in_dim3A_127 : vector<16xi32>, vector<16xi1> -> vector<16xi32>
      %add3A_129 = arith.addi %masked_cumsum3A_128, %add3A_118 : vector<16xi32>
      %rev3A_130 = arith.constant 15 : i32
      %rev3A_131 = vector.broadcast %rev3A_130 : i32 to vector<16xi32>
      %rev3A_132 = tpu.iota {dimensions = array<i32: 0>} : vector<16xi32>
      %rev3A_133 = arith.subi %rev3A_131, %rev3A_132 : vector<16xi32>
      %rev3A_134 = tpu.dynamic_gather %add3A_129[%rev3A_133] in [0] : vector<16xi32>, vector<16xi32> -> vector<16xi32>
      %swap3A_135 = arith.constant 192 : index
      %swap3A_136 = tpu.vector_load %arg18[%swap3A_135] {strides = array<i32>} : memref<256xi32, #tpu.memory_space<vmem>>, vector<16xi32>,
      tpu.vector_store %arg18[%swap3A_135], %rev3A_134 {strides = array<i32>} : memref<256xi32, #tpu.memory_space<vmem>>, vector<16xi32>,
      %ge3A_137 = arith.cmpi sge, %rev3A_134, %broadcast_in_dim3A_31 : vector<16xi32>
      %all_reduce_population_count3A_138 = tpu.all_reduce %ge3A_137 {dim = 0 : i64, kind = #tpu.reduction_kind<sum>} : vector<16xi1> -> vector<16xi32>
      %add3A_139 = arith.addi %add3A_112, %all_reduce_population_count3A_138 : vector<16xi32>
      %reduce_sum3A_140 = arith.constant true
      %reduce_sum3A_141 = vector.broadcast %reduce_sum3A_140 : i1 to vector<16xi1>
      %reduce_sum3A_142 = tpu.scan <sum>, %get3A_120 masked %reduce_sum3A_141 : vector<16xi32>, vector<16xi1> -> vector<16xi32>
      %reduce_sum3A_143 = vector.extract %reduce_sum3A_142[15] : i32 from vector<16xi32>
      %add3A_144 = vector.broadcast %reduce_sum3A_143 : i32 to vector<16xi32>
      %add3A_145 = arith.addi %add3A_118, %add3A_144 : vector<16xi32>
      %get3A_146 = arith.constant 176 : index
      %get3A_147 = tpu.vector_load %arg17[%get3A_146] {strides = array<i32>} : memref<256xi32, #tpu.memory_space<vmem>>, vector<16xi32>,
      %rev3A_148 = arith.constant 15 : i32
      %rev3A_149 = vector.broadcast %rev3A_148 : i32 to vector<16xi32>
      %rev3A_150 = tpu.iota {dimensions = array<i32: 0>} : vector<16xi32>
      %rev3A_151 = arith.subi %rev3A_149, %rev3A_150 : vector<16xi32>
      %rev3A_152 = tpu.dynamic_gather %get3A_147[%rev3A_151] in [0] : vector<16xi32>, vector<16xi32> -> vector<16xi32>
      %broadcast_in_dim3A_153 = arith.constant true
      %broadcast_in_dim3A_154 = vector.broadcast %broadcast_in_dim3A_153 : i1 to vector<16xi1>
      %masked_cumsum3A_155 = tpu.scan <sum>, %rev3A_152 masked %broadcast_in_dim3A_154 : vector<16xi32>, vector<16xi1> -> vector<16xi32>
      %add3A_156 = arith.addi %masked_cumsum3A_155, %add3A_145 : vector<16xi32>
      %rev3A_157 = arith.constant 15 : i32
      %rev3A_158 = vector.broadcast %rev3A_157 : i32 to vector<16xi32>
      %rev3A_159 = tpu.iota {dimensions = array<i32: 0>} : vector<16xi32>
      %rev3A_160 = arith.subi %rev3A_158, %rev3A_159 : vector<16xi32>
      %rev3A_161 = tpu.dynamic_gather %add3A_156[%rev3A_160] in [0] : vector<16xi32>, vector<16xi32> -> vector<16xi32>
      %swap3A_162 = arith.constant 176 : index
      %swap3A_163 = tpu.vector_load %arg18[%swap3A_162] {strides = array<i32>} : memref<256xi32, #tpu.memory_space<vmem>>, vector<16xi32>,
      tpu.vector_store %arg18[%swap3A_162], %rev3A_161 {strides = array<i32>} : memref<256xi32, #tpu.memory_space<vmem>>, vector<16xi32>,
      %ge3A_164 = arith.cmpi sge, %rev3A_161, %broadcast_in_dim3A_31 : vector<16xi32>
      %all_reduce_population_count3A_165 = tpu.all_reduce %ge3A_164 {dim = 0 : i64, kind = #tpu.reduction_kind<sum>} : vector<16xi1> -> vector<16xi32>
      %add3A_166 = arith.addi %add3A_139, %all_reduce_population_count3A_165 : vector<16xi32>
      %reduce_sum3A_167 = arith.constant true
      %reduce_sum3A_168 = vector.broadcast %reduce_sum3A_167 : i1 to vector<16xi1>
      %reduce_sum3A_169 = tpu.scan <sum>, %get3A_147 masked %reduce_sum3A_168 : vector<16xi32>, vector<16xi1> -> vector<16xi32>
      %reduce_sum3A_170 = vector.extract %reduce_sum3A_169[15] : i32 from vector<16xi32>
      %add3A_171 = vector.broadcast %reduce_sum3A_170 : i32 to vector<16xi32>
      %add3A_172 = arith.addi %add3A_145, %add3A_171 : vector<16xi32>
      %get3A_173 = arith.constant 160 : index
      %get3A_174 = tpu.vector_load %arg17[%get3A_173] {strides = array<i32>} : memref<256xi32, #tpu.memory_space<vmem>>, vector<16xi32>,
      %rev3A_175 = arith.constant 15 : i32
      %rev3A_176 = vector.broadcast %rev3A_175 : i32 to vector<16xi32>
      %rev3A_177 = tpu.iota {dimensions = array<i32: 0>} : vector<16xi32>
      %rev3A_178 = arith.subi %rev3A_176, %rev3A_177 : vector<16xi32>
      %rev3A_179 = tpu.dynamic_gather %get3A_174[%rev3A_178] in [0] : vector<16xi32>, vector<16xi32> -> vector<16xi32>
      %broadcast_in_dim3A_180 = arith.constant true
      %broadcast_in_dim3A_181 = vector.broadcast %broadcast_in_dim3A_180 : i1 to vector<16xi1>
      %masked_cumsum3A_182 = tpu.scan <sum>, %rev3A_179 masked %broadcast_in_dim3A_181 : vector<16xi32>, vector<16xi1> -> vector<16xi32>
      %add3A_183 = arith.addi %masked_cumsum3A_182, %add3A_172 : vector<16xi32>
      %rev3A_184 = arith.constant 15 : i32
      %rev3A_185 = vector.broadcast %rev3A_184 : i32 to vector<16xi32>
      %rev3A_186 = tpu.iota {dimensions = array<i32: 0>} : vector<16xi32>
      %rev3A_187 = arith.subi %rev3A_185, %rev3A_186 : vector<16xi32>
      %rev3A_188 = tpu.dynamic_gather %add3A_183[%rev3A_187] in [0] : vector<16xi32>, vector<16xi32> -> vector<16xi32>
      %swap3A_189 = arith.constant 160 : index
      %swap3A_190 = tpu.vector_load %arg18[%swap3A_189] {strides = array<i32>} : memref<256xi32, #tpu.memory_space<vmem>>, vector<16xi32>,
      tpu.vector_store %arg18[%swap3A_189], %rev3A_188 {strides = array<i32>} : memref<256xi32, #tpu.memory_space<vmem>>, vector<16xi32>,
      %ge3A_191 = arith.cmpi sge, %rev3A_188, %broadcast_in_dim3A_31 : vector<16xi32>
      %all_reduce_population_count3A_192 = tpu.all_reduce %ge3A_191 {dim = 0 : i64, kind = #tpu.reduction_kind<sum>} : vector<16xi1> -> vector<16xi32>
      %add3A_193 = arith.addi %add3A_166, %all_reduce_population_count3A_192 : vector<16xi32>
      %reduce_sum3A_194 = arith.constant true
      %reduce_sum3A_195 = vector.broadcast %reduce_sum3A_194 : i1 to vector<16xi1>
      %reduce_sum3A_196 = tpu.scan <sum>, %get3A_174 masked %reduce_sum3A_195 : vector<16xi32>, vector<16xi1> -> vector<16xi32>
      %reduce_sum3A_197 = vector.extract %reduce_sum3A_196[15] : i32 from vector<16xi32>
      %add3A_198 = vector.broadcast %reduce_sum3A_197 : i32 to vector<16xi32>
      %add3A_199 = arith.addi %add3A_172, %add3A_198 : vector<16xi32>
      %get3A_200 = arith.constant 144 : index
      %get3A_201 = tpu.vector_load %arg17[%get3A_200] {strides = array<i32>} : memref<256xi32, #tpu.memory_space<vmem>>, vector<16xi32>,
      %rev3A_202 = arith.constant 15 : i32
      %rev3A_203 = vector.broadcast %rev3A_202 : i32 to vector<16xi32>
      %rev3A_204 = tpu.iota {dimensions = array<i32: 0>} : vector<16xi32>
      %rev3A_205 = arith.subi %rev3A_203, %rev3A_204 : vector<16xi32>
      %rev3A_206 = tpu.dynamic_gather %get3A_201[%rev3A_205] in [0] : vector<16xi32>, vector<16xi32> -> vector<16xi32>
      %broadcast_in_dim3A_207 = arith.constant true
      %broadcast_in_dim3A_208 = vector.broadcast %broadcast_in_dim3A_207 : i1 to vector<16xi1>
      %masked_cumsum3A_209 = tpu.scan <sum>, %rev3A_206 masked %broadcast_in_dim3A_208 : vector<16xi32>, vector<16xi1> -> vector<16xi32>
      %add3A_210 = arith.addi %masked_cumsum3A_209, %add3A_199 : vector<16xi32>
      %rev3A_211 = arith.constant 15 : i32
      %rev3A_212 = vector.broadcast %rev3A_211 : i32 to vector<16xi32>
      %rev3A_213 = tpu.iota {dimensions = array<i32: 0>} : vector<16xi32>
      %rev3A_214 = arith.subi %rev3A_212, %rev3A_213 : vector<16xi32>
      %rev3A_215 = tpu.dynamic_gather %add3A_210[%rev3A_214] in [0] : vector<16xi32>, vector<16xi32> -> vector<16xi32>
      %swap3A_216 = arith.constant 144 : index
      %swap3A_217 = tpu.vector_load %arg18[%swap3A_216] {strides = array<i32>} : memref<256xi32, #tpu.memory_space<vmem>>, vector<16xi32>,
      tpu.vector_store %arg18[%swap3A_216], %rev3A_215 {strides = array<i32>} : memref<256xi32, #tpu.memory_space<vmem>>, vector<16xi32>,
      %ge3A_218 = arith.cmpi sge, %rev3A_215, %broadcast_in_dim3A_31 : vector<16xi32>
      %all_reduce_population_count3A_219 = tpu.all_reduce %ge3A_218 {dim = 0 : i64, kind = #tpu.reduction_kind<sum>} : vector<16xi1> -> vector<16xi32>
      %add3A_220 = arith.addi %add3A_193, %all_reduce_population_count3A_219 : vector<16xi32>
      %reduce_sum3A_221 = arith.constant true
      %reduce_sum3A_222 = vector.broadcast %reduce_sum3A_221 : i1 to vector<16xi1>
      %reduce_sum3A_223 = tpu.scan <sum>, %get3A_201 masked %reduce_sum3A_222 : vector<16xi32>, vector<16xi1> -> vector<16xi32>
      %reduce_sum3A_224 = vector.extract %reduce_sum3A_223[15] : i32 from vector<16xi32>
      %add3A_225 = vector.broadcast %reduce_sum3A_224 : i32 to vector<16xi32>
      %add3A_226 = arith.addi %add3A_199, %add3A_225 : vector<16xi32>
      %get3A_227 = arith.constant 128 : index
      %get3A_228 = tpu.vector_load %arg17[%get3A_227] {strides = array<i32>} : memref<256xi32, #tpu.memory_space<vmem>>, vector<16xi32>,
      %rev3A_229 = arith.constant 15 : i32
      %rev3A_230 = vector.broadcast %rev3A_229 : i32 to vector<16xi32>
      %rev3A_231 = tpu.iota {dimensions = array<i32: 0>} : vector<16xi32>
      %rev3A_232 = arith.subi %rev3A_230, %rev3A_231 : vector<16xi32>
      %rev3A_233 = tpu.dynamic_gather %get3A_228[%rev3A_232] in [0] : vector<16xi32>, vector<16xi32> -> vector<16xi32>
      %broadcast_in_dim3A_234 = arith.constant true
      %broadcast_in_dim3A_235 = vector.broadcast %broadcast_in_dim3A_234 : i1 to vector<16xi1>
      %masked_cumsum3A_236 = tpu.scan <sum>, %rev3A_233 masked %broadcast_in_dim3A_235 : vector<16xi32>, vector<16xi1> -> vector<16xi32>
      %add3A_237 = arith.addi %masked_cumsum3A_236, %add3A_226 : vector<16xi32>
      %rev3A_238 = arith.constant 15 : i32
      %rev3A_239 = vector.broadcast %rev3A_238 : i32 to vector<16xi32>
      %rev3A_240 = tpu.iota {dimensions = array<i32: 0>} : vector<16xi32>
      %rev3A_241 = arith.subi %rev3A_239, %rev3A_240 : vector<16xi32>
      %rev3A_242 = tpu.dynamic_gather %add3A_237[%rev3A_241] in [0] : vector<16xi32>, vector<16xi32> -> vector<16xi32>
      %swap3A_243 = arith.constant 128 : index
      %swap3A_244 = tpu.vector_load %arg18[%swap3A_243] {strides = array<i32>} : memref<256xi32, #tpu.memory_space<vmem>>, vector<16xi32>,
      tpu.vector_store %arg18[%swap3A_243], %rev3A_242 {strides = array<i32>} : memref<256xi32, #tpu.memory_space<vmem>>, vector<16xi32>,
      %ge3A_245 = arith.cmpi sge, %rev3A_242, %broadcast_in_dim3A_31 : vector<16xi32>
      %all_reduce_population_count3A_246 = tpu.all_reduce %ge3A_245 {dim = 0 : i64, kind = #tpu.reduction_kind<sum>} : vector<16xi1> -> vector<16xi32>
      %add3A_247 = arith.addi %add3A_220, %all_reduce_population_count3A_246 : vector<16xi32>
      %reduce_sum3A_248 = arith.constant true
      %reduce_sum3A_249 = vector.broadcast %reduce_sum3A_248 : i1 to vector<16xi1>
      %reduce_sum3A_250 = tpu.scan <sum>, %get3A_228 masked %reduce_sum3A_249 : vector<16xi32>, vector<16xi1> -> vector<16xi32>
      %reduce_sum3A_251 = vector.extract %reduce_sum3A_250[15] : i32 from vector<16xi32>
      %add3A_252 = vector.broadcast %reduce_sum3A_251 : i32 to vector<16xi32>
      %add3A_253 = arith.addi %add3A_226, %add3A_252 : vector<16xi32>
      %get3A_254 = arith.constant 112 : index
      %get3A_255 = tpu.vector_load %arg17[%get3A_254] {strides = array<i32>} : memref<256xi32, #tpu.memory_space<vmem>>, vector<16xi32>,
      %rev3A_256 = arith.constant 15 : i32
      %rev3A_257 = vector.broadcast %rev3A_256 : i32 to vector<16xi32>
      %rev3A_258 = tpu.iota {dimensions = array<i32: 0>} : vector<16xi32>
      %rev3A_259 = arith.subi %rev3A_257, %rev3A_258 : vector<16xi32>
      %rev3A_260 = tpu.dynamic_gather %get3A_255[%rev3A_259] in [0] : vector<16xi32>, vector<16xi32> -> vector<16xi32>
      %broadcast_in_dim3A_261 = arith.constant true
      %broadcast_in_dim3A_262 = vector.broadcast %broadcast_in_dim3A_261 : i1 to vector<16xi1>
      %masked_cumsum3A_263 = tpu.scan <sum>, %rev3A_260 masked %broadcast_in_dim3A_262 : vector<16xi32>, vector<16xi1> -> vector<16xi32>
      %add3A_264 = arith.addi %masked_cumsum3A_263, %add3A_253 : vector<16xi32>
      %rev3A_265 = arith.constant 15 : i32
      %rev3A_266 = vector.broadcast %rev3A_265 : i32 to vector<16xi32>
      %rev3A_267 = tpu.iota {dimensions = array<i32: 0>} : vector<16xi32>
      %rev3A_268 = arith.subi %rev3A_266, %rev3A_267 : vector<16xi32>
      %rev3A_269 = tpu.dynamic_gather %add3A_264[%rev3A_268] in [0] : vector<16xi32>, vector<16xi32> -> vector<16xi32>
      %swap3A_270 = arith.constant 112 : index
      %swap3A_271 = tpu.vector_load %arg18[%swap3A_270] {strides = array<i32>} : memref<256xi32, #tpu.memory_space<vmem>>, vector<16xi32>,
      tpu.vector_store %arg18[%swap3A_270], %rev3A_269 {strides = array<i32>} : memref<256xi32, #tpu.memory_space<vmem>>, vector<16xi32>,
      %ge3A_272 = arith.cmpi sge, %rev3A_269, %broadcast_in_dim3A_31 : vector<16xi32>
      %all_reduce_population_count3A_273 = tpu.all_reduce %ge3A_272 {dim = 0 : i64, kind = #tpu.reduction_kind<sum>} : vector<16xi1> -> vector<16xi32>
      %add3A_274 = arith.addi %add3A_247, %all_reduce_population_count3A_273 : vector<16xi32>
      %reduce_sum3A_275 = arith.constant true
      %reduce_sum3A_276 = vector.broadcast %reduce_sum3A_275 : i1 to vector<16xi1>
      %reduce_sum3A_277 = tpu.scan <sum>, %get3A_255 masked %reduce_sum3A_276 : vector<16xi32>, vector<16xi1> -> vector<16xi32>
      %reduce_sum3A_278 = vector.extract %reduce_sum3A_277[15] : i32 from vector<16xi32>
      %add3A_279 = vector.broadcast %reduce_sum3A_278 : i32 to vector<16xi32>
      %add3A_280 = arith.addi %add3A_253, %add3A_279 : vector<16xi32>
      %get3A_281 = arith.constant 96 : index
      %get3A_282 = tpu.vector_load %arg17[%get3A_281] {strides = array<i32>} : memref<256xi32, #tpu.memory_space<vmem>>, vector<16xi32>,
      %rev3A_283 = arith.constant 15 : i32
      %rev3A_284 = vector.broadcast %rev3A_283 : i32 to vector<16xi32>
      %rev3A_285 = tpu.iota {dimensions = array<i32: 0>} : vector<16xi32>
      %rev3A_286 = arith.subi %rev3A_284, %rev3A_285 : vector<16xi32>
      %rev3A_287 = tpu.dynamic_gather %get3A_282[%rev3A_286] in [0] : vector<16xi32>, vector<16xi32> -> vector<16xi32>
      %broadcast_in_dim3A_288 = arith.constant true
      %broadcast_in_dim3A_289 = vector.broadcast %broadcast_in_dim3A_288 : i1 to vector<16xi1>
      %masked_cumsum3A_290 = tpu.scan <sum>, %rev3A_287 masked %broadcast_in_dim3A_289 : vector<16xi32>, vector<16xi1> -> vector<16xi32>
      %add3A_291 = arith.addi %masked_cumsum3A_290, %add3A_280 : vector<16xi32>
      %rev3A_292 = arith.constant 15 : i32
      %rev3A_293 = vector.broadcast %rev3A_292 : i32 to vector<16xi32>
      %rev3A_294 = tpu.iota {dimensions = array<i32: 0>} : vector<16xi32>
      %rev3A_295 = arith.subi %rev3A_293, %rev3A_294 : vector<16xi32>
      %rev3A_296 = tpu.dynamic_gather %add3A_291[%rev3A_295] in [0] : vector<16xi32>, vector<16xi32> -> vector<16xi32>
      %swap3A_297 = arith.constant 96 : index
      %swap3A_298 = tpu.vector_load %arg18[%swap3A_297] {strides = array<i32>} : memref<256xi32, #tpu.memory_space<vmem>>, vector<16xi32>,
      tpu.vector_store %arg18[%swap3A_297], %rev3A_296 {strides = array<i32>} : memref<256xi32, #tpu.memory_space<vmem>>, vector<16xi32>,
      %ge3A_299 = arith.cmpi sge, %rev3A_296, %broadcast_in_dim3A_31 : vector<16xi32>
      %all_reduce_population_count3A_300 = tpu.all_reduce %ge3A_299 {dim = 0 : i64, kind = #tpu.reduction_kind<sum>} : vector<16xi1> -> vector<16xi32>
      %add3A_301 = arith.addi %add3A_274, %all_reduce_population_count3A_300 : vector<16xi32>
      %reduce_sum3A_302 = arith.constant true
      %reduce_sum3A_303 = vector.broadcast %reduce_sum3A_302 : i1 to vector<16xi1>
      %reduce_sum3A_304 = tpu.scan <sum>, %get3A_282 masked %reduce_sum3A_303 : vector<16xi32>, vector<16xi1> -> vector<16xi32>
      %reduce_sum3A_305 = vector.extract %reduce_sum3A_304[15] : i32 from vector<16xi32>
      %add3A_306 = vector.broadcast %reduce_sum3A_305 : i32 to vector<16xi32>
      %add3A_307 = arith.addi %add3A_280, %add3A_306 : vector<16xi32>
      %get3A_308 = arith.constant 80 : index
      %get3A_309 = tpu.vector_load %arg17[%get3A_308] {strides = array<i32>} : memref<256xi32, #tpu.memory_space<vmem>>, vector<16xi32>,
      %rev3A_310 = arith.constant 15 : i32
      %rev3A_311 = vector.broadcast %rev3A_310 : i32 to vector<16xi32>
      %rev3A_312 = tpu.iota {dimensions = array<i32: 0>} : vector<16xi32>
      %rev3A_313 = arith.subi %rev3A_311, %rev3A_312 : vector<16xi32>
      %rev3A_314 = tpu.dynamic_gather %get3A_309[%rev3A_313] in [0] : vector<16xi32>, vector<16xi32> -> vector<16xi32>
      %broadcast_in_dim3A_315 = arith.constant true
      %broadcast_in_dim3A_316 = vector.broadcast %broadcast_in_dim3A_315 : i1 to vector<16xi1>
      %masked_cumsum3A_317 = tpu.scan <sum>, %rev3A_314 masked %broadcast_in_dim3A_316 : vector<16xi32>, vector<16xi1> -> vector<16xi32>
      %add3A_318 = arith.addi %masked_cumsum3A_317, %add3A_307 : vector<16xi32>
      %rev3A_319 = arith.constant 15 : i32
      %rev3A_320 = vector.broadcast %rev3A_319 : i32 to vector<16xi32>
      %rev3A_321 = tpu.iota {dimensions = array<i32: 0>} : vector<16xi32>
      %rev3A_322 = arith.subi %rev3A_320, %rev3A_321 : vector<16xi32>
      %rev3A_323 = tpu.dynamic_gather %add3A_318[%rev3A_322] in [0] : vector<16xi32>, vector<16xi32> -> vector<16xi32>
      %swap3A_324 = arith.constant 80 : index
      %swap3A_325 = tpu.vector_load %arg18[%swap3A_324] {strides = array<i32>} : memref<256xi32, #tpu.memory_space<vmem>>, vector<16xi32>,
      tpu.vector_store %arg18[%swap3A_324], %rev3A_323 {strides = array<i32>} : memref<256xi32, #tpu.memory_space<vmem>>, vector<16xi32>,
      %ge3A_326 = arith.cmpi sge, %rev3A_323, %broadcast_in_dim3A_31 : vector<16xi32>
      %all_reduce_population_count3A_327 = tpu.all_reduce %ge3A_326 {dim = 0 : i64, kind = #tpu.reduction_kind<sum>} : vector<16xi1> -> vector<16xi32>
      %add3A_328 = arith.addi %add3A_301, %all_reduce_population_count3A_327 : vector<16xi32>
      %reduce_sum3A_329 = arith.constant true
      %reduce_sum3A_330 = vector.broadcast %reduce_sum3A_329 : i1 to vector<16xi1>
      %reduce_sum3A_331 = tpu.scan <sum>, %get3A_309 masked %reduce_sum3A_330 : vector<16xi32>, vector<16xi1> -> vector<16xi32>
      %reduce_sum3A_332 = vector.extract %reduce_sum3A_331[15] : i32 from vector<16xi32>
      %add3A_333 = vector.broadcast %reduce_sum3A_332 : i32 to vector<16xi32>
      %add3A_334 = arith.addi %add3A_307, %add3A_333 : vector<16xi32>
      %get3A_335 = arith.constant 64 : index
      %get3A_336 = tpu.vector_load %arg17[%get3A_335] {strides = array<i32>} : memref<256xi32, #tpu.memory_space<vmem>>, vector<16xi32>,
      %rev3A_337 = arith.constant 15 : i32
      %rev3A_338 = vector.broadcast %rev3A_337 : i32 to vector<16xi32>
      %rev3A_339 = tpu.iota {dimensions = array<i32: 0>} : vector<16xi32>
      %rev3A_340 = arith.subi %rev3A_338, %rev3A_339 : vector<16xi32>
      %rev3A_341 = tpu.dynamic_gather %get3A_336[%rev3A_340] in [0] : vector<16xi32>, vector<16xi32> -> vector<16xi32>
      %broadcast_in_dim3A_342 = arith.constant true
      %broadcast_in_dim3A_343 = vector.broadcast %broadcast_in_dim3A_342 : i1 to vector<16xi1>
      %masked_cumsum3A_344 = tpu.scan <sum>, %rev3A_341 masked %broadcast_in_dim3A_343 : vector<16xi32>, vector<16xi1> -> vector<16xi32>
      %add3A_345 = arith.addi %masked_cumsum3A_344, %add3A_334 : vector<16xi32>
      %rev3A_346 = arith.constant 15 : i32
      %rev3A_347 = vector.broadcast %rev3A_346 : i32 to vector<16xi32>
      %rev3A_348 = tpu.iota {dimensions = array<i32: 0>} : vector<16xi32>
      %rev3A_349 = arith.subi %rev3A_347, %rev3A_348 : vector<16xi32>
      %rev3A_350 = tpu.dynamic_gather %add3A_345[%rev3A_349] in [0] : vector<16xi32>, vector<16xi32> -> vector<16xi32>
      %swap3A_351 = arith.constant 64 : index
      %swap3A_352 = tpu.vector_load %arg18[%swap3A_351] {strides = array<i32>} : memref<256xi32, #tpu.memory_space<vmem>>, vector<16xi32>,
      tpu.vector_store %arg18[%swap3A_351], %rev3A_350 {strides = array<i32>} : memref<256xi32, #tpu.memory_space<vmem>>, vector<16xi32>,
      %ge3A_353 = arith.cmpi sge, %rev3A_350, %broadcast_in_dim3A_31 : vector<16xi32>
      %all_reduce_population_count3A_354 = tpu.all_reduce %ge3A_353 {dim = 0 : i64, kind = #tpu.reduction_kind<sum>} : vector<16xi1> -> vector<16xi32>
      %add3A_355 = arith.addi %add3A_328, %all_reduce_population_count3A_354 : vector<16xi32>
      %reduce_sum3A_356 = arith.constant true
      %reduce_sum3A_357 = vector.broadcast %reduce_sum3A_356 : i1 to vector<16xi1>
      %reduce_sum3A_358 = tpu.scan <sum>, %get3A_336 masked %reduce_sum3A_357 : vector<16xi32>, vector<16xi1> -> vector<16xi32>
      %reduce_sum3A_359 = vector.extract %reduce_sum3A_358[15] : i32 from vector<16xi32>
      %add3A_360 = vector.broadcast %reduce_sum3A_359 : i32 to vector<16xi32>
      %add3A_361 = arith.addi %add3A_334, %add3A_360 : vector<16xi32>
      %get3A_362 = arith.constant 48 : index
      %get3A_363 = tpu.vector_load %arg17[%get3A_362] {strides = array<i32>} : memref<256xi32, #tpu.memory_space<vmem>>, vector<16xi32>,
      %rev3A_364 = arith.constant 15 : i32
      %rev3A_365 = vector.broadcast %rev3A_364 : i32 to vector<16xi32>
      %rev3A_366 = tpu.iota {dimensions = array<i32: 0>} : vector<16xi32>
      %rev3A_367 = arith.subi %rev3A_365, %rev3A_366 : vector<16xi32>
      %rev3A_368 = tpu.dynamic_gather %get3A_363[%rev3A_367] in [0] : vector<16xi32>, vector<16xi32> -> vector<16xi32>
      %broadcast_in_dim3A_369 = arith.constant true
      %broadcast_in_dim3A_370 = vector.broadcast %broadcast_in_dim3A_369 : i1 to vector<16xi1>
      %masked_cumsum3A_371 = tpu.scan <sum>, %rev3A_368 masked %broadcast_in_dim3A_370 : vector<16xi32>, vector<16xi1> -> vector<16xi32>
      %add3A_372 = arith.addi %masked_cumsum3A_371, %add3A_361 : vector<16xi32>
      %rev3A_373 = arith.constant 15 : i32
      %rev3A_374 = vector.broadcast %rev3A_373 : i32 to vector<16xi32>
      %rev3A_375 = tpu.iota {dimensions = array<i32: 0>} : vector<16xi32>
      %rev3A_376 = arith.subi %rev3A_374, %rev3A_375 : vector<16xi32>
      %rev3A_377 = tpu.dynamic_gather %add3A_372[%rev3A_376] in [0] : vector<16xi32>, vector<16xi32> -> vector<16xi32>
      %swap3A_378 = arith.constant 48 : index
      %swap3A_379 = tpu.vector_load %arg18[%swap3A_378] {strides = array<i32>} : memref<256xi32, #tpu.memory_space<vmem>>, vector<16xi32>,
      tpu.vector_store %arg18[%swap3A_378], %rev3A_377 {strides = array<i32>} : memref<256xi32, #tpu.memory_space<vmem>>, vector<16xi32>,
      %ge3A_380 = arith.cmpi sge, %rev3A_377, %broadcast_in_dim3A_31 : vector<16xi32>
      %all_reduce_population_count3A_381 = tpu.all_reduce %ge3A_380 {dim = 0 : i64, kind = #tpu.reduction_kind<sum>} : vector<16xi1> -> vector<16xi32>
      %add3A_382 = arith.addi %add3A_355, %all_reduce_population_count3A_381 : vector<16xi32>
      %reduce_sum3A_383 = arith.constant true
      %reduce_sum3A_384 = vector.broadcast %reduce_sum3A_383 : i1 to vector<16xi1>
      %reduce_sum3A_385 = tpu.scan <sum>, %get3A_363 masked %reduce_sum3A_384 : vector<16xi32>, vector<16xi1> -> vector<16xi32>
      %reduce_sum3A_386 = vector.extract %reduce_sum3A_385[15] : i32 from vector<16xi32>
      %add3A_387 = vector.broadcast %reduce_sum3A_386 : i32 to vector<16xi32>
      %add3A_388 = arith.addi %add3A_361, %add3A_387 : vector<16xi32>
      %get3A_389 = arith.constant 32 : index
      %get3A_390 = tpu.vector_load %arg17[%get3A_389] {strides = array<i32>} : memref<256xi32, #tpu.memory_space<vmem>>, vector<16xi32>,
      %rev3A_391 = arith.constant 15 : i32
      %rev3A_392 = vector.broadcast %rev3A_391 : i32 to vector<16xi32>
      %rev3A_393 = tpu.iota {dimensions = array<i32: 0>} : vector<16xi32>
      %rev3A_394 = arith.subi %rev3A_392, %rev3A_393 : vector<16xi32>
      %rev3A_395 = tpu.dynamic_gather %get3A_390[%rev3A_394] in [0] : vector<16xi32>, vector<16xi32> -> vector<16xi32>
      %broadcast_in_dim3A_396 = arith.constant true
      %broadcast_in_dim3A_397 = vector.broadcast %broadcast_in_dim3A_396 : i1 to vector<16xi1>
      %masked_cumsum3A_398 = tpu.scan <sum>, %rev3A_395 masked %broadcast_in_dim3A_397 : vector<16xi32>, vector<16xi1> -> vector<16xi32>
      %add3A_399 = arith.addi %masked_cumsum3A_398, %add3A_388 : vector<16xi32>
      %rev3A_400 = arith.constant 15 : i32
      %rev3A_401 = vector.broadcast %rev3A_400 : i32 to vector<16xi32>
      %rev3A_402 = tpu.iota {dimensions = array<i32: 0>} : vector<16xi32>
      %rev3A_403 = arith.subi %rev3A_401, %rev3A_402 : vector<16xi32>
      %rev3A_404 = tpu.dynamic_gather %add3A_399[%rev3A_403] in [0] : vector<16xi32>, vector<16xi32> -> vector<16xi32>
      %swap3A_405 = arith.constant 32 : index
      %swap3A_406 = tpu.vector_load %arg18[%swap3A_405] {strides = array<i32>} : memref<256xi32, #tpu.memory_space<vmem>>, vector<16xi32>,
      tpu.vector_store %arg18[%swap3A_405], %rev3A_404 {strides = array<i32>} : memref<256xi32, #tpu.memory_space<vmem>>, vector<16xi32>,
      %ge3A_407 = arith.cmpi sge, %rev3A_404, %broadcast_in_dim3A_31 : vector<16xi32>
      %all_reduce_population_count3A_408 = tpu.all_reduce %ge3A_407 {dim = 0 : i64, kind = #tpu.reduction_kind<sum>} : vector<16xi1> -> vector<16xi32>
      %add3A_409 = arith.addi %add3A_382, %all_reduce_population_count3A_408 : vector<16xi32>
      %reduce_sum3A_410 = arith.constant true
      %reduce_sum3A_411 = vector.broadcast %reduce_sum3A_410 : i1 to vector<16xi1>
      %reduce_sum3A_412 = tpu.scan <sum>, %get3A_390 masked %reduce_sum3A_411 : vector<16xi32>, vector<16xi1> -> vector<16xi32>
      %reduce_sum3A_413 = vector.extract %reduce_sum3A_412[15] : i32 from vector<16xi32>
      %add3A_414 = vector.broadcast %reduce_sum3A_413 : i32 to vector<16xi32>
      %add3A_415 = arith.addi %add3A_388, %add3A_414 : vector<16xi32>
      %get3A_416 = arith.constant 16 : index
      %get3A_417 = tpu.vector_load %arg17[%get3A_416] {strides = array<i32>} : memref<256xi32, #tpu.memory_space<vmem>>, vector<16xi32>,
      %rev3A_418 = arith.constant 15 : i32
      %rev3A_419 = vector.broadcast %rev3A_418 : i32 to vector<16xi32>
      %rev3A_420 = tpu.iota {dimensions = array<i32: 0>} : vector<16xi32>
      %rev3A_421 = arith.subi %rev3A_419, %rev3A_420 : vector<16xi32>
      %rev3A_422 = tpu.dynamic_gather %get3A_417[%rev3A_421] in [0] : vector<16xi32>, vector<16xi32> -> vector<16xi32>
      %broadcast_in_dim3A_423 = arith.constant true
      %broadcast_in_dim3A_424 = vector.broadcast %broadcast_in_dim3A_423 : i1 to vector<16xi1>
      %masked_cumsum3A_425 = tpu.scan <sum>, %rev3A_422 masked %broadcast_in_dim3A_424 : vector<16xi32>, vector<16xi1> -> vector<16xi32>
      %add3A_426 = arith.addi %masked_cumsum3A_425, %add3A_415 : vector<16xi32>
      %rev3A_427 = arith.constant 15 : i32
      %rev3A_428 = vector.broadcast %rev3A_427 : i32 to vector<16xi32>
      %rev3A_429 = tpu.iota {dimensions = array<i32: 0>} : vector<16xi32>
      %rev3A_430 = arith.subi %rev3A_428, %rev3A_429 : vector<16xi32>
      %rev3A_431 = tpu.dynamic_gather %add3A_426[%rev3A_430] in [0] : vector<16xi32>, vector<16xi32> -> vector<16xi32>
      %swap3A_432 = arith.constant 16 : index
      %swap3A_433 = tpu.vector_load %arg18[%swap3A_432] {strides = array<i32>} : memref<256xi32, #tpu.memory_space<vmem>>, vector<16xi32>,
      tpu.vector_store %arg18[%swap3A_432], %rev3A_431 {strides = array<i32>} : memref<256xi32, #tpu.memory_space<vmem>>, vector<16xi32>,
      %ge3A_434 = arith.cmpi sge, %rev3A_431, %broadcast_in_dim3A_31 : vector<16xi32>
      %all_reduce_population_count3A_435 = tpu.all_reduce %ge3A_434 {dim = 0 : i64, kind = #tpu.reduction_kind<sum>} : vector<16xi1> -> vector<16xi32>
      %add3A_436 = arith.addi %add3A_409, %all_reduce_population_count3A_435 : vector<16xi32>
      %reduce_sum3A_437 = arith.constant true
      %reduce_sum3A_438 = vector.broadcast %reduce_sum3A_437 : i1 to vector<16xi1>
      %reduce_sum3A_439 = tpu.scan <sum>, %get3A_417 masked %reduce_sum3A_438 : vector<16xi32>, vector<16xi1> -> vector<16xi32>
      %reduce_sum3A_440 = vector.extract %reduce_sum3A_439[15] : i32 from vector<16xi32>
      %add3A_441 = vector.broadcast %reduce_sum3A_440 : i32 to vector<16xi32>
      %add3A_442 = arith.addi %add3A_415, %add3A_441 : vector<16xi32>
      %get3A_443 = arith.constant 0 : index
      %get3A_444 = tpu.vector_load %arg17[%get3A_443] {strides = array<i32>} : memref<256xi32, #tpu.memory_space<vmem>>, vector<16xi32>,
      %rev3A_445 = arith.constant 15 : i32
      %rev3A_446 = vector.broadcast %rev3A_445 : i32 to vector<16xi32>
      %rev3A_447 = tpu.iota {dimensions = array<i32: 0>} : vector<16xi32>
      %rev3A_448 = arith.subi %rev3A_446, %rev3A_447 : vector<16xi32>
      %rev3A_449 = tpu.dynamic_gather %get3A_444[%rev3A_448] in [0] : vector<16xi32>, vector<16xi32> -> vector<16xi32>
      %broadcast_in_dim3A_450 = arith.constant true
      %broadcast_in_dim3A_451 = vector.broadcast %broadcast_in_dim3A_450 : i1 to vector<16xi1>
      %masked_cumsum3A_452 = tpu.scan <sum>, %rev3A_449 masked %broadcast_in_dim3A_451 : vector<16xi32>, vector<16xi1> -> vector<16xi32>
      %add3A_453 = arith.addi %masked_cumsum3A_452, %add3A_442 : vector<16xi32>
      %rev3A_454 = arith.constant 15 : i32
      %rev3A_455 = vector.broadcast %rev3A_454 : i32 to vector<16xi32>
      %rev3A_456 = tpu.iota {dimensions = array<i32: 0>} : vector<16xi32>
      %rev3A_457 = arith.subi %rev3A_455, %rev3A_456 : vector<16xi32>
      %rev3A_458 = tpu.dynamic_gather %add3A_453[%rev3A_457] in [0] : vector<16xi32>, vector<16xi32> -> vector<16xi32>
      %swap3A_459 = arith.constant 0 : index
      %swap3A_460 = tpu.vector_load %arg18[%swap3A_459] {strides = array<i32>} : memref<256xi32, #tpu.memory_space<vmem>>, vector<16xi32>,
      tpu.vector_store %arg18[%swap3A_459], %rev3A_458 {strides = array<i32>} : memref<256xi32, #tpu.memory_space<vmem>>, vector<16xi32>,
      %ge3A_461 = arith.cmpi sge, %rev3A_458, %broadcast_in_dim3A_31 : vector<16xi32>
      %all_reduce_population_count3A_462 = tpu.all_reduce %ge3A_461 {dim = 0 : i64, kind = #tpu.reduction_kind<sum>} : vector<16xi1> -> vector<16xi32>
      %add3A_463 = arith.addi %add3A_436, %all_reduce_population_count3A_462 : vector<16xi32>
      %reduce_sum3A_464 = arith.constant true
      %reduce_sum3A_465 = vector.broadcast %reduce_sum3A_464 : i1 to vector<16xi1>
      %reduce_sum3A_466 = tpu.scan <sum>, %get3A_444 masked %reduce_sum3A_465 : vector<16xi32>, vector<16xi1> -> vector<16xi32>
      %reduce_sum3A_467 = vector.extract %reduce_sum3A_466[15] : i32 from vector<16xi32>
      %add3A_468 = vector.broadcast %reduce_sum3A_467 : i32 to vector<16xi32>
      %add3A_469 = arith.addi %add3A_442, %add3A_468 : vector<16xi32>
      %sub3A = arith.constant 1 : i32
      %sub3A_470 = vector.broadcast %sub3A : i32 to vector<16xi32>
      %sub3A_471 = arith.subi %add3A_463, %sub3A_470 : vector<16xi32>
      %gather3A = tpu.vector_load_idx %arg18[%sub3A_471] : memref<256xi32, #tpu.memory_space<vmem>>[vector<16xi32>], vector<16xi32>,
      %gather3A_472 = tpu.vector_load_idx %arg17[%sub3A_471] : memref<256xi32, #tpu.memory_space<vmem>>[vector<16xi32>], vector<16xi32>,
      %sub3A_473 = arith.subi %gather3A, %gather3A_472 : vector<16xi32>
      %sub3A_474 = arith.subi %broadcast_in_dim3A_31, %sub3A_473 : vector<16xi32>
      %shift_left3A = arith.constant 24 : i32
      %shift_left3A_475 = vector.broadcast %shift_left3A : i32 to vector<16xi32>
      %shift_left3A_476 = arith.shli %sub3A_471, %shift_left3A_475 : vector<16xi32>
      %ge3A_477 = arith.constant -2147483648 : i32
      %ge3A_478 = vector.broadcast %ge3A_477 : i32 to vector<16xi32>
      %ge3A_479 = arith.cmpi uge, %shift_left3A_476, %ge3A_478 : vector<16xi32>
      %xor3A = arith.constant -2147483648 : i32
      %xor3A_480 = vector.broadcast %xor3A : i32 to vector<16xi32>
      %xor3A_481 = arith.xori %shift_left3A_476, %xor3A_480 : vector<16xi32>
      %xor3A_482 = arith.constant -1 : i32
      %xor3A_483 = vector.broadcast %xor3A_482 : i32 to vector<16xi32>
      %xor3A_484 = arith.xori %shift_left3A_476, %xor3A_483 : vector<16xi32>
      %select_n3A = arith.select %ge3A_479, %xor3A_481, %xor3A_484 : vector<16xi1>, vector<16xi32>
      %bitcast_convert_type3A = tpu.bitcast %select_n3A : vector<16xi32> -> vector<16xf32>
      %broadcast_in_dim3A_485 = arith.constant 0 : i32
      %broadcast_in_dim3A_486 = vector.broadcast %broadcast_in_dim3A_485 : i32 to vector<16xi32>
      %scan3A_487 = arith.constant 0 : i32
      %scan3A_488 = arith.constant 128 : i32
      %scan3A_489 = arith.addi %scan3A_487, %scan3A_488 : i32
      %scan3A_490 = arith.constant 1 : i32
      %scan3A_491:2 = scf.for %scan3A_2610 = %scan3A_487 to %scan3A_489 step %scan3A_490 iter_args(%scan3A_2611 = %broadcast_in_dim3A_486, %scan3A_2612 = %broadcast_in_dim3A_486) -> (vector<16xi32>, vector<16xi32>)  : i32 {
        %mul3A_2613 = arith.constant 32 : i32
        %mul3A_2614 = arith.muli %scan3A_2610, %mul3A_2613 : i32
        %add3A_2615 = arith.constant 0 : i32
        %add3A_2616 = arith.addi %mul3A_2614, %add3A_2615 : i32
        %add3A_2617 = arith.constant 4096 : i32
        %add3A_2618 = arith.addi %add3A_2617, %add3A_2616 : i32
        %get3A_2619 = arith.index_cast %add3A_2616 : i32 to index
        %get3A_2620 = tpu.vector_load %arg7[%get3A_2619] {strides = array<i32>} : memref<8192xf32, #tpu.memory_space<vmem>>, vector<16xf32>,
        %get3A_2621 = arith.index_cast %add3A_2618 : i32 to index
        %get3A_2622 = tpu.vector_load %arg7[%get3A_2621] {strides = array<i32>} : memref<8192xf32, #tpu.memory_space<vmem>>, vector<16xf32>,
        %ge3A_2623 = arith.cmpf oge, %get3A_2620, %bitcast_convert_type3A : vector<16xf32>
        %ge3A_2624 = arith.cmpf oge, %get3A_2622, %bitcast_convert_type3A : vector<16xf32>
        %convert_element_type3A_2625 = arith.extui %ge3A_2623 : vector<16xi1> to vector<16xi32>
        %broadcast_in_dim3A_2626 = arith.constant true
        %broadcast_in_dim3A_2627 = vector.broadcast %broadcast_in_dim3A_2626 : i1 to vector<16xi1>
        %masked_cumsum3A_2628 = tpu.scan <sum>, %convert_element_type3A_2625 masked %broadcast_in_dim3A_2627 : vector<16xi32>, vector<16xi1> -> vector<16xi32>
        %convert_element_type3A_2629 = arith.extui %ge3A_2624 : vector<16xi1> to vector<16xi32>
        %broadcast_in_dim3A_2630 = arith.constant true
        %broadcast_in_dim3A_2631 = vector.broadcast %broadcast_in_dim3A_2630 : i1 to vector<16xi1>
        %masked_cumsum3A_2632 = tpu.scan <sum>, %convert_element_type3A_2629 masked %broadcast_in_dim3A_2631 : vector<16xi32>, vector<16xi1> -> vector<16xi32>
        %add3A_2633 = arith.addi %scan3A_2611, %masked_cumsum3A_2628 : vector<16xi32>
        %sub3A_2634 = arith.constant 1 : i32
        %sub3A_2635 = vector.broadcast %sub3A_2634 : i32 to vector<16xi32>
        %sub3A_2636 = arith.subi %add3A_2633, %sub3A_2635 : vector<16xi32>
        tpu.vector_store_idx %arg8[%sub3A_2636], %get3A_2620 masked %ge3A_2623 : memref<8208xf32, #tpu.memory_space<vmem>>[vector<16xi32>], vector<16xf32>, vector<16xi1>
        %add3A_2637 = arith.addi %scan3A_2611, %masked_cumsum3A_2628 : vector<16xi32>
        %sub3A_2638 = arith.constant 1 : i32
        %sub3A_2639 = vector.broadcast %sub3A_2638 : i32 to vector<16xi32>
        %sub3A_2640 = arith.subi %add3A_2637, %sub3A_2639 : vector<16xi32>
        %add3A_2641 = vector.broadcast %add3A_2616 : i32 to vector<16xi32>
        %add3A_2642 = arith.addi %iota3A, %add3A_2641 : vector<16xi32>
        tpu.vector_store_idx %arg10[%sub3A_2640], %add3A_2642 masked %ge3A_2623 : memref<8208xi32, #tpu.memory_space<vmem>>[vector<16xi32>], vector<16xi32>, vector<16xi1>
        %add3A_2643 = arith.addi %scan3A_2612, %masked_cumsum3A_2632 : vector<16xi32>
        %sub3A_2644 = arith.constant 1 : i32
        %sub3A_2645 = vector.broadcast %sub3A_2644 : i32 to vector<16xi32>
        %sub3A_2646 = arith.subi %add3A_2643, %sub3A_2645 : vector<16xi32>
        tpu.vector_store_idx %arg15[%sub3A_2646], %get3A_2622 masked %ge3A_2624 : memref<4096xf32, #tpu.memory_space<vmem>>[vector<16xi32>], vector<16xf32>, vector<16xi1>
        %add3A_2647 = arith.addi %scan3A_2612, %masked_cumsum3A_2632 : vector<16xi32>
        %sub3A_2648 = arith.constant 1 : i32
        %sub3A_2649 = vector.broadcast %sub3A_2648 : i32 to vector<16xi32>
        %sub3A_2650 = arith.subi %add3A_2647, %sub3A_2649 : vector<16xi32>
        %add3A_2651 = vector.broadcast %add3A_2618 : i32 to vector<16xi32>
        %add3A_2652 = arith.addi %iota3A, %add3A_2651 : vector<16xi32>
        tpu.vector_store_idx %arg16[%sub3A_2650], %add3A_2652 masked %ge3A_2624 : memref<4096xi32, #tpu.memory_space<vmem>>[vector<16xi32>], vector<16xi32>, vector<16xi1>
        %all_reduce_population_count3A_2653 = tpu.all_reduce %ge3A_2623 {dim = 0 : i64, kind = #tpu.reduction_kind<sum>} : vector<16xi1> -> vector<16xi32>
        %add3A_2654 = arith.addi %scan3A_2611, %all_reduce_population_count3A_2653 : vector<16xi32>
        %all_reduce_population_count3A_2655 = tpu.all_reduce %ge3A_2624 {dim = 0 : i64, kind = #tpu.reduction_kind<sum>} : vector<16xi1> -> vector<16xi32>
        %add3A_2656 = arith.addi %scan3A_2612, %all_reduce_population_count3A_2655 : vector<16xi32>
        %mul3A_2657 = arith.constant 32 : i32
        %mul3A_2658 = arith.muli %scan3A_2610, %mul3A_2657 : i32
        %add3A_2659 = arith.constant 16 : i32
        %add3A_2660 = arith.addi %mul3A_2658, %add3A_2659 : i32
        %add3A_2661 = arith.constant 4096 : i32
        %add3A_2662 = arith.addi %add3A_2661, %add3A_2660 : i32
        %get3A_2663 = arith.index_cast %add3A_2660 : i32 to index
        %get3A_2664 = tpu.vector_load %arg7[%get3A_2663] {strides = array<i32>} : memref<8192xf32, #tpu.memory_space<vmem>>, vector<16xf32>,
        %get3A_2665 = arith.index_cast %add3A_2662 : i32 to index
        %get3A_2666 = tpu.vector_load %arg7[%get3A_2665] {strides = array<i32>} : memref<8192xf32, #tpu.memory_space<vmem>>, vector<16xf32>,
        %ge3A_2667 = arith.cmpf oge, %get3A_2664, %bitcast_convert_type3A : vector<16xf32>
        %ge3A_2668 = arith.cmpf oge, %get3A_2666, %bitcast_convert_type3A : vector<16xf32>
        %convert_element_type3A_2669 = arith.extui %ge3A_2667 : vector<16xi1> to vector<16xi32>
        %broadcast_in_dim3A_2670 = arith.constant true
        %broadcast_in_dim3A_2671 = vector.broadcast %broadcast_in_dim3A_2670 : i1 to vector<16xi1>
        %masked_cumsum3A_2672 = tpu.scan <sum>, %convert_element_type3A_2669 masked %broadcast_in_dim3A_2671 : vector<16xi32>, vector<16xi1> -> vector<16xi32>
        %convert_element_type3A_2673 = arith.extui %ge3A_2668 : vector<16xi1> to vector<16xi32>
        %broadcast_in_dim3A_2674 = arith.constant true
        %broadcast_in_dim3A_2675 = vector.broadcast %broadcast_in_dim3A_2674 : i1 to vector<16xi1>
        %masked_cumsum3A_2676 = tpu.scan <sum>, %convert_element_type3A_2673 masked %broadcast_in_dim3A_2675 : vector<16xi32>, vector<16xi1> -> vector<16xi32>
        %add3A_2677 = arith.addi %add3A_2654, %masked_cumsum3A_2672 : vector<16xi32>
        %sub3A_2678 = arith.constant 1 : i32
        %sub3A_2679 = vector.broadcast %sub3A_2678 : i32 to vector<16xi32>
        %sub3A_2680 = arith.subi %add3A_2677, %sub3A_2679 : vector<16xi32>
        tpu.vector_store_idx %arg8[%sub3A_2680], %get3A_2664 masked %ge3A_2667 : memref<8208xf32, #tpu.memory_space<vmem>>[vector<16xi32>], vector<16xf32>, vector<16xi1>
        %add3A_2681 = arith.addi %add3A_2654, %masked_cumsum3A_2672 : vector<16xi32>
        %sub3A_2682 = arith.constant 1 : i32
        %sub3A_2683 = vector.broadcast %sub3A_2682 : i32 to vector<16xi32>
        %sub3A_2684 = arith.subi %add3A_2681, %sub3A_2683 : vector<16xi32>
        %add3A_2685 = vector.broadcast %add3A_2660 : i32 to vector<16xi32>
        %add3A_2686 = arith.addi %iota3A, %add3A_2685 : vector<16xi32>
        tpu.vector_store_idx %arg10[%sub3A_2684], %add3A_2686 masked %ge3A_2667 : memref<8208xi32, #tpu.memory_space<vmem>>[vector<16xi32>], vector<16xi32>, vector<16xi1>
        %add3A_2687 = arith.addi %add3A_2656, %masked_cumsum3A_2676 : vector<16xi32>
        %sub3A_2688 = arith.constant 1 : i32
        %sub3A_2689 = vector.broadcast %sub3A_2688 : i32 to vector<16xi32>
        %sub3A_2690 = arith.subi %add3A_2687, %sub3A_2689 : vector<16xi32>
        tpu.vector_store_idx %arg15[%sub3A_2690], %get3A_2666 masked %ge3A_2668 : memref<4096xf32, #tpu.memory_space<vmem>>[vector<16xi32>], vector<16xf32>, vector<16xi1>
        %add3A_2691 = arith.addi %add3A_2656, %masked_cumsum3A_2676 : vector<16xi32>
        %sub3A_2692 = arith.constant 1 : i32
        %sub3A_2693 = vector.broadcast %sub3A_2692 : i32 to vector<16xi32>
        %sub3A_2694 = arith.subi %add3A_2691, %sub3A_2693 : vector<16xi32>
        %add3A_2695 = vector.broadcast %add3A_2662 : i32 to vector<16xi32>
        %add3A_2696 = arith.addi %iota3A, %add3A_2695 : vector<16xi32>
        tpu.vector_store_idx %arg16[%sub3A_2694], %add3A_2696 masked %ge3A_2668 : memref<4096xi32, #tpu.memory_space<vmem>>[vector<16xi32>], vector<16xi32>, vector<16xi1>
        %all_reduce_population_count3A_2697 = tpu.all_reduce %ge3A_2667 {dim = 0 : i64, kind = #tpu.reduction_kind<sum>} : vector<16xi1> -> vector<16xi32>
        %add3A_2698 = arith.addi %add3A_2654, %all_reduce_population_count3A_2697 : vector<16xi32>
        %all_reduce_population_count3A_2699 = tpu.all_reduce %ge3A_2668 {dim = 0 : i64, kind = #tpu.reduction_kind<sum>} : vector<16xi1> -> vector<16xi32>
        %add3A_2700 = arith.addi %add3A_2656, %all_reduce_population_count3A_2699 : vector<16xi32>
        scf.yield %add3A_2698, %add3A_2700 : vector<16xi32>, vector<16xi32>
      }
      %scan3A_492 = arith.constant 128 : i32
      %reduce_max3A = arith.constant true
      %reduce_max3A_493 = vector.broadcast %reduce_max3A : i1 to vector<16xi1>
      %reduce_max3A_494 = arith.constant -2147483648 : i32
      %reduce_max3A_495 = vector.broadcast %reduce_max3A_494 : i32 to vector<16xi32>
      %reduce_max3A_496 = arith.xori %scan3A_491#0, %reduce_max3A_495 : vector<16xi32>
      %reduce_max3A_497 = tpu.scan <max>, %reduce_max3A_496 masked %reduce_max3A_493 : vector<16xi32>, vector<16xi1> -> vector<16xi32>
      %reduce_max3A_498 = arith.xori %reduce_max3A_497, %reduce_max3A_495 : vector<16xi32>
      %reduce_max3A_499 = vector.extract %reduce_max3A_498[15] : i32 from vector<16xi32>
      %add3A_500 = arith.addi %scan3A_491#0, %scan3A_491#1 : vector<16xi32>
      %reduce_max3A_501 = arith.constant true
      %reduce_max3A_502 = vector.broadcast %reduce_max3A_501 : i1 to vector<16xi1>
      %reduce_max3A_503 = arith.constant -2147483648 : i32
      %reduce_max3A_504 = vector.broadcast %reduce_max3A_503 : i32 to vector<16xi32>
      %reduce_max3A_505 = arith.xori %add3A_500, %reduce_max3A_504 : vector<16xi32>
      %reduce_max3A_506 = tpu.scan <max>, %reduce_max3A_505 masked %reduce_max3A_502 : vector<16xi32>, vector<16xi1> -> vector<16xi32>
      %reduce_max3A_507 = arith.xori %reduce_max3A_506, %reduce_max3A_504 : vector<16xi32>
      %reduce_max3A_508 = vector.extract %reduce_max3A_507[15] : i32 from vector<16xi32>
      %add3A_509 = arith.constant 16 : i32
      %add3A_510 = arith.addi %reduce_max3A_508, %add3A_509 : i32
      %sub3A_511 = arith.constant 1 : i32
      %sub3A_512 = arith.subi %add3A_510, %sub3A_511 : i32
      %jit3A = arith.constant 16 : i32
      %div3A = arith.divsi %sub3A_512, %jit3A : i32
      %sign3A = arith.constant 0 : i32
      %sign3A_513 = arith.cmpi sgt, %sub3A_512, %sign3A : i32
      %sign3A_514 = arith.extui %sign3A_513 : i1 to i32
      %sign3A_515 = arith.constant 0 : i32
      %sign3A_516 = arith.cmpi slt, %sub3A_512, %sign3A_515 : i32
      %sign3A_517 = arith.extui %sign3A_516 : i1 to i32
      %sign3A_518 = arith.subi %sign3A_514, %sign3A_517 : i32
      %sign3A_519 = arith.constant 0 : i32
      %sign3A_520 = arith.cmpi sgt, %jit3A, %sign3A_519 : i32
      %sign3A_521 = arith.extui %sign3A_520 : i1 to i32
      %sign3A_522 = arith.constant 0 : i32
      %sign3A_523 = arith.cmpi slt, %jit3A, %sign3A_522 : i32
      %sign3A_524 = arith.extui %sign3A_523 : i1 to i32
      %sign3A_525 = arith.subi %sign3A_521, %sign3A_524 : i32
      %ne3A = arith.cmpi ne, %sign3A_518, %sign3A_525 : i32
      %rem3A = arith.remsi %sub3A_512, %jit3A : i32
      %ne3A_526 = arith.constant 0 : i32
      %ne3A_527 = arith.cmpi ne, %rem3A, %ne3A_526 : i32
      %and3A = arith.andi %ne3A, %ne3A_527 : i1
      %sub3A_528 = arith.constant 1 : i32
      %sub3A_529 = arith.subi %div3A, %sub3A_528 : i32
      %select_n3A_530 = arith.select %and3A, %sub3A_529, %div3A : i32
      %reduce_max3A_531 = arith.constant true
      %reduce_max3A_532 = vector.broadcast %reduce_max3A_531 : i1 to vector<16xi1>
      %reduce_max3A_533 = arith.constant -2147483648 : i32
      %reduce_max3A_534 = vector.broadcast %reduce_max3A_533 : i32 to vector<16xi32>
      %reduce_max3A_535 = arith.xori %scan3A_491#1, %reduce_max3A_534 : vector<16xi32>
      %reduce_max3A_536 = tpu.scan <max>, %reduce_max3A_535 masked %reduce_max3A_532 : vector<16xi32>, vector<16xi1> -> vector<16xi32>
      %reduce_max3A_537 = arith.xori %reduce_max3A_536, %reduce_max3A_534 : vector<16xi32>
      %reduce_max3A_538 = vector.extract %reduce_max3A_537[15] : i32 from vector<16xi32>
      %add3A_539 = arith.constant 16 : i32
      %add3A_540 = arith.addi %reduce_max3A_538, %add3A_539 : i32
      %sub3A_541 = arith.constant 1 : i32
      %sub3A_542 = arith.subi %add3A_540, %sub3A_541 : i32
      %jit3A_543 = arith.constant 16 : i32
      %div3A_544 = arith.divsi %sub3A_542, %jit3A_543 : i32
      %sign3A_545 = arith.constant 0 : i32
      %sign3A_546 = arith.cmpi sgt, %sub3A_542, %sign3A_545 : i32
      %sign3A_547 = arith.extui %sign3A_546 : i1 to i32
      %sign3A_548 = arith.constant 0 : i32
      %sign3A_549 = arith.cmpi slt, %sub3A_542, %sign3A_548 : i32
      %sign3A_550 = arith.extui %sign3A_549 : i1 to i32
      %sign3A_551 = arith.subi %sign3A_547, %sign3A_550 : i32
      %sign3A_552 = arith.constant 0 : i32
      %sign3A_553 = arith.cmpi sgt, %jit3A_543, %sign3A_552 : i32
      %sign3A_554 = arith.extui %sign3A_553 : i1 to i32
      %sign3A_555 = arith.constant 0 : i32
      %sign3A_556 = arith.cmpi slt, %jit3A_543, %sign3A_555 : i32
      %sign3A_557 = arith.extui %sign3A_556 : i1 to i32
      %sign3A_558 = arith.subi %sign3A_554, %sign3A_557 : i32
      %ne3A_559 = arith.cmpi ne, %sign3A_551, %sign3A_558 : i32
      %rem3A_560 = arith.remsi %sub3A_542, %jit3A_543 : i32
      %ne3A_561 = arith.constant 0 : i32
      %ne3A_562 = arith.cmpi ne, %rem3A_560, %ne3A_561 : i32
      %and3A_563 = arith.andi %ne3A_559, %ne3A_562 : i1
      %sub3A_564 = arith.constant 1 : i32
      %sub3A_565 = arith.subi %div3A_544, %sub3A_564 : i32
      %select_n3A_566 = arith.select %and3A_563, %sub3A_565, %div3A_544 : i32
      %while3A = arith.constant 0 : i32
      %while3A_567 = arith.constant 0 : i32
      %while3A_568 = arith.subi %select_n3A_566, %while3A : i32
      %while3A_569 = arith.addi %while3A, %while3A_568 : i32
      %while3A_570 = arith.constant 1 : i32
      %while3A_571 = arith.divsi %while3A_568, %while3A_570 : i32
      %while3A_572 = arith.muli %while3A_571, %while3A_570 : i32
      %while3A_573 = arith.addi %while3A, %while3A_572 : i32
      %while3A_574 = arith.constant 1 : i32
      %while3A_575 = scf.for %while3A_2610 = %while3A to %while3A_573 step %while3A_574 iter_args(%while3A_2611 = %while3A_567) -> (i32)  : i32 {
        %mul3A_2612 = arith.constant 16 : i32
        %mul3A_2613 = arith.muli %while3A_2610, %mul3A_2612 : i32
        %mul3A_2614 = arith.constant 16 : i32
        %mul3A_2615 = arith.muli %while3A_2610, %mul3A_2614 : i32
        %add3A_2616 = arith.addi %reduce_max3A_499, %mul3A_2615 : i32
        %get3A_2617 = arith.index_cast %mul3A_2613 : i32 to index
        %get3A_2618 = tpu.vector_load %arg15[%get3A_2617] {strides = array<i32>} : memref<4096xf32, #tpu.memory_space<vmem>>, vector<16xf32>,
        %swap3A_2619 = arith.index_cast %add3A_2616 : i32 to index
        %swap3A_2620 = tpu.vector_load %arg8[%swap3A_2619] {strides = array<i32>} : memref<8208xf32, #tpu.memory_space<vmem>>, vector<16xf32>,
        tpu.vector_store %arg8[%swap3A_2619], %get3A_2618 {strides = array<i32>} : memref<8208xf32, #tpu.memory_space<vmem>>, vector<16xf32>,
        %get3A_2621 = arith.index_cast %mul3A_2613 : i32 to index
        %get3A_2622 = tpu.vector_load %arg16[%get3A_2621] {strides = array<i32>} : memref<4096xi32, #tpu.memory_space<vmem>>, vector<16xi32>,
        %swap3A_2623 = arith.index_cast %add3A_2616 : i32 to index
        %swap3A_2624 = tpu.vector_load %arg10[%swap3A_2623] {strides = array<i32>} : memref<8208xi32, #tpu.memory_space<vmem>>, vector<16xi32>,
        tpu.vector_store %arg10[%swap3A_2623], %get3A_2622 {strides = array<i32>} : memref<8208xi32, #tpu.memory_space<vmem>>, vector<16xi32>,
        %while3A_2625 = arith.constant 0 : i32
        scf.yield %while3A_2625 : i32
      }
      %while3A_576 = arith.constant 1 : i32
      %while3A_577 = scf.for %while3A_2610 = %while3A_573 to %while3A_569 step %while3A_576 iter_args(%while3A_2611 = %while3A_575) -> (i32)  : i32 {
        %mul3A_2612 = arith.constant 16 : i32
        %mul3A_2613 = arith.muli %while3A_2610, %mul3A_2612 : i32
        %mul3A_2614 = arith.constant 16 : i32
        %mul3A_2615 = arith.muli %while3A_2610, %mul3A_2614 : i32
        %add3A_2616 = arith.addi %reduce_max3A_499, %mul3A_2615 : i32
        %get3A_2617 = arith.index_cast %mul3A_2613 : i32 to index
        %get3A_2618 = tpu.vector_load %arg15[%get3A_2617] {strides = array<i32>} : memref<4096xf32, #tpu.memory_space<vmem>>, vector<16xf32>,
        %swap3A_2619 = arith.index_cast %add3A_2616 : i32 to index
        %swap3A_2620 = tpu.vector_load %arg8[%swap3A_2619] {strides = array<i32>} : memref<8208xf32, #tpu.memory_space<vmem>>, vector<16xf32>,
        tpu.vector_store %arg8[%swap3A_2619], %get3A_2618 {strides = array<i32>} : memref<8208xf32, #tpu.memory_space<vmem>>, vector<16xf32>,
        %get3A_2621 = arith.index_cast %mul3A_2613 : i32 to index
        %get3A_2622 = tpu.vector_load %arg16[%get3A_2621] {strides = array<i32>} : memref<4096xi32, #tpu.memory_space<vmem>>, vector<16xi32>,
        %swap3A_2623 = arith.index_cast %add3A_2616 : i32 to index
        %swap3A_2624 = tpu.vector_load %arg10[%swap3A_2623] {strides = array<i32>} : memref<8208xi32, #tpu.memory_space<vmem>>, vector<16xi32>,
        tpu.vector_store %arg10[%swap3A_2623], %get3A_2622 {strides = array<i32>} : memref<8208xi32, #tpu.memory_space<vmem>>, vector<16xi32>,
        %while3A_2625 = arith.constant 0 : i32
        scf.yield %while3A_2625 : i32
      }
      %broadcast_in_dim3A_578 = arith.constant 0 : i32
      %broadcast_in_dim3A_579 = vector.broadcast %broadcast_in_dim3A_578 : i32 to vector<16xi32>
      %while3A_580 = arith.constant 0 : i32
      %while3A_581 = arith.constant 0 : i32
      %while3A_582 = arith.subi %select_n3A_530, %while3A_580 : i32
      %while3A_583 = arith.addi %while3A_580, %while3A_582 : i32
      %while3A_584 = arith.constant 1 : i32
      %while3A_585 = arith.divsi %while3A_582, %while3A_584 : i32
      %while3A_586 = arith.muli %while3A_585, %while3A_584 : i32
      %while3A_587 = arith.addi %while3A_580, %while3A_586 : i32
      %while3A_588 = arith.constant 1 : i32
      %while3A_589 = scf.for %while3A_2610 = %while3A_580 to %while3A_587 step %while3A_588 iter_args(%while3A_2611 = %while3A_581) -> (i32)  : i32 {
        %mul3A_2612 = arith.constant 16 : i32
        %mul3A_2613 = arith.muli %while3A_2610, %mul3A_2612 : i32
        %get3A_2614 = arith.index_cast %mul3A_2613 : i32 to index
        %get3A_2615 = tpu.vector_load %arg8[%get3A_2614] {strides = array<i32>} : memref<8208xf32, #tpu.memory_space<vmem>>, vector<16xf32>,
        %bitcast_convert_type3A_2616 = tpu.bitcast %get3A_2615 : vector<16xf32> -> vector<16xi32>
        %ge3A_2617 = arith.constant -2147483648 : i32
        %ge3A_2618 = vector.broadcast %ge3A_2617 : i32 to vector<16xi32>
        %ge3A_2619 = arith.cmpi uge, %bitcast_convert_type3A_2616, %ge3A_2618 : vector<16xi32>
        %xor3A_2620 = arith.constant -1 : i32
        %xor3A_2621 = vector.broadcast %xor3A_2620 : i32 to vector<16xi32>
        %xor3A_2622 = arith.xori %bitcast_convert_type3A_2616, %xor3A_2621 : vector<16xi32>
        %xor3A_2623 = arith.constant -2147483648 : i32
        %xor3A_2624 = vector.broadcast %xor3A_2623 : i32 to vector<16xi32>
        %xor3A_2625 = arith.xori %bitcast_convert_type3A_2616, %xor3A_2624 : vector<16xi32>
        %select_n3A_2626 = arith.select %ge3A_2619, %xor3A_2622, %xor3A_2625 : vector<16xi1>, vector<16xi32>
        %bitcast_convert_type3A_2627 = tpu.bitcast %select_n3A_2626 : vector<16xi32> -> vector<16xi32>
        %swap3A_2628 = arith.index_cast %mul3A_2613 : i32 to index
        %swap3A_2629 = tpu.vector_load %arg9[%swap3A_2628] {strides = array<i32>} : memref<8208xi32, #tpu.memory_space<vmem>>, vector<16xi32>,
        tpu.vector_store %arg9[%swap3A_2628], %bitcast_convert_type3A_2627 {strides = array<i32>} : memref<8208xi32, #tpu.memory_space<vmem>>, vector<16xi32>,
        %mul3A_2630 = arith.constant 16 : i32
        %mul3A_2631 = arith.muli %while3A_2610, %mul3A_2630 : i32
        %add3A_2632 = vector.broadcast %mul3A_2631 : i32 to vector<16xi32>
        %add3A_2633 = arith.addi %iota3A, %add3A_2632 : vector<16xi32>
        %lt3A_2634 = arith.cmpi slt, %add3A_2633, %add3A_500 : vector<16xi32>
        %shift_right_logical3A = arith.constant 24 : i32
        %shift_right_logical3A_2635 = vector.broadcast %shift_right_logical3A : i32 to vector<16xi32>
        %shift_right_logical3A_2636 = arith.shrui %select_n3A_2626, %shift_right_logical3A_2635 : vector<16xi32>
        %and3A_2637 = arith.constant 255 : i32
        %and3A_2638 = vector.broadcast %and3A_2637 : i32 to vector<16xi32>
        %and3A_2639 = arith.andi %shift_right_logical3A_2636, %and3A_2638 : vector<16xi32>
        %add3A_2640 = arith.addi %mul3A_10, %and3A_2639 : vector<16xi32>
        tpu.vector_store_idx %arg11[%add3A_2640], %broadcast_in_dim3A_11 masked %lt3A_2634 {add = true} : memref<4368xi32, #tpu.memory_space<vmem>>[vector<16xi32>], vector<16xi32>, vector<16xi1>
        %while3A_2641 = arith.constant 0 : i32
        scf.yield %while3A_2641 : i32
      }
      %while3A_590 = arith.constant 1 : i32
      %while3A_591 = scf.for %while3A_2610 = %while3A_587 to %while3A_583 step %while3A_590 iter_args(%while3A_2611 = %while3A_589) -> (i32)  : i32 {
        %mul3A_2612 = arith.constant 16 : i32
        %mul3A_2613 = arith.muli %while3A_2610, %mul3A_2612 : i32
        %get3A_2614 = arith.index_cast %mul3A_2613 : i32 to index
        %get3A_2615 = tpu.vector_load %arg8[%get3A_2614] {strides = array<i32>} : memref<8208xf32, #tpu.memory_space<vmem>>, vector<16xf32>,
        %bitcast_convert_type3A_2616 = tpu.bitcast %get3A_2615 : vector<16xf32> -> vector<16xi32>
        %ge3A_2617 = arith.constant -2147483648 : i32
        %ge3A_2618 = vector.broadcast %ge3A_2617 : i32 to vector<16xi32>
        %ge3A_2619 = arith.cmpi uge, %bitcast_convert_type3A_2616, %ge3A_2618 : vector<16xi32>
        %xor3A_2620 = arith.constant -1 : i32
        %xor3A_2621 = vector.broadcast %xor3A_2620 : i32 to vector<16xi32>
        %xor3A_2622 = arith.xori %bitcast_convert_type3A_2616, %xor3A_2621 : vector<16xi32>
        %xor3A_2623 = arith.constant -2147483648 : i32
        %xor3A_2624 = vector.broadcast %xor3A_2623 : i32 to vector<16xi32>
        %xor3A_2625 = arith.xori %bitcast_convert_type3A_2616, %xor3A_2624 : vector<16xi32>
        %select_n3A_2626 = arith.select %ge3A_2619, %xor3A_2622, %xor3A_2625 : vector<16xi1>, vector<16xi32>
        %bitcast_convert_type3A_2627 = tpu.bitcast %select_n3A_2626 : vector<16xi32> -> vector<16xi32>
        %swap3A_2628 = arith.index_cast %mul3A_2613 : i32 to index
        %swap3A_2629 = tpu.vector_load %arg9[%swap3A_2628] {strides = array<i32>} : memref<8208xi32, #tpu.memory_space<vmem>>, vector<16xi32>,
        tpu.vector_store %arg9[%swap3A_2628], %bitcast_convert_type3A_2627 {strides = array<i32>} : memref<8208xi32, #tpu.memory_space<vmem>>, vector<16xi32>,
        %mul3A_2630 = arith.constant 16 : i32
        %mul3A_2631 = arith.muli %while3A_2610, %mul3A_2630 : i32
        %add3A_2632 = vector.broadcast %mul3A_2631 : i32 to vector<16xi32>
        %add3A_2633 = arith.addi %iota3A, %add3A_2632 : vector<16xi32>
        %lt3A_2634 = arith.cmpi slt, %add3A_2633, %add3A_500 : vector<16xi32>
        %shift_right_logical3A = arith.constant 24 : i32
        %shift_right_logical3A_2635 = vector.broadcast %shift_right_logical3A : i32 to vector<16xi32>
        %shift_right_logical3A_2636 = arith.shrui %select_n3A_2626, %shift_right_logical3A_2635 : vector<16xi32>
        %and3A_2637 = arith.constant 255 : i32
        %and3A_2638 = vector.broadcast %and3A_2637 : i32 to vector<16xi32>
        %and3A_2639 = arith.andi %shift_right_logical3A_2636, %and3A_2638 : vector<16xi32>
        %add3A_2640 = arith.addi %mul3A_10, %and3A_2639 : vector<16xi32>
        tpu.vector_store_idx %arg11[%add3A_2640], %broadcast_in_dim3A_11 masked %lt3A_2634 {add = true} : memref<4368xi32, #tpu.memory_space<vmem>>[vector<16xi32>], vector<16xi32>, vector<16xi1>
        %while3A_2641 = arith.constant 0 : i32
        scf.yield %while3A_2641 : i32
      }
      %broadcast_in_dim3A_592 = arith.constant 0 : i32
      %broadcast_in_dim3A_593 = vector.broadcast %broadcast_in_dim3A_592 : i32 to vector<16xi32>
      %scan3A_594 = arith.constant 0 : i32
      %scan3A_595 = arith.constant 0 : i32
      %scan3A_596 = arith.constant 16 : i32
      %scan3A_597 = arith.addi %scan3A_595, %scan3A_596 : i32
      %scan3A_598 = arith.constant 1 : i32
      %scan3A_599 = scf.for %scan3A_2610 = %scan3A_595 to %scan3A_597 step %scan3A_598 iter_args(%scan3A_2611 = %scan3A_594) -> (i32)  : i32 {
        %broadcast_in_dim3A_2612 = arith.constant 0 : i32
        %broadcast_in_dim3A_2613 = vector.broadcast %broadcast_in_dim3A_2612 : i32 to vector<16xi32>
        %mul3A_2614 = arith.constant 16 : i32
        %mul3A_2615 = arith.muli %scan3A_2610, %mul3A_2614 : i32
        %add3A_2616 = arith.constant 0 : i32
        %add3A_2617 = arith.addi %add3A_2616, %mul3A_2615 : i32
        %get3A_2618 = arith.index_cast %add3A_2617 : i32 to index
        %get3A_2619 = tpu.vector_load %arg11[%get3A_2618] {strides = array<i32>} : memref<4368xi32, #tpu.memory_space<vmem>>, vector<16xi32>,
        %add3A_2620 = arith.addi %broadcast_in_dim3A_2613, %get3A_2619 : vector<16xi32>
        %swap3A_2621 = arith.index_cast %add3A_2617 : i32 to index
        %swap3A_2622 = tpu.vector_load %arg11[%swap3A_2621] {strides = array<i32>} : memref<4368xi32, #tpu.memory_space<vmem>>, vector<16xi32>,
        tpu.vector_store %arg11[%swap3A_2621], %broadcast_in_dim3A_593 {strides = array<i32>} : memref<4368xi32, #tpu.memory_space<vmem>>, vector<16xi32>,
        %mul3A_2623 = arith.constant 16 : i32
        %mul3A_2624 = arith.muli %scan3A_2610, %mul3A_2623 : i32
        %add3A_2625 = arith.constant 273 : i32
        %add3A_2626 = arith.addi %add3A_2625, %mul3A_2624 : i32
        %get3A_2627 = arith.index_cast %add3A_2626 : i32 to index
        %get3A_2628 = tpu.vector_load %arg11[%get3A_2627] {strides = array<i32>} : memref<4368xi32, #tpu.memory_space<vmem>>, vector<16xi32>,
        %add3A_2629 = arith.addi %add3A_2620, %get3A_2628 : vector<16xi32>
        %swap3A_2630 = arith.index_cast %add3A_2626 : i32 to index
        %swap3A_2631 = tpu.vector_load %arg11[%swap3A_2630] {strides = array<i32>} : memref<4368xi32, #tpu.memory_space<vmem>>, vector<16xi32>,
        tpu.vector_store %arg11[%swap3A_2630], %broadcast_in_dim3A_593 {strides = array<i32>} : memref<4368xi32, #tpu.memory_space<vmem>>, vector<16xi32>,
        %mul3A_2632 = arith.constant 16 : i32
        %mul3A_2633 = arith.muli %scan3A_2610, %mul3A_2632 : i32
        %add3A_2634 = arith.constant 546 : i32
        %add3A_2635 = arith.addi %add3A_2634, %mul3A_2633 : i32
        %get3A_2636 = arith.index_cast %add3A_2635 : i32 to index
        %get3A_2637 = tpu.vector_load %arg11[%get3A_2636] {strides = array<i32>} : memref<4368xi32, #tpu.memory_space<vmem>>, vector<16xi32>,
        %add3A_2638 = arith.addi %add3A_2629, %get3A_2637 : vector<16xi32>
        %swap3A_2639 = arith.index_cast %add3A_2635 : i32 to index
        %swap3A_2640 = tpu.vector_load %arg11[%swap3A_2639] {strides = array<i32>} : memref<4368xi32, #tpu.memory_space<vmem>>, vector<16xi32>,
        tpu.vector_store %arg11[%swap3A_2639], %broadcast_in_dim3A_593 {strides = array<i32>} : memref<4368xi32, #tpu.memory_space<vmem>>, vector<16xi32>,
        %mul3A_2641 = arith.constant 16 : i32
        %mul3A_2642 = arith.muli %scan3A_2610, %mul3A_2641 : i32
        %add3A_2643 = arith.constant 819 : i32
        %add3A_2644 = arith.addi %add3A_2643, %mul3A_2642 : i32
        %get3A_2645 = arith.index_cast %add3A_2644 : i32 to index
        %get3A_2646 = tpu.vector_load %arg11[%get3A_2645] {strides = array<i32>} : memref<4368xi32, #tpu.memory_space<vmem>>, vector<16xi32>,
        %add3A_2647 = arith.addi %add3A_2638, %get3A_2646 : vector<16xi32>
        %swap3A_2648 = arith.index_cast %add3A_2644 : i32 to index
        %swap3A_2649 = tpu.vector_load %arg11[%swap3A_2648] {strides = array<i32>} : memref<4368xi32, #tpu.memory_space<vmem>>, vector<16xi32>,
        tpu.vector_store %arg11[%swap3A_2648], %broadcast_in_dim3A_593 {strides = array<i32>} : memref<4368xi32, #tpu.memory_space<vmem>>, vector<16xi32>,
        %mul3A_2650 = arith.constant 16 : i32
        %mul3A_2651 = arith.muli %scan3A_2610, %mul3A_2650 : i32
        %add3A_2652 = arith.constant 1092 : i32
        %add3A_2653 = arith.addi %add3A_2652, %mul3A_2651 : i32
        %get3A_2654 = arith.index_cast %add3A_2653 : i32 to index
        %get3A_2655 = tpu.vector_load %arg11[%get3A_2654] {strides = array<i32>} : memref<4368xi32, #tpu.memory_space<vmem>>, vector<16xi32>,
        %add3A_2656 = arith.addi %add3A_2647, %get3A_2655 : vector<16xi32>
        %swap3A_2657 = arith.index_cast %add3A_2653 : i32 to index
        %swap3A_2658 = tpu.vector_load %arg11[%swap3A_2657] {strides = array<i32>} : memref<4368xi32, #tpu.memory_space<vmem>>, vector<16xi32>,
        tpu.vector_store %arg11[%swap3A_2657], %broadcast_in_dim3A_593 {strides = array<i32>} : memref<4368xi32, #tpu.memory_space<vmem>>, vector<16xi32>,
        %mul3A_2659 = arith.constant 16 : i32
        %mul3A_2660 = arith.muli %scan3A_2610, %mul3A_2659 : i32
        %add3A_2661 = arith.constant 1365 : i32
        %add3A_2662 = arith.addi %add3A_2661, %mul3A_2660 : i32
        %get3A_2663 = arith.index_cast %add3A_2662 : i32 to index
        %get3A_2664 = tpu.vector_load %arg11[%get3A_2663] {strides = array<i32>} : memref<4368xi32, #tpu.memory_space<vmem>>, vector<16xi32>,
        %add3A_2665 = arith.addi %add3A_2656, %get3A_2664 : vector<16xi32>
        %swap3A_2666 = arith.index_cast %add3A_2662 : i32 to index
        %swap3A_2667 = tpu.vector_load %arg11[%swap3A_2666] {strides = array<i32>} : memref<4368xi32, #tpu.memory_space<vmem>>, vector<16xi32>,
        tpu.vector_store %arg11[%swap3A_2666], %broadcast_in_dim3A_593 {strides = array<i32>} : memref<4368xi32, #tpu.memory_space<vmem>>, vector<16xi32>,
        %mul3A_2668 = arith.constant 16 : i32
        %mul3A_2669 = arith.muli %scan3A_2610, %mul3A_2668 : i32
        %add3A_2670 = arith.constant 1638 : i32
        %add3A_2671 = arith.addi %add3A_2670, %mul3A_2669 : i32
        %get3A_2672 = arith.index_cast %add3A_2671 : i32 to index
        %get3A_2673 = tpu.vector_load %arg11[%get3A_2672] {strides = array<i32>} : memref<4368xi32, #tpu.memory_space<vmem>>, vector<16xi32>,
        %add3A_2674 = arith.addi %add3A_2665, %get3A_2673 : vector<16xi32>
        %swap3A_2675 = arith.index_cast %add3A_2671 : i32 to index
        %swap3A_2676 = tpu.vector_load %arg11[%swap3A_2675] {strides = array<i32>} : memref<4368xi32, #tpu.memory_space<vmem>>, vector<16xi32>,
        tpu.vector_store %arg11[%swap3A_2675], %broadcast_in_dim3A_593 {strides = array<i32>} : memref<4368xi32, #tpu.memory_space<vmem>>, vector<16xi32>,
        %mul3A_2677 = arith.constant 16 : i32
        %mul3A_2678 = arith.muli %scan3A_2610, %mul3A_2677 : i32
        %add3A_2679 = arith.constant 1911 : i32
        %add3A_2680 = arith.addi %add3A_2679, %mul3A_2678 : i32
        %get3A_2681 = arith.index_cast %add3A_2680 : i32 to index
        %get3A_2682 = tpu.vector_load %arg11[%get3A_2681] {strides = array<i32>} : memref<4368xi32, #tpu.memory_space<vmem>>, vector<16xi32>,
        %add3A_2683 = arith.addi %add3A_2674, %get3A_2682 : vector<16xi32>
        %swap3A_2684 = arith.index_cast %add3A_2680 : i32 to index
        %swap3A_2685 = tpu.vector_load %arg11[%swap3A_2684] {strides = array<i32>} : memref<4368xi32, #tpu.memory_space<vmem>>, vector<16xi32>,
        tpu.vector_store %arg11[%swap3A_2684], %broadcast_in_dim3A_593 {strides = array<i32>} : memref<4368xi32, #tpu.memory_space<vmem>>, vector<16xi32>,
        %mul3A_2686 = arith.constant 16 : i32
        %mul3A_2687 = arith.muli %scan3A_2610, %mul3A_2686 : i32
        %add3A_2688 = arith.constant 2184 : i32
        %add3A_2689 = arith.addi %add3A_2688, %mul3A_2687 : i32
        %get3A_2690 = arith.index_cast %add3A_2689 : i32 to index
        %get3A_2691 = tpu.vector_load %arg11[%get3A_2690] {strides = array<i32>} : memref<4368xi32, #tpu.memory_space<vmem>>, vector<16xi32>,
        %add3A_2692 = arith.addi %add3A_2683, %get3A_2691 : vector<16xi32>
        %swap3A_2693 = arith.index_cast %add3A_2689 : i32 to index
        %swap3A_2694 = tpu.vector_load %arg11[%swap3A_2693] {strides = array<i32>} : memref<4368xi32, #tpu.memory_space<vmem>>, vector<16xi32>,
        tpu.vector_store %arg11[%swap3A_2693], %broadcast_in_dim3A_593 {strides = array<i32>} : memref<4368xi32, #tpu.memory_space<vmem>>, vector<16xi32>,
        %mul3A_2695 = arith.constant 16 : i32
        %mul3A_2696 = arith.muli %scan3A_2610, %mul3A_2695 : i32
        %add3A_2697 = arith.constant 2457 : i32
        %add3A_2698 = arith.addi %add3A_2697, %mul3A_2696 : i32
        %get3A_2699 = arith.index_cast %add3A_2698 : i32 to index
        %get3A_2700 = tpu.vector_load %arg11[%get3A_2699] {strides = array<i32>} : memref<4368xi32, #tpu.memory_space<vmem>>, vector<16xi32>,
        %add3A_2701 = arith.addi %add3A_2692, %get3A_2700 : vector<16xi32>
        %swap3A_2702 = arith.index_cast %add3A_2698 : i32 to index
        %swap3A_2703 = tpu.vector_load %arg11[%swap3A_2702] {strides = array<i32>} : memref<4368xi32, #tpu.memory_space<vmem>>, vector<16xi32>,
        tpu.vector_store %arg11[%swap3A_2702], %broadcast_in_dim3A_593 {strides = array<i32>} : memref<4368xi32, #tpu.memory_space<vmem>>, vector<16xi32>,
        %mul3A_2704 = arith.constant 16 : i32
        %mul3A_2705 = arith.muli %scan3A_2610, %mul3A_2704 : i32
        %add3A_2706 = arith.constant 2730 : i32
        %add3A_2707 = arith.addi %add3A_2706, %mul3A_2705 : i32
        %get3A_2708 = arith.index_cast %add3A_2707 : i32 to index
        %get3A_2709 = tpu.vector_load %arg11[%get3A_2708] {strides = array<i32>} : memref<4368xi32, #tpu.memory_space<vmem>>, vector<16xi32>,
        %add3A_2710 = arith.addi %add3A_2701, %get3A_2709 : vector<16xi32>
        %swap3A_2711 = arith.index_cast %add3A_2707 : i32 to index
        %swap3A_2712 = tpu.vector_load %arg11[%swap3A_2711] {strides = array<i32>} : memref<4368xi32, #tpu.memory_space<vmem>>, vector<16xi32>,
        tpu.vector_store %arg11[%swap3A_2711], %broadcast_in_dim3A_593 {strides = array<i32>} : memref<4368xi32, #tpu.memory_space<vmem>>, vector<16xi32>,
        %mul3A_2713 = arith.constant 16 : i32
        %mul3A_2714 = arith.muli %scan3A_2610, %mul3A_2713 : i32
        %add3A_2715 = arith.constant 3003 : i32
        %add3A_2716 = arith.addi %add3A_2715, %mul3A_2714 : i32
        %get3A_2717 = arith.index_cast %add3A_2716 : i32 to index
        %get3A_2718 = tpu.vector_load %arg11[%get3A_2717] {strides = array<i32>} : memref<4368xi32, #tpu.memory_space<vmem>>, vector<16xi32>,
        %add3A_2719 = arith.addi %add3A_2710, %get3A_2718 : vector<16xi32>
        %swap3A_2720 = arith.index_cast %add3A_2716 : i32 to index
        %swap3A_2721 = tpu.vector_load %arg11[%swap3A_2720] {strides = array<i32>} : memref<4368xi32, #tpu.memory_space<vmem>>, vector<16xi32>,
        tpu.vector_store %arg11[%swap3A_2720], %broadcast_in_dim3A_593 {strides = array<i32>} : memref<4368xi32, #tpu.memory_space<vmem>>, vector<16xi32>,
        %mul3A_2722 = arith.constant 16 : i32
        %mul3A_2723 = arith.muli %scan3A_2610, %mul3A_2722 : i32
        %add3A_2724 = arith.constant 3276 : i32
        %add3A_2725 = arith.addi %add3A_2724, %mul3A_2723 : i32
        %get3A_2726 = arith.index_cast %add3A_2725 : i32 to index
        %get3A_2727 = tpu.vector_load %arg11[%get3A_2726] {strides = array<i32>} : memref<4368xi32, #tpu.memory_space<vmem>>, vector<16xi32>,
        %add3A_2728 = arith.addi %add3A_2719, %get3A_2727 : vector<16xi32>
        %swap3A_2729 = arith.index_cast %add3A_2725 : i32 to index
        %swap3A_2730 = tpu.vector_load %arg11[%swap3A_2729] {strides = array<i32>} : memref<4368xi32, #tpu.memory_space<vmem>>, vector<16xi32>,
        tpu.vector_store %arg11[%swap3A_2729], %broadcast_in_dim3A_593 {strides = array<i32>} : memref<4368xi32, #tpu.memory_space<vmem>>, vector<16xi32>,
        %mul3A_2731 = arith.constant 16 : i32
        %mul3A_2732 = arith.muli %scan3A_2610, %mul3A_2731 : i32
        %add3A_2733 = arith.constant 3549 : i32
        %add3A_2734 = arith.addi %add3A_2733, %mul3A_2732 : i32
        %get3A_2735 = arith.index_cast %add3A_2734 : i32 to index
        %get3A_2736 = tpu.vector_load %arg11[%get3A_2735] {strides = array<i32>} : memref<4368xi32, #tpu.memory_space<vmem>>, vector<16xi32>,
        %add3A_2737 = arith.addi %add3A_2728, %get3A_2736 : vector<16xi32>
        %swap3A_2738 = arith.index_cast %add3A_2734 : i32 to index
        %swap3A_2739 = tpu.vector_load %arg11[%swap3A_2738] {strides = array<i32>} : memref<4368xi32, #tpu.memory_space<vmem>>, vector<16xi32>,
        tpu.vector_store %arg11[%swap3A_2738], %broadcast_in_dim3A_593 {strides = array<i32>} : memref<4368xi32, #tpu.memory_space<vmem>>, vector<16xi32>,
        %mul3A_2740 = arith.constant 16 : i32
        %mul3A_2741 = arith.muli %scan3A_2610, %mul3A_2740 : i32
        %add3A_2742 = arith.constant 3822 : i32
        %add3A_2743 = arith.addi %add3A_2742, %mul3A_2741 : i32
        %get3A_2744 = arith.index_cast %add3A_2743 : i32 to index
        %get3A_2745 = tpu.vector_load %arg11[%get3A_2744] {strides = array<i32>} : memref<4368xi32, #tpu.memory_space<vmem>>, vector<16xi32>,
        %add3A_2746 = arith.addi %add3A_2737, %get3A_2745 : vector<16xi32>
        %swap3A_2747 = arith.index_cast %add3A_2743 : i32 to index
        %swap3A_2748 = tpu.vector_load %arg11[%swap3A_2747] {strides = array<i32>} : memref<4368xi32, #tpu.memory_space<vmem>>, vector<16xi32>,
        tpu.vector_store %arg11[%swap3A_2747], %broadcast_in_dim3A_593 {strides = array<i32>} : memref<4368xi32, #tpu.memory_space<vmem>>, vector<16xi32>,
        %mul3A_2749 = arith.constant 16 : i32
        %mul3A_2750 = arith.muli %scan3A_2610, %mul3A_2749 : i32
        %add3A_2751 = arith.constant 4095 : i32
        %add3A_2752 = arith.addi %add3A_2751, %mul3A_2750 : i32
        %get3A_2753 = arith.index_cast %add3A_2752 : i32 to index
        %get3A_2754 = tpu.vector_load %arg11[%get3A_2753] {strides = array<i32>} : memref<4368xi32, #tpu.memory_space<vmem>>, vector<16xi32>,
        %add3A_2755 = arith.addi %add3A_2746, %get3A_2754 : vector<16xi32>
        %swap3A_2756 = arith.index_cast %add3A_2752 : i32 to index
        %swap3A_2757 = tpu.vector_load %arg11[%swap3A_2756] {strides = array<i32>} : memref<4368xi32, #tpu.memory_space<vmem>>, vector<16xi32>,
        tpu.vector_store %arg11[%swap3A_2756], %broadcast_in_dim3A_593 {strides = array<i32>} : memref<4368xi32, #tpu.memory_space<vmem>>, vector<16xi32>,
        %mul3A_2758 = arith.constant 16 : i32
        %mul3A_2759 = arith.muli %scan3A_2610, %mul3A_2758 : i32
        %swap3A_2760 = arith.index_cast %mul3A_2759 : i32 to index
        %swap3A_2761 = tpu.vector_load %arg17[%swap3A_2760] {strides = array<i32>} : memref<256xi32, #tpu.memory_space<vmem>>, vector<16xi32>,
        tpu.vector_store %arg17[%swap3A_2760], %add3A_2755 {strides = array<i32>} : memref<256xi32, #tpu.memory_space<vmem>>, vector<16xi32>,
        %scan3A_2762 = arith.constant 0 : i32
        scf.yield %scan3A_2762 : i32
      }
      %scan3A_600 = arith.constant 16 : i32
      %broadcast_in_dim3A_601 = arith.constant 0 : i32
      %broadcast_in_dim3A_602 = vector.broadcast %broadcast_in_dim3A_601 : i32 to vector<16xi32>
      %broadcast_in_dim3A_603 = arith.constant 0 : i32
      %broadcast_in_dim3A_604 = vector.broadcast %broadcast_in_dim3A_603 : i32 to vector<16xi32>
      %get3A_605 = arith.constant 240 : index
      %get3A_606 = tpu.vector_load %arg17[%get3A_605] {strides = array<i32>} : memref<256xi32, #tpu.memory_space<vmem>>, vector<16xi32>,
      %rev3A_607 = arith.constant 15 : i32
      %rev3A_608 = vector.broadcast %rev3A_607 : i32 to vector<16xi32>
      %rev3A_609 = tpu.iota {dimensions = array<i32: 0>} : vector<16xi32>
      %rev3A_610 = arith.subi %rev3A_608, %rev3A_609 : vector<16xi32>
      %rev3A_611 = tpu.dynamic_gather %get3A_606[%rev3A_610] in [0] : vector<16xi32>, vector<16xi32> -> vector<16xi32>
      %broadcast_in_dim3A_612 = arith.constant true
      %broadcast_in_dim3A_613 = vector.broadcast %broadcast_in_dim3A_612 : i1 to vector<16xi1>
      %masked_cumsum3A_614 = tpu.scan <sum>, %rev3A_611 masked %broadcast_in_dim3A_613 : vector<16xi32>, vector<16xi1> -> vector<16xi32>
      %add3A_615 = arith.addi %masked_cumsum3A_614, %broadcast_in_dim3A_602 : vector<16xi32>
      %rev3A_616 = arith.constant 15 : i32
      %rev3A_617 = vector.broadcast %rev3A_616 : i32 to vector<16xi32>
      %rev3A_618 = tpu.iota {dimensions = array<i32: 0>} : vector<16xi32>
      %rev3A_619 = arith.subi %rev3A_617, %rev3A_618 : vector<16xi32>
      %rev3A_620 = tpu.dynamic_gather %add3A_615[%rev3A_619] in [0] : vector<16xi32>, vector<16xi32> -> vector<16xi32>
      %swap3A_621 = arith.constant 240 : index
      %swap3A_622 = tpu.vector_load %arg18[%swap3A_621] {strides = array<i32>} : memref<256xi32, #tpu.memory_space<vmem>>, vector<16xi32>,
      tpu.vector_store %arg18[%swap3A_621], %rev3A_620 {strides = array<i32>} : memref<256xi32, #tpu.memory_space<vmem>>, vector<16xi32>,
      %ge3A_623 = arith.cmpi sge, %rev3A_620, %broadcast_in_dim3A_31 : vector<16xi32>
      %all_reduce_population_count3A_624 = tpu.all_reduce %ge3A_623 {dim = 0 : i64, kind = #tpu.reduction_kind<sum>} : vector<16xi1> -> vector<16xi32>
      %add3A_625 = arith.addi %broadcast_in_dim3A_604, %all_reduce_population_count3A_624 : vector<16xi32>
      %reduce_sum3A_626 = arith.constant true
      %reduce_sum3A_627 = vector.broadcast %reduce_sum3A_626 : i1 to vector<16xi1>
      %reduce_sum3A_628 = tpu.scan <sum>, %get3A_606 masked %reduce_sum3A_627 : vector<16xi32>, vector<16xi1> -> vector<16xi32>
      %reduce_sum3A_629 = vector.extract %reduce_sum3A_628[15] : i32 from vector<16xi32>
      %add3A_630 = vector.broadcast %reduce_sum3A_629 : i32 to vector<16xi32>
      %add3A_631 = arith.addi %broadcast_in_dim3A_602, %add3A_630 : vector<16xi32>
      %get3A_632 = arith.constant 224 : index
      %get3A_633 = tpu.vector_load %arg17[%get3A_632] {strides = array<i32>} : memref<256xi32, #tpu.memory_space<vmem>>, vector<16xi32>,
      %rev3A_634 = arith.constant 15 : i32
      %rev3A_635 = vector.broadcast %rev3A_634 : i32 to vector<16xi32>
      %rev3A_636 = tpu.iota {dimensions = array<i32: 0>} : vector<16xi32>
      %rev3A_637 = arith.subi %rev3A_635, %rev3A_636 : vector<16xi32>
      %rev3A_638 = tpu.dynamic_gather %get3A_633[%rev3A_637] in [0] : vector<16xi32>, vector<16xi32> -> vector<16xi32>
      %broadcast_in_dim3A_639 = arith.constant true
      %broadcast_in_dim3A_640 = vector.broadcast %broadcast_in_dim3A_639 : i1 to vector<16xi1>
      %masked_cumsum3A_641 = tpu.scan <sum>, %rev3A_638 masked %broadcast_in_dim3A_640 : vector<16xi32>, vector<16xi1> -> vector<16xi32>
      %add3A_642 = arith.addi %masked_cumsum3A_641, %add3A_631 : vector<16xi32>
      %rev3A_643 = arith.constant 15 : i32
      %rev3A_644 = vector.broadcast %rev3A_643 : i32 to vector<16xi32>
      %rev3A_645 = tpu.iota {dimensions = array<i32: 0>} : vector<16xi32>
      %rev3A_646 = arith.subi %rev3A_644, %rev3A_645 : vector<16xi32>
      %rev3A_647 = tpu.dynamic_gather %add3A_642[%rev3A_646] in [0] : vector<16xi32>, vector<16xi32> -> vector<16xi32>
      %swap3A_648 = arith.constant 224 : index
      %swap3A_649 = tpu.vector_load %arg18[%swap3A_648] {strides = array<i32>} : memref<256xi32, #tpu.memory_space<vmem>>, vector<16xi32>,
      tpu.vector_store %arg18[%swap3A_648], %rev3A_647 {strides = array<i32>} : memref<256xi32, #tpu.memory_space<vmem>>, vector<16xi32>,
      %ge3A_650 = arith.cmpi sge, %rev3A_647, %broadcast_in_dim3A_31 : vector<16xi32>
      %all_reduce_population_count3A_651 = tpu.all_reduce %ge3A_650 {dim = 0 : i64, kind = #tpu.reduction_kind<sum>} : vector<16xi1> -> vector<16xi32>
      %add3A_652 = arith.addi %add3A_625, %all_reduce_population_count3A_651 : vector<16xi32>
      %reduce_sum3A_653 = arith.constant true
      %reduce_sum3A_654 = vector.broadcast %reduce_sum3A_653 : i1 to vector<16xi1>
      %reduce_sum3A_655 = tpu.scan <sum>, %get3A_633 masked %reduce_sum3A_654 : vector<16xi32>, vector<16xi1> -> vector<16xi32>
      %reduce_sum3A_656 = vector.extract %reduce_sum3A_655[15] : i32 from vector<16xi32>
      %add3A_657 = vector.broadcast %reduce_sum3A_656 : i32 to vector<16xi32>
      %add3A_658 = arith.addi %add3A_631, %add3A_657 : vector<16xi32>
      %get3A_659 = arith.constant 208 : index
      %get3A_660 = tpu.vector_load %arg17[%get3A_659] {strides = array<i32>} : memref<256xi32, #tpu.memory_space<vmem>>, vector<16xi32>,
      %rev3A_661 = arith.constant 15 : i32
      %rev3A_662 = vector.broadcast %rev3A_661 : i32 to vector<16xi32>
      %rev3A_663 = tpu.iota {dimensions = array<i32: 0>} : vector<16xi32>
      %rev3A_664 = arith.subi %rev3A_662, %rev3A_663 : vector<16xi32>
      %rev3A_665 = tpu.dynamic_gather %get3A_660[%rev3A_664] in [0] : vector<16xi32>, vector<16xi32> -> vector<16xi32>
      %broadcast_in_dim3A_666 = arith.constant true
      %broadcast_in_dim3A_667 = vector.broadcast %broadcast_in_dim3A_666 : i1 to vector<16xi1>
      %masked_cumsum3A_668 = tpu.scan <sum>, %rev3A_665 masked %broadcast_in_dim3A_667 : vector<16xi32>, vector<16xi1> -> vector<16xi32>
      %add3A_669 = arith.addi %masked_cumsum3A_668, %add3A_658 : vector<16xi32>
      %rev3A_670 = arith.constant 15 : i32
      %rev3A_671 = vector.broadcast %rev3A_670 : i32 to vector<16xi32>
      %rev3A_672 = tpu.iota {dimensions = array<i32: 0>} : vector<16xi32>
      %rev3A_673 = arith.subi %rev3A_671, %rev3A_672 : vector<16xi32>
      %rev3A_674 = tpu.dynamic_gather %add3A_669[%rev3A_673] in [0] : vector<16xi32>, vector<16xi32> -> vector<16xi32>
      %swap3A_675 = arith.constant 208 : index
      %swap3A_676 = tpu.vector_load %arg18[%swap3A_675] {strides = array<i32>} : memref<256xi32, #tpu.memory_space<vmem>>, vector<16xi32>,
      tpu.vector_store %arg18[%swap3A_675], %rev3A_674 {strides = array<i32>} : memref<256xi32, #tpu.memory_space<vmem>>, vector<16xi32>,
      %ge3A_677 = arith.cmpi sge, %rev3A_674, %broadcast_in_dim3A_31 : vector<16xi32>
      %all_reduce_population_count3A_678 = tpu.all_reduce %ge3A_677 {dim = 0 : i64, kind = #tpu.reduction_kind<sum>} : vector<16xi1> -> vector<16xi32>
      %add3A_679 = arith.addi %add3A_652, %all_reduce_population_count3A_678 : vector<16xi32>
      %reduce_sum3A_680 = arith.constant true
      %reduce_sum3A_681 = vector.broadcast %reduce_sum3A_680 : i1 to vector<16xi1>
      %reduce_sum3A_682 = tpu.scan <sum>, %get3A_660 masked %reduce_sum3A_681 : vector<16xi32>, vector<16xi1> -> vector<16xi32>
      %reduce_sum3A_683 = vector.extract %reduce_sum3A_682[15] : i32 from vector<16xi32>
      %add3A_684 = vector.broadcast %reduce_sum3A_683 : i32 to vector<16xi32>
      %add3A_685 = arith.addi %add3A_658, %add3A_684 : vector<16xi32>
      %get3A_686 = arith.constant 192 : index
      %get3A_687 = tpu.vector_load %arg17[%get3A_686] {strides = array<i32>} : memref<256xi32, #tpu.memory_space<vmem>>, vector<16xi32>,
      %rev3A_688 = arith.constant 15 : i32
      %rev3A_689 = vector.broadcast %rev3A_688 : i32 to vector<16xi32>
      %rev3A_690 = tpu.iota {dimensions = array<i32: 0>} : vector<16xi32>
      %rev3A_691 = arith.subi %rev3A_689, %rev3A_690 : vector<16xi32>
      %rev3A_692 = tpu.dynamic_gather %get3A_687[%rev3A_691] in [0] : vector<16xi32>, vector<16xi32> -> vector<16xi32>
      %broadcast_in_dim3A_693 = arith.constant true
      %broadcast_in_dim3A_694 = vector.broadcast %broadcast_in_dim3A_693 : i1 to vector<16xi1>
      %masked_cumsum3A_695 = tpu.scan <sum>, %rev3A_692 masked %broadcast_in_dim3A_694 : vector<16xi32>, vector<16xi1> -> vector<16xi32>
      %add3A_696 = arith.addi %masked_cumsum3A_695, %add3A_685 : vector<16xi32>
      %rev3A_697 = arith.constant 15 : i32
      %rev3A_698 = vector.broadcast %rev3A_697 : i32 to vector<16xi32>
      %rev3A_699 = tpu.iota {dimensions = array<i32: 0>} : vector<16xi32>
      %rev3A_700 = arith.subi %rev3A_698, %rev3A_699 : vector<16xi32>
      %rev3A_701 = tpu.dynamic_gather %add3A_696[%rev3A_700] in [0] : vector<16xi32>, vector<16xi32> -> vector<16xi32>
      %swap3A_702 = arith.constant 192 : index
      %swap3A_703 = tpu.vector_load %arg18[%swap3A_702] {strides = array<i32>} : memref<256xi32, #tpu.memory_space<vmem>>, vector<16xi32>,
      tpu.vector_store %arg18[%swap3A_702], %rev3A_701 {strides = array<i32>} : memref<256xi32, #tpu.memory_space<vmem>>, vector<16xi32>,
      %ge3A_704 = arith.cmpi sge, %rev3A_701, %broadcast_in_dim3A_31 : vector<16xi32>
      %all_reduce_population_count3A_705 = tpu.all_reduce %ge3A_704 {dim = 0 : i64, kind = #tpu.reduction_kind<sum>} : vector<16xi1> -> vector<16xi32>
      %add3A_706 = arith.addi %add3A_679, %all_reduce_population_count3A_705 : vector<16xi32>
      %reduce_sum3A_707 = arith.constant true
      %reduce_sum3A_708 = vector.broadcast %reduce_sum3A_707 : i1 to vector<16xi1>
      %reduce_sum3A_709 = tpu.scan <sum>, %get3A_687 masked %reduce_sum3A_708 : vector<16xi32>, vector<16xi1> -> vector<16xi32>
      %reduce_sum3A_710 = vector.extract %reduce_sum3A_709[15] : i32 from vector<16xi32>
      %add3A_711 = vector.broadcast %reduce_sum3A_710 : i32 to vector<16xi32>
      %add3A_712 = arith.addi %add3A_685, %add3A_711 : vector<16xi32>
      %get3A_713 = arith.constant 176 : index
      %get3A_714 = tpu.vector_load %arg17[%get3A_713] {strides = array<i32>} : memref<256xi32, #tpu.memory_space<vmem>>, vector<16xi32>,
      %rev3A_715 = arith.constant 15 : i32
      %rev3A_716 = vector.broadcast %rev3A_715 : i32 to vector<16xi32>
      %rev3A_717 = tpu.iota {dimensions = array<i32: 0>} : vector<16xi32>
      %rev3A_718 = arith.subi %rev3A_716, %rev3A_717 : vector<16xi32>
      %rev3A_719 = tpu.dynamic_gather %get3A_714[%rev3A_718] in [0] : vector<16xi32>, vector<16xi32> -> vector<16xi32>
      %broadcast_in_dim3A_720 = arith.constant true
      %broadcast_in_dim3A_721 = vector.broadcast %broadcast_in_dim3A_720 : i1 to vector<16xi1>
      %masked_cumsum3A_722 = tpu.scan <sum>, %rev3A_719 masked %broadcast_in_dim3A_721 : vector<16xi32>, vector<16xi1> -> vector<16xi32>
      %add3A_723 = arith.addi %masked_cumsum3A_722, %add3A_712 : vector<16xi32>
      %rev3A_724 = arith.constant 15 : i32
      %rev3A_725 = vector.broadcast %rev3A_724 : i32 to vector<16xi32>
      %rev3A_726 = tpu.iota {dimensions = array<i32: 0>} : vector<16xi32>
      %rev3A_727 = arith.subi %rev3A_725, %rev3A_726 : vector<16xi32>
      %rev3A_728 = tpu.dynamic_gather %add3A_723[%rev3A_727] in [0] : vector<16xi32>, vector<16xi32> -> vector<16xi32>
      %swap3A_729 = arith.constant 176 : index
      %swap3A_730 = tpu.vector_load %arg18[%swap3A_729] {strides = array<i32>} : memref<256xi32, #tpu.memory_space<vmem>>, vector<16xi32>,
      tpu.vector_store %arg18[%swap3A_729], %rev3A_728 {strides = array<i32>} : memref<256xi32, #tpu.memory_space<vmem>>, vector<16xi32>,
      %ge3A_731 = arith.cmpi sge, %rev3A_728, %broadcast_in_dim3A_31 : vector<16xi32>
      %all_reduce_population_count3A_732 = tpu.all_reduce %ge3A_731 {dim = 0 : i64, kind = #tpu.reduction_kind<sum>} : vector<16xi1> -> vector<16xi32>
      %add3A_733 = arith.addi %add3A_706, %all_reduce_population_count3A_732 : vector<16xi32>
      %reduce_sum3A_734 = arith.constant true
      %reduce_sum3A_735 = vector.broadcast %reduce_sum3A_734 : i1 to vector<16xi1>
      %reduce_sum3A_736 = tpu.scan <sum>, %get3A_714 masked %reduce_sum3A_735 : vector<16xi32>, vector<16xi1> -> vector<16xi32>
      %reduce_sum3A_737 = vector.extract %reduce_sum3A_736[15] : i32 from vector<16xi32>
      %add3A_738 = vector.broadcast %reduce_sum3A_737 : i32 to vector<16xi32>
      %add3A_739 = arith.addi %add3A_712, %add3A_738 : vector<16xi32>
      %get3A_740 = arith.constant 160 : index
      %get3A_741 = tpu.vector_load %arg17[%get3A_740] {strides = array<i32>} : memref<256xi32, #tpu.memory_space<vmem>>, vector<16xi32>,
      %rev3A_742 = arith.constant 15 : i32
      %rev3A_743 = vector.broadcast %rev3A_742 : i32 to vector<16xi32>
      %rev3A_744 = tpu.iota {dimensions = array<i32: 0>} : vector<16xi32>
      %rev3A_745 = arith.subi %rev3A_743, %rev3A_744 : vector<16xi32>
      %rev3A_746 = tpu.dynamic_gather %get3A_741[%rev3A_745] in [0] : vector<16xi32>, vector<16xi32> -> vector<16xi32>
      %broadcast_in_dim3A_747 = arith.constant true
      %broadcast_in_dim3A_748 = vector.broadcast %broadcast_in_dim3A_747 : i1 to vector<16xi1>
      %masked_cumsum3A_749 = tpu.scan <sum>, %rev3A_746 masked %broadcast_in_dim3A_748 : vector<16xi32>, vector<16xi1> -> vector<16xi32>
      %add3A_750 = arith.addi %masked_cumsum3A_749, %add3A_739 : vector<16xi32>
      %rev3A_751 = arith.constant 15 : i32
      %rev3A_752 = vector.broadcast %rev3A_751 : i32 to vector<16xi32>
      %rev3A_753 = tpu.iota {dimensions = array<i32: 0>} : vector<16xi32>
      %rev3A_754 = arith.subi %rev3A_752, %rev3A_753 : vector<16xi32>
      %rev3A_755 = tpu.dynamic_gather %add3A_750[%rev3A_754] in [0] : vector<16xi32>, vector<16xi32> -> vector<16xi32>
      %swap3A_756 = arith.constant 160 : index
      %swap3A_757 = tpu.vector_load %arg18[%swap3A_756] {strides = array<i32>} : memref<256xi32, #tpu.memory_space<vmem>>, vector<16xi32>,
      tpu.vector_store %arg18[%swap3A_756], %rev3A_755 {strides = array<i32>} : memref<256xi32, #tpu.memory_space<vmem>>, vector<16xi32>,
      %ge3A_758 = arith.cmpi sge, %rev3A_755, %broadcast_in_dim3A_31 : vector<16xi32>
      %all_reduce_population_count3A_759 = tpu.all_reduce %ge3A_758 {dim = 0 : i64, kind = #tpu.reduction_kind<sum>} : vector<16xi1> -> vector<16xi32>
      %add3A_760 = arith.addi %add3A_733, %all_reduce_population_count3A_759 : vector<16xi32>
      %reduce_sum3A_761 = arith.constant true
      %reduce_sum3A_762 = vector.broadcast %reduce_sum3A_761 : i1 to vector<16xi1>
      %reduce_sum3A_763 = tpu.scan <sum>, %get3A_741 masked %reduce_sum3A_762 : vector<16xi32>, vector<16xi1> -> vector<16xi32>
      %reduce_sum3A_764 = vector.extract %reduce_sum3A_763[15] : i32 from vector<16xi32>
      %add3A_765 = vector.broadcast %reduce_sum3A_764 : i32 to vector<16xi32>
      %add3A_766 = arith.addi %add3A_739, %add3A_765 : vector<16xi32>
      %get3A_767 = arith.constant 144 : index
      %get3A_768 = tpu.vector_load %arg17[%get3A_767] {strides = array<i32>} : memref<256xi32, #tpu.memory_space<vmem>>, vector<16xi32>,
      %rev3A_769 = arith.constant 15 : i32
      %rev3A_770 = vector.broadcast %rev3A_769 : i32 to vector<16xi32>
      %rev3A_771 = tpu.iota {dimensions = array<i32: 0>} : vector<16xi32>
      %rev3A_772 = arith.subi %rev3A_770, %rev3A_771 : vector<16xi32>
      %rev3A_773 = tpu.dynamic_gather %get3A_768[%rev3A_772] in [0] : vector<16xi32>, vector<16xi32> -> vector<16xi32>
      %broadcast_in_dim3A_774 = arith.constant true
      %broadcast_in_dim3A_775 = vector.broadcast %broadcast_in_dim3A_774 : i1 to vector<16xi1>
      %masked_cumsum3A_776 = tpu.scan <sum>, %rev3A_773 masked %broadcast_in_dim3A_775 : vector<16xi32>, vector<16xi1> -> vector<16xi32>
      %add3A_777 = arith.addi %masked_cumsum3A_776, %add3A_766 : vector<16xi32>
      %rev3A_778 = arith.constant 15 : i32
      %rev3A_779 = vector.broadcast %rev3A_778 : i32 to vector<16xi32>
      %rev3A_780 = tpu.iota {dimensions = array<i32: 0>} : vector<16xi32>
      %rev3A_781 = arith.subi %rev3A_779, %rev3A_780 : vector<16xi32>
      %rev3A_782 = tpu.dynamic_gather %add3A_777[%rev3A_781] in [0] : vector<16xi32>, vector<16xi32> -> vector<16xi32>
      %swap3A_783 = arith.constant 144 : index
      %swap3A_784 = tpu.vector_load %arg18[%swap3A_783] {strides = array<i32>} : memref<256xi32, #tpu.memory_space<vmem>>, vector<16xi32>,
      tpu.vector_store %arg18[%swap3A_783], %rev3A_782 {strides = array<i32>} : memref<256xi32, #tpu.memory_space<vmem>>, vector<16xi32>,
      %ge3A_785 = arith.cmpi sge, %rev3A_782, %broadcast_in_dim3A_31 : vector<16xi32>
      %all_reduce_population_count3A_786 = tpu.all_reduce %ge3A_785 {dim = 0 : i64, kind = #tpu.reduction_kind<sum>} : vector<16xi1> -> vector<16xi32>
      %add3A_787 = arith.addi %add3A_760, %all_reduce_population_count3A_786 : vector<16xi32>
      %reduce_sum3A_788 = arith.constant true
      %reduce_sum3A_789 = vector.broadcast %reduce_sum3A_788 : i1 to vector<16xi1>
      %reduce_sum3A_790 = tpu.scan <sum>, %get3A_768 masked %reduce_sum3A_789 : vector<16xi32>, vector<16xi1> -> vector<16xi32>
      %reduce_sum3A_791 = vector.extract %reduce_sum3A_790[15] : i32 from vector<16xi32>
      %add3A_792 = vector.broadcast %reduce_sum3A_791 : i32 to vector<16xi32>
      %add3A_793 = arith.addi %add3A_766, %add3A_792 : vector<16xi32>
      %get3A_794 = arith.constant 128 : index
      %get3A_795 = tpu.vector_load %arg17[%get3A_794] {strides = array<i32>} : memref<256xi32, #tpu.memory_space<vmem>>, vector<16xi32>,
      %rev3A_796 = arith.constant 15 : i32
      %rev3A_797 = vector.broadcast %rev3A_796 : i32 to vector<16xi32>
      %rev3A_798 = tpu.iota {dimensions = array<i32: 0>} : vector<16xi32>
      %rev3A_799 = arith.subi %rev3A_797, %rev3A_798 : vector<16xi32>
      %rev3A_800 = tpu.dynamic_gather %get3A_795[%rev3A_799] in [0] : vector<16xi32>, vector<16xi32> -> vector<16xi32>
      %broadcast_in_dim3A_801 = arith.constant true
      %broadcast_in_dim3A_802 = vector.broadcast %broadcast_in_dim3A_801 : i1 to vector<16xi1>
      %masked_cumsum3A_803 = tpu.scan <sum>, %rev3A_800 masked %broadcast_in_dim3A_802 : vector<16xi32>, vector<16xi1> -> vector<16xi32>
      %add3A_804 = arith.addi %masked_cumsum3A_803, %add3A_793 : vector<16xi32>
      %rev3A_805 = arith.constant 15 : i32
      %rev3A_806 = vector.broadcast %rev3A_805 : i32 to vector<16xi32>
      %rev3A_807 = tpu.iota {dimensions = array<i32: 0>} : vector<16xi32>
      %rev3A_808 = arith.subi %rev3A_806, %rev3A_807 : vector<16xi32>
      %rev3A_809 = tpu.dynamic_gather %add3A_804[%rev3A_808] in [0] : vector<16xi32>, vector<16xi32> -> vector<16xi32>
      %swap3A_810 = arith.constant 128 : index
      %swap3A_811 = tpu.vector_load %arg18[%swap3A_810] {strides = array<i32>} : memref<256xi32, #tpu.memory_space<vmem>>, vector<16xi32>,
      tpu.vector_store %arg18[%swap3A_810], %rev3A_809 {strides = array<i32>} : memref<256xi32, #tpu.memory_space<vmem>>, vector<16xi32>,
      %ge3A_812 = arith.cmpi sge, %rev3A_809, %broadcast_in_dim3A_31 : vector<16xi32>
      %all_reduce_population_count3A_813 = tpu.all_reduce %ge3A_812 {dim = 0 : i64, kind = #tpu.reduction_kind<sum>} : vector<16xi1> -> vector<16xi32>
      %add3A_814 = arith.addi %add3A_787, %all_reduce_population_count3A_813 : vector<16xi32>
      %reduce_sum3A_815 = arith.constant true
      %reduce_sum3A_816 = vector.broadcast %reduce_sum3A_815 : i1 to vector<16xi1>
      %reduce_sum3A_817 = tpu.scan <sum>, %get3A_795 masked %reduce_sum3A_816 : vector<16xi32>, vector<16xi1> -> vector<16xi32>
      %reduce_sum3A_818 = vector.extract %reduce_sum3A_817[15] : i32 from vector<16xi32>
      %add3A_819 = vector.broadcast %reduce_sum3A_818 : i32 to vector<16xi32>
      %add3A_820 = arith.addi %add3A_793, %add3A_819 : vector<16xi32>
      %get3A_821 = arith.constant 112 : index
      %get3A_822 = tpu.vector_load %arg17[%get3A_821] {strides = array<i32>} : memref<256xi32, #tpu.memory_space<vmem>>, vector<16xi32>,
      %rev3A_823 = arith.constant 15 : i32
      %rev3A_824 = vector.broadcast %rev3A_823 : i32 to vector<16xi32>
      %rev3A_825 = tpu.iota {dimensions = array<i32: 0>} : vector<16xi32>
      %rev3A_826 = arith.subi %rev3A_824, %rev3A_825 : vector<16xi32>
      %rev3A_827 = tpu.dynamic_gather %get3A_822[%rev3A_826] in [0] : vector<16xi32>, vector<16xi32> -> vector<16xi32>
      %broadcast_in_dim3A_828 = arith.constant true
      %broadcast_in_dim3A_829 = vector.broadcast %broadcast_in_dim3A_828 : i1 to vector<16xi1>
      %masked_cumsum3A_830 = tpu.scan <sum>, %rev3A_827 masked %broadcast_in_dim3A_829 : vector<16xi32>, vector<16xi1> -> vector<16xi32>
      %add3A_831 = arith.addi %masked_cumsum3A_830, %add3A_820 : vector<16xi32>
      %rev3A_832 = arith.constant 15 : i32
      %rev3A_833 = vector.broadcast %rev3A_832 : i32 to vector<16xi32>
      %rev3A_834 = tpu.iota {dimensions = array<i32: 0>} : vector<16xi32>
      %rev3A_835 = arith.subi %rev3A_833, %rev3A_834 : vector<16xi32>
      %rev3A_836 = tpu.dynamic_gather %add3A_831[%rev3A_835] in [0] : vector<16xi32>, vector<16xi32> -> vector<16xi32>
      %swap3A_837 = arith.constant 112 : index
      %swap3A_838 = tpu.vector_load %arg18[%swap3A_837] {strides = array<i32>} : memref<256xi32, #tpu.memory_space<vmem>>, vector<16xi32>,
      tpu.vector_store %arg18[%swap3A_837], %rev3A_836 {strides = array<i32>} : memref<256xi32, #tpu.memory_space<vmem>>, vector<16xi32>,
      %ge3A_839 = arith.cmpi sge, %rev3A_836, %broadcast_in_dim3A_31 : vector<16xi32>
      %all_reduce_population_count3A_840 = tpu.all_reduce %ge3A_839 {dim = 0 : i64, kind = #tpu.reduction_kind<sum>} : vector<16xi1> -> vector<16xi32>
      %add3A_841 = arith.addi %add3A_814, %all_reduce_population_count3A_840 : vector<16xi32>
      %reduce_sum3A_842 = arith.constant true
      %reduce_sum3A_843 = vector.broadcast %reduce_sum3A_842 : i1 to vector<16xi1>
      %reduce_sum3A_844 = tpu.scan <sum>, %get3A_822 masked %reduce_sum3A_843 : vector<16xi32>, vector<16xi1> -> vector<16xi32>
      %reduce_sum3A_845 = vector.extract %reduce_sum3A_844[15] : i32 from vector<16xi32>
      %add3A_846 = vector.broadcast %reduce_sum3A_845 : i32 to vector<16xi32>
      %add3A_847 = arith.addi %add3A_820, %add3A_846 : vector<16xi32>
      %get3A_848 = arith.constant 96 : index
      %get3A_849 = tpu.vector_load %arg17[%get3A_848] {strides = array<i32>} : memref<256xi32, #tpu.memory_space<vmem>>, vector<16xi32>,
      %rev3A_850 = arith.constant 15 : i32
      %rev3A_851 = vector.broadcast %rev3A_850 : i32 to vector<16xi32>
      %rev3A_852 = tpu.iota {dimensions = array<i32: 0>} : vector<16xi32>
      %rev3A_853 = arith.subi %rev3A_851, %rev3A_852 : vector<16xi32>
      %rev3A_854 = tpu.dynamic_gather %get3A_849[%rev3A_853] in [0] : vector<16xi32>, vector<16xi32> -> vector<16xi32>
      %broadcast_in_dim3A_855 = arith.constant true
      %broadcast_in_dim3A_856 = vector.broadcast %broadcast_in_dim3A_855 : i1 to vector<16xi1>
      %masked_cumsum3A_857 = tpu.scan <sum>, %rev3A_854 masked %broadcast_in_dim3A_856 : vector<16xi32>, vector<16xi1> -> vector<16xi32>
      %add3A_858 = arith.addi %masked_cumsum3A_857, %add3A_847 : vector<16xi32>
      %rev3A_859 = arith.constant 15 : i32
      %rev3A_860 = vector.broadcast %rev3A_859 : i32 to vector<16xi32>
      %rev3A_861 = tpu.iota {dimensions = array<i32: 0>} : vector<16xi32>
      %rev3A_862 = arith.subi %rev3A_860, %rev3A_861 : vector<16xi32>
      %rev3A_863 = tpu.dynamic_gather %add3A_858[%rev3A_862] in [0] : vector<16xi32>, vector<16xi32> -> vector<16xi32>
      %swap3A_864 = arith.constant 96 : index
      %swap3A_865 = tpu.vector_load %arg18[%swap3A_864] {strides = array<i32>} : memref<256xi32, #tpu.memory_space<vmem>>, vector<16xi32>,
      tpu.vector_store %arg18[%swap3A_864], %rev3A_863 {strides = array<i32>} : memref<256xi32, #tpu.memory_space<vmem>>, vector<16xi32>,
      %ge3A_866 = arith.cmpi sge, %rev3A_863, %broadcast_in_dim3A_31 : vector<16xi32>
      %all_reduce_population_count3A_867 = tpu.all_reduce %ge3A_866 {dim = 0 : i64, kind = #tpu.reduction_kind<sum>} : vector<16xi1> -> vector<16xi32>
      %add3A_868 = arith.addi %add3A_841, %all_reduce_population_count3A_867 : vector<16xi32>
      %reduce_sum3A_869 = arith.constant true
      %reduce_sum3A_870 = vector.broadcast %reduce_sum3A_869 : i1 to vector<16xi1>
      %reduce_sum3A_871 = tpu.scan <sum>, %get3A_849 masked %reduce_sum3A_870 : vector<16xi32>, vector<16xi1> -> vector<16xi32>
      %reduce_sum3A_872 = vector.extract %reduce_sum3A_871[15] : i32 from vector<16xi32>
      %add3A_873 = vector.broadcast %reduce_sum3A_872 : i32 to vector<16xi32>
      %add3A_874 = arith.addi %add3A_847, %add3A_873 : vector<16xi32>
      %get3A_875 = arith.constant 80 : index
      %get3A_876 = tpu.vector_load %arg17[%get3A_875] {strides = array<i32>} : memref<256xi32, #tpu.memory_space<vmem>>, vector<16xi32>,
      %rev3A_877 = arith.constant 15 : i32
      %rev3A_878 = vector.broadcast %rev3A_877 : i32 to vector<16xi32>
      %rev3A_879 = tpu.iota {dimensions = array<i32: 0>} : vector<16xi32>
      %rev3A_880 = arith.subi %rev3A_878, %rev3A_879 : vector<16xi32>
      %rev3A_881 = tpu.dynamic_gather %get3A_876[%rev3A_880] in [0] : vector<16xi32>, vector<16xi32> -> vector<16xi32>
      %broadcast_in_dim3A_882 = arith.constant true
      %broadcast_in_dim3A_883 = vector.broadcast %broadcast_in_dim3A_882 : i1 to vector<16xi1>
      %masked_cumsum3A_884 = tpu.scan <sum>, %rev3A_881 masked %broadcast_in_dim3A_883 : vector<16xi32>, vector<16xi1> -> vector<16xi32>
      %add3A_885 = arith.addi %masked_cumsum3A_884, %add3A_874 : vector<16xi32>
      %rev3A_886 = arith.constant 15 : i32
      %rev3A_887 = vector.broadcast %rev3A_886 : i32 to vector<16xi32>
      %rev3A_888 = tpu.iota {dimensions = array<i32: 0>} : vector<16xi32>
      %rev3A_889 = arith.subi %rev3A_887, %rev3A_888 : vector<16xi32>
      %rev3A_890 = tpu.dynamic_gather %add3A_885[%rev3A_889] in [0] : vector<16xi32>, vector<16xi32> -> vector<16xi32>
      %swap3A_891 = arith.constant 80 : index
      %swap3A_892 = tpu.vector_load %arg18[%swap3A_891] {strides = array<i32>} : memref<256xi32, #tpu.memory_space<vmem>>, vector<16xi32>,
      tpu.vector_store %arg18[%swap3A_891], %rev3A_890 {strides = array<i32>} : memref<256xi32, #tpu.memory_space<vmem>>, vector<16xi32>,
      %ge3A_893 = arith.cmpi sge, %rev3A_890, %broadcast_in_dim3A_31 : vector<16xi32>
      %all_reduce_population_count3A_894 = tpu.all_reduce %ge3A_893 {dim = 0 : i64, kind = #tpu.reduction_kind<sum>} : vector<16xi1> -> vector<16xi32>
      %add3A_895 = arith.addi %add3A_868, %all_reduce_population_count3A_894 : vector<16xi32>
      %reduce_sum3A_896 = arith.constant true
      %reduce_sum3A_897 = vector.broadcast %reduce_sum3A_896 : i1 to vector<16xi1>
      %reduce_sum3A_898 = tpu.scan <sum>, %get3A_876 masked %reduce_sum3A_897 : vector<16xi32>, vector<16xi1> -> vector<16xi32>
      %reduce_sum3A_899 = vector.extract %reduce_sum3A_898[15] : i32 from vector<16xi32>
      %add3A_900 = vector.broadcast %reduce_sum3A_899 : i32 to vector<16xi32>
      %add3A_901 = arith.addi %add3A_874, %add3A_900 : vector<16xi32>
      %get3A_902 = arith.constant 64 : index
      %get3A_903 = tpu.vector_load %arg17[%get3A_902] {strides = array<i32>} : memref<256xi32, #tpu.memory_space<vmem>>, vector<16xi32>,
      %rev3A_904 = arith.constant 15 : i32
      %rev3A_905 = vector.broadcast %rev3A_904 : i32 to vector<16xi32>
      %rev3A_906 = tpu.iota {dimensions = array<i32: 0>} : vector<16xi32>
      %rev3A_907 = arith.subi %rev3A_905, %rev3A_906 : vector<16xi32>
      %rev3A_908 = tpu.dynamic_gather %get3A_903[%rev3A_907] in [0] : vector<16xi32>, vector<16xi32> -> vector<16xi32>
      %broadcast_in_dim3A_909 = arith.constant true
      %broadcast_in_dim3A_910 = vector.broadcast %broadcast_in_dim3A_909 : i1 to vector<16xi1>
      %masked_cumsum3A_911 = tpu.scan <sum>, %rev3A_908 masked %broadcast_in_dim3A_910 : vector<16xi32>, vector<16xi1> -> vector<16xi32>
      %add3A_912 = arith.addi %masked_cumsum3A_911, %add3A_901 : vector<16xi32>
      %rev3A_913 = arith.constant 15 : i32
      %rev3A_914 = vector.broadcast %rev3A_913 : i32 to vector<16xi32>
      %rev3A_915 = tpu.iota {dimensions = array<i32: 0>} : vector<16xi32>
      %rev3A_916 = arith.subi %rev3A_914, %rev3A_915 : vector<16xi32>
      %rev3A_917 = tpu.dynamic_gather %add3A_912[%rev3A_916] in [0] : vector<16xi32>, vector<16xi32> -> vector<16xi32>
      %swap3A_918 = arith.constant 64 : index
      %swap3A_919 = tpu.vector_load %arg18[%swap3A_918] {strides = array<i32>} : memref<256xi32, #tpu.memory_space<vmem>>, vector<16xi32>,
      tpu.vector_store %arg18[%swap3A_918], %rev3A_917 {strides = array<i32>} : memref<256xi32, #tpu.memory_space<vmem>>, vector<16xi32>,
      %ge3A_920 = arith.cmpi sge, %rev3A_917, %broadcast_in_dim3A_31 : vector<16xi32>
      %all_reduce_population_count3A_921 = tpu.all_reduce %ge3A_920 {dim = 0 : i64, kind = #tpu.reduction_kind<sum>} : vector<16xi1> -> vector<16xi32>
      %add3A_922 = arith.addi %add3A_895, %all_reduce_population_count3A_921 : vector<16xi32>
      %reduce_sum3A_923 = arith.constant true
      %reduce_sum3A_924 = vector.broadcast %reduce_sum3A_923 : i1 to vector<16xi1>
      %reduce_sum3A_925 = tpu.scan <sum>, %get3A_903 masked %reduce_sum3A_924 : vector<16xi32>, vector<16xi1> -> vector<16xi32>
      %reduce_sum3A_926 = vector.extract %reduce_sum3A_925[15] : i32 from vector<16xi32>
      %add3A_927 = vector.broadcast %reduce_sum3A_926 : i32 to vector<16xi32>
      %add3A_928 = arith.addi %add3A_901, %add3A_927 : vector<16xi32>
      %get3A_929 = arith.constant 48 : index
      %get3A_930 = tpu.vector_load %arg17[%get3A_929] {strides = array<i32>} : memref<256xi32, #tpu.memory_space<vmem>>, vector<16xi32>,
      %rev3A_931 = arith.constant 15 : i32
      %rev3A_932 = vector.broadcast %rev3A_931 : i32 to vector<16xi32>
      %rev3A_933 = tpu.iota {dimensions = array<i32: 0>} : vector<16xi32>
      %rev3A_934 = arith.subi %rev3A_932, %rev3A_933 : vector<16xi32>
      %rev3A_935 = tpu.dynamic_gather %get3A_930[%rev3A_934] in [0] : vector<16xi32>, vector<16xi32> -> vector<16xi32>
      %broadcast_in_dim3A_936 = arith.constant true
      %broadcast_in_dim3A_937 = vector.broadcast %broadcast_in_dim3A_936 : i1 to vector<16xi1>
      %masked_cumsum3A_938 = tpu.scan <sum>, %rev3A_935 masked %broadcast_in_dim3A_937 : vector<16xi32>, vector<16xi1> -> vector<16xi32>
      %add3A_939 = arith.addi %masked_cumsum3A_938, %add3A_928 : vector<16xi32>
      %rev3A_940 = arith.constant 15 : i32
      %rev3A_941 = vector.broadcast %rev3A_940 : i32 to vector<16xi32>
      %rev3A_942 = tpu.iota {dimensions = array<i32: 0>} : vector<16xi32>
      %rev3A_943 = arith.subi %rev3A_941, %rev3A_942 : vector<16xi32>
      %rev3A_944 = tpu.dynamic_gather %add3A_939[%rev3A_943] in [0] : vector<16xi32>, vector<16xi32> -> vector<16xi32>
      %swap3A_945 = arith.constant 48 : index
      %swap3A_946 = tpu.vector_load %arg18[%swap3A_945] {strides = array<i32>} : memref<256xi32, #tpu.memory_space<vmem>>, vector<16xi32>,
      tpu.vector_store %arg18[%swap3A_945], %rev3A_944 {strides = array<i32>} : memref<256xi32, #tpu.memory_space<vmem>>, vector<16xi32>,
      %ge3A_947 = arith.cmpi sge, %rev3A_944, %broadcast_in_dim3A_31 : vector<16xi32>
      %all_reduce_population_count3A_948 = tpu.all_reduce %ge3A_947 {dim = 0 : i64, kind = #tpu.reduction_kind<sum>} : vector<16xi1> -> vector<16xi32>
      %add3A_949 = arith.addi %add3A_922, %all_reduce_population_count3A_948 : vector<16xi32>
      %reduce_sum3A_950 = arith.constant true
      %reduce_sum3A_951 = vector.broadcast %reduce_sum3A_950 : i1 to vector<16xi1>
      %reduce_sum3A_952 = tpu.scan <sum>, %get3A_930 masked %reduce_sum3A_951 : vector<16xi32>, vector<16xi1> -> vector<16xi32>
      %reduce_sum3A_953 = vector.extract %reduce_sum3A_952[15] : i32 from vector<16xi32>
      %add3A_954 = vector.broadcast %reduce_sum3A_953 : i32 to vector<16xi32>
      %add3A_955 = arith.addi %add3A_928, %add3A_954 : vector<16xi32>
      %get3A_956 = arith.constant 32 : index
      %get3A_957 = tpu.vector_load %arg17[%get3A_956] {strides = array<i32>} : memref<256xi32, #tpu.memory_space<vmem>>, vector<16xi32>,
      %rev3A_958 = arith.constant 15 : i32
      %rev3A_959 = vector.broadcast %rev3A_958 : i32 to vector<16xi32>
      %rev3A_960 = tpu.iota {dimensions = array<i32: 0>} : vector<16xi32>
      %rev3A_961 = arith.subi %rev3A_959, %rev3A_960 : vector<16xi32>
      %rev3A_962 = tpu.dynamic_gather %get3A_957[%rev3A_961] in [0] : vector<16xi32>, vector<16xi32> -> vector<16xi32>
      %broadcast_in_dim3A_963 = arith.constant true
      %broadcast_in_dim3A_964 = vector.broadcast %broadcast_in_dim3A_963 : i1 to vector<16xi1>
      %masked_cumsum3A_965 = tpu.scan <sum>, %rev3A_962 masked %broadcast_in_dim3A_964 : vector<16xi32>, vector<16xi1> -> vector<16xi32>
      %add3A_966 = arith.addi %masked_cumsum3A_965, %add3A_955 : vector<16xi32>
      %rev3A_967 = arith.constant 15 : i32
      %rev3A_968 = vector.broadcast %rev3A_967 : i32 to vector<16xi32>
      %rev3A_969 = tpu.iota {dimensions = array<i32: 0>} : vector<16xi32>
      %rev3A_970 = arith.subi %rev3A_968, %rev3A_969 : vector<16xi32>
      %rev3A_971 = tpu.dynamic_gather %add3A_966[%rev3A_970] in [0] : vector<16xi32>, vector<16xi32> -> vector<16xi32>
      %swap3A_972 = arith.constant 32 : index
      %swap3A_973 = tpu.vector_load %arg18[%swap3A_972] {strides = array<i32>} : memref<256xi32, #tpu.memory_space<vmem>>, vector<16xi32>,
      tpu.vector_store %arg18[%swap3A_972], %rev3A_971 {strides = array<i32>} : memref<256xi32, #tpu.memory_space<vmem>>, vector<16xi32>,
      %ge3A_974 = arith.cmpi sge, %rev3A_971, %broadcast_in_dim3A_31 : vector<16xi32>
      %all_reduce_population_count3A_975 = tpu.all_reduce %ge3A_974 {dim = 0 : i64, kind = #tpu.reduction_kind<sum>} : vector<16xi1> -> vector<16xi32>
      %add3A_976 = arith.addi %add3A_949, %all_reduce_population_count3A_975 : vector<16xi32>
      %reduce_sum3A_977 = arith.constant true
      %reduce_sum3A_978 = vector.broadcast %reduce_sum3A_977 : i1 to vector<16xi1>
      %reduce_sum3A_979 = tpu.scan <sum>, %get3A_957 masked %reduce_sum3A_978 : vector<16xi32>, vector<16xi1> -> vector<16xi32>
      %reduce_sum3A_980 = vector.extract %reduce_sum3A_979[15] : i32 from vector<16xi32>
      %add3A_981 = vector.broadcast %reduce_sum3A_980 : i32 to vector<16xi32>
      %add3A_982 = arith.addi %add3A_955, %add3A_981 : vector<16xi32>
      %get3A_983 = arith.constant 16 : index
      %get3A_984 = tpu.vector_load %arg17[%get3A_983] {strides = array<i32>} : memref<256xi32, #tpu.memory_space<vmem>>, vector<16xi32>,
      %rev3A_985 = arith.constant 15 : i32
      %rev3A_986 = vector.broadcast %rev3A_985 : i32 to vector<16xi32>
      %rev3A_987 = tpu.iota {dimensions = array<i32: 0>} : vector<16xi32>
      %rev3A_988 = arith.subi %rev3A_986, %rev3A_987 : vector<16xi32>
      %rev3A_989 = tpu.dynamic_gather %get3A_984[%rev3A_988] in [0] : vector<16xi32>, vector<16xi32> -> vector<16xi32>
      %broadcast_in_dim3A_990 = arith.constant true
      %broadcast_in_dim3A_991 = vector.broadcast %broadcast_in_dim3A_990 : i1 to vector<16xi1>
      %masked_cumsum3A_992 = tpu.scan <sum>, %rev3A_989 masked %broadcast_in_dim3A_991 : vector<16xi32>, vector<16xi1> -> vector<16xi32>
      %add3A_993 = arith.addi %masked_cumsum3A_992, %add3A_982 : vector<16xi32>
      %rev3A_994 = arith.constant 15 : i32
      %rev3A_995 = vector.broadcast %rev3A_994 : i32 to vector<16xi32>
      %rev3A_996 = tpu.iota {dimensions = array<i32: 0>} : vector<16xi32>
      %rev3A_997 = arith.subi %rev3A_995, %rev3A_996 : vector<16xi32>
      %rev3A_998 = tpu.dynamic_gather %add3A_993[%rev3A_997] in [0] : vector<16xi32>, vector<16xi32> -> vector<16xi32>
      %swap3A_999 = arith.constant 16 : index
      %swap3A_1000 = tpu.vector_load %arg18[%swap3A_999] {strides = array<i32>} : memref<256xi32, #tpu.memory_space<vmem>>, vector<16xi32>,
      tpu.vector_store %arg18[%swap3A_999], %rev3A_998 {strides = array<i32>} : memref<256xi32, #tpu.memory_space<vmem>>, vector<16xi32>,
      %ge3A_1001 = arith.cmpi sge, %rev3A_998, %broadcast_in_dim3A_31 : vector<16xi32>
      %all_reduce_population_count3A_1002 = tpu.all_reduce %ge3A_1001 {dim = 0 : i64, kind = #tpu.reduction_kind<sum>} : vector<16xi1> -> vector<16xi32>
      %add3A_1003 = arith.addi %add3A_976, %all_reduce_population_count3A_1002 : vector<16xi32>
      %reduce_sum3A_1004 = arith.constant true
      %reduce_sum3A_1005 = vector.broadcast %reduce_sum3A_1004 : i1 to vector<16xi1>
      %reduce_sum3A_1006 = tpu.scan <sum>, %get3A_984 masked %reduce_sum3A_1005 : vector<16xi32>, vector<16xi1> -> vector<16xi32>
      %reduce_sum3A_1007 = vector.extract %reduce_sum3A_1006[15] : i32 from vector<16xi32>
      %add3A_1008 = vector.broadcast %reduce_sum3A_1007 : i32 to vector<16xi32>
      %add3A_1009 = arith.addi %add3A_982, %add3A_1008 : vector<16xi32>
      %get3A_1010 = arith.constant 0 : index
      %get3A_1011 = tpu.vector_load %arg17[%get3A_1010] {strides = array<i32>} : memref<256xi32, #tpu.memory_space<vmem>>, vector<16xi32>,
      %rev3A_1012 = arith.constant 15 : i32
      %rev3A_1013 = vector.broadcast %rev3A_1012 : i32 to vector<16xi32>
      %rev3A_1014 = tpu.iota {dimensions = array<i32: 0>} : vector<16xi32>
      %rev3A_1015 = arith.subi %rev3A_1013, %rev3A_1014 : vector<16xi32>
      %rev3A_1016 = tpu.dynamic_gather %get3A_1011[%rev3A_1015] in [0] : vector<16xi32>, vector<16xi32> -> vector<16xi32>
      %broadcast_in_dim3A_1017 = arith.constant true
      %broadcast_in_dim3A_1018 = vector.broadcast %broadcast_in_dim3A_1017 : i1 to vector<16xi1>
      %masked_cumsum3A_1019 = tpu.scan <sum>, %rev3A_1016 masked %broadcast_in_dim3A_1018 : vector<16xi32>, vector<16xi1> -> vector<16xi32>
      %add3A_1020 = arith.addi %masked_cumsum3A_1019, %add3A_1009 : vector<16xi32>
      %rev3A_1021 = arith.constant 15 : i32
      %rev3A_1022 = vector.broadcast %rev3A_1021 : i32 to vector<16xi32>
      %rev3A_1023 = tpu.iota {dimensions = array<i32: 0>} : vector<16xi32>
      %rev3A_1024 = arith.subi %rev3A_1022, %rev3A_1023 : vector<16xi32>
      %rev3A_1025 = tpu.dynamic_gather %add3A_1020[%rev3A_1024] in [0] : vector<16xi32>, vector<16xi32> -> vector<16xi32>
      %swap3A_1026 = arith.constant 0 : index
      %swap3A_1027 = tpu.vector_load %arg18[%swap3A_1026] {strides = array<i32>} : memref<256xi32, #tpu.memory_space<vmem>>, vector<16xi32>,
      tpu.vector_store %arg18[%swap3A_1026], %rev3A_1025 {strides = array<i32>} : memref<256xi32, #tpu.memory_space<vmem>>, vector<16xi32>,
      %ge3A_1028 = arith.cmpi sge, %rev3A_1025, %broadcast_in_dim3A_31 : vector<16xi32>
      %all_reduce_population_count3A_1029 = tpu.all_reduce %ge3A_1028 {dim = 0 : i64, kind = #tpu.reduction_kind<sum>} : vector<16xi1> -> vector<16xi32>
      %add3A_1030 = arith.addi %add3A_1003, %all_reduce_population_count3A_1029 : vector<16xi32>
      %reduce_sum3A_1031 = arith.constant true
      %reduce_sum3A_1032 = vector.broadcast %reduce_sum3A_1031 : i1 to vector<16xi1>
      %reduce_sum3A_1033 = tpu.scan <sum>, %get3A_1011 masked %reduce_sum3A_1032 : vector<16xi32>, vector<16xi1> -> vector<16xi32>
      %reduce_sum3A_1034 = vector.extract %reduce_sum3A_1033[15] : i32 from vector<16xi32>
      %add3A_1035 = vector.broadcast %reduce_sum3A_1034 : i32 to vector<16xi32>
      %add3A_1036 = arith.addi %add3A_1009, %add3A_1035 : vector<16xi32>
      %sub3A_1037 = arith.constant 1 : i32
      %sub3A_1038 = vector.broadcast %sub3A_1037 : i32 to vector<16xi32>
      %sub3A_1039 = arith.subi %add3A_1030, %sub3A_1038 : vector<16xi32>
      %gather3A_1040 = tpu.vector_load_idx %arg18[%sub3A_1039] : memref<256xi32, #tpu.memory_space<vmem>>[vector<16xi32>], vector<16xi32>,
      %gather3A_1041 = tpu.vector_load_idx %arg17[%sub3A_1039] : memref<256xi32, #tpu.memory_space<vmem>>[vector<16xi32>], vector<16xi32>,
      %sub3A_1042 = arith.subi %gather3A_1040, %gather3A_1041 : vector<16xi32>
      %sub3A_1043 = arith.subi %broadcast_in_dim3A_31, %sub3A_1042 : vector<16xi32>
      %shift_left3A_1044 = arith.constant 24 : i32
      %shift_left3A_1045 = vector.broadcast %shift_left3A_1044 : i32 to vector<16xi32>
      %shift_left3A_1046 = arith.shli %sub3A_1039, %shift_left3A_1045 : vector<16xi32>
      %or3A = arith.ori %broadcast_in_dim3A_579, %shift_left3A_1046 : vector<16xi32>
      %while3A_1047 = arith.constant 0 : i32
      %while3A_1048 = arith.constant 0 : i32
      %while3A_1049 = arith.subi %select_n3A_530, %while3A_1047 : i32
      %while3A_1050 = arith.addi %while3A_1047, %while3A_1049 : i32
      %while3A_1051 = arith.constant 1 : i32
      %while3A_1052 = arith.divsi %while3A_1049, %while3A_1051 : i32
      %while3A_1053 = arith.muli %while3A_1052, %while3A_1051 : i32
      %while3A_1054 = arith.addi %while3A_1047, %while3A_1053 : i32
      %while3A_1055 = arith.constant 1 : i32
      %while3A_1056 = scf.for %while3A_2610 = %while3A_1047 to %while3A_1054 step %while3A_1055 iter_args(%while3A_2611 = %while3A_1048) -> (i32)  : i32 {
        %mul3A_2612 = arith.constant 16 : i32
        %mul3A_2613 = arith.muli %while3A_2610, %mul3A_2612 : i32
        %get3A_2614 = arith.index_cast %mul3A_2613 : i32 to index
        %get3A_2615 = tpu.vector_load %arg9[%get3A_2614] {strides = array<i32>} : memref<8208xi32, #tpu.memory_space<vmem>>, vector<16xi32>,
        %bitcast_convert_type3A_2616 = tpu.bitcast %get3A_2615 : vector<16xi32> -> vector<16xi32>
        %mul3A_2617 = arith.constant 16 : i32
        %mul3A_2618 = arith.muli %while3A_2610, %mul3A_2617 : i32
        %add3A_2619 = vector.broadcast %mul3A_2618 : i32 to vector<16xi32>
        %add3A_2620 = arith.addi %iota3A, %add3A_2619 : vector<16xi32>
        %lt3A_2621 = arith.cmpi slt, %add3A_2620, %add3A_500 : vector<16xi32>
        %shift_right_logical3A = arith.constant 24 : i32
        %shift_right_logical3A_2622 = vector.broadcast %shift_right_logical3A : i32 to vector<16xi32>
        %shift_right_logical3A_2623 = arith.shrui %bitcast_convert_type3A_2616, %shift_right_logical3A_2622 : vector<16xi32>
        %shift_right_logical3A_2624 = arith.constant 24 : i32
        %shift_right_logical3A_2625 = vector.broadcast %shift_right_logical3A_2624 : i32 to vector<16xi32>
        %shift_right_logical3A_2626 = arith.shrui %or3A, %shift_right_logical3A_2625 : vector<16xi32>
        %eq3A = arith.cmpi eq, %shift_right_logical3A_2623, %shift_right_logical3A_2626 : vector<16xi32>
        %and3A_2627 = arith.andi %lt3A_2621, %eq3A : vector<16xi1>
        %shift_right_logical3A_2628 = arith.constant 16 : i32
        %shift_right_logical3A_2629 = vector.broadcast %shift_right_logical3A_2628 : i32 to vector<16xi32>
        %shift_right_logical3A_2630 = arith.shrui %bitcast_convert_type3A_2616, %shift_right_logical3A_2629 : vector<16xi32>
        %and3A_2631 = arith.constant 255 : i32
        %and3A_2632 = vector.broadcast %and3A_2631 : i32 to vector<16xi32>
        %and3A_2633 = arith.andi %shift_right_logical3A_2630, %and3A_2632 : vector<16xi32>
        %add3A_2634 = arith.addi %mul3A_10, %and3A_2633 : vector<16xi32>
        tpu.vector_store_idx %arg11[%add3A_2634], %broadcast_in_dim3A_11 masked %and3A_2627 {add = true} : memref<4368xi32, #tpu.memory_space<vmem>>[vector<16xi32>], vector<16xi32>, vector<16xi1>
        %while3A_2635 = arith.constant 0 : i32
        scf.yield %while3A_2635 : i32
      }
      %while3A_1057 = arith.constant 1 : i32
      %while3A_1058 = scf.for %while3A_2610 = %while3A_1054 to %while3A_1050 step %while3A_1057 iter_args(%while3A_2611 = %while3A_1056) -> (i32)  : i32 {
        %mul3A_2612 = arith.constant 16 : i32
        %mul3A_2613 = arith.muli %while3A_2610, %mul3A_2612 : i32
        %get3A_2614 = arith.index_cast %mul3A_2613 : i32 to index
        %get3A_2615 = tpu.vector_load %arg9[%get3A_2614] {strides = array<i32>} : memref<8208xi32, #tpu.memory_space<vmem>>, vector<16xi32>,
        %bitcast_convert_type3A_2616 = tpu.bitcast %get3A_2615 : vector<16xi32> -> vector<16xi32>
        %mul3A_2617 = arith.constant 16 : i32
        %mul3A_2618 = arith.muli %while3A_2610, %mul3A_2617 : i32
        %add3A_2619 = vector.broadcast %mul3A_2618 : i32 to vector<16xi32>
        %add3A_2620 = arith.addi %iota3A, %add3A_2619 : vector<16xi32>
        %lt3A_2621 = arith.cmpi slt, %add3A_2620, %add3A_500 : vector<16xi32>
        %shift_right_logical3A = arith.constant 24 : i32
        %shift_right_logical3A_2622 = vector.broadcast %shift_right_logical3A : i32 to vector<16xi32>
        %shift_right_logical3A_2623 = arith.shrui %bitcast_convert_type3A_2616, %shift_right_logical3A_2622 : vector<16xi32>
        %shift_right_logical3A_2624 = arith.constant 24 : i32
        %shift_right_logical3A_2625 = vector.broadcast %shift_right_logical3A_2624 : i32 to vector<16xi32>
        %shift_right_logical3A_2626 = arith.shrui %or3A, %shift_right_logical3A_2625 : vector<16xi32>
        %eq3A = arith.cmpi eq, %shift_right_logical3A_2623, %shift_right_logical3A_2626 : vector<16xi32>
        %and3A_2627 = arith.andi %lt3A_2621, %eq3A : vector<16xi1>
        %shift_right_logical3A_2628 = arith.constant 16 : i32
        %shift_right_logical3A_2629 = vector.broadcast %shift_right_logical3A_2628 : i32 to vector<16xi32>
        %shift_right_logical3A_2630 = arith.shrui %bitcast_convert_type3A_2616, %shift_right_logical3A_2629 : vector<16xi32>
        %and3A_2631 = arith.constant 255 : i32
        %and3A_2632 = vector.broadcast %and3A_2631 : i32 to vector<16xi32>
        %and3A_2633 = arith.andi %shift_right_logical3A_2630, %and3A_2632 : vector<16xi32>
        %add3A_2634 = arith.addi %mul3A_10, %and3A_2633 : vector<16xi32>
        tpu.vector_store_idx %arg11[%add3A_2634], %broadcast_in_dim3A_11 masked %and3A_2627 {add = true} : memref<4368xi32, #tpu.memory_space<vmem>>[vector<16xi32>], vector<16xi32>, vector<16xi1>
        %while3A_2635 = arith.constant 0 : i32
        scf.yield %while3A_2635 : i32
      }
      %broadcast_in_dim3A_1059 = arith.constant 0 : i32
      %broadcast_in_dim3A_1060 = vector.broadcast %broadcast_in_dim3A_1059 : i32 to vector<16xi32>
      %scan3A_1061 = arith.constant 0 : i32
      %scan3A_1062 = arith.constant 0 : i32
      %scan3A_1063 = arith.constant 16 : i32
      %scan3A_1064 = arith.addi %scan3A_1062, %scan3A_1063 : i32
      %scan3A_1065 = arith.constant 1 : i32
      %scan3A_1066 = scf.for %scan3A_2610 = %scan3A_1062 to %scan3A_1064 step %scan3A_1065 iter_args(%scan3A_2611 = %scan3A_1061) -> (i32)  : i32 {
        %broadcast_in_dim3A_2612 = arith.constant 0 : i32
        %broadcast_in_dim3A_2613 = vector.broadcast %broadcast_in_dim3A_2612 : i32 to vector<16xi32>
        %mul3A_2614 = arith.constant 16 : i32
        %mul3A_2615 = arith.muli %scan3A_2610, %mul3A_2614 : i32
        %add3A_2616 = arith.constant 0 : i32
        %add3A_2617 = arith.addi %add3A_2616, %mul3A_2615 : i32
        %get3A_2618 = arith.index_cast %add3A_2617 : i32 to index
        %get3A_2619 = tpu.vector_load %arg11[%get3A_2618] {strides = array<i32>} : memref<4368xi32, #tpu.memory_space<vmem>>, vector<16xi32>,
        %add3A_2620 = arith.addi %broadcast_in_dim3A_2613, %get3A_2619 : vector<16xi32>
        %swap3A_2621 = arith.index_cast %add3A_2617 : i32 to index
        %swap3A_2622 = tpu.vector_load %arg11[%swap3A_2621] {strides = array<i32>} : memref<4368xi32, #tpu.memory_space<vmem>>, vector<16xi32>,
        tpu.vector_store %arg11[%swap3A_2621], %broadcast_in_dim3A_1060 {strides = array<i32>} : memref<4368xi32, #tpu.memory_space<vmem>>, vector<16xi32>,
        %mul3A_2623 = arith.constant 16 : i32
        %mul3A_2624 = arith.muli %scan3A_2610, %mul3A_2623 : i32
        %add3A_2625 = arith.constant 273 : i32
        %add3A_2626 = arith.addi %add3A_2625, %mul3A_2624 : i32
        %get3A_2627 = arith.index_cast %add3A_2626 : i32 to index
        %get3A_2628 = tpu.vector_load %arg11[%get3A_2627] {strides = array<i32>} : memref<4368xi32, #tpu.memory_space<vmem>>, vector<16xi32>,
        %add3A_2629 = arith.addi %add3A_2620, %get3A_2628 : vector<16xi32>
        %swap3A_2630 = arith.index_cast %add3A_2626 : i32 to index
        %swap3A_2631 = tpu.vector_load %arg11[%swap3A_2630] {strides = array<i32>} : memref<4368xi32, #tpu.memory_space<vmem>>, vector<16xi32>,
        tpu.vector_store %arg11[%swap3A_2630], %broadcast_in_dim3A_1060 {strides = array<i32>} : memref<4368xi32, #tpu.memory_space<vmem>>, vector<16xi32>,
        %mul3A_2632 = arith.constant 16 : i32
        %mul3A_2633 = arith.muli %scan3A_2610, %mul3A_2632 : i32
        %add3A_2634 = arith.constant 546 : i32
        %add3A_2635 = arith.addi %add3A_2634, %mul3A_2633 : i32
        %get3A_2636 = arith.index_cast %add3A_2635 : i32 to index
        %get3A_2637 = tpu.vector_load %arg11[%get3A_2636] {strides = array<i32>} : memref<4368xi32, #tpu.memory_space<vmem>>, vector<16xi32>,
        %add3A_2638 = arith.addi %add3A_2629, %get3A_2637 : vector<16xi32>
        %swap3A_2639 = arith.index_cast %add3A_2635 : i32 to index
        %swap3A_2640 = tpu.vector_load %arg11[%swap3A_2639] {strides = array<i32>} : memref<4368xi32, #tpu.memory_space<vmem>>, vector<16xi32>,
        tpu.vector_store %arg11[%swap3A_2639], %broadcast_in_dim3A_1060 {strides = array<i32>} : memref<4368xi32, #tpu.memory_space<vmem>>, vector<16xi32>,
        %mul3A_2641 = arith.constant 16 : i32
        %mul3A_2642 = arith.muli %scan3A_2610, %mul3A_2641 : i32
        %add3A_2643 = arith.constant 819 : i32
        %add3A_2644 = arith.addi %add3A_2643, %mul3A_2642 : i32
        %get3A_2645 = arith.index_cast %add3A_2644 : i32 to index
        %get3A_2646 = tpu.vector_load %arg11[%get3A_2645] {strides = array<i32>} : memref<4368xi32, #tpu.memory_space<vmem>>, vector<16xi32>,
        %add3A_2647 = arith.addi %add3A_2638, %get3A_2646 : vector<16xi32>
        %swap3A_2648 = arith.index_cast %add3A_2644 : i32 to index
        %swap3A_2649 = tpu.vector_load %arg11[%swap3A_2648] {strides = array<i32>} : memref<4368xi32, #tpu.memory_space<vmem>>, vector<16xi32>,
        tpu.vector_store %arg11[%swap3A_2648], %broadcast_in_dim3A_1060 {strides = array<i32>} : memref<4368xi32, #tpu.memory_space<vmem>>, vector<16xi32>,
        %mul3A_2650 = arith.constant 16 : i32
        %mul3A_2651 = arith.muli %scan3A_2610, %mul3A_2650 : i32
        %add3A_2652 = arith.constant 1092 : i32
        %add3A_2653 = arith.addi %add3A_2652, %mul3A_2651 : i32
        %get3A_2654 = arith.index_cast %add3A_2653 : i32 to index
        %get3A_2655 = tpu.vector_load %arg11[%get3A_2654] {strides = array<i32>} : memref<4368xi32, #tpu.memory_space<vmem>>, vector<16xi32>,
        %add3A_2656 = arith.addi %add3A_2647, %get3A_2655 : vector<16xi32>
        %swap3A_2657 = arith.index_cast %add3A_2653 : i32 to index
        %swap3A_2658 = tpu.vector_load %arg11[%swap3A_2657] {strides = array<i32>} : memref<4368xi32, #tpu.memory_space<vmem>>, vector<16xi32>,
        tpu.vector_store %arg11[%swap3A_2657], %broadcast_in_dim3A_1060 {strides = array<i32>} : memref<4368xi32, #tpu.memory_space<vmem>>, vector<16xi32>,
        %mul3A_2659 = arith.constant 16 : i32
        %mul3A_2660 = arith.muli %scan3A_2610, %mul3A_2659 : i32
        %add3A_2661 = arith.constant 1365 : i32
        %add3A_2662 = arith.addi %add3A_2661, %mul3A_2660 : i32
        %get3A_2663 = arith.index_cast %add3A_2662 : i32 to index
        %get3A_2664 = tpu.vector_load %arg11[%get3A_2663] {strides = array<i32>} : memref<4368xi32, #tpu.memory_space<vmem>>, vector<16xi32>,
        %add3A_2665 = arith.addi %add3A_2656, %get3A_2664 : vector<16xi32>
        %swap3A_2666 = arith.index_cast %add3A_2662 : i32 to index
        %swap3A_2667 = tpu.vector_load %arg11[%swap3A_2666] {strides = array<i32>} : memref<4368xi32, #tpu.memory_space<vmem>>, vector<16xi32>,
        tpu.vector_store %arg11[%swap3A_2666], %broadcast_in_dim3A_1060 {strides = array<i32>} : memref<4368xi32, #tpu.memory_space<vmem>>, vector<16xi32>,
        %mul3A_2668 = arith.constant 16 : i32
        %mul3A_2669 = arith.muli %scan3A_2610, %mul3A_2668 : i32
        %add3A_2670 = arith.constant 1638 : i32
        %add3A_2671 = arith.addi %add3A_2670, %mul3A_2669 : i32
        %get3A_2672 = arith.index_cast %add3A_2671 : i32 to index
        %get3A_2673 = tpu.vector_load %arg11[%get3A_2672] {strides = array<i32>} : memref<4368xi32, #tpu.memory_space<vmem>>, vector<16xi32>,
        %add3A_2674 = arith.addi %add3A_2665, %get3A_2673 : vector<16xi32>
        %swap3A_2675 = arith.index_cast %add3A_2671 : i32 to index
        %swap3A_2676 = tpu.vector_load %arg11[%swap3A_2675] {strides = array<i32>} : memref<4368xi32, #tpu.memory_space<vmem>>, vector<16xi32>,
        tpu.vector_store %arg11[%swap3A_2675], %broadcast_in_dim3A_1060 {strides = array<i32>} : memref<4368xi32, #tpu.memory_space<vmem>>, vector<16xi32>,
        %mul3A_2677 = arith.constant 16 : i32
        %mul3A_2678 = arith.muli %scan3A_2610, %mul3A_2677 : i32
        %add3A_2679 = arith.constant 1911 : i32
        %add3A_2680 = arith.addi %add3A_2679, %mul3A_2678 : i32
        %get3A_2681 = arith.index_cast %add3A_2680 : i32 to index
        %get3A_2682 = tpu.vector_load %arg11[%get3A_2681] {strides = array<i32>} : memref<4368xi32, #tpu.memory_space<vmem>>, vector<16xi32>,
        %add3A_2683 = arith.addi %add3A_2674, %get3A_2682 : vector<16xi32>
        %swap3A_2684 = arith.index_cast %add3A_2680 : i32 to index
        %swap3A_2685 = tpu.vector_load %arg11[%swap3A_2684] {strides = array<i32>} : memref<4368xi32, #tpu.memory_space<vmem>>, vector<16xi32>,
        tpu.vector_store %arg11[%swap3A_2684], %broadcast_in_dim3A_1060 {strides = array<i32>} : memref<4368xi32, #tpu.memory_space<vmem>>, vector<16xi32>,
        %mul3A_2686 = arith.constant 16 : i32
        %mul3A_2687 = arith.muli %scan3A_2610, %mul3A_2686 : i32
        %add3A_2688 = arith.constant 2184 : i32
        %add3A_2689 = arith.addi %add3A_2688, %mul3A_2687 : i32
        %get3A_2690 = arith.index_cast %add3A_2689 : i32 to index
        %get3A_2691 = tpu.vector_load %arg11[%get3A_2690] {strides = array<i32>} : memref<4368xi32, #tpu.memory_space<vmem>>, vector<16xi32>,
        %add3A_2692 = arith.addi %add3A_2683, %get3A_2691 : vector<16xi32>
        %swap3A_2693 = arith.index_cast %add3A_2689 : i32 to index
        %swap3A_2694 = tpu.vector_load %arg11[%swap3A_2693] {strides = array<i32>} : memref<4368xi32, #tpu.memory_space<vmem>>, vector<16xi32>,
        tpu.vector_store %arg11[%swap3A_2693], %broadcast_in_dim3A_1060 {strides = array<i32>} : memref<4368xi32, #tpu.memory_space<vmem>>, vector<16xi32>,
        %mul3A_2695 = arith.constant 16 : i32
        %mul3A_2696 = arith.muli %scan3A_2610, %mul3A_2695 : i32
        %add3A_2697 = arith.constant 2457 : i32
        %add3A_2698 = arith.addi %add3A_2697, %mul3A_2696 : i32
        %get3A_2699 = arith.index_cast %add3A_2698 : i32 to index
        %get3A_2700 = tpu.vector_load %arg11[%get3A_2699] {strides = array<i32>} : memref<4368xi32, #tpu.memory_space<vmem>>, vector<16xi32>,
        %add3A_2701 = arith.addi %add3A_2692, %get3A_2700 : vector<16xi32>
        %swap3A_2702 = arith.index_cast %add3A_2698 : i32 to index
        %swap3A_2703 = tpu.vector_load %arg11[%swap3A_2702] {strides = array<i32>} : memref<4368xi32, #tpu.memory_space<vmem>>, vector<16xi32>,
        tpu.vector_store %arg11[%swap3A_2702], %broadcast_in_dim3A_1060 {strides = array<i32>} : memref<4368xi32, #tpu.memory_space<vmem>>, vector<16xi32>,
        %mul3A_2704 = arith.constant 16 : i32
        %mul3A_2705 = arith.muli %scan3A_2610, %mul3A_2704 : i32
        %add3A_2706 = arith.constant 2730 : i32
        %add3A_2707 = arith.addi %add3A_2706, %mul3A_2705 : i32
        %get3A_2708 = arith.index_cast %add3A_2707 : i32 to index
        %get3A_2709 = tpu.vector_load %arg11[%get3A_2708] {strides = array<i32>} : memref<4368xi32, #tpu.memory_space<vmem>>, vector<16xi32>,
        %add3A_2710 = arith.addi %add3A_2701, %get3A_2709 : vector<16xi32>
        %swap3A_2711 = arith.index_cast %add3A_2707 : i32 to index
        %swap3A_2712 = tpu.vector_load %arg11[%swap3A_2711] {strides = array<i32>} : memref<4368xi32, #tpu.memory_space<vmem>>, vector<16xi32>,
        tpu.vector_store %arg11[%swap3A_2711], %broadcast_in_dim3A_1060 {strides = array<i32>} : memref<4368xi32, #tpu.memory_space<vmem>>, vector<16xi32>,
        %mul3A_2713 = arith.constant 16 : i32
        %mul3A_2714 = arith.muli %scan3A_2610, %mul3A_2713 : i32
        %add3A_2715 = arith.constant 3003 : i32
        %add3A_2716 = arith.addi %add3A_2715, %mul3A_2714 : i32
        %get3A_2717 = arith.index_cast %add3A_2716 : i32 to index
        %get3A_2718 = tpu.vector_load %arg11[%get3A_2717] {strides = array<i32>} : memref<4368xi32, #tpu.memory_space<vmem>>, vector<16xi32>,
        %add3A_2719 = arith.addi %add3A_2710, %get3A_2718 : vector<16xi32>
        %swap3A_2720 = arith.index_cast %add3A_2716 : i32 to index
        %swap3A_2721 = tpu.vector_load %arg11[%swap3A_2720] {strides = array<i32>} : memref<4368xi32, #tpu.memory_space<vmem>>, vector<16xi32>,
        tpu.vector_store %arg11[%swap3A_2720], %broadcast_in_dim3A_1060 {strides = array<i32>} : memref<4368xi32, #tpu.memory_space<vmem>>, vector<16xi32>,
        %mul3A_2722 = arith.constant 16 : i32
        %mul3A_2723 = arith.muli %scan3A_2610, %mul3A_2722 : i32
        %add3A_2724 = arith.constant 3276 : i32
        %add3A_2725 = arith.addi %add3A_2724, %mul3A_2723 : i32
        %get3A_2726 = arith.index_cast %add3A_2725 : i32 to index
        %get3A_2727 = tpu.vector_load %arg11[%get3A_2726] {strides = array<i32>} : memref<4368xi32, #tpu.memory_space<vmem>>, vector<16xi32>,
        %add3A_2728 = arith.addi %add3A_2719, %get3A_2727 : vector<16xi32>
        %swap3A_2729 = arith.index_cast %add3A_2725 : i32 to index
        %swap3A_2730 = tpu.vector_load %arg11[%swap3A_2729] {strides = array<i32>} : memref<4368xi32, #tpu.memory_space<vmem>>, vector<16xi32>,
        tpu.vector_store %arg11[%swap3A_2729], %broadcast_in_dim3A_1060 {strides = array<i32>} : memref<4368xi32, #tpu.memory_space<vmem>>, vector<16xi32>,
        %mul3A_2731 = arith.constant 16 : i32
        %mul3A_2732 = arith.muli %scan3A_2610, %mul3A_2731 : i32
        %add3A_2733 = arith.constant 3549 : i32
        %add3A_2734 = arith.addi %add3A_2733, %mul3A_2732 : i32
        %get3A_2735 = arith.index_cast %add3A_2734 : i32 to index
        %get3A_2736 = tpu.vector_load %arg11[%get3A_2735] {strides = array<i32>} : memref<4368xi32, #tpu.memory_space<vmem>>, vector<16xi32>,
        %add3A_2737 = arith.addi %add3A_2728, %get3A_2736 : vector<16xi32>
        %swap3A_2738 = arith.index_cast %add3A_2734 : i32 to index
        %swap3A_2739 = tpu.vector_load %arg11[%swap3A_2738] {strides = array<i32>} : memref<4368xi32, #tpu.memory_space<vmem>>, vector<16xi32>,
        tpu.vector_store %arg11[%swap3A_2738], %broadcast_in_dim3A_1060 {strides = array<i32>} : memref<4368xi32, #tpu.memory_space<vmem>>, vector<16xi32>,
        %mul3A_2740 = arith.constant 16 : i32
        %mul3A_2741 = arith.muli %scan3A_2610, %mul3A_2740 : i32
        %add3A_2742 = arith.constant 3822 : i32
        %add3A_2743 = arith.addi %add3A_2742, %mul3A_2741 : i32
        %get3A_2744 = arith.index_cast %add3A_2743 : i32 to index
        %get3A_2745 = tpu.vector_load %arg11[%get3A_2744] {strides = array<i32>} : memref<4368xi32, #tpu.memory_space<vmem>>, vector<16xi32>,
        %add3A_2746 = arith.addi %add3A_2737, %get3A_2745 : vector<16xi32>
        %swap3A_2747 = arith.index_cast %add3A_2743 : i32 to index
        %swap3A_2748 = tpu.vector_load %arg11[%swap3A_2747] {strides = array<i32>} : memref<4368xi32, #tpu.memory_space<vmem>>, vector<16xi32>,
        tpu.vector_store %arg11[%swap3A_2747], %broadcast_in_dim3A_1060 {strides = array<i32>} : memref<4368xi32, #tpu.memory_space<vmem>>, vector<16xi32>,
        %mul3A_2749 = arith.constant 16 : i32
        %mul3A_2750 = arith.muli %scan3A_2610, %mul3A_2749 : i32
        %add3A_2751 = arith.constant 4095 : i32
        %add3A_2752 = arith.addi %add3A_2751, %mul3A_2750 : i32
        %get3A_2753 = arith.index_cast %add3A_2752 : i32 to index
        %get3A_2754 = tpu.vector_load %arg11[%get3A_2753] {strides = array<i32>} : memref<4368xi32, #tpu.memory_space<vmem>>, vector<16xi32>,
        %add3A_2755 = arith.addi %add3A_2746, %get3A_2754 : vector<16xi32>
        %swap3A_2756 = arith.index_cast %add3A_2752 : i32 to index
        %swap3A_2757 = tpu.vector_load %arg11[%swap3A_2756] {strides = array<i32>} : memref<4368xi32, #tpu.memory_space<vmem>>, vector<16xi32>,
        tpu.vector_store %arg11[%swap3A_2756], %broadcast_in_dim3A_1060 {strides = array<i32>} : memref<4368xi32, #tpu.memory_space<vmem>>, vector<16xi32>,
        %mul3A_2758 = arith.constant 16 : i32
        %mul3A_2759 = arith.muli %scan3A_2610, %mul3A_2758 : i32
        %swap3A_2760 = arith.index_cast %mul3A_2759 : i32 to index
        %swap3A_2761 = tpu.vector_load %arg17[%swap3A_2760] {strides = array<i32>} : memref<256xi32, #tpu.memory_space<vmem>>, vector<16xi32>,
        tpu.vector_store %arg17[%swap3A_2760], %add3A_2755 {strides = array<i32>} : memref<256xi32, #tpu.memory_space<vmem>>, vector<16xi32>,
        %scan3A_2762 = arith.constant 0 : i32
        scf.yield %scan3A_2762 : i32
      }
      %scan3A_1067 = arith.constant 16 : i32
      %broadcast_in_dim3A_1068 = arith.constant 0 : i32
      %broadcast_in_dim3A_1069 = vector.broadcast %broadcast_in_dim3A_1068 : i32 to vector<16xi32>
      %broadcast_in_dim3A_1070 = arith.constant 0 : i32
      %broadcast_in_dim3A_1071 = vector.broadcast %broadcast_in_dim3A_1070 : i32 to vector<16xi32>
      %get3A_1072 = arith.constant 240 : index
      %get3A_1073 = tpu.vector_load %arg17[%get3A_1072] {strides = array<i32>} : memref<256xi32, #tpu.memory_space<vmem>>, vector<16xi32>,
      %rev3A_1074 = arith.constant 15 : i32
      %rev3A_1075 = vector.broadcast %rev3A_1074 : i32 to vector<16xi32>
      %rev3A_1076 = tpu.iota {dimensions = array<i32: 0>} : vector<16xi32>
      %rev3A_1077 = arith.subi %rev3A_1075, %rev3A_1076 : vector<16xi32>
      %rev3A_1078 = tpu.dynamic_gather %get3A_1073[%rev3A_1077] in [0] : vector<16xi32>, vector<16xi32> -> vector<16xi32>
      %broadcast_in_dim3A_1079 = arith.constant true
      %broadcast_in_dim3A_1080 = vector.broadcast %broadcast_in_dim3A_1079 : i1 to vector<16xi1>
      %masked_cumsum3A_1081 = tpu.scan <sum>, %rev3A_1078 masked %broadcast_in_dim3A_1080 : vector<16xi32>, vector<16xi1> -> vector<16xi32>
      %add3A_1082 = arith.addi %masked_cumsum3A_1081, %broadcast_in_dim3A_1069 : vector<16xi32>
      %rev3A_1083 = arith.constant 15 : i32
      %rev3A_1084 = vector.broadcast %rev3A_1083 : i32 to vector<16xi32>
      %rev3A_1085 = tpu.iota {dimensions = array<i32: 0>} : vector<16xi32>
      %rev3A_1086 = arith.subi %rev3A_1084, %rev3A_1085 : vector<16xi32>
      %rev3A_1087 = tpu.dynamic_gather %add3A_1082[%rev3A_1086] in [0] : vector<16xi32>, vector<16xi32> -> vector<16xi32>
      %swap3A_1088 = arith.constant 240 : index
      %swap3A_1089 = tpu.vector_load %arg18[%swap3A_1088] {strides = array<i32>} : memref<256xi32, #tpu.memory_space<vmem>>, vector<16xi32>,
      tpu.vector_store %arg18[%swap3A_1088], %rev3A_1087 {strides = array<i32>} : memref<256xi32, #tpu.memory_space<vmem>>, vector<16xi32>,
      %ge3A_1090 = arith.cmpi sge, %rev3A_1087, %sub3A_1043 : vector<16xi32>
      %all_reduce_population_count3A_1091 = tpu.all_reduce %ge3A_1090 {dim = 0 : i64, kind = #tpu.reduction_kind<sum>} : vector<16xi1> -> vector<16xi32>
      %add3A_1092 = arith.addi %broadcast_in_dim3A_1071, %all_reduce_population_count3A_1091 : vector<16xi32>
      %reduce_sum3A_1093 = arith.constant true
      %reduce_sum3A_1094 = vector.broadcast %reduce_sum3A_1093 : i1 to vector<16xi1>
      %reduce_sum3A_1095 = tpu.scan <sum>, %get3A_1073 masked %reduce_sum3A_1094 : vector<16xi32>, vector<16xi1> -> vector<16xi32>
      %reduce_sum3A_1096 = vector.extract %reduce_sum3A_1095[15] : i32 from vector<16xi32>
      %add3A_1097 = vector.broadcast %reduce_sum3A_1096 : i32 to vector<16xi32>
      %add3A_1098 = arith.addi %broadcast_in_dim3A_1069, %add3A_1097 : vector<16xi32>
      %get3A_1099 = arith.constant 224 : index
      %get3A_1100 = tpu.vector_load %arg17[%get3A_1099] {strides = array<i32>} : memref<256xi32, #tpu.memory_space<vmem>>, vector<16xi32>,
      %rev3A_1101 = arith.constant 15 : i32
      %rev3A_1102 = vector.broadcast %rev3A_1101 : i32 to vector<16xi32>
      %rev3A_1103 = tpu.iota {dimensions = array<i32: 0>} : vector<16xi32>
      %rev3A_1104 = arith.subi %rev3A_1102, %rev3A_1103 : vector<16xi32>
      %rev3A_1105 = tpu.dynamic_gather %get3A_1100[%rev3A_1104] in [0] : vector<16xi32>, vector<16xi32> -> vector<16xi32>
      %broadcast_in_dim3A_1106 = arith.constant true
      %broadcast_in_dim3A_1107 = vector.broadcast %broadcast_in_dim3A_1106 : i1 to vector<16xi1>
      %masked_cumsum3A_1108 = tpu.scan <sum>, %rev3A_1105 masked %broadcast_in_dim3A_1107 : vector<16xi32>, vector<16xi1> -> vector<16xi32>
      %add3A_1109 = arith.addi %masked_cumsum3A_1108, %add3A_1098 : vector<16xi32>
      %rev3A_1110 = arith.constant 15 : i32
      %rev3A_1111 = vector.broadcast %rev3A_1110 : i32 to vector<16xi32>
      %rev3A_1112 = tpu.iota {dimensions = array<i32: 0>} : vector<16xi32>
      %rev3A_1113 = arith.subi %rev3A_1111, %rev3A_1112 : vector<16xi32>
      %rev3A_1114 = tpu.dynamic_gather %add3A_1109[%rev3A_1113] in [0] : vector<16xi32>, vector<16xi32> -> vector<16xi32>
      %swap3A_1115 = arith.constant 224 : index
      %swap3A_1116 = tpu.vector_load %arg18[%swap3A_1115] {strides = array<i32>} : memref<256xi32, #tpu.memory_space<vmem>>, vector<16xi32>,
      tpu.vector_store %arg18[%swap3A_1115], %rev3A_1114 {strides = array<i32>} : memref<256xi32, #tpu.memory_space<vmem>>, vector<16xi32>,
      %ge3A_1117 = arith.cmpi sge, %rev3A_1114, %sub3A_1043 : vector<16xi32>
      %all_reduce_population_count3A_1118 = tpu.all_reduce %ge3A_1117 {dim = 0 : i64, kind = #tpu.reduction_kind<sum>} : vector<16xi1> -> vector<16xi32>
      %add3A_1119 = arith.addi %add3A_1092, %all_reduce_population_count3A_1118 : vector<16xi32>
      %reduce_sum3A_1120 = arith.constant true
      %reduce_sum3A_1121 = vector.broadcast %reduce_sum3A_1120 : i1 to vector<16xi1>
      %reduce_sum3A_1122 = tpu.scan <sum>, %get3A_1100 masked %reduce_sum3A_1121 : vector<16xi32>, vector<16xi1> -> vector<16xi32>
      %reduce_sum3A_1123 = vector.extract %reduce_sum3A_1122[15] : i32 from vector<16xi32>
      %add3A_1124 = vector.broadcast %reduce_sum3A_1123 : i32 to vector<16xi32>
      %add3A_1125 = arith.addi %add3A_1098, %add3A_1124 : vector<16xi32>
      %get3A_1126 = arith.constant 208 : index
      %get3A_1127 = tpu.vector_load %arg17[%get3A_1126] {strides = array<i32>} : memref<256xi32, #tpu.memory_space<vmem>>, vector<16xi32>,
      %rev3A_1128 = arith.constant 15 : i32
      %rev3A_1129 = vector.broadcast %rev3A_1128 : i32 to vector<16xi32>
      %rev3A_1130 = tpu.iota {dimensions = array<i32: 0>} : vector<16xi32>
      %rev3A_1131 = arith.subi %rev3A_1129, %rev3A_1130 : vector<16xi32>
      %rev3A_1132 = tpu.dynamic_gather %get3A_1127[%rev3A_1131] in [0] : vector<16xi32>, vector<16xi32> -> vector<16xi32>
      %broadcast_in_dim3A_1133 = arith.constant true
      %broadcast_in_dim3A_1134 = vector.broadcast %broadcast_in_dim3A_1133 : i1 to vector<16xi1>
      %masked_cumsum3A_1135 = tpu.scan <sum>, %rev3A_1132 masked %broadcast_in_dim3A_1134 : vector<16xi32>, vector<16xi1> -> vector<16xi32>
      %add3A_1136 = arith.addi %masked_cumsum3A_1135, %add3A_1125 : vector<16xi32>
      %rev3A_1137 = arith.constant 15 : i32
      %rev3A_1138 = vector.broadcast %rev3A_1137 : i32 to vector<16xi32>
      %rev3A_1139 = tpu.iota {dimensions = array<i32: 0>} : vector<16xi32>
      %rev3A_1140 = arith.subi %rev3A_1138, %rev3A_1139 : vector<16xi32>
      %rev3A_1141 = tpu.dynamic_gather %add3A_1136[%rev3A_1140] in [0] : vector<16xi32>, vector<16xi32> -> vector<16xi32>
      %swap3A_1142 = arith.constant 208 : index
      %swap3A_1143 = tpu.vector_load %arg18[%swap3A_1142] {strides = array<i32>} : memref<256xi32, #tpu.memory_space<vmem>>, vector<16xi32>,
      tpu.vector_store %arg18[%swap3A_1142], %rev3A_1141 {strides = array<i32>} : memref<256xi32, #tpu.memory_space<vmem>>, vector<16xi32>,
      %ge3A_1144 = arith.cmpi sge, %rev3A_1141, %sub3A_1043 : vector<16xi32>
      %all_reduce_population_count3A_1145 = tpu.all_reduce %ge3A_1144 {dim = 0 : i64, kind = #tpu.reduction_kind<sum>} : vector<16xi1> -> vector<16xi32>
      %add3A_1146 = arith.addi %add3A_1119, %all_reduce_population_count3A_1145 : vector<16xi32>
      %reduce_sum3A_1147 = arith.constant true
      %reduce_sum3A_1148 = vector.broadcast %reduce_sum3A_1147 : i1 to vector<16xi1>
      %reduce_sum3A_1149 = tpu.scan <sum>, %get3A_1127 masked %reduce_sum3A_1148 : vector<16xi32>, vector<16xi1> -> vector<16xi32>
      %reduce_sum3A_1150 = vector.extract %reduce_sum3A_1149[15] : i32 from vector<16xi32>
      %add3A_1151 = vector.broadcast %reduce_sum3A_1150 : i32 to vector<16xi32>
      %add3A_1152 = arith.addi %add3A_1125, %add3A_1151 : vector<16xi32>
      %get3A_1153 = arith.constant 192 : index
      %get3A_1154 = tpu.vector_load %arg17[%get3A_1153] {strides = array<i32>} : memref<256xi32, #tpu.memory_space<vmem>>, vector<16xi32>,
      %rev3A_1155 = arith.constant 15 : i32
      %rev3A_1156 = vector.broadcast %rev3A_1155 : i32 to vector<16xi32>
      %rev3A_1157 = tpu.iota {dimensions = array<i32: 0>} : vector<16xi32>
      %rev3A_1158 = arith.subi %rev3A_1156, %rev3A_1157 : vector<16xi32>
      %rev3A_1159 = tpu.dynamic_gather %get3A_1154[%rev3A_1158] in [0] : vector<16xi32>, vector<16xi32> -> vector<16xi32>
      %broadcast_in_dim3A_1160 = arith.constant true
      %broadcast_in_dim3A_1161 = vector.broadcast %broadcast_in_dim3A_1160 : i1 to vector<16xi1>
      %masked_cumsum3A_1162 = tpu.scan <sum>, %rev3A_1159 masked %broadcast_in_dim3A_1161 : vector<16xi32>, vector<16xi1> -> vector<16xi32>
      %add3A_1163 = arith.addi %masked_cumsum3A_1162, %add3A_1152 : vector<16xi32>
      %rev3A_1164 = arith.constant 15 : i32
      %rev3A_1165 = vector.broadcast %rev3A_1164 : i32 to vector<16xi32>
      %rev3A_1166 = tpu.iota {dimensions = array<i32: 0>} : vector<16xi32>
      %rev3A_1167 = arith.subi %rev3A_1165, %rev3A_1166 : vector<16xi32>
      %rev3A_1168 = tpu.dynamic_gather %add3A_1163[%rev3A_1167] in [0] : vector<16xi32>, vector<16xi32> -> vector<16xi32>
      %swap3A_1169 = arith.constant 192 : index
      %swap3A_1170 = tpu.vector_load %arg18[%swap3A_1169] {strides = array<i32>} : memref<256xi32, #tpu.memory_space<vmem>>, vector<16xi32>,
      tpu.vector_store %arg18[%swap3A_1169], %rev3A_1168 {strides = array<i32>} : memref<256xi32, #tpu.memory_space<vmem>>, vector<16xi32>,
      %ge3A_1171 = arith.cmpi sge, %rev3A_1168, %sub3A_1043 : vector<16xi32>
      %all_reduce_population_count3A_1172 = tpu.all_reduce %ge3A_1171 {dim = 0 : i64, kind = #tpu.reduction_kind<sum>} : vector<16xi1> -> vector<16xi32>
      %add3A_1173 = arith.addi %add3A_1146, %all_reduce_population_count3A_1172 : vector<16xi32>
      %reduce_sum3A_1174 = arith.constant true
      %reduce_sum3A_1175 = vector.broadcast %reduce_sum3A_1174 : i1 to vector<16xi1>
      %reduce_sum3A_1176 = tpu.scan <sum>, %get3A_1154 masked %reduce_sum3A_1175 : vector<16xi32>, vector<16xi1> -> vector<16xi32>
      %reduce_sum3A_1177 = vector.extract %reduce_sum3A_1176[15] : i32 from vector<16xi32>
      %add3A_1178 = vector.broadcast %reduce_sum3A_1177 : i32 to vector<16xi32>
      %add3A_1179 = arith.addi %add3A_1152, %add3A_1178 : vector<16xi32>
      %get3A_1180 = arith.constant 176 : index
      %get3A_1181 = tpu.vector_load %arg17[%get3A_1180] {strides = array<i32>} : memref<256xi32, #tpu.memory_space<vmem>>, vector<16xi32>,
      %rev3A_1182 = arith.constant 15 : i32
      %rev3A_1183 = vector.broadcast %rev3A_1182 : i32 to vector<16xi32>
      %rev3A_1184 = tpu.iota {dimensions = array<i32: 0>} : vector<16xi32>
      %rev3A_1185 = arith.subi %rev3A_1183, %rev3A_1184 : vector<16xi32>
      %rev3A_1186 = tpu.dynamic_gather %get3A_1181[%rev3A_1185] in [0] : vector<16xi32>, vector<16xi32> -> vector<16xi32>
      %broadcast_in_dim3A_1187 = arith.constant true
      %broadcast_in_dim3A_1188 = vector.broadcast %broadcast_in_dim3A_1187 : i1 to vector<16xi1>
      %masked_cumsum3A_1189 = tpu.scan <sum>, %rev3A_1186 masked %broadcast_in_dim3A_1188 : vector<16xi32>, vector<16xi1> -> vector<16xi32>
      %add3A_1190 = arith.addi %masked_cumsum3A_1189, %add3A_1179 : vector<16xi32>
      %rev3A_1191 = arith.constant 15 : i32
      %rev3A_1192 = vector.broadcast %rev3A_1191 : i32 to vector<16xi32>
      %rev3A_1193 = tpu.iota {dimensions = array<i32: 0>} : vector<16xi32>
      %rev3A_1194 = arith.subi %rev3A_1192, %rev3A_1193 : vector<16xi32>
      %rev3A_1195 = tpu.dynamic_gather %add3A_1190[%rev3A_1194] in [0] : vector<16xi32>, vector<16xi32> -> vector<16xi32>
      %swap3A_1196 = arith.constant 176 : index
      %swap3A_1197 = tpu.vector_load %arg18[%swap3A_1196] {strides = array<i32>} : memref<256xi32, #tpu.memory_space<vmem>>, vector<16xi32>,
      tpu.vector_store %arg18[%swap3A_1196], %rev3A_1195 {strides = array<i32>} : memref<256xi32, #tpu.memory_space<vmem>>, vector<16xi32>,
      %ge3A_1198 = arith.cmpi sge, %rev3A_1195, %sub3A_1043 : vector<16xi32>
      %all_reduce_population_count3A_1199 = tpu.all_reduce %ge3A_1198 {dim = 0 : i64, kind = #tpu.reduction_kind<sum>} : vector<16xi1> -> vector<16xi32>
      %add3A_1200 = arith.addi %add3A_1173, %all_reduce_population_count3A_1199 : vector<16xi32>
      %reduce_sum3A_1201 = arith.constant true
      %reduce_sum3A_1202 = vector.broadcast %reduce_sum3A_1201 : i1 to vector<16xi1>
      %reduce_sum3A_1203 = tpu.scan <sum>, %get3A_1181 masked %reduce_sum3A_1202 : vector<16xi32>, vector<16xi1> -> vector<16xi32>
      %reduce_sum3A_1204 = vector.extract %reduce_sum3A_1203[15] : i32 from vector<16xi32>
      %add3A_1205 = vector.broadcast %reduce_sum3A_1204 : i32 to vector<16xi32>
      %add3A_1206 = arith.addi %add3A_1179, %add3A_1205 : vector<16xi32>
      %get3A_1207 = arith.constant 160 : index
      %get3A_1208 = tpu.vector_load %arg17[%get3A_1207] {strides = array<i32>} : memref<256xi32, #tpu.memory_space<vmem>>, vector<16xi32>,
      %rev3A_1209 = arith.constant 15 : i32
      %rev3A_1210 = vector.broadcast %rev3A_1209 : i32 to vector<16xi32>
      %rev3A_1211 = tpu.iota {dimensions = array<i32: 0>} : vector<16xi32>
      %rev3A_1212 = arith.subi %rev3A_1210, %rev3A_1211 : vector<16xi32>
      %rev3A_1213 = tpu.dynamic_gather %get3A_1208[%rev3A_1212] in [0] : vector<16xi32>, vector<16xi32> -> vector<16xi32>
      %broadcast_in_dim3A_1214 = arith.constant true
      %broadcast_in_dim3A_1215 = vector.broadcast %broadcast_in_dim3A_1214 : i1 to vector<16xi1>
      %masked_cumsum3A_1216 = tpu.scan <sum>, %rev3A_1213 masked %broadcast_in_dim3A_1215 : vector<16xi32>, vector<16xi1> -> vector<16xi32>
      %add3A_1217 = arith.addi %masked_cumsum3A_1216, %add3A_1206 : vector<16xi32>
      %rev3A_1218 = arith.constant 15 : i32
      %rev3A_1219 = vector.broadcast %rev3A_1218 : i32 to vector<16xi32>
      %rev3A_1220 = tpu.iota {dimensions = array<i32: 0>} : vector<16xi32>
      %rev3A_1221 = arith.subi %rev3A_1219, %rev3A_1220 : vector<16xi32>
      %rev3A_1222 = tpu.dynamic_gather %add3A_1217[%rev3A_1221] in [0] : vector<16xi32>, vector<16xi32> -> vector<16xi32>
      %swap3A_1223 = arith.constant 160 : index
      %swap3A_1224 = tpu.vector_load %arg18[%swap3A_1223] {strides = array<i32>} : memref<256xi32, #tpu.memory_space<vmem>>, vector<16xi32>,
      tpu.vector_store %arg18[%swap3A_1223], %rev3A_1222 {strides = array<i32>} : memref<256xi32, #tpu.memory_space<vmem>>, vector<16xi32>,
      %ge3A_1225 = arith.cmpi sge, %rev3A_1222, %sub3A_1043 : vector<16xi32>
      %all_reduce_population_count3A_1226 = tpu.all_reduce %ge3A_1225 {dim = 0 : i64, kind = #tpu.reduction_kind<sum>} : vector<16xi1> -> vector<16xi32>
      %add3A_1227 = arith.addi %add3A_1200, %all_reduce_population_count3A_1226 : vector<16xi32>
      %reduce_sum3A_1228 = arith.constant true
      %reduce_sum3A_1229 = vector.broadcast %reduce_sum3A_1228 : i1 to vector<16xi1>
      %reduce_sum3A_1230 = tpu.scan <sum>, %get3A_1208 masked %reduce_sum3A_1229 : vector<16xi32>, vector<16xi1> -> vector<16xi32>
      %reduce_sum3A_1231 = vector.extract %reduce_sum3A_1230[15] : i32 from vector<16xi32>
      %add3A_1232 = vector.broadcast %reduce_sum3A_1231 : i32 to vector<16xi32>
      %add3A_1233 = arith.addi %add3A_1206, %add3A_1232 : vector<16xi32>
      %get3A_1234 = arith.constant 144 : index
      %get3A_1235 = tpu.vector_load %arg17[%get3A_1234] {strides = array<i32>} : memref<256xi32, #tpu.memory_space<vmem>>, vector<16xi32>,
      %rev3A_1236 = arith.constant 15 : i32
      %rev3A_1237 = vector.broadcast %rev3A_1236 : i32 to vector<16xi32>
      %rev3A_1238 = tpu.iota {dimensions = array<i32: 0>} : vector<16xi32>
      %rev3A_1239 = arith.subi %rev3A_1237, %rev3A_1238 : vector<16xi32>
      %rev3A_1240 = tpu.dynamic_gather %get3A_1235[%rev3A_1239] in [0] : vector<16xi32>, vector<16xi32> -> vector<16xi32>
      %broadcast_in_dim3A_1241 = arith.constant true
      %broadcast_in_dim3A_1242 = vector.broadcast %broadcast_in_dim3A_1241 : i1 to vector<16xi1>
      %masked_cumsum3A_1243 = tpu.scan <sum>, %rev3A_1240 masked %broadcast_in_dim3A_1242 : vector<16xi32>, vector<16xi1> -> vector<16xi32>
      %add3A_1244 = arith.addi %masked_cumsum3A_1243, %add3A_1233 : vector<16xi32>
      %rev3A_1245 = arith.constant 15 : i32
      %rev3A_1246 = vector.broadcast %rev3A_1245 : i32 to vector<16xi32>
      %rev3A_1247 = tpu.iota {dimensions = array<i32: 0>} : vector<16xi32>
      %rev3A_1248 = arith.subi %rev3A_1246, %rev3A_1247 : vector<16xi32>
      %rev3A_1249 = tpu.dynamic_gather %add3A_1244[%rev3A_1248] in [0] : vector<16xi32>, vector<16xi32> -> vector<16xi32>
      %swap3A_1250 = arith.constant 144 : index
      %swap3A_1251 = tpu.vector_load %arg18[%swap3A_1250] {strides = array<i32>} : memref<256xi32, #tpu.memory_space<vmem>>, vector<16xi32>,
      tpu.vector_store %arg18[%swap3A_1250], %rev3A_1249 {strides = array<i32>} : memref<256xi32, #tpu.memory_space<vmem>>, vector<16xi32>,
      %ge3A_1252 = arith.cmpi sge, %rev3A_1249, %sub3A_1043 : vector<16xi32>
      %all_reduce_population_count3A_1253 = tpu.all_reduce %ge3A_1252 {dim = 0 : i64, kind = #tpu.reduction_kind<sum>} : vector<16xi1> -> vector<16xi32>
      %add3A_1254 = arith.addi %add3A_1227, %all_reduce_population_count3A_1253 : vector<16xi32>
      %reduce_sum3A_1255 = arith.constant true
      %reduce_sum3A_1256 = vector.broadcast %reduce_sum3A_1255 : i1 to vector<16xi1>
      %reduce_sum3A_1257 = tpu.scan <sum>, %get3A_1235 masked %reduce_sum3A_1256 : vector<16xi32>, vector<16xi1> -> vector<16xi32>
      %reduce_sum3A_1258 = vector.extract %reduce_sum3A_1257[15] : i32 from vector<16xi32>
      %add3A_1259 = vector.broadcast %reduce_sum3A_1258 : i32 to vector<16xi32>
      %add3A_1260 = arith.addi %add3A_1233, %add3A_1259 : vector<16xi32>
      %get3A_1261 = arith.constant 128 : index
      %get3A_1262 = tpu.vector_load %arg17[%get3A_1261] {strides = array<i32>} : memref<256xi32, #tpu.memory_space<vmem>>, vector<16xi32>,
      %rev3A_1263 = arith.constant 15 : i32
      %rev3A_1264 = vector.broadcast %rev3A_1263 : i32 to vector<16xi32>
      %rev3A_1265 = tpu.iota {dimensions = array<i32: 0>} : vector<16xi32>
      %rev3A_1266 = arith.subi %rev3A_1264, %rev3A_1265 : vector<16xi32>
      %rev3A_1267 = tpu.dynamic_gather %get3A_1262[%rev3A_1266] in [0] : vector<16xi32>, vector<16xi32> -> vector<16xi32>
      %broadcast_in_dim3A_1268 = arith.constant true
      %broadcast_in_dim3A_1269 = vector.broadcast %broadcast_in_dim3A_1268 : i1 to vector<16xi1>
      %masked_cumsum3A_1270 = tpu.scan <sum>, %rev3A_1267 masked %broadcast_in_dim3A_1269 : vector<16xi32>, vector<16xi1> -> vector<16xi32>
      %add3A_1271 = arith.addi %masked_cumsum3A_1270, %add3A_1260 : vector<16xi32>
      %rev3A_1272 = arith.constant 15 : i32
      %rev3A_1273 = vector.broadcast %rev3A_1272 : i32 to vector<16xi32>
      %rev3A_1274 = tpu.iota {dimensions = array<i32: 0>} : vector<16xi32>
      %rev3A_1275 = arith.subi %rev3A_1273, %rev3A_1274 : vector<16xi32>
      %rev3A_1276 = tpu.dynamic_gather %add3A_1271[%rev3A_1275] in [0] : vector<16xi32>, vector<16xi32> -> vector<16xi32>
      %swap3A_1277 = arith.constant 128 : index
      %swap3A_1278 = tpu.vector_load %arg18[%swap3A_1277] {strides = array<i32>} : memref<256xi32, #tpu.memory_space<vmem>>, vector<16xi32>,
      tpu.vector_store %arg18[%swap3A_1277], %rev3A_1276 {strides = array<i32>} : memref<256xi32, #tpu.memory_space<vmem>>, vector<16xi32>,
      %ge3A_1279 = arith.cmpi sge, %rev3A_1276, %sub3A_1043 : vector<16xi32>
      %all_reduce_population_count3A_1280 = tpu.all_reduce %ge3A_1279 {dim = 0 : i64, kind = #tpu.reduction_kind<sum>} : vector<16xi1> -> vector<16xi32>
      %add3A_1281 = arith.addi %add3A_1254, %all_reduce_population_count3A_1280 : vector<16xi32>
      %reduce_sum3A_1282 = arith.constant true
      %reduce_sum3A_1283 = vector.broadcast %reduce_sum3A_1282 : i1 to vector<16xi1>
      %reduce_sum3A_1284 = tpu.scan <sum>, %get3A_1262 masked %reduce_sum3A_1283 : vector<16xi32>, vector<16xi1> -> vector<16xi32>
      %reduce_sum3A_1285 = vector.extract %reduce_sum3A_1284[15] : i32 from vector<16xi32>
      %add3A_1286 = vector.broadcast %reduce_sum3A_1285 : i32 to vector<16xi32>
      %add3A_1287 = arith.addi %add3A_1260, %add3A_1286 : vector<16xi32>
      %get3A_1288 = arith.constant 112 : index
      %get3A_1289 = tpu.vector_load %arg17[%get3A_1288] {strides = array<i32>} : memref<256xi32, #tpu.memory_space<vmem>>, vector<16xi32>,
      %rev3A_1290 = arith.constant 15 : i32
      %rev3A_1291 = vector.broadcast %rev3A_1290 : i32 to vector<16xi32>
      %rev3A_1292 = tpu.iota {dimensions = array<i32: 0>} : vector<16xi32>
      %rev3A_1293 = arith.subi %rev3A_1291, %rev3A_1292 : vector<16xi32>
      %rev3A_1294 = tpu.dynamic_gather %get3A_1289[%rev3A_1293] in [0] : vector<16xi32>, vector<16xi32> -> vector<16xi32>
      %broadcast_in_dim3A_1295 = arith.constant true
      %broadcast_in_dim3A_1296 = vector.broadcast %broadcast_in_dim3A_1295 : i1 to vector<16xi1>
      %masked_cumsum3A_1297 = tpu.scan <sum>, %rev3A_1294 masked %broadcast_in_dim3A_1296 : vector<16xi32>, vector<16xi1> -> vector<16xi32>
      %add3A_1298 = arith.addi %masked_cumsum3A_1297, %add3A_1287 : vector<16xi32>
      %rev3A_1299 = arith.constant 15 : i32
      %rev3A_1300 = vector.broadcast %rev3A_1299 : i32 to vector<16xi32>
      %rev3A_1301 = tpu.iota {dimensions = array<i32: 0>} : vector<16xi32>
      %rev3A_1302 = arith.subi %rev3A_1300, %rev3A_1301 : vector<16xi32>
      %rev3A_1303 = tpu.dynamic_gather %add3A_1298[%rev3A_1302] in [0] : vector<16xi32>, vector<16xi32> -> vector<16xi32>
      %swap3A_1304 = arith.constant 112 : index
      %swap3A_1305 = tpu.vector_load %arg18[%swap3A_1304] {strides = array<i32>} : memref<256xi32, #tpu.memory_space<vmem>>, vector<16xi32>,
      tpu.vector_store %arg18[%swap3A_1304], %rev3A_1303 {strides = array<i32>} : memref<256xi32, #tpu.memory_space<vmem>>, vector<16xi32>,
      %ge3A_1306 = arith.cmpi sge, %rev3A_1303, %sub3A_1043 : vector<16xi32>
      %all_reduce_population_count3A_1307 = tpu.all_reduce %ge3A_1306 {dim = 0 : i64, kind = #tpu.reduction_kind<sum>} : vector<16xi1> -> vector<16xi32>
      %add3A_1308 = arith.addi %add3A_1281, %all_reduce_population_count3A_1307 : vector<16xi32>
      %reduce_sum3A_1309 = arith.constant true
      %reduce_sum3A_1310 = vector.broadcast %reduce_sum3A_1309 : i1 to vector<16xi1>
      %reduce_sum3A_1311 = tpu.scan <sum>, %get3A_1289 masked %reduce_sum3A_1310 : vector<16xi32>, vector<16xi1> -> vector<16xi32>
      %reduce_sum3A_1312 = vector.extract %reduce_sum3A_1311[15] : i32 from vector<16xi32>
      %add3A_1313 = vector.broadcast %reduce_sum3A_1312 : i32 to vector<16xi32>
      %add3A_1314 = arith.addi %add3A_1287, %add3A_1313 : vector<16xi32>
      %get3A_1315 = arith.constant 96 : index
      %get3A_1316 = tpu.vector_load %arg17[%get3A_1315] {strides = array<i32>} : memref<256xi32, #tpu.memory_space<vmem>>, vector<16xi32>,
      %rev3A_1317 = arith.constant 15 : i32
      %rev3A_1318 = vector.broadcast %rev3A_1317 : i32 to vector<16xi32>
      %rev3A_1319 = tpu.iota {dimensions = array<i32: 0>} : vector<16xi32>
      %rev3A_1320 = arith.subi %rev3A_1318, %rev3A_1319 : vector<16xi32>
      %rev3A_1321 = tpu.dynamic_gather %get3A_1316[%rev3A_1320] in [0] : vector<16xi32>, vector<16xi32> -> vector<16xi32>
      %broadcast_in_dim3A_1322 = arith.constant true
      %broadcast_in_dim3A_1323 = vector.broadcast %broadcast_in_dim3A_1322 : i1 to vector<16xi1>
      %masked_cumsum3A_1324 = tpu.scan <sum>, %rev3A_1321 masked %broadcast_in_dim3A_1323 : vector<16xi32>, vector<16xi1> -> vector<16xi32>
      %add3A_1325 = arith.addi %masked_cumsum3A_1324, %add3A_1314 : vector<16xi32>
      %rev3A_1326 = arith.constant 15 : i32
      %rev3A_1327 = vector.broadcast %rev3A_1326 : i32 to vector<16xi32>
      %rev3A_1328 = tpu.iota {dimensions = array<i32: 0>} : vector<16xi32>
      %rev3A_1329 = arith.subi %rev3A_1327, %rev3A_1328 : vector<16xi32>
      %rev3A_1330 = tpu.dynamic_gather %add3A_1325[%rev3A_1329] in [0] : vector<16xi32>, vector<16xi32> -> vector<16xi32>
      %swap3A_1331 = arith.constant 96 : index
      %swap3A_1332 = tpu.vector_load %arg18[%swap3A_1331] {strides = array<i32>} : memref<256xi32, #tpu.memory_space<vmem>>, vector<16xi32>,
      tpu.vector_store %arg18[%swap3A_1331], %rev3A_1330 {strides = array<i32>} : memref<256xi32, #tpu.memory_space<vmem>>, vector<16xi32>,
      %ge3A_1333 = arith.cmpi sge, %rev3A_1330, %sub3A_1043 : vector<16xi32>
      %all_reduce_population_count3A_1334 = tpu.all_reduce %ge3A_1333 {dim = 0 : i64, kind = #tpu.reduction_kind<sum>} : vector<16xi1> -> vector<16xi32>
      %add3A_1335 = arith.addi %add3A_1308, %all_reduce_population_count3A_1334 : vector<16xi32>
      %reduce_sum3A_1336 = arith.constant true
      %reduce_sum3A_1337 = vector.broadcast %reduce_sum3A_1336 : i1 to vector<16xi1>
      %reduce_sum3A_1338 = tpu.scan <sum>, %get3A_1316 masked %reduce_sum3A_1337 : vector<16xi32>, vector<16xi1> -> vector<16xi32>
      %reduce_sum3A_1339 = vector.extract %reduce_sum3A_1338[15] : i32 from vector<16xi32>
      %add3A_1340 = vector.broadcast %reduce_sum3A_1339 : i32 to vector<16xi32>
      %add3A_1341 = arith.addi %add3A_1314, %add3A_1340 : vector<16xi32>
      %get3A_1342 = arith.constant 80 : index
      %get3A_1343 = tpu.vector_load %arg17[%get3A_1342] {strides = array<i32>} : memref<256xi32, #tpu.memory_space<vmem>>, vector<16xi32>,
      %rev3A_1344 = arith.constant 15 : i32
      %rev3A_1345 = vector.broadcast %rev3A_1344 : i32 to vector<16xi32>
      %rev3A_1346 = tpu.iota {dimensions = array<i32: 0>} : vector<16xi32>
      %rev3A_1347 = arith.subi %rev3A_1345, %rev3A_1346 : vector<16xi32>
      %rev3A_1348 = tpu.dynamic_gather %get3A_1343[%rev3A_1347] in [0] : vector<16xi32>, vector<16xi32> -> vector<16xi32>
      %broadcast_in_dim3A_1349 = arith.constant true
      %broadcast_in_dim3A_1350 = vector.broadcast %broadcast_in_dim3A_1349 : i1 to vector<16xi1>
      %masked_cumsum3A_1351 = tpu.scan <sum>, %rev3A_1348 masked %broadcast_in_dim3A_1350 : vector<16xi32>, vector<16xi1> -> vector<16xi32>
      %add3A_1352 = arith.addi %masked_cumsum3A_1351, %add3A_1341 : vector<16xi32>
      %rev3A_1353 = arith.constant 15 : i32
      %rev3A_1354 = vector.broadcast %rev3A_1353 : i32 to vector<16xi32>
      %rev3A_1355 = tpu.iota {dimensions = array<i32: 0>} : vector<16xi32>
      %rev3A_1356 = arith.subi %rev3A_1354, %rev3A_1355 : vector<16xi32>
      %rev3A_1357 = tpu.dynamic_gather %add3A_1352[%rev3A_1356] in [0] : vector<16xi32>, vector<16xi32> -> vector<16xi32>
      %swap3A_1358 = arith.constant 80 : index
      %swap3A_1359 = tpu.vector_load %arg18[%swap3A_1358] {strides = array<i32>} : memref<256xi32, #tpu.memory_space<vmem>>, vector<16xi32>,
      tpu.vector_store %arg18[%swap3A_1358], %rev3A_1357 {strides = array<i32>} : memref<256xi32, #tpu.memory_space<vmem>>, vector<16xi32>,
      %ge3A_1360 = arith.cmpi sge, %rev3A_1357, %sub3A_1043 : vector<16xi32>
      %all_reduce_population_count3A_1361 = tpu.all_reduce %ge3A_1360 {dim = 0 : i64, kind = #tpu.reduction_kind<sum>} : vector<16xi1> -> vector<16xi32>
      %add3A_1362 = arith.addi %add3A_1335, %all_reduce_population_count3A_1361 : vector<16xi32>
      %reduce_sum3A_1363 = arith.constant true
      %reduce_sum3A_1364 = vector.broadcast %reduce_sum3A_1363 : i1 to vector<16xi1>
      %reduce_sum3A_1365 = tpu.scan <sum>, %get3A_1343 masked %reduce_sum3A_1364 : vector<16xi32>, vector<16xi1> -> vector<16xi32>
      %reduce_sum3A_1366 = vector.extract %reduce_sum3A_1365[15] : i32 from vector<16xi32>
      %add3A_1367 = vector.broadcast %reduce_sum3A_1366 : i32 to vector<16xi32>
      %add3A_1368 = arith.addi %add3A_1341, %add3A_1367 : vector<16xi32>
      %get3A_1369 = arith.constant 64 : index
      %get3A_1370 = tpu.vector_load %arg17[%get3A_1369] {strides = array<i32>} : memref<256xi32, #tpu.memory_space<vmem>>, vector<16xi32>,
      %rev3A_1371 = arith.constant 15 : i32
      %rev3A_1372 = vector.broadcast %rev3A_1371 : i32 to vector<16xi32>
      %rev3A_1373 = tpu.iota {dimensions = array<i32: 0>} : vector<16xi32>
      %rev3A_1374 = arith.subi %rev3A_1372, %rev3A_1373 : vector<16xi32>
      %rev3A_1375 = tpu.dynamic_gather %get3A_1370[%rev3A_1374] in [0] : vector<16xi32>, vector<16xi32> -> vector<16xi32>
      %broadcast_in_dim3A_1376 = arith.constant true
      %broadcast_in_dim3A_1377 = vector.broadcast %broadcast_in_dim3A_1376 : i1 to vector<16xi1>
      %masked_cumsum3A_1378 = tpu.scan <sum>, %rev3A_1375 masked %broadcast_in_dim3A_1377 : vector<16xi32>, vector<16xi1> -> vector<16xi32>
      %add3A_1379 = arith.addi %masked_cumsum3A_1378, %add3A_1368 : vector<16xi32>
      %rev3A_1380 = arith.constant 15 : i32
      %rev3A_1381 = vector.broadcast %rev3A_1380 : i32 to vector<16xi32>
      %rev3A_1382 = tpu.iota {dimensions = array<i32: 0>} : vector<16xi32>
      %rev3A_1383 = arith.subi %rev3A_1381, %rev3A_1382 : vector<16xi32>
      %rev3A_1384 = tpu.dynamic_gather %add3A_1379[%rev3A_1383] in [0] : vector<16xi32>, vector<16xi32> -> vector<16xi32>
      %swap3A_1385 = arith.constant 64 : index
      %swap3A_1386 = tpu.vector_load %arg18[%swap3A_1385] {strides = array<i32>} : memref<256xi32, #tpu.memory_space<vmem>>, vector<16xi32>,
      tpu.vector_store %arg18[%swap3A_1385], %rev3A_1384 {strides = array<i32>} : memref<256xi32, #tpu.memory_space<vmem>>, vector<16xi32>,
      %ge3A_1387 = arith.cmpi sge, %rev3A_1384, %sub3A_1043 : vector<16xi32>
      %all_reduce_population_count3A_1388 = tpu.all_reduce %ge3A_1387 {dim = 0 : i64, kind = #tpu.reduction_kind<sum>} : vector<16xi1> -> vector<16xi32>
      %add3A_1389 = arith.addi %add3A_1362, %all_reduce_population_count3A_1388 : vector<16xi32>
      %reduce_sum3A_1390 = arith.constant true
      %reduce_sum3A_1391 = vector.broadcast %reduce_sum3A_1390 : i1 to vector<16xi1>
      %reduce_sum3A_1392 = tpu.scan <sum>, %get3A_1370 masked %reduce_sum3A_1391 : vector<16xi32>, vector<16xi1> -> vector<16xi32>
      %reduce_sum3A_1393 = vector.extract %reduce_sum3A_1392[15] : i32 from vector<16xi32>
      %add3A_1394 = vector.broadcast %reduce_sum3A_1393 : i32 to vector<16xi32>
      %add3A_1395 = arith.addi %add3A_1368, %add3A_1394 : vector<16xi32>
      %get3A_1396 = arith.constant 48 : index
      %get3A_1397 = tpu.vector_load %arg17[%get3A_1396] {strides = array<i32>} : memref<256xi32, #tpu.memory_space<vmem>>, vector<16xi32>,
      %rev3A_1398 = arith.constant 15 : i32
      %rev3A_1399 = vector.broadcast %rev3A_1398 : i32 to vector<16xi32>
      %rev3A_1400 = tpu.iota {dimensions = array<i32: 0>} : vector<16xi32>
      %rev3A_1401 = arith.subi %rev3A_1399, %rev3A_1400 : vector<16xi32>
      %rev3A_1402 = tpu.dynamic_gather %get3A_1397[%rev3A_1401] in [0] : vector<16xi32>, vector<16xi32> -> vector<16xi32>
      %broadcast_in_dim3A_1403 = arith.constant true
      %broadcast_in_dim3A_1404 = vector.broadcast %broadcast_in_dim3A_1403 : i1 to vector<16xi1>
      %masked_cumsum3A_1405 = tpu.scan <sum>, %rev3A_1402 masked %broadcast_in_dim3A_1404 : vector<16xi32>, vector<16xi1> -> vector<16xi32>
      %add3A_1406 = arith.addi %masked_cumsum3A_1405, %add3A_1395 : vector<16xi32>
      %rev3A_1407 = arith.constant 15 : i32
      %rev3A_1408 = vector.broadcast %rev3A_1407 : i32 to vector<16xi32>
      %rev3A_1409 = tpu.iota {dimensions = array<i32: 0>} : vector<16xi32>
      %rev3A_1410 = arith.subi %rev3A_1408, %rev3A_1409 : vector<16xi32>
      %rev3A_1411 = tpu.dynamic_gather %add3A_1406[%rev3A_1410] in [0] : vector<16xi32>, vector<16xi32> -> vector<16xi32>
      %swap3A_1412 = arith.constant 48 : index
      %swap3A_1413 = tpu.vector_load %arg18[%swap3A_1412] {strides = array<i32>} : memref<256xi32, #tpu.memory_space<vmem>>, vector<16xi32>,
      tpu.vector_store %arg18[%swap3A_1412], %rev3A_1411 {strides = array<i32>} : memref<256xi32, #tpu.memory_space<vmem>>, vector<16xi32>,
      %ge3A_1414 = arith.cmpi sge, %rev3A_1411, %sub3A_1043 : vector<16xi32>
      %all_reduce_population_count3A_1415 = tpu.all_reduce %ge3A_1414 {dim = 0 : i64, kind = #tpu.reduction_kind<sum>} : vector<16xi1> -> vector<16xi32>
      %add3A_1416 = arith.addi %add3A_1389, %all_reduce_population_count3A_1415 : vector<16xi32>
      %reduce_sum3A_1417 = arith.constant true
      %reduce_sum3A_1418 = vector.broadcast %reduce_sum3A_1417 : i1 to vector<16xi1>
      %reduce_sum3A_1419 = tpu.scan <sum>, %get3A_1397 masked %reduce_sum3A_1418 : vector<16xi32>, vector<16xi1> -> vector<16xi32>
      %reduce_sum3A_1420 = vector.extract %reduce_sum3A_1419[15] : i32 from vector<16xi32>
      %add3A_1421 = vector.broadcast %reduce_sum3A_1420 : i32 to vector<16xi32>
      %add3A_1422 = arith.addi %add3A_1395, %add3A_1421 : vector<16xi32>
      %get3A_1423 = arith.constant 32 : index
      %get3A_1424 = tpu.vector_load %arg17[%get3A_1423] {strides = array<i32>} : memref<256xi32, #tpu.memory_space<vmem>>, vector<16xi32>,
      %rev3A_1425 = arith.constant 15 : i32
      %rev3A_1426 = vector.broadcast %rev3A_1425 : i32 to vector<16xi32>
      %rev3A_1427 = tpu.iota {dimensions = array<i32: 0>} : vector<16xi32>
      %rev3A_1428 = arith.subi %rev3A_1426, %rev3A_1427 : vector<16xi32>
      %rev3A_1429 = tpu.dynamic_gather %get3A_1424[%rev3A_1428] in [0] : vector<16xi32>, vector<16xi32> -> vector<16xi32>
      %broadcast_in_dim3A_1430 = arith.constant true
      %broadcast_in_dim3A_1431 = vector.broadcast %broadcast_in_dim3A_1430 : i1 to vector<16xi1>
      %masked_cumsum3A_1432 = tpu.scan <sum>, %rev3A_1429 masked %broadcast_in_dim3A_1431 : vector<16xi32>, vector<16xi1> -> vector<16xi32>
      %add3A_1433 = arith.addi %masked_cumsum3A_1432, %add3A_1422 : vector<16xi32>
      %rev3A_1434 = arith.constant 15 : i32
      %rev3A_1435 = vector.broadcast %rev3A_1434 : i32 to vector<16xi32>
      %rev3A_1436 = tpu.iota {dimensions = array<i32: 0>} : vector<16xi32>
      %rev3A_1437 = arith.subi %rev3A_1435, %rev3A_1436 : vector<16xi32>
      %rev3A_1438 = tpu.dynamic_gather %add3A_1433[%rev3A_1437] in [0] : vector<16xi32>, vector<16xi32> -> vector<16xi32>
      %swap3A_1439 = arith.constant 32 : index
      %swap3A_1440 = tpu.vector_load %arg18[%swap3A_1439] {strides = array<i32>} : memref<256xi32, #tpu.memory_space<vmem>>, vector<16xi32>,
      tpu.vector_store %arg18[%swap3A_1439], %rev3A_1438 {strides = array<i32>} : memref<256xi32, #tpu.memory_space<vmem>>, vector<16xi32>,
      %ge3A_1441 = arith.cmpi sge, %rev3A_1438, %sub3A_1043 : vector<16xi32>
      %all_reduce_population_count3A_1442 = tpu.all_reduce %ge3A_1441 {dim = 0 : i64, kind = #tpu.reduction_kind<sum>} : vector<16xi1> -> vector<16xi32>
      %add3A_1443 = arith.addi %add3A_1416, %all_reduce_population_count3A_1442 : vector<16xi32>
      %reduce_sum3A_1444 = arith.constant true
      %reduce_sum3A_1445 = vector.broadcast %reduce_sum3A_1444 : i1 to vector<16xi1>
      %reduce_sum3A_1446 = tpu.scan <sum>, %get3A_1424 masked %reduce_sum3A_1445 : vector<16xi32>, vector<16xi1> -> vector<16xi32>
      %reduce_sum3A_1447 = vector.extract %reduce_sum3A_1446[15] : i32 from vector<16xi32>
      %add3A_1448 = vector.broadcast %reduce_sum3A_1447 : i32 to vector<16xi32>
      %add3A_1449 = arith.addi %add3A_1422, %add3A_1448 : vector<16xi32>
      %get3A_1450 = arith.constant 16 : index
      %get3A_1451 = tpu.vector_load %arg17[%get3A_1450] {strides = array<i32>} : memref<256xi32, #tpu.memory_space<vmem>>, vector<16xi32>,
      %rev3A_1452 = arith.constant 15 : i32
      %rev3A_1453 = vector.broadcast %rev3A_1452 : i32 to vector<16xi32>
      %rev3A_1454 = tpu.iota {dimensions = array<i32: 0>} : vector<16xi32>
      %rev3A_1455 = arith.subi %rev3A_1453, %rev3A_1454 : vector<16xi32>
      %rev3A_1456 = tpu.dynamic_gather %get3A_1451[%rev3A_1455] in [0] : vector<16xi32>, vector<16xi32> -> vector<16xi32>
      %broadcast_in_dim3A_1457 = arith.constant true
      %broadcast_in_dim3A_1458 = vector.broadcast %broadcast_in_dim3A_1457 : i1 to vector<16xi1>
      %masked_cumsum3A_1459 = tpu.scan <sum>, %rev3A_1456 masked %broadcast_in_dim3A_1458 : vector<16xi32>, vector<16xi1> -> vector<16xi32>
      %add3A_1460 = arith.addi %masked_cumsum3A_1459, %add3A_1449 : vector<16xi32>
      %rev3A_1461 = arith.constant 15 : i32
      %rev3A_1462 = vector.broadcast %rev3A_1461 : i32 to vector<16xi32>
      %rev3A_1463 = tpu.iota {dimensions = array<i32: 0>} : vector<16xi32>
      %rev3A_1464 = arith.subi %rev3A_1462, %rev3A_1463 : vector<16xi32>
      %rev3A_1465 = tpu.dynamic_gather %add3A_1460[%rev3A_1464] in [0] : vector<16xi32>, vector<16xi32> -> vector<16xi32>
      %swap3A_1466 = arith.constant 16 : index
      %swap3A_1467 = tpu.vector_load %arg18[%swap3A_1466] {strides = array<i32>} : memref<256xi32, #tpu.memory_space<vmem>>, vector<16xi32>,
      tpu.vector_store %arg18[%swap3A_1466], %rev3A_1465 {strides = array<i32>} : memref<256xi32, #tpu.memory_space<vmem>>, vector<16xi32>,
      %ge3A_1468 = arith.cmpi sge, %rev3A_1465, %sub3A_1043 : vector<16xi32>
      %all_reduce_population_count3A_1469 = tpu.all_reduce %ge3A_1468 {dim = 0 : i64, kind = #tpu.reduction_kind<sum>} : vector<16xi1> -> vector<16xi32>
      %add3A_1470 = arith.addi %add3A_1443, %all_reduce_population_count3A_1469 : vector<16xi32>
      %reduce_sum3A_1471 = arith.constant true
      %reduce_sum3A_1472 = vector.broadcast %reduce_sum3A_1471 : i1 to vector<16xi1>
      %reduce_sum3A_1473 = tpu.scan <sum>, %get3A_1451 masked %reduce_sum3A_1472 : vector<16xi32>, vector<16xi1> -> vector<16xi32>
      %reduce_sum3A_1474 = vector.extract %reduce_sum3A_1473[15] : i32 from vector<16xi32>
      %add3A_1475 = vector.broadcast %reduce_sum3A_1474 : i32 to vector<16xi32>
      %add3A_1476 = arith.addi %add3A_1449, %add3A_1475 : vector<16xi32>
      %get3A_1477 = arith.constant 0 : index
      %get3A_1478 = tpu.vector_load %arg17[%get3A_1477] {strides = array<i32>} : memref<256xi32, #tpu.memory_space<vmem>>, vector<16xi32>,
      %rev3A_1479 = arith.constant 15 : i32
      %rev3A_1480 = vector.broadcast %rev3A_1479 : i32 to vector<16xi32>
      %rev3A_1481 = tpu.iota {dimensions = array<i32: 0>} : vector<16xi32>
      %rev3A_1482 = arith.subi %rev3A_1480, %rev3A_1481 : vector<16xi32>
      %rev3A_1483 = tpu.dynamic_gather %get3A_1478[%rev3A_1482] in [0] : vector<16xi32>, vector<16xi32> -> vector<16xi32>
      %broadcast_in_dim3A_1484 = arith.constant true
      %broadcast_in_dim3A_1485 = vector.broadcast %broadcast_in_dim3A_1484 : i1 to vector<16xi1>
      %masked_cumsum3A_1486 = tpu.scan <sum>, %rev3A_1483 masked %broadcast_in_dim3A_1485 : vector<16xi32>, vector<16xi1> -> vector<16xi32>
      %add3A_1487 = arith.addi %masked_cumsum3A_1486, %add3A_1476 : vector<16xi32>
      %rev3A_1488 = arith.constant 15 : i32
      %rev3A_1489 = vector.broadcast %rev3A_1488 : i32 to vector<16xi32>
      %rev3A_1490 = tpu.iota {dimensions = array<i32: 0>} : vector<16xi32>
      %rev3A_1491 = arith.subi %rev3A_1489, %rev3A_1490 : vector<16xi32>
      %rev3A_1492 = tpu.dynamic_gather %add3A_1487[%rev3A_1491] in [0] : vector<16xi32>, vector<16xi32> -> vector<16xi32>
      %swap3A_1493 = arith.constant 0 : index
      %swap3A_1494 = tpu.vector_load %arg18[%swap3A_1493] {strides = array<i32>} : memref<256xi32, #tpu.memory_space<vmem>>, vector<16xi32>,
      tpu.vector_store %arg18[%swap3A_1493], %rev3A_1492 {strides = array<i32>} : memref<256xi32, #tpu.memory_space<vmem>>, vector<16xi32>,
      %ge3A_1495 = arith.cmpi sge, %rev3A_1492, %sub3A_1043 : vector<16xi32>
      %all_reduce_population_count3A_1496 = tpu.all_reduce %ge3A_1495 {dim = 0 : i64, kind = #tpu.reduction_kind<sum>} : vector<16xi1> -> vector<16xi32>
      %add3A_1497 = arith.addi %add3A_1470, %all_reduce_population_count3A_1496 : vector<16xi32>
      %reduce_sum3A_1498 = arith.constant true
      %reduce_sum3A_1499 = vector.broadcast %reduce_sum3A_1498 : i1 to vector<16xi1>
      %reduce_sum3A_1500 = tpu.scan <sum>, %get3A_1478 masked %reduce_sum3A_1499 : vector<16xi32>, vector<16xi1> -> vector<16xi32>
      %reduce_sum3A_1501 = vector.extract %reduce_sum3A_1500[15] : i32 from vector<16xi32>
      %add3A_1502 = vector.broadcast %reduce_sum3A_1501 : i32 to vector<16xi32>
      %add3A_1503 = arith.addi %add3A_1476, %add3A_1502 : vector<16xi32>
      %sub3A_1504 = arith.constant 1 : i32
      %sub3A_1505 = vector.broadcast %sub3A_1504 : i32 to vector<16xi32>
      %sub3A_1506 = arith.subi %add3A_1497, %sub3A_1505 : vector<16xi32>
      %gather3A_1507 = tpu.vector_load_idx %arg18[%sub3A_1506] : memref<256xi32, #tpu.memory_space<vmem>>[vector<16xi32>], vector<16xi32>,
      %gather3A_1508 = tpu.vector_load_idx %arg17[%sub3A_1506] : memref<256xi32, #tpu.memory_space<vmem>>[vector<16xi32>], vector<16xi32>,
      %sub3A_1509 = arith.subi %gather3A_1507, %gather3A_1508 : vector<16xi32>
      %sub3A_1510 = arith.subi %sub3A_1043, %sub3A_1509 : vector<16xi32>
      %shift_left3A_1511 = arith.constant 16 : i32
      %shift_left3A_1512 = vector.broadcast %shift_left3A_1511 : i32 to vector<16xi32>
      %shift_left3A_1513 = arith.shli %sub3A_1506, %shift_left3A_1512 : vector<16xi32>
      %or3A_1514 = arith.ori %or3A, %shift_left3A_1513 : vector<16xi32>
      %while3A_1515 = arith.constant 0 : i32
      %while3A_1516 = arith.constant 0 : i32
      %while3A_1517 = arith.subi %select_n3A_530, %while3A_1515 : i32
      %while3A_1518 = arith.addi %while3A_1515, %while3A_1517 : i32
      %while3A_1519 = arith.constant 1 : i32
      %while3A_1520 = arith.divsi %while3A_1517, %while3A_1519 : i32
      %while3A_1521 = arith.muli %while3A_1520, %while3A_1519 : i32
      %while3A_1522 = arith.addi %while3A_1515, %while3A_1521 : i32
      %while3A_1523 = arith.constant 1 : i32
      %while3A_1524 = scf.for %while3A_2610 = %while3A_1515 to %while3A_1522 step %while3A_1523 iter_args(%while3A_2611 = %while3A_1516) -> (i32)  : i32 {
        %mul3A_2612 = arith.constant 16 : i32
        %mul3A_2613 = arith.muli %while3A_2610, %mul3A_2612 : i32
        %get3A_2614 = arith.index_cast %mul3A_2613 : i32 to index
        %get3A_2615 = tpu.vector_load %arg9[%get3A_2614] {strides = array<i32>} : memref<8208xi32, #tpu.memory_space<vmem>>, vector<16xi32>,
        %bitcast_convert_type3A_2616 = tpu.bitcast %get3A_2615 : vector<16xi32> -> vector<16xi32>
        %mul3A_2617 = arith.constant 16 : i32
        %mul3A_2618 = arith.muli %while3A_2610, %mul3A_2617 : i32
        %add3A_2619 = vector.broadcast %mul3A_2618 : i32 to vector<16xi32>
        %add3A_2620 = arith.addi %iota3A, %add3A_2619 : vector<16xi32>
        %lt3A_2621 = arith.cmpi slt, %add3A_2620, %add3A_500 : vector<16xi32>
        %shift_right_logical3A = arith.constant 16 : i32
        %shift_right_logical3A_2622 = vector.broadcast %shift_right_logical3A : i32 to vector<16xi32>
        %shift_right_logical3A_2623 = arith.shrui %bitcast_convert_type3A_2616, %shift_right_logical3A_2622 : vector<16xi32>
        %shift_right_logical3A_2624 = arith.constant 16 : i32
        %shift_right_logical3A_2625 = vector.broadcast %shift_right_logical3A_2624 : i32 to vector<16xi32>
        %shift_right_logical3A_2626 = arith.shrui %or3A_1514, %shift_right_logical3A_2625 : vector<16xi32>
        %eq3A = arith.cmpi eq, %shift_right_logical3A_2623, %shift_right_logical3A_2626 : vector<16xi32>
        %and3A_2627 = arith.andi %lt3A_2621, %eq3A : vector<16xi1>
        %shift_right_logical3A_2628 = arith.constant 8 : i32
        %shift_right_logical3A_2629 = vector.broadcast %shift_right_logical3A_2628 : i32 to vector<16xi32>
        %shift_right_logical3A_2630 = arith.shrui %bitcast_convert_type3A_2616, %shift_right_logical3A_2629 : vector<16xi32>
        %and3A_2631 = arith.constant 255 : i32
        %and3A_2632 = vector.broadcast %and3A_2631 : i32 to vector<16xi32>
        %and3A_2633 = arith.andi %shift_right_logical3A_2630, %and3A_2632 : vector<16xi32>
        %add3A_2634 = arith.addi %mul3A_10, %and3A_2633 : vector<16xi32>
        tpu.vector_store_idx %arg11[%add3A_2634], %broadcast_in_dim3A_11 masked %and3A_2627 {add = true} : memref<4368xi32, #tpu.memory_space<vmem>>[vector<16xi32>], vector<16xi32>, vector<16xi1>
        %while3A_2635 = arith.constant 0 : i32
        scf.yield %while3A_2635 : i32
      }
      %while3A_1525 = arith.constant 1 : i32
      %while3A_1526 = scf.for %while3A_2610 = %while3A_1522 to %while3A_1518 step %while3A_1525 iter_args(%while3A_2611 = %while3A_1524) -> (i32)  : i32 {
        %mul3A_2612 = arith.constant 16 : i32
        %mul3A_2613 = arith.muli %while3A_2610, %mul3A_2612 : i32
        %get3A_2614 = arith.index_cast %mul3A_2613 : i32 to index
        %get3A_2615 = tpu.vector_load %arg9[%get3A_2614] {strides = array<i32>} : memref<8208xi32, #tpu.memory_space<vmem>>, vector<16xi32>,
        %bitcast_convert_type3A_2616 = tpu.bitcast %get3A_2615 : vector<16xi32> -> vector<16xi32>
        %mul3A_2617 = arith.constant 16 : i32
        %mul3A_2618 = arith.muli %while3A_2610, %mul3A_2617 : i32
        %add3A_2619 = vector.broadcast %mul3A_2618 : i32 to vector<16xi32>
        %add3A_2620 = arith.addi %iota3A, %add3A_2619 : vector<16xi32>
        %lt3A_2621 = arith.cmpi slt, %add3A_2620, %add3A_500 : vector<16xi32>
        %shift_right_logical3A = arith.constant 16 : i32
        %shift_right_logical3A_2622 = vector.broadcast %shift_right_logical3A : i32 to vector<16xi32>
        %shift_right_logical3A_2623 = arith.shrui %bitcast_convert_type3A_2616, %shift_right_logical3A_2622 : vector<16xi32>
        %shift_right_logical3A_2624 = arith.constant 16 : i32
        %shift_right_logical3A_2625 = vector.broadcast %shift_right_logical3A_2624 : i32 to vector<16xi32>
        %shift_right_logical3A_2626 = arith.shrui %or3A_1514, %shift_right_logical3A_2625 : vector<16xi32>
        %eq3A = arith.cmpi eq, %shift_right_logical3A_2623, %shift_right_logical3A_2626 : vector<16xi32>
        %and3A_2627 = arith.andi %lt3A_2621, %eq3A : vector<16xi1>
        %shift_right_logical3A_2628 = arith.constant 8 : i32
        %shift_right_logical3A_2629 = vector.broadcast %shift_right_logical3A_2628 : i32 to vector<16xi32>
        %shift_right_logical3A_2630 = arith.shrui %bitcast_convert_type3A_2616, %shift_right_logical3A_2629 : vector<16xi32>
        %and3A_2631 = arith.constant 255 : i32
        %and3A_2632 = vector.broadcast %and3A_2631 : i32 to vector<16xi32>
        %and3A_2633 = arith.andi %shift_right_logical3A_2630, %and3A_2632 : vector<16xi32>
        %add3A_2634 = arith.addi %mul3A_10, %and3A_2633 : vector<16xi32>
        tpu.vector_store_idx %arg11[%add3A_2634], %broadcast_in_dim3A_11 masked %and3A_2627 {add = true} : memref<4368xi32, #tpu.memory_space<vmem>>[vector<16xi32>], vector<16xi32>, vector<16xi1>
        %while3A_2635 = arith.constant 0 : i32
        scf.yield %while3A_2635 : i32
      }
      %broadcast_in_dim3A_1527 = arith.constant 0 : i32
      %broadcast_in_dim3A_1528 = vector.broadcast %broadcast_in_dim3A_1527 : i32 to vector<16xi32>
      %scan3A_1529 = arith.constant 0 : i32
      %scan3A_1530 = arith.constant 0 : i32
      %scan3A_1531 = arith.constant 16 : i32
      %scan3A_1532 = arith.addi %scan3A_1530, %scan3A_1531 : i32
      %scan3A_1533 = arith.constant 1 : i32
      %scan3A_1534 = scf.for %scan3A_2610 = %scan3A_1530 to %scan3A_1532 step %scan3A_1533 iter_args(%scan3A_2611 = %scan3A_1529) -> (i32)  : i32 {
        %broadcast_in_dim3A_2612 = arith.constant 0 : i32
        %broadcast_in_dim3A_2613 = vector.broadcast %broadcast_in_dim3A_2612 : i32 to vector<16xi32>
        %mul3A_2614 = arith.constant 16 : i32
        %mul3A_2615 = arith.muli %scan3A_2610, %mul3A_2614 : i32
        %add3A_2616 = arith.constant 0 : i32
        %add3A_2617 = arith.addi %add3A_2616, %mul3A_2615 : i32
        %get3A_2618 = arith.index_cast %add3A_2617 : i32 to index
        %get3A_2619 = tpu.vector_load %arg11[%get3A_2618] {strides = array<i32>} : memref<4368xi32, #tpu.memory_space<vmem>>, vector<16xi32>,
        %add3A_2620 = arith.addi %broadcast_in_dim3A_2613, %get3A_2619 : vector<16xi32>
        %swap3A_2621 = arith.index_cast %add3A_2617 : i32 to index
        %swap3A_2622 = tpu.vector_load %arg11[%swap3A_2621] {strides = array<i32>} : memref<4368xi32, #tpu.memory_space<vmem>>, vector<16xi32>,
        tpu.vector_store %arg11[%swap3A_2621], %broadcast_in_dim3A_1528 {strides = array<i32>} : memref<4368xi32, #tpu.memory_space<vmem>>, vector<16xi32>,
        %mul3A_2623 = arith.constant 16 : i32
        %mul3A_2624 = arith.muli %scan3A_2610, %mul3A_2623 : i32
        %add3A_2625 = arith.constant 273 : i32
        %add3A_2626 = arith.addi %add3A_2625, %mul3A_2624 : i32
        %get3A_2627 = arith.index_cast %add3A_2626 : i32 to index
        %get3A_2628 = tpu.vector_load %arg11[%get3A_2627] {strides = array<i32>} : memref<4368xi32, #tpu.memory_space<vmem>>, vector<16xi32>,
        %add3A_2629 = arith.addi %add3A_2620, %get3A_2628 : vector<16xi32>
        %swap3A_2630 = arith.index_cast %add3A_2626 : i32 to index
        %swap3A_2631 = tpu.vector_load %arg11[%swap3A_2630] {strides = array<i32>} : memref<4368xi32, #tpu.memory_space<vmem>>, vector<16xi32>,
        tpu.vector_store %arg11[%swap3A_2630], %broadcast_in_dim3A_1528 {strides = array<i32>} : memref<4368xi32, #tpu.memory_space<vmem>>, vector<16xi32>,
        %mul3A_2632 = arith.constant 16 : i32
        %mul3A_2633 = arith.muli %scan3A_2610, %mul3A_2632 : i32
        %add3A_2634 = arith.constant 546 : i32
        %add3A_2635 = arith.addi %add3A_2634, %mul3A_2633 : i32
        %get3A_2636 = arith.index_cast %add3A_2635 : i32 to index
        %get3A_2637 = tpu.vector_load %arg11[%get3A_2636] {strides = array<i32>} : memref<4368xi32, #tpu.memory_space<vmem>>, vector<16xi32>,
        %add3A_2638 = arith.addi %add3A_2629, %get3A_2637 : vector<16xi32>
        %swap3A_2639 = arith.index_cast %add3A_2635 : i32 to index
        %swap3A_2640 = tpu.vector_load %arg11[%swap3A_2639] {strides = array<i32>} : memref<4368xi32, #tpu.memory_space<vmem>>, vector<16xi32>,
        tpu.vector_store %arg11[%swap3A_2639], %broadcast_in_dim3A_1528 {strides = array<i32>} : memref<4368xi32, #tpu.memory_space<vmem>>, vector<16xi32>,
        %mul3A_2641 = arith.constant 16 : i32
        %mul3A_2642 = arith.muli %scan3A_2610, %mul3A_2641 : i32
        %add3A_2643 = arith.constant 819 : i32
        %add3A_2644 = arith.addi %add3A_2643, %mul3A_2642 : i32
        %get3A_2645 = arith.index_cast %add3A_2644 : i32 to index
        %get3A_2646 = tpu.vector_load %arg11[%get3A_2645] {strides = array<i32>} : memref<4368xi32, #tpu.memory_space<vmem>>, vector<16xi32>,
        %add3A_2647 = arith.addi %add3A_2638, %get3A_2646 : vector<16xi32>
        %swap3A_2648 = arith.index_cast %add3A_2644 : i32 to index
        %swap3A_2649 = tpu.vector_load %arg11[%swap3A_2648] {strides = array<i32>} : memref<4368xi32, #tpu.memory_space<vmem>>, vector<16xi32>,
        tpu.vector_store %arg11[%swap3A_2648], %broadcast_in_dim3A_1528 {strides = array<i32>} : memref<4368xi32, #tpu.memory_space<vmem>>, vector<16xi32>,
        %mul3A_2650 = arith.constant 16 : i32
        %mul3A_2651 = arith.muli %scan3A_2610, %mul3A_2650 : i32
        %add3A_2652 = arith.constant 1092 : i32
        %add3A_2653 = arith.addi %add3A_2652, %mul3A_2651 : i32
        %get3A_2654 = arith.index_cast %add3A_2653 : i32 to index
        %get3A_2655 = tpu.vector_load %arg11[%get3A_2654] {strides = array<i32>} : memref<4368xi32, #tpu.memory_space<vmem>>, vector<16xi32>,
        %add3A_2656 = arith.addi %add3A_2647, %get3A_2655 : vector<16xi32>
        %swap3A_2657 = arith.index_cast %add3A_2653 : i32 to index
        %swap3A_2658 = tpu.vector_load %arg11[%swap3A_2657] {strides = array<i32>} : memref<4368xi32, #tpu.memory_space<vmem>>, vector<16xi32>,
        tpu.vector_store %arg11[%swap3A_2657], %broadcast_in_dim3A_1528 {strides = array<i32>} : memref<4368xi32, #tpu.memory_space<vmem>>, vector<16xi32>,
        %mul3A_2659 = arith.constant 16 : i32
        %mul3A_2660 = arith.muli %scan3A_2610, %mul3A_2659 : i32
        %add3A_2661 = arith.constant 1365 : i32
        %add3A_2662 = arith.addi %add3A_2661, %mul3A_2660 : i32
        %get3A_2663 = arith.index_cast %add3A_2662 : i32 to index
        %get3A_2664 = tpu.vector_load %arg11[%get3A_2663] {strides = array<i32>} : memref<4368xi32, #tpu.memory_space<vmem>>, vector<16xi32>,
        %add3A_2665 = arith.addi %add3A_2656, %get3A_2664 : vector<16xi32>
        %swap3A_2666 = arith.index_cast %add3A_2662 : i32 to index
        %swap3A_2667 = tpu.vector_load %arg11[%swap3A_2666] {strides = array<i32>} : memref<4368xi32, #tpu.memory_space<vmem>>, vector<16xi32>,
        tpu.vector_store %arg11[%swap3A_2666], %broadcast_in_dim3A_1528 {strides = array<i32>} : memref<4368xi32, #tpu.memory_space<vmem>>, vector<16xi32>,
        %mul3A_2668 = arith.constant 16 : i32
        %mul3A_2669 = arith.muli %scan3A_2610, %mul3A_2668 : i32
        %add3A_2670 = arith.constant 1638 : i32
        %add3A_2671 = arith.addi %add3A_2670, %mul3A_2669 : i32
        %get3A_2672 = arith.index_cast %add3A_2671 : i32 to index
        %get3A_2673 = tpu.vector_load %arg11[%get3A_2672] {strides = array<i32>} : memref<4368xi32, #tpu.memory_space<vmem>>, vector<16xi32>,
        %add3A_2674 = arith.addi %add3A_2665, %get3A_2673 : vector<16xi32>
        %swap3A_2675 = arith.index_cast %add3A_2671 : i32 to index
        %swap3A_2676 = tpu.vector_load %arg11[%swap3A_2675] {strides = array<i32>} : memref<4368xi32, #tpu.memory_space<vmem>>, vector<16xi32>,
        tpu.vector_store %arg11[%swap3A_2675], %broadcast_in_dim3A_1528 {strides = array<i32>} : memref<4368xi32, #tpu.memory_space<vmem>>, vector<16xi32>,
        %mul3A_2677 = arith.constant 16 : i32
        %mul3A_2678 = arith.muli %scan3A_2610, %mul3A_2677 : i32
        %add3A_2679 = arith.constant 1911 : i32
        %add3A_2680 = arith.addi %add3A_2679, %mul3A_2678 : i32
        %get3A_2681 = arith.index_cast %add3A_2680 : i32 to index
        %get3A_2682 = tpu.vector_load %arg11[%get3A_2681] {strides = array<i32>} : memref<4368xi32, #tpu.memory_space<vmem>>, vector<16xi32>,
        %add3A_2683 = arith.addi %add3A_2674, %get3A_2682 : vector<16xi32>
        %swap3A_2684 = arith.index_cast %add3A_2680 : i32 to index
        %swap3A_2685 = tpu.vector_load %arg11[%swap3A_2684] {strides = array<i32>} : memref<4368xi32, #tpu.memory_space<vmem>>, vector<16xi32>,
        tpu.vector_store %arg11[%swap3A_2684], %broadcast_in_dim3A_1528 {strides = array<i32>} : memref<4368xi32, #tpu.memory_space<vmem>>, vector<16xi32>,
        %mul3A_2686 = arith.constant 16 : i32
        %mul3A_2687 = arith.muli %scan3A_2610, %mul3A_2686 : i32
        %add3A_2688 = arith.constant 2184 : i32
        %add3A_2689 = arith.addi %add3A_2688, %mul3A_2687 : i32
        %get3A_2690 = arith.index_cast %add3A_2689 : i32 to index
        %get3A_2691 = tpu.vector_load %arg11[%get3A_2690] {strides = array<i32>} : memref<4368xi32, #tpu.memory_space<vmem>>, vector<16xi32>,
        %add3A_2692 = arith.addi %add3A_2683, %get3A_2691 : vector<16xi32>
        %swap3A_2693 = arith.index_cast %add3A_2689 : i32 to index
        %swap3A_2694 = tpu.vector_load %arg11[%swap3A_2693] {strides = array<i32>} : memref<4368xi32, #tpu.memory_space<vmem>>, vector<16xi32>,
        tpu.vector_store %arg11[%swap3A_2693], %broadcast_in_dim3A_1528 {strides = array<i32>} : memref<4368xi32, #tpu.memory_space<vmem>>, vector<16xi32>,
        %mul3A_2695 = arith.constant 16 : i32
        %mul3A_2696 = arith.muli %scan3A_2610, %mul3A_2695 : i32
        %add3A_2697 = arith.constant 2457 : i32
        %add3A_2698 = arith.addi %add3A_2697, %mul3A_2696 : i32
        %get3A_2699 = arith.index_cast %add3A_2698 : i32 to index
        %get3A_2700 = tpu.vector_load %arg11[%get3A_2699] {strides = array<i32>} : memref<4368xi32, #tpu.memory_space<vmem>>, vector<16xi32>,
        %add3A_2701 = arith.addi %add3A_2692, %get3A_2700 : vector<16xi32>
        %swap3A_2702 = arith.index_cast %add3A_2698 : i32 to index
        %swap3A_2703 = tpu.vector_load %arg11[%swap3A_2702] {strides = array<i32>} : memref<4368xi32, #tpu.memory_space<vmem>>, vector<16xi32>,
        tpu.vector_store %arg11[%swap3A_2702], %broadcast_in_dim3A_1528 {strides = array<i32>} : memref<4368xi32, #tpu.memory_space<vmem>>, vector<16xi32>,
        %mul3A_2704 = arith.constant 16 : i32
        %mul3A_2705 = arith.muli %scan3A_2610, %mul3A_2704 : i32
        %add3A_2706 = arith.constant 2730 : i32
        %add3A_2707 = arith.addi %add3A_2706, %mul3A_2705 : i32
        %get3A_2708 = arith.index_cast %add3A_2707 : i32 to index
        %get3A_2709 = tpu.vector_load %arg11[%get3A_2708] {strides = array<i32>} : memref<4368xi32, #tpu.memory_space<vmem>>, vector<16xi32>,
        %add3A_2710 = arith.addi %add3A_2701, %get3A_2709 : vector<16xi32>
        %swap3A_2711 = arith.index_cast %add3A_2707 : i32 to index
        %swap3A_2712 = tpu.vector_load %arg11[%swap3A_2711] {strides = array<i32>} : memref<4368xi32, #tpu.memory_space<vmem>>, vector<16xi32>,
        tpu.vector_store %arg11[%swap3A_2711], %broadcast_in_dim3A_1528 {strides = array<i32>} : memref<4368xi32, #tpu.memory_space<vmem>>, vector<16xi32>,
        %mul3A_2713 = arith.constant 16 : i32
        %mul3A_2714 = arith.muli %scan3A_2610, %mul3A_2713 : i32
        %add3A_2715 = arith.constant 3003 : i32
        %add3A_2716 = arith.addi %add3A_2715, %mul3A_2714 : i32
        %get3A_2717 = arith.index_cast %add3A_2716 : i32 to index
        %get3A_2718 = tpu.vector_load %arg11[%get3A_2717] {strides = array<i32>} : memref<4368xi32, #tpu.memory_space<vmem>>, vector<16xi32>,
        %add3A_2719 = arith.addi %add3A_2710, %get3A_2718 : vector<16xi32>
        %swap3A_2720 = arith.index_cast %add3A_2716 : i32 to index
        %swap3A_2721 = tpu.vector_load %arg11[%swap3A_2720] {strides = array<i32>} : memref<4368xi32, #tpu.memory_space<vmem>>, vector<16xi32>,
        tpu.vector_store %arg11[%swap3A_2720], %broadcast_in_dim3A_1528 {strides = array<i32>} : memref<4368xi32, #tpu.memory_space<vmem>>, vector<16xi32>,
        %mul3A_2722 = arith.constant 16 : i32
        %mul3A_2723 = arith.muli %scan3A_2610, %mul3A_2722 : i32
        %add3A_2724 = arith.constant 3276 : i32
        %add3A_2725 = arith.addi %add3A_2724, %mul3A_2723 : i32
        %get3A_2726 = arith.index_cast %add3A_2725 : i32 to index
        %get3A_2727 = tpu.vector_load %arg11[%get3A_2726] {strides = array<i32>} : memref<4368xi32, #tpu.memory_space<vmem>>, vector<16xi32>,
        %add3A_2728 = arith.addi %add3A_2719, %get3A_2727 : vector<16xi32>
        %swap3A_2729 = arith.index_cast %add3A_2725 : i32 to index
        %swap3A_2730 = tpu.vector_load %arg11[%swap3A_2729] {strides = array<i32>} : memref<4368xi32, #tpu.memory_space<vmem>>, vector<16xi32>,
        tpu.vector_store %arg11[%swap3A_2729], %broadcast_in_dim3A_1528 {strides = array<i32>} : memref<4368xi32, #tpu.memory_space<vmem>>, vector<16xi32>,
        %mul3A_2731 = arith.constant 16 : i32
        %mul3A_2732 = arith.muli %scan3A_2610, %mul3A_2731 : i32
        %add3A_2733 = arith.constant 3549 : i32
        %add3A_2734 = arith.addi %add3A_2733, %mul3A_2732 : i32
        %get3A_2735 = arith.index_cast %add3A_2734 : i32 to index
        %get3A_2736 = tpu.vector_load %arg11[%get3A_2735] {strides = array<i32>} : memref<4368xi32, #tpu.memory_space<vmem>>, vector<16xi32>,
        %add3A_2737 = arith.addi %add3A_2728, %get3A_2736 : vector<16xi32>
        %swap3A_2738 = arith.index_cast %add3A_2734 : i32 to index
        %swap3A_2739 = tpu.vector_load %arg11[%swap3A_2738] {strides = array<i32>} : memref<4368xi32, #tpu.memory_space<vmem>>, vector<16xi32>,
        tpu.vector_store %arg11[%swap3A_2738], %broadcast_in_dim3A_1528 {strides = array<i32>} : memref<4368xi32, #tpu.memory_space<vmem>>, vector<16xi32>,
        %mul3A_2740 = arith.constant 16 : i32
        %mul3A_2741 = arith.muli %scan3A_2610, %mul3A_2740 : i32
        %add3A_2742 = arith.constant 3822 : i32
        %add3A_2743 = arith.addi %add3A_2742, %mul3A_2741 : i32
        %get3A_2744 = arith.index_cast %add3A_2743 : i32 to index
        %get3A_2745 = tpu.vector_load %arg11[%get3A_2744] {strides = array<i32>} : memref<4368xi32, #tpu.memory_space<vmem>>, vector<16xi32>,
        %add3A_2746 = arith.addi %add3A_2737, %get3A_2745 : vector<16xi32>
        %swap3A_2747 = arith.index_cast %add3A_2743 : i32 to index
        %swap3A_2748 = tpu.vector_load %arg11[%swap3A_2747] {strides = array<i32>} : memref<4368xi32, #tpu.memory_space<vmem>>, vector<16xi32>,
        tpu.vector_store %arg11[%swap3A_2747], %broadcast_in_dim3A_1528 {strides = array<i32>} : memref<4368xi32, #tpu.memory_space<vmem>>, vector<16xi32>,
        %mul3A_2749 = arith.constant 16 : i32
        %mul3A_2750 = arith.muli %scan3A_2610, %mul3A_2749 : i32
        %add3A_2751 = arith.constant 4095 : i32
        %add3A_2752 = arith.addi %add3A_2751, %mul3A_2750 : i32
        %get3A_2753 = arith.index_cast %add3A_2752 : i32 to index
        %get3A_2754 = tpu.vector_load %arg11[%get3A_2753] {strides = array<i32>} : memref<4368xi32, #tpu.memory_space<vmem>>, vector<16xi32>,
        %add3A_2755 = arith.addi %add3A_2746, %get3A_2754 : vector<16xi32>
        %swap3A_2756 = arith.index_cast %add3A_2752 : i32 to index
        %swap3A_2757 = tpu.vector_load %arg11[%swap3A_2756] {strides = array<i32>} : memref<4368xi32, #tpu.memory_space<vmem>>, vector<16xi32>,
        tpu.vector_store %arg11[%swap3A_2756], %broadcast_in_dim3A_1528 {strides = array<i32>} : memref<4368xi32, #tpu.memory_space<vmem>>, vector<16xi32>,
        %mul3A_2758 = arith.constant 16 : i32
        %mul3A_2759 = arith.muli %scan3A_2610, %mul3A_2758 : i32
        %swap3A_2760 = arith.index_cast %mul3A_2759 : i32 to index
        %swap3A_2761 = tpu.vector_load %arg17[%swap3A_2760] {strides = array<i32>} : memref<256xi32, #tpu.memory_space<vmem>>, vector<16xi32>,
        tpu.vector_store %arg17[%swap3A_2760], %add3A_2755 {strides = array<i32>} : memref<256xi32, #tpu.memory_space<vmem>>, vector<16xi32>,
        %scan3A_2762 = arith.constant 0 : i32
        scf.yield %scan3A_2762 : i32
      }
      %scan3A_1535 = arith.constant 16 : i32
      %broadcast_in_dim3A_1536 = arith.constant 0 : i32
      %broadcast_in_dim3A_1537 = vector.broadcast %broadcast_in_dim3A_1536 : i32 to vector<16xi32>
      %broadcast_in_dim3A_1538 = arith.constant 0 : i32
      %broadcast_in_dim3A_1539 = vector.broadcast %broadcast_in_dim3A_1538 : i32 to vector<16xi32>
      %get3A_1540 = arith.constant 240 : index
      %get3A_1541 = tpu.vector_load %arg17[%get3A_1540] {strides = array<i32>} : memref<256xi32, #tpu.memory_space<vmem>>, vector<16xi32>,
      %rev3A_1542 = arith.constant 15 : i32
      %rev3A_1543 = vector.broadcast %rev3A_1542 : i32 to vector<16xi32>
      %rev3A_1544 = tpu.iota {dimensions = array<i32: 0>} : vector<16xi32>
      %rev3A_1545 = arith.subi %rev3A_1543, %rev3A_1544 : vector<16xi32>
      %rev3A_1546 = tpu.dynamic_gather %get3A_1541[%rev3A_1545] in [0] : vector<16xi32>, vector<16xi32> -> vector<16xi32>
      %broadcast_in_dim3A_1547 = arith.constant true
      %broadcast_in_dim3A_1548 = vector.broadcast %broadcast_in_dim3A_1547 : i1 to vector<16xi1>
      %masked_cumsum3A_1549 = tpu.scan <sum>, %rev3A_1546 masked %broadcast_in_dim3A_1548 : vector<16xi32>, vector<16xi1> -> vector<16xi32>
      %add3A_1550 = arith.addi %masked_cumsum3A_1549, %broadcast_in_dim3A_1537 : vector<16xi32>
      %rev3A_1551 = arith.constant 15 : i32
      %rev3A_1552 = vector.broadcast %rev3A_1551 : i32 to vector<16xi32>
      %rev3A_1553 = tpu.iota {dimensions = array<i32: 0>} : vector<16xi32>
      %rev3A_1554 = arith.subi %rev3A_1552, %rev3A_1553 : vector<16xi32>
      %rev3A_1555 = tpu.dynamic_gather %add3A_1550[%rev3A_1554] in [0] : vector<16xi32>, vector<16xi32> -> vector<16xi32>
      %swap3A_1556 = arith.constant 240 : index
      %swap3A_1557 = tpu.vector_load %arg18[%swap3A_1556] {strides = array<i32>} : memref<256xi32, #tpu.memory_space<vmem>>, vector<16xi32>,
      tpu.vector_store %arg18[%swap3A_1556], %rev3A_1555 {strides = array<i32>} : memref<256xi32, #tpu.memory_space<vmem>>, vector<16xi32>,
      %ge3A_1558 = arith.cmpi sge, %rev3A_1555, %sub3A_1510 : vector<16xi32>
      %all_reduce_population_count3A_1559 = tpu.all_reduce %ge3A_1558 {dim = 0 : i64, kind = #tpu.reduction_kind<sum>} : vector<16xi1> -> vector<16xi32>
      %add3A_1560 = arith.addi %broadcast_in_dim3A_1539, %all_reduce_population_count3A_1559 : vector<16xi32>
      %reduce_sum3A_1561 = arith.constant true
      %reduce_sum3A_1562 = vector.broadcast %reduce_sum3A_1561 : i1 to vector<16xi1>
      %reduce_sum3A_1563 = tpu.scan <sum>, %get3A_1541 masked %reduce_sum3A_1562 : vector<16xi32>, vector<16xi1> -> vector<16xi32>
      %reduce_sum3A_1564 = vector.extract %reduce_sum3A_1563[15] : i32 from vector<16xi32>
      %add3A_1565 = vector.broadcast %reduce_sum3A_1564 : i32 to vector<16xi32>
      %add3A_1566 = arith.addi %broadcast_in_dim3A_1537, %add3A_1565 : vector<16xi32>
      %get3A_1567 = arith.constant 224 : index
      %get3A_1568 = tpu.vector_load %arg17[%get3A_1567] {strides = array<i32>} : memref<256xi32, #tpu.memory_space<vmem>>, vector<16xi32>,
      %rev3A_1569 = arith.constant 15 : i32
      %rev3A_1570 = vector.broadcast %rev3A_1569 : i32 to vector<16xi32>
      %rev3A_1571 = tpu.iota {dimensions = array<i32: 0>} : vector<16xi32>
      %rev3A_1572 = arith.subi %rev3A_1570, %rev3A_1571 : vector<16xi32>
      %rev3A_1573 = tpu.dynamic_gather %get3A_1568[%rev3A_1572] in [0] : vector<16xi32>, vector<16xi32> -> vector<16xi32>
      %broadcast_in_dim3A_1574 = arith.constant true
      %broadcast_in_dim3A_1575 = vector.broadcast %broadcast_in_dim3A_1574 : i1 to vector<16xi1>
      %masked_cumsum3A_1576 = tpu.scan <sum>, %rev3A_1573 masked %broadcast_in_dim3A_1575 : vector<16xi32>, vector<16xi1> -> vector<16xi32>
      %add3A_1577 = arith.addi %masked_cumsum3A_1576, %add3A_1566 : vector<16xi32>
      %rev3A_1578 = arith.constant 15 : i32
      %rev3A_1579 = vector.broadcast %rev3A_1578 : i32 to vector<16xi32>
      %rev3A_1580 = tpu.iota {dimensions = array<i32: 0>} : vector<16xi32>
      %rev3A_1581 = arith.subi %rev3A_1579, %rev3A_1580 : vector<16xi32>
      %rev3A_1582 = tpu.dynamic_gather %add3A_1577[%rev3A_1581] in [0] : vector<16xi32>, vector<16xi32> -> vector<16xi32>
      %swap3A_1583 = arith.constant 224 : index
      %swap3A_1584 = tpu.vector_load %arg18[%swap3A_1583] {strides = array<i32>} : memref<256xi32, #tpu.memory_space<vmem>>, vector<16xi32>,
      tpu.vector_store %arg18[%swap3A_1583], %rev3A_1582 {strides = array<i32>} : memref<256xi32, #tpu.memory_space<vmem>>, vector<16xi32>,
      %ge3A_1585 = arith.cmpi sge, %rev3A_1582, %sub3A_1510 : vector<16xi32>
      %all_reduce_population_count3A_1586 = tpu.all_reduce %ge3A_1585 {dim = 0 : i64, kind = #tpu.reduction_kind<sum>} : vector<16xi1> -> vector<16xi32>
      %add3A_1587 = arith.addi %add3A_1560, %all_reduce_population_count3A_1586 : vector<16xi32>
      %reduce_sum3A_1588 = arith.constant true
      %reduce_sum3A_1589 = vector.broadcast %reduce_sum3A_1588 : i1 to vector<16xi1>
      %reduce_sum3A_1590 = tpu.scan <sum>, %get3A_1568 masked %reduce_sum3A_1589 : vector<16xi32>, vector<16xi1> -> vector<16xi32>
      %reduce_sum3A_1591 = vector.extract %reduce_sum3A_1590[15] : i32 from vector<16xi32>
      %add3A_1592 = vector.broadcast %reduce_sum3A_1591 : i32 to vector<16xi32>
      %add3A_1593 = arith.addi %add3A_1566, %add3A_1592 : vector<16xi32>
      %get3A_1594 = arith.constant 208 : index
      %get3A_1595 = tpu.vector_load %arg17[%get3A_1594] {strides = array<i32>} : memref<256xi32, #tpu.memory_space<vmem>>, vector<16xi32>,
      %rev3A_1596 = arith.constant 15 : i32
      %rev3A_1597 = vector.broadcast %rev3A_1596 : i32 to vector<16xi32>
      %rev3A_1598 = tpu.iota {dimensions = array<i32: 0>} : vector<16xi32>
      %rev3A_1599 = arith.subi %rev3A_1597, %rev3A_1598 : vector<16xi32>
      %rev3A_1600 = tpu.dynamic_gather %get3A_1595[%rev3A_1599] in [0] : vector<16xi32>, vector<16xi32> -> vector<16xi32>
      %broadcast_in_dim3A_1601 = arith.constant true
      %broadcast_in_dim3A_1602 = vector.broadcast %broadcast_in_dim3A_1601 : i1 to vector<16xi1>
      %masked_cumsum3A_1603 = tpu.scan <sum>, %rev3A_1600 masked %broadcast_in_dim3A_1602 : vector<16xi32>, vector<16xi1> -> vector<16xi32>
      %add3A_1604 = arith.addi %masked_cumsum3A_1603, %add3A_1593 : vector<16xi32>
      %rev3A_1605 = arith.constant 15 : i32
      %rev3A_1606 = vector.broadcast %rev3A_1605 : i32 to vector<16xi32>
      %rev3A_1607 = tpu.iota {dimensions = array<i32: 0>} : vector<16xi32>
      %rev3A_1608 = arith.subi %rev3A_1606, %rev3A_1607 : vector<16xi32>
      %rev3A_1609 = tpu.dynamic_gather %add3A_1604[%rev3A_1608] in [0] : vector<16xi32>, vector<16xi32> -> vector<16xi32>
      %swap3A_1610 = arith.constant 208 : index
      %swap3A_1611 = tpu.vector_load %arg18[%swap3A_1610] {strides = array<i32>} : memref<256xi32, #tpu.memory_space<vmem>>, vector<16xi32>,
      tpu.vector_store %arg18[%swap3A_1610], %rev3A_1609 {strides = array<i32>} : memref<256xi32, #tpu.memory_space<vmem>>, vector<16xi32>,
      %ge3A_1612 = arith.cmpi sge, %rev3A_1609, %sub3A_1510 : vector<16xi32>
      %all_reduce_population_count3A_1613 = tpu.all_reduce %ge3A_1612 {dim = 0 : i64, kind = #tpu.reduction_kind<sum>} : vector<16xi1> -> vector<16xi32>
      %add3A_1614 = arith.addi %add3A_1587, %all_reduce_population_count3A_1613 : vector<16xi32>
      %reduce_sum3A_1615 = arith.constant true
      %reduce_sum3A_1616 = vector.broadcast %reduce_sum3A_1615 : i1 to vector<16xi1>
      %reduce_sum3A_1617 = tpu.scan <sum>, %get3A_1595 masked %reduce_sum3A_1616 : vector<16xi32>, vector<16xi1> -> vector<16xi32>
      %reduce_sum3A_1618 = vector.extract %reduce_sum3A_1617[15] : i32 from vector<16xi32>
      %add3A_1619 = vector.broadcast %reduce_sum3A_1618 : i32 to vector<16xi32>
      %add3A_1620 = arith.addi %add3A_1593, %add3A_1619 : vector<16xi32>
      %get3A_1621 = arith.constant 192 : index
      %get3A_1622 = tpu.vector_load %arg17[%get3A_1621] {strides = array<i32>} : memref<256xi32, #tpu.memory_space<vmem>>, vector<16xi32>,
      %rev3A_1623 = arith.constant 15 : i32
      %rev3A_1624 = vector.broadcast %rev3A_1623 : i32 to vector<16xi32>
      %rev3A_1625 = tpu.iota {dimensions = array<i32: 0>} : vector<16xi32>
      %rev3A_1626 = arith.subi %rev3A_1624, %rev3A_1625 : vector<16xi32>
      %rev3A_1627 = tpu.dynamic_gather %get3A_1622[%rev3A_1626] in [0] : vector<16xi32>, vector<16xi32> -> vector<16xi32>
      %broadcast_in_dim3A_1628 = arith.constant true
      %broadcast_in_dim3A_1629 = vector.broadcast %broadcast_in_dim3A_1628 : i1 to vector<16xi1>
      %masked_cumsum3A_1630 = tpu.scan <sum>, %rev3A_1627 masked %broadcast_in_dim3A_1629 : vector<16xi32>, vector<16xi1> -> vector<16xi32>
      %add3A_1631 = arith.addi %masked_cumsum3A_1630, %add3A_1620 : vector<16xi32>
      %rev3A_1632 = arith.constant 15 : i32
      %rev3A_1633 = vector.broadcast %rev3A_1632 : i32 to vector<16xi32>
      %rev3A_1634 = tpu.iota {dimensions = array<i32: 0>} : vector<16xi32>
      %rev3A_1635 = arith.subi %rev3A_1633, %rev3A_1634 : vector<16xi32>
      %rev3A_1636 = tpu.dynamic_gather %add3A_1631[%rev3A_1635] in [0] : vector<16xi32>, vector<16xi32> -> vector<16xi32>
      %swap3A_1637 = arith.constant 192 : index
      %swap3A_1638 = tpu.vector_load %arg18[%swap3A_1637] {strides = array<i32>} : memref<256xi32, #tpu.memory_space<vmem>>, vector<16xi32>,
      tpu.vector_store %arg18[%swap3A_1637], %rev3A_1636 {strides = array<i32>} : memref<256xi32, #tpu.memory_space<vmem>>, vector<16xi32>,
      %ge3A_1639 = arith.cmpi sge, %rev3A_1636, %sub3A_1510 : vector<16xi32>
      %all_reduce_population_count3A_1640 = tpu.all_reduce %ge3A_1639 {dim = 0 : i64, kind = #tpu.reduction_kind<sum>} : vector<16xi1> -> vector<16xi32>
      %add3A_1641 = arith.addi %add3A_1614, %all_reduce_population_count3A_1640 : vector<16xi32>
      %reduce_sum3A_1642 = arith.constant true
      %reduce_sum3A_1643 = vector.broadcast %reduce_sum3A_1642 : i1 to vector<16xi1>
      %reduce_sum3A_1644 = tpu.scan <sum>, %get3A_1622 masked %reduce_sum3A_1643 : vector<16xi32>, vector<16xi1> -> vector<16xi32>
      %reduce_sum3A_1645 = vector.extract %reduce_sum3A_1644[15] : i32 from vector<16xi32>
      %add3A_1646 = vector.broadcast %reduce_sum3A_1645 : i32 to vector<16xi32>
      %add3A_1647 = arith.addi %add3A_1620, %add3A_1646 : vector<16xi32>
      %get3A_1648 = arith.constant 176 : index
      %get3A_1649 = tpu.vector_load %arg17[%get3A_1648] {strides = array<i32>} : memref<256xi32, #tpu.memory_space<vmem>>, vector<16xi32>,
      %rev3A_1650 = arith.constant 15 : i32
      %rev3A_1651 = vector.broadcast %rev3A_1650 : i32 to vector<16xi32>
      %rev3A_1652 = tpu.iota {dimensions = array<i32: 0>} : vector<16xi32>
      %rev3A_1653 = arith.subi %rev3A_1651, %rev3A_1652 : vector<16xi32>
      %rev3A_1654 = tpu.dynamic_gather %get3A_1649[%rev3A_1653] in [0] : vector<16xi32>, vector<16xi32> -> vector<16xi32>
      %broadcast_in_dim3A_1655 = arith.constant true
      %broadcast_in_dim3A_1656 = vector.broadcast %broadcast_in_dim3A_1655 : i1 to vector<16xi1>
      %masked_cumsum3A_1657 = tpu.scan <sum>, %rev3A_1654 masked %broadcast_in_dim3A_1656 : vector<16xi32>, vector<16xi1> -> vector<16xi32>
      %add3A_1658 = arith.addi %masked_cumsum3A_1657, %add3A_1647 : vector<16xi32>
      %rev3A_1659 = arith.constant 15 : i32
      %rev3A_1660 = vector.broadcast %rev3A_1659 : i32 to vector<16xi32>
      %rev3A_1661 = tpu.iota {dimensions = array<i32: 0>} : vector<16xi32>
      %rev3A_1662 = arith.subi %rev3A_1660, %rev3A_1661 : vector<16xi32>
      %rev3A_1663 = tpu.dynamic_gather %add3A_1658[%rev3A_1662] in [0] : vector<16xi32>, vector<16xi32> -> vector<16xi32>
      %swap3A_1664 = arith.constant 176 : index
      %swap3A_1665 = tpu.vector_load %arg18[%swap3A_1664] {strides = array<i32>} : memref<256xi32, #tpu.memory_space<vmem>>, vector<16xi32>,
      tpu.vector_store %arg18[%swap3A_1664], %rev3A_1663 {strides = array<i32>} : memref<256xi32, #tpu.memory_space<vmem>>, vector<16xi32>,
      %ge3A_1666 = arith.cmpi sge, %rev3A_1663, %sub3A_1510 : vector<16xi32>
      %all_reduce_population_count3A_1667 = tpu.all_reduce %ge3A_1666 {dim = 0 : i64, kind = #tpu.reduction_kind<sum>} : vector<16xi1> -> vector<16xi32>
      %add3A_1668 = arith.addi %add3A_1641, %all_reduce_population_count3A_1667 : vector<16xi32>
      %reduce_sum3A_1669 = arith.constant true
      %reduce_sum3A_1670 = vector.broadcast %reduce_sum3A_1669 : i1 to vector<16xi1>
      %reduce_sum3A_1671 = tpu.scan <sum>, %get3A_1649 masked %reduce_sum3A_1670 : vector<16xi32>, vector<16xi1> -> vector<16xi32>
      %reduce_sum3A_1672 = vector.extract %reduce_sum3A_1671[15] : i32 from vector<16xi32>
      %add3A_1673 = vector.broadcast %reduce_sum3A_1672 : i32 to vector<16xi32>
      %add3A_1674 = arith.addi %add3A_1647, %add3A_1673 : vector<16xi32>
      %get3A_1675 = arith.constant 160 : index
      %get3A_1676 = tpu.vector_load %arg17[%get3A_1675] {strides = array<i32>} : memref<256xi32, #tpu.memory_space<vmem>>, vector<16xi32>,
      %rev3A_1677 = arith.constant 15 : i32
      %rev3A_1678 = vector.broadcast %rev3A_1677 : i32 to vector<16xi32>
      %rev3A_1679 = tpu.iota {dimensions = array<i32: 0>} : vector<16xi32>
      %rev3A_1680 = arith.subi %rev3A_1678, %rev3A_1679 : vector<16xi32>
      %rev3A_1681 = tpu.dynamic_gather %get3A_1676[%rev3A_1680] in [0] : vector<16xi32>, vector<16xi32> -> vector<16xi32>
      %broadcast_in_dim3A_1682 = arith.constant true
      %broadcast_in_dim3A_1683 = vector.broadcast %broadcast_in_dim3A_1682 : i1 to vector<16xi1>
      %masked_cumsum3A_1684 = tpu.scan <sum>, %rev3A_1681 masked %broadcast_in_dim3A_1683 : vector<16xi32>, vector<16xi1> -> vector<16xi32>
      %add3A_1685 = arith.addi %masked_cumsum3A_1684, %add3A_1674 : vector<16xi32>
      %rev3A_1686 = arith.constant 15 : i32
      %rev3A_1687 = vector.broadcast %rev3A_1686 : i32 to vector<16xi32>
      %rev3A_1688 = tpu.iota {dimensions = array<i32: 0>} : vector<16xi32>
      %rev3A_1689 = arith.subi %rev3A_1687, %rev3A_1688 : vector<16xi32>
      %rev3A_1690 = tpu.dynamic_gather %add3A_1685[%rev3A_1689] in [0] : vector<16xi32>, vector<16xi32> -> vector<16xi32>
      %swap3A_1691 = arith.constant 160 : index
      %swap3A_1692 = tpu.vector_load %arg18[%swap3A_1691] {strides = array<i32>} : memref<256xi32, #tpu.memory_space<vmem>>, vector<16xi32>,
      tpu.vector_store %arg18[%swap3A_1691], %rev3A_1690 {strides = array<i32>} : memref<256xi32, #tpu.memory_space<vmem>>, vector<16xi32>,
      %ge3A_1693 = arith.cmpi sge, %rev3A_1690, %sub3A_1510 : vector<16xi32>
      %all_reduce_population_count3A_1694 = tpu.all_reduce %ge3A_1693 {dim = 0 : i64, kind = #tpu.reduction_kind<sum>} : vector<16xi1> -> vector<16xi32>
      %add3A_1695 = arith.addi %add3A_1668, %all_reduce_population_count3A_1694 : vector<16xi32>
      %reduce_sum3A_1696 = arith.constant true
      %reduce_sum3A_1697 = vector.broadcast %reduce_sum3A_1696 : i1 to vector<16xi1>
      %reduce_sum3A_1698 = tpu.scan <sum>, %get3A_1676 masked %reduce_sum3A_1697 : vector<16xi32>, vector<16xi1> -> vector<16xi32>
      %reduce_sum3A_1699 = vector.extract %reduce_sum3A_1698[15] : i32 from vector<16xi32>
      %add3A_1700 = vector.broadcast %reduce_sum3A_1699 : i32 to vector<16xi32>
      %add3A_1701 = arith.addi %add3A_1674, %add3A_1700 : vector<16xi32>
      %get3A_1702 = arith.constant 144 : index
      %get3A_1703 = tpu.vector_load %arg17[%get3A_1702] {strides = array<i32>} : memref<256xi32, #tpu.memory_space<vmem>>, vector<16xi32>,
      %rev3A_1704 = arith.constant 15 : i32
      %rev3A_1705 = vector.broadcast %rev3A_1704 : i32 to vector<16xi32>
      %rev3A_1706 = tpu.iota {dimensions = array<i32: 0>} : vector<16xi32>
      %rev3A_1707 = arith.subi %rev3A_1705, %rev3A_1706 : vector<16xi32>
      %rev3A_1708 = tpu.dynamic_gather %get3A_1703[%rev3A_1707] in [0] : vector<16xi32>, vector<16xi32> -> vector<16xi32>
      %broadcast_in_dim3A_1709 = arith.constant true
      %broadcast_in_dim3A_1710 = vector.broadcast %broadcast_in_dim3A_1709 : i1 to vector<16xi1>
      %masked_cumsum3A_1711 = tpu.scan <sum>, %rev3A_1708 masked %broadcast_in_dim3A_1710 : vector<16xi32>, vector<16xi1> -> vector<16xi32>
      %add3A_1712 = arith.addi %masked_cumsum3A_1711, %add3A_1701 : vector<16xi32>
      %rev3A_1713 = arith.constant 15 : i32
      %rev3A_1714 = vector.broadcast %rev3A_1713 : i32 to vector<16xi32>
      %rev3A_1715 = tpu.iota {dimensions = array<i32: 0>} : vector<16xi32>
      %rev3A_1716 = arith.subi %rev3A_1714, %rev3A_1715 : vector<16xi32>
      %rev3A_1717 = tpu.dynamic_gather %add3A_1712[%rev3A_1716] in [0] : vector<16xi32>, vector<16xi32> -> vector<16xi32>
      %swap3A_1718 = arith.constant 144 : index
      %swap3A_1719 = tpu.vector_load %arg18[%swap3A_1718] {strides = array<i32>} : memref<256xi32, #tpu.memory_space<vmem>>, vector<16xi32>,
      tpu.vector_store %arg18[%swap3A_1718], %rev3A_1717 {strides = array<i32>} : memref<256xi32, #tpu.memory_space<vmem>>, vector<16xi32>,
      %ge3A_1720 = arith.cmpi sge, %rev3A_1717, %sub3A_1510 : vector<16xi32>
      %all_reduce_population_count3A_1721 = tpu.all_reduce %ge3A_1720 {dim = 0 : i64, kind = #tpu.reduction_kind<sum>} : vector<16xi1> -> vector<16xi32>
      %add3A_1722 = arith.addi %add3A_1695, %all_reduce_population_count3A_1721 : vector<16xi32>
      %reduce_sum3A_1723 = arith.constant true
      %reduce_sum3A_1724 = vector.broadcast %reduce_sum3A_1723 : i1 to vector<16xi1>
      %reduce_sum3A_1725 = tpu.scan <sum>, %get3A_1703 masked %reduce_sum3A_1724 : vector<16xi32>, vector<16xi1> -> vector<16xi32>
      %reduce_sum3A_1726 = vector.extract %reduce_sum3A_1725[15] : i32 from vector<16xi32>
      %add3A_1727 = vector.broadcast %reduce_sum3A_1726 : i32 to vector<16xi32>
      %add3A_1728 = arith.addi %add3A_1701, %add3A_1727 : vector<16xi32>
      %get3A_1729 = arith.constant 128 : index
      %get3A_1730 = tpu.vector_load %arg17[%get3A_1729] {strides = array<i32>} : memref<256xi32, #tpu.memory_space<vmem>>, vector<16xi32>,
      %rev3A_1731 = arith.constant 15 : i32
      %rev3A_1732 = vector.broadcast %rev3A_1731 : i32 to vector<16xi32>
      %rev3A_1733 = tpu.iota {dimensions = array<i32: 0>} : vector<16xi32>
      %rev3A_1734 = arith.subi %rev3A_1732, %rev3A_1733 : vector<16xi32>
      %rev3A_1735 = tpu.dynamic_gather %get3A_1730[%rev3A_1734] in [0] : vector<16xi32>, vector<16xi32> -> vector<16xi32>
      %broadcast_in_dim3A_1736 = arith.constant true
      %broadcast_in_dim3A_1737 = vector.broadcast %broadcast_in_dim3A_1736 : i1 to vector<16xi1>
      %masked_cumsum3A_1738 = tpu.scan <sum>, %rev3A_1735 masked %broadcast_in_dim3A_1737 : vector<16xi32>, vector<16xi1> -> vector<16xi32>
      %add3A_1739 = arith.addi %masked_cumsum3A_1738, %add3A_1728 : vector<16xi32>
      %rev3A_1740 = arith.constant 15 : i32
      %rev3A_1741 = vector.broadcast %rev3A_1740 : i32 to vector<16xi32>
      %rev3A_1742 = tpu.iota {dimensions = array<i32: 0>} : vector<16xi32>
      %rev3A_1743 = arith.subi %rev3A_1741, %rev3A_1742 : vector<16xi32>
      %rev3A_1744 = tpu.dynamic_gather %add3A_1739[%rev3A_1743] in [0] : vector<16xi32>, vector<16xi32> -> vector<16xi32>
      %swap3A_1745 = arith.constant 128 : index
      %swap3A_1746 = tpu.vector_load %arg18[%swap3A_1745] {strides = array<i32>} : memref<256xi32, #tpu.memory_space<vmem>>, vector<16xi32>,
      tpu.vector_store %arg18[%swap3A_1745], %rev3A_1744 {strides = array<i32>} : memref<256xi32, #tpu.memory_space<vmem>>, vector<16xi32>,
      %ge3A_1747 = arith.cmpi sge, %rev3A_1744, %sub3A_1510 : vector<16xi32>
      %all_reduce_population_count3A_1748 = tpu.all_reduce %ge3A_1747 {dim = 0 : i64, kind = #tpu.reduction_kind<sum>} : vector<16xi1> -> vector<16xi32>
      %add3A_1749 = arith.addi %add3A_1722, %all_reduce_population_count3A_1748 : vector<16xi32>
      %reduce_sum3A_1750 = arith.constant true
      %reduce_sum3A_1751 = vector.broadcast %reduce_sum3A_1750 : i1 to vector<16xi1>
      %reduce_sum3A_1752 = tpu.scan <sum>, %get3A_1730 masked %reduce_sum3A_1751 : vector<16xi32>, vector<16xi1> -> vector<16xi32>
      %reduce_sum3A_1753 = vector.extract %reduce_sum3A_1752[15] : i32 from vector<16xi32>
      %add3A_1754 = vector.broadcast %reduce_sum3A_1753 : i32 to vector<16xi32>
      %add3A_1755 = arith.addi %add3A_1728, %add3A_1754 : vector<16xi32>
      %get3A_1756 = arith.constant 112 : index
      %get3A_1757 = tpu.vector_load %arg17[%get3A_1756] {strides = array<i32>} : memref<256xi32, #tpu.memory_space<vmem>>, vector<16xi32>,
      %rev3A_1758 = arith.constant 15 : i32
      %rev3A_1759 = vector.broadcast %rev3A_1758 : i32 to vector<16xi32>
      %rev3A_1760 = tpu.iota {dimensions = array<i32: 0>} : vector<16xi32>
      %rev3A_1761 = arith.subi %rev3A_1759, %rev3A_1760 : vector<16xi32>
      %rev3A_1762 = tpu.dynamic_gather %get3A_1757[%rev3A_1761] in [0] : vector<16xi32>, vector<16xi32> -> vector<16xi32>
      %broadcast_in_dim3A_1763 = arith.constant true
      %broadcast_in_dim3A_1764 = vector.broadcast %broadcast_in_dim3A_1763 : i1 to vector<16xi1>
      %masked_cumsum3A_1765 = tpu.scan <sum>, %rev3A_1762 masked %broadcast_in_dim3A_1764 : vector<16xi32>, vector<16xi1> -> vector<16xi32>
      %add3A_1766 = arith.addi %masked_cumsum3A_1765, %add3A_1755 : vector<16xi32>
      %rev3A_1767 = arith.constant 15 : i32
      %rev3A_1768 = vector.broadcast %rev3A_1767 : i32 to vector<16xi32>
      %rev3A_1769 = tpu.iota {dimensions = array<i32: 0>} : vector<16xi32>
      %rev3A_1770 = arith.subi %rev3A_1768, %rev3A_1769 : vector<16xi32>
      %rev3A_1771 = tpu.dynamic_gather %add3A_1766[%rev3A_1770] in [0] : vector<16xi32>, vector<16xi32> -> vector<16xi32>
      %swap3A_1772 = arith.constant 112 : index
      %swap3A_1773 = tpu.vector_load %arg18[%swap3A_1772] {strides = array<i32>} : memref<256xi32, #tpu.memory_space<vmem>>, vector<16xi32>,
      tpu.vector_store %arg18[%swap3A_1772], %rev3A_1771 {strides = array<i32>} : memref<256xi32, #tpu.memory_space<vmem>>, vector<16xi32>,
      %ge3A_1774 = arith.cmpi sge, %rev3A_1771, %sub3A_1510 : vector<16xi32>
      %all_reduce_population_count3A_1775 = tpu.all_reduce %ge3A_1774 {dim = 0 : i64, kind = #tpu.reduction_kind<sum>} : vector<16xi1> -> vector<16xi32>
      %add3A_1776 = arith.addi %add3A_1749, %all_reduce_population_count3A_1775 : vector<16xi32>
      %reduce_sum3A_1777 = arith.constant true
      %reduce_sum3A_1778 = vector.broadcast %reduce_sum3A_1777 : i1 to vector<16xi1>
      %reduce_sum3A_1779 = tpu.scan <sum>, %get3A_1757 masked %reduce_sum3A_1778 : vector<16xi32>, vector<16xi1> -> vector<16xi32>
      %reduce_sum3A_1780 = vector.extract %reduce_sum3A_1779[15] : i32 from vector<16xi32>
      %add3A_1781 = vector.broadcast %reduce_sum3A_1780 : i32 to vector<16xi32>
      %add3A_1782 = arith.addi %add3A_1755, %add3A_1781 : vector<16xi32>
      %get3A_1783 = arith.constant 96 : index
      %get3A_1784 = tpu.vector_load %arg17[%get3A_1783] {strides = array<i32>} : memref<256xi32, #tpu.memory_space<vmem>>, vector<16xi32>,
      %rev3A_1785 = arith.constant 15 : i32
      %rev3A_1786 = vector.broadcast %rev3A_1785 : i32 to vector<16xi32>
      %rev3A_1787 = tpu.iota {dimensions = array<i32: 0>} : vector<16xi32>
      %rev3A_1788 = arith.subi %rev3A_1786, %rev3A_1787 : vector<16xi32>
      %rev3A_1789 = tpu.dynamic_gather %get3A_1784[%rev3A_1788] in [0] : vector<16xi32>, vector<16xi32> -> vector<16xi32>
      %broadcast_in_dim3A_1790 = arith.constant true
      %broadcast_in_dim3A_1791 = vector.broadcast %broadcast_in_dim3A_1790 : i1 to vector<16xi1>
      %masked_cumsum3A_1792 = tpu.scan <sum>, %rev3A_1789 masked %broadcast_in_dim3A_1791 : vector<16xi32>, vector<16xi1> -> vector<16xi32>
      %add3A_1793 = arith.addi %masked_cumsum3A_1792, %add3A_1782 : vector<16xi32>
      %rev3A_1794 = arith.constant 15 : i32
      %rev3A_1795 = vector.broadcast %rev3A_1794 : i32 to vector<16xi32>
      %rev3A_1796 = tpu.iota {dimensions = array<i32: 0>} : vector<16xi32>
      %rev3A_1797 = arith.subi %rev3A_1795, %rev3A_1796 : vector<16xi32>
      %rev3A_1798 = tpu.dynamic_gather %add3A_1793[%rev3A_1797] in [0] : vector<16xi32>, vector<16xi32> -> vector<16xi32>
      %swap3A_1799 = arith.constant 96 : index
      %swap3A_1800 = tpu.vector_load %arg18[%swap3A_1799] {strides = array<i32>} : memref<256xi32, #tpu.memory_space<vmem>>, vector<16xi32>,
      tpu.vector_store %arg18[%swap3A_1799], %rev3A_1798 {strides = array<i32>} : memref<256xi32, #tpu.memory_space<vmem>>, vector<16xi32>,
      %ge3A_1801 = arith.cmpi sge, %rev3A_1798, %sub3A_1510 : vector<16xi32>
      %all_reduce_population_count3A_1802 = tpu.all_reduce %ge3A_1801 {dim = 0 : i64, kind = #tpu.reduction_kind<sum>} : vector<16xi1> -> vector<16xi32>
      %add3A_1803 = arith.addi %add3A_1776, %all_reduce_population_count3A_1802 : vector<16xi32>
      %reduce_sum3A_1804 = arith.constant true
      %reduce_sum3A_1805 = vector.broadcast %reduce_sum3A_1804 : i1 to vector<16xi1>
      %reduce_sum3A_1806 = tpu.scan <sum>, %get3A_1784 masked %reduce_sum3A_1805 : vector<16xi32>, vector<16xi1> -> vector<16xi32>
      %reduce_sum3A_1807 = vector.extract %reduce_sum3A_1806[15] : i32 from vector<16xi32>
      %add3A_1808 = vector.broadcast %reduce_sum3A_1807 : i32 to vector<16xi32>
      %add3A_1809 = arith.addi %add3A_1782, %add3A_1808 : vector<16xi32>
      %get3A_1810 = arith.constant 80 : index
      %get3A_1811 = tpu.vector_load %arg17[%get3A_1810] {strides = array<i32>} : memref<256xi32, #tpu.memory_space<vmem>>, vector<16xi32>,
      %rev3A_1812 = arith.constant 15 : i32
      %rev3A_1813 = vector.broadcast %rev3A_1812 : i32 to vector<16xi32>
      %rev3A_1814 = tpu.iota {dimensions = array<i32: 0>} : vector<16xi32>
      %rev3A_1815 = arith.subi %rev3A_1813, %rev3A_1814 : vector<16xi32>
      %rev3A_1816 = tpu.dynamic_gather %get3A_1811[%rev3A_1815] in [0] : vector<16xi32>, vector<16xi32> -> vector<16xi32>
      %broadcast_in_dim3A_1817 = arith.constant true
      %broadcast_in_dim3A_1818 = vector.broadcast %broadcast_in_dim3A_1817 : i1 to vector<16xi1>
      %masked_cumsum3A_1819 = tpu.scan <sum>, %rev3A_1816 masked %broadcast_in_dim3A_1818 : vector<16xi32>, vector<16xi1> -> vector<16xi32>
      %add3A_1820 = arith.addi %masked_cumsum3A_1819, %add3A_1809 : vector<16xi32>
      %rev3A_1821 = arith.constant 15 : i32
      %rev3A_1822 = vector.broadcast %rev3A_1821 : i32 to vector<16xi32>
      %rev3A_1823 = tpu.iota {dimensions = array<i32: 0>} : vector<16xi32>
      %rev3A_1824 = arith.subi %rev3A_1822, %rev3A_1823 : vector<16xi32>
      %rev3A_1825 = tpu.dynamic_gather %add3A_1820[%rev3A_1824] in [0] : vector<16xi32>, vector<16xi32> -> vector<16xi32>
      %swap3A_1826 = arith.constant 80 : index
      %swap3A_1827 = tpu.vector_load %arg18[%swap3A_1826] {strides = array<i32>} : memref<256xi32, #tpu.memory_space<vmem>>, vector<16xi32>,
      tpu.vector_store %arg18[%swap3A_1826], %rev3A_1825 {strides = array<i32>} : memref<256xi32, #tpu.memory_space<vmem>>, vector<16xi32>,
      %ge3A_1828 = arith.cmpi sge, %rev3A_1825, %sub3A_1510 : vector<16xi32>
      %all_reduce_population_count3A_1829 = tpu.all_reduce %ge3A_1828 {dim = 0 : i64, kind = #tpu.reduction_kind<sum>} : vector<16xi1> -> vector<16xi32>
      %add3A_1830 = arith.addi %add3A_1803, %all_reduce_population_count3A_1829 : vector<16xi32>
      %reduce_sum3A_1831 = arith.constant true
      %reduce_sum3A_1832 = vector.broadcast %reduce_sum3A_1831 : i1 to vector<16xi1>
      %reduce_sum3A_1833 = tpu.scan <sum>, %get3A_1811 masked %reduce_sum3A_1832 : vector<16xi32>, vector<16xi1> -> vector<16xi32>
      %reduce_sum3A_1834 = vector.extract %reduce_sum3A_1833[15] : i32 from vector<16xi32>
      %add3A_1835 = vector.broadcast %reduce_sum3A_1834 : i32 to vector<16xi32>
      %add3A_1836 = arith.addi %add3A_1809, %add3A_1835 : vector<16xi32>
      %get3A_1837 = arith.constant 64 : index
      %get3A_1838 = tpu.vector_load %arg17[%get3A_1837] {strides = array<i32>} : memref<256xi32, #tpu.memory_space<vmem>>, vector<16xi32>,
      %rev3A_1839 = arith.constant 15 : i32
      %rev3A_1840 = vector.broadcast %rev3A_1839 : i32 to vector<16xi32>
      %rev3A_1841 = tpu.iota {dimensions = array<i32: 0>} : vector<16xi32>
      %rev3A_1842 = arith.subi %rev3A_1840, %rev3A_1841 : vector<16xi32>
      %rev3A_1843 = tpu.dynamic_gather %get3A_1838[%rev3A_1842] in [0] : vector<16xi32>, vector<16xi32> -> vector<16xi32>
      %broadcast_in_dim3A_1844 = arith.constant true
      %broadcast_in_dim3A_1845 = vector.broadcast %broadcast_in_dim3A_1844 : i1 to vector<16xi1>
      %masked_cumsum3A_1846 = tpu.scan <sum>, %rev3A_1843 masked %broadcast_in_dim3A_1845 : vector<16xi32>, vector<16xi1> -> vector<16xi32>
      %add3A_1847 = arith.addi %masked_cumsum3A_1846, %add3A_1836 : vector<16xi32>
      %rev3A_1848 = arith.constant 15 : i32
      %rev3A_1849 = vector.broadcast %rev3A_1848 : i32 to vector<16xi32>
      %rev3A_1850 = tpu.iota {dimensions = array<i32: 0>} : vector<16xi32>
      %rev3A_1851 = arith.subi %rev3A_1849, %rev3A_1850 : vector<16xi32>
      %rev3A_1852 = tpu.dynamic_gather %add3A_1847[%rev3A_1851] in [0] : vector<16xi32>, vector<16xi32> -> vector<16xi32>
      %swap3A_1853 = arith.constant 64 : index
      %swap3A_1854 = tpu.vector_load %arg18[%swap3A_1853] {strides = array<i32>} : memref<256xi32, #tpu.memory_space<vmem>>, vector<16xi32>,
      tpu.vector_store %arg18[%swap3A_1853], %rev3A_1852 {strides = array<i32>} : memref<256xi32, #tpu.memory_space<vmem>>, vector<16xi32>,
      %ge3A_1855 = arith.cmpi sge, %rev3A_1852, %sub3A_1510 : vector<16xi32>
      %all_reduce_population_count3A_1856 = tpu.all_reduce %ge3A_1855 {dim = 0 : i64, kind = #tpu.reduction_kind<sum>} : vector<16xi1> -> vector<16xi32>
      %add3A_1857 = arith.addi %add3A_1830, %all_reduce_population_count3A_1856 : vector<16xi32>
      %reduce_sum3A_1858 = arith.constant true
      %reduce_sum3A_1859 = vector.broadcast %reduce_sum3A_1858 : i1 to vector<16xi1>
      %reduce_sum3A_1860 = tpu.scan <sum>, %get3A_1838 masked %reduce_sum3A_1859 : vector<16xi32>, vector<16xi1> -> vector<16xi32>
      %reduce_sum3A_1861 = vector.extract %reduce_sum3A_1860[15] : i32 from vector<16xi32>
      %add3A_1862 = vector.broadcast %reduce_sum3A_1861 : i32 to vector<16xi32>
      %add3A_1863 = arith.addi %add3A_1836, %add3A_1862 : vector<16xi32>
      %get3A_1864 = arith.constant 48 : index
      %get3A_1865 = tpu.vector_load %arg17[%get3A_1864] {strides = array<i32>} : memref<256xi32, #tpu.memory_space<vmem>>, vector<16xi32>,
      %rev3A_1866 = arith.constant 15 : i32
      %rev3A_1867 = vector.broadcast %rev3A_1866 : i32 to vector<16xi32>
      %rev3A_1868 = tpu.iota {dimensions = array<i32: 0>} : vector<16xi32>
      %rev3A_1869 = arith.subi %rev3A_1867, %rev3A_1868 : vector<16xi32>
      %rev3A_1870 = tpu.dynamic_gather %get3A_1865[%rev3A_1869] in [0] : vector<16xi32>, vector<16xi32> -> vector<16xi32>
      %broadcast_in_dim3A_1871 = arith.constant true
      %broadcast_in_dim3A_1872 = vector.broadcast %broadcast_in_dim3A_1871 : i1 to vector<16xi1>
      %masked_cumsum3A_1873 = tpu.scan <sum>, %rev3A_1870 masked %broadcast_in_dim3A_1872 : vector<16xi32>, vector<16xi1> -> vector<16xi32>
      %add3A_1874 = arith.addi %masked_cumsum3A_1873, %add3A_1863 : vector<16xi32>
      %rev3A_1875 = arith.constant 15 : i32
      %rev3A_1876 = vector.broadcast %rev3A_1875 : i32 to vector<16xi32>
      %rev3A_1877 = tpu.iota {dimensions = array<i32: 0>} : vector<16xi32>
      %rev3A_1878 = arith.subi %rev3A_1876, %rev3A_1877 : vector<16xi32>
      %rev3A_1879 = tpu.dynamic_gather %add3A_1874[%rev3A_1878] in [0] : vector<16xi32>, vector<16xi32> -> vector<16xi32>
      %swap3A_1880 = arith.constant 48 : index
      %swap3A_1881 = tpu.vector_load %arg18[%swap3A_1880] {strides = array<i32>} : memref<256xi32, #tpu.memory_space<vmem>>, vector<16xi32>,
      tpu.vector_store %arg18[%swap3A_1880], %rev3A_1879 {strides = array<i32>} : memref<256xi32, #tpu.memory_space<vmem>>, vector<16xi32>,
      %ge3A_1882 = arith.cmpi sge, %rev3A_1879, %sub3A_1510 : vector<16xi32>
      %all_reduce_population_count3A_1883 = tpu.all_reduce %ge3A_1882 {dim = 0 : i64, kind = #tpu.reduction_kind<sum>} : vector<16xi1> -> vector<16xi32>
      %add3A_1884 = arith.addi %add3A_1857, %all_reduce_population_count3A_1883 : vector<16xi32>
      %reduce_sum3A_1885 = arith.constant true
      %reduce_sum3A_1886 = vector.broadcast %reduce_sum3A_1885 : i1 to vector<16xi1>
      %reduce_sum3A_1887 = tpu.scan <sum>, %get3A_1865 masked %reduce_sum3A_1886 : vector<16xi32>, vector<16xi1> -> vector<16xi32>
      %reduce_sum3A_1888 = vector.extract %reduce_sum3A_1887[15] : i32 from vector<16xi32>
      %add3A_1889 = vector.broadcast %reduce_sum3A_1888 : i32 to vector<16xi32>
      %add3A_1890 = arith.addi %add3A_1863, %add3A_1889 : vector<16xi32>
      %get3A_1891 = arith.constant 32 : index
      %get3A_1892 = tpu.vector_load %arg17[%get3A_1891] {strides = array<i32>} : memref<256xi32, #tpu.memory_space<vmem>>, vector<16xi32>,
      %rev3A_1893 = arith.constant 15 : i32
      %rev3A_1894 = vector.broadcast %rev3A_1893 : i32 to vector<16xi32>
      %rev3A_1895 = tpu.iota {dimensions = array<i32: 0>} : vector<16xi32>
      %rev3A_1896 = arith.subi %rev3A_1894, %rev3A_1895 : vector<16xi32>
      %rev3A_1897 = tpu.dynamic_gather %get3A_1892[%rev3A_1896] in [0] : vector<16xi32>, vector<16xi32> -> vector<16xi32>
      %broadcast_in_dim3A_1898 = arith.constant true
      %broadcast_in_dim3A_1899 = vector.broadcast %broadcast_in_dim3A_1898 : i1 to vector<16xi1>
      %masked_cumsum3A_1900 = tpu.scan <sum>, %rev3A_1897 masked %broadcast_in_dim3A_1899 : vector<16xi32>, vector<16xi1> -> vector<16xi32>
      %add3A_1901 = arith.addi %masked_cumsum3A_1900, %add3A_1890 : vector<16xi32>
      %rev3A_1902 = arith.constant 15 : i32
      %rev3A_1903 = vector.broadcast %rev3A_1902 : i32 to vector<16xi32>
      %rev3A_1904 = tpu.iota {dimensions = array<i32: 0>} : vector<16xi32>
      %rev3A_1905 = arith.subi %rev3A_1903, %rev3A_1904 : vector<16xi32>
      %rev3A_1906 = tpu.dynamic_gather %add3A_1901[%rev3A_1905] in [0] : vector<16xi32>, vector<16xi32> -> vector<16xi32>
      %swap3A_1907 = arith.constant 32 : index
      %swap3A_1908 = tpu.vector_load %arg18[%swap3A_1907] {strides = array<i32>} : memref<256xi32, #tpu.memory_space<vmem>>, vector<16xi32>,
      tpu.vector_store %arg18[%swap3A_1907], %rev3A_1906 {strides = array<i32>} : memref<256xi32, #tpu.memory_space<vmem>>, vector<16xi32>,
      %ge3A_1909 = arith.cmpi sge, %rev3A_1906, %sub3A_1510 : vector<16xi32>
      %all_reduce_population_count3A_1910 = tpu.all_reduce %ge3A_1909 {dim = 0 : i64, kind = #tpu.reduction_kind<sum>} : vector<16xi1> -> vector<16xi32>
      %add3A_1911 = arith.addi %add3A_1884, %all_reduce_population_count3A_1910 : vector<16xi32>
      %reduce_sum3A_1912 = arith.constant true
      %reduce_sum3A_1913 = vector.broadcast %reduce_sum3A_1912 : i1 to vector<16xi1>
      %reduce_sum3A_1914 = tpu.scan <sum>, %get3A_1892 masked %reduce_sum3A_1913 : vector<16xi32>, vector<16xi1> -> vector<16xi32>
      %reduce_sum3A_1915 = vector.extract %reduce_sum3A_1914[15] : i32 from vector<16xi32>
      %add3A_1916 = vector.broadcast %reduce_sum3A_1915 : i32 to vector<16xi32>
      %add3A_1917 = arith.addi %add3A_1890, %add3A_1916 : vector<16xi32>
      %get3A_1918 = arith.constant 16 : index
      %get3A_1919 = tpu.vector_load %arg17[%get3A_1918] {strides = array<i32>} : memref<256xi32, #tpu.memory_space<vmem>>, vector<16xi32>,
      %rev3A_1920 = arith.constant 15 : i32
      %rev3A_1921 = vector.broadcast %rev3A_1920 : i32 to vector<16xi32>
      %rev3A_1922 = tpu.iota {dimensions = array<i32: 0>} : vector<16xi32>
      %rev3A_1923 = arith.subi %rev3A_1921, %rev3A_1922 : vector<16xi32>
      %rev3A_1924 = tpu.dynamic_gather %get3A_1919[%rev3A_1923] in [0] : vector<16xi32>, vector<16xi32> -> vector<16xi32>
      %broadcast_in_dim3A_1925 = arith.constant true
      %broadcast_in_dim3A_1926 = vector.broadcast %broadcast_in_dim3A_1925 : i1 to vector<16xi1>
      %masked_cumsum3A_1927 = tpu.scan <sum>, %rev3A_1924 masked %broadcast_in_dim3A_1926 : vector<16xi32>, vector<16xi1> -> vector<16xi32>
      %add3A_1928 = arith.addi %masked_cumsum3A_1927, %add3A_1917 : vector<16xi32>
      %rev3A_1929 = arith.constant 15 : i32
      %rev3A_1930 = vector.broadcast %rev3A_1929 : i32 to vector<16xi32>
      %rev3A_1931 = tpu.iota {dimensions = array<i32: 0>} : vector<16xi32>
      %rev3A_1932 = arith.subi %rev3A_1930, %rev3A_1931 : vector<16xi32>
      %rev3A_1933 = tpu.dynamic_gather %add3A_1928[%rev3A_1932] in [0] : vector<16xi32>, vector<16xi32> -> vector<16xi32>
      %swap3A_1934 = arith.constant 16 : index
      %swap3A_1935 = tpu.vector_load %arg18[%swap3A_1934] {strides = array<i32>} : memref<256xi32, #tpu.memory_space<vmem>>, vector<16xi32>,
      tpu.vector_store %arg18[%swap3A_1934], %rev3A_1933 {strides = array<i32>} : memref<256xi32, #tpu.memory_space<vmem>>, vector<16xi32>,
      %ge3A_1936 = arith.cmpi sge, %rev3A_1933, %sub3A_1510 : vector<16xi32>
      %all_reduce_population_count3A_1937 = tpu.all_reduce %ge3A_1936 {dim = 0 : i64, kind = #tpu.reduction_kind<sum>} : vector<16xi1> -> vector<16xi32>
      %add3A_1938 = arith.addi %add3A_1911, %all_reduce_population_count3A_1937 : vector<16xi32>
      %reduce_sum3A_1939 = arith.constant true
      %reduce_sum3A_1940 = vector.broadcast %reduce_sum3A_1939 : i1 to vector<16xi1>
      %reduce_sum3A_1941 = tpu.scan <sum>, %get3A_1919 masked %reduce_sum3A_1940 : vector<16xi32>, vector<16xi1> -> vector<16xi32>
      %reduce_sum3A_1942 = vector.extract %reduce_sum3A_1941[15] : i32 from vector<16xi32>
      %add3A_1943 = vector.broadcast %reduce_sum3A_1942 : i32 to vector<16xi32>
      %add3A_1944 = arith.addi %add3A_1917, %add3A_1943 : vector<16xi32>
      %get3A_1945 = arith.constant 0 : index
      %get3A_1946 = tpu.vector_load %arg17[%get3A_1945] {strides = array<i32>} : memref<256xi32, #tpu.memory_space<vmem>>, vector<16xi32>,
      %rev3A_1947 = arith.constant 15 : i32
      %rev3A_1948 = vector.broadcast %rev3A_1947 : i32 to vector<16xi32>
      %rev3A_1949 = tpu.iota {dimensions = array<i32: 0>} : vector<16xi32>
      %rev3A_1950 = arith.subi %rev3A_1948, %rev3A_1949 : vector<16xi32>
      %rev3A_1951 = tpu.dynamic_gather %get3A_1946[%rev3A_1950] in [0] : vector<16xi32>, vector<16xi32> -> vector<16xi32>
      %broadcast_in_dim3A_1952 = arith.constant true
      %broadcast_in_dim3A_1953 = vector.broadcast %broadcast_in_dim3A_1952 : i1 to vector<16xi1>
      %masked_cumsum3A_1954 = tpu.scan <sum>, %rev3A_1951 masked %broadcast_in_dim3A_1953 : vector<16xi32>, vector<16xi1> -> vector<16xi32>
      %add3A_1955 = arith.addi %masked_cumsum3A_1954, %add3A_1944 : vector<16xi32>
      %rev3A_1956 = arith.constant 15 : i32
      %rev3A_1957 = vector.broadcast %rev3A_1956 : i32 to vector<16xi32>
      %rev3A_1958 = tpu.iota {dimensions = array<i32: 0>} : vector<16xi32>
      %rev3A_1959 = arith.subi %rev3A_1957, %rev3A_1958 : vector<16xi32>
      %rev3A_1960 = tpu.dynamic_gather %add3A_1955[%rev3A_1959] in [0] : vector<16xi32>, vector<16xi32> -> vector<16xi32>
      %swap3A_1961 = arith.constant 0 : index
      %swap3A_1962 = tpu.vector_load %arg18[%swap3A_1961] {strides = array<i32>} : memref<256xi32, #tpu.memory_space<vmem>>, vector<16xi32>,
      tpu.vector_store %arg18[%swap3A_1961], %rev3A_1960 {strides = array<i32>} : memref<256xi32, #tpu.memory_space<vmem>>, vector<16xi32>,
      %ge3A_1963 = arith.cmpi sge, %rev3A_1960, %sub3A_1510 : vector<16xi32>
      %all_reduce_population_count3A_1964 = tpu.all_reduce %ge3A_1963 {dim = 0 : i64, kind = #tpu.reduction_kind<sum>} : vector<16xi1> -> vector<16xi32>
      %add3A_1965 = arith.addi %add3A_1938, %all_reduce_population_count3A_1964 : vector<16xi32>
      %reduce_sum3A_1966 = arith.constant true
      %reduce_sum3A_1967 = vector.broadcast %reduce_sum3A_1966 : i1 to vector<16xi1>
      %reduce_sum3A_1968 = tpu.scan <sum>, %get3A_1946 masked %reduce_sum3A_1967 : vector<16xi32>, vector<16xi1> -> vector<16xi32>
      %reduce_sum3A_1969 = vector.extract %reduce_sum3A_1968[15] : i32 from vector<16xi32>
      %add3A_1970 = vector.broadcast %reduce_sum3A_1969 : i32 to vector<16xi32>
      %add3A_1971 = arith.addi %add3A_1944, %add3A_1970 : vector<16xi32>
      %sub3A_1972 = arith.constant 1 : i32
      %sub3A_1973 = vector.broadcast %sub3A_1972 : i32 to vector<16xi32>
      %sub3A_1974 = arith.subi %add3A_1965, %sub3A_1973 : vector<16xi32>
      %gather3A_1975 = tpu.vector_load_idx %arg18[%sub3A_1974] : memref<256xi32, #tpu.memory_space<vmem>>[vector<16xi32>], vector<16xi32>,
      %gather3A_1976 = tpu.vector_load_idx %arg17[%sub3A_1974] : memref<256xi32, #tpu.memory_space<vmem>>[vector<16xi32>], vector<16xi32>,
      %sub3A_1977 = arith.subi %gather3A_1975, %gather3A_1976 : vector<16xi32>
      %sub3A_1978 = arith.subi %sub3A_1510, %sub3A_1977 : vector<16xi32>
      %shift_left3A_1979 = arith.constant 8 : i32
      %shift_left3A_1980 = vector.broadcast %shift_left3A_1979 : i32 to vector<16xi32>
      %shift_left3A_1981 = arith.shli %sub3A_1974, %shift_left3A_1980 : vector<16xi32>
      %or3A_1982 = arith.ori %or3A_1514, %shift_left3A_1981 : vector<16xi32>
      %while3A_1983 = arith.constant 0 : i32
      %while3A_1984 = arith.constant 0 : i32
      %while3A_1985 = arith.subi %select_n3A_530, %while3A_1983 : i32
      %while3A_1986 = arith.addi %while3A_1983, %while3A_1985 : i32
      %while3A_1987 = arith.constant 1 : i32
      %while3A_1988 = arith.divsi %while3A_1985, %while3A_1987 : i32
      %while3A_1989 = arith.muli %while3A_1988, %while3A_1987 : i32
      %while3A_1990 = arith.addi %while3A_1983, %while3A_1989 : i32
      %while3A_1991 = arith.constant 1 : i32
      %while3A_1992 = scf.for %while3A_2610 = %while3A_1983 to %while3A_1990 step %while3A_1991 iter_args(%while3A_2611 = %while3A_1984) -> (i32)  : i32 {
        %mul3A_2612 = arith.constant 16 : i32
        %mul3A_2613 = arith.muli %while3A_2610, %mul3A_2612 : i32
        %get3A_2614 = arith.index_cast %mul3A_2613 : i32 to index
        %get3A_2615 = tpu.vector_load %arg9[%get3A_2614] {strides = array<i32>} : memref<8208xi32, #tpu.memory_space<vmem>>, vector<16xi32>,
        %bitcast_convert_type3A_2616 = tpu.bitcast %get3A_2615 : vector<16xi32> -> vector<16xi32>
        %mul3A_2617 = arith.constant 16 : i32
        %mul3A_2618 = arith.muli %while3A_2610, %mul3A_2617 : i32
        %add3A_2619 = vector.broadcast %mul3A_2618 : i32 to vector<16xi32>
        %add3A_2620 = arith.addi %iota3A, %add3A_2619 : vector<16xi32>
        %lt3A_2621 = arith.cmpi slt, %add3A_2620, %add3A_500 : vector<16xi32>
        %shift_right_logical3A = arith.constant 8 : i32
        %shift_right_logical3A_2622 = vector.broadcast %shift_right_logical3A : i32 to vector<16xi32>
        %shift_right_logical3A_2623 = arith.shrui %bitcast_convert_type3A_2616, %shift_right_logical3A_2622 : vector<16xi32>
        %shift_right_logical3A_2624 = arith.constant 8 : i32
        %shift_right_logical3A_2625 = vector.broadcast %shift_right_logical3A_2624 : i32 to vector<16xi32>
        %shift_right_logical3A_2626 = arith.shrui %or3A_1982, %shift_right_logical3A_2625 : vector<16xi32>
        %eq3A = arith.cmpi eq, %shift_right_logical3A_2623, %shift_right_logical3A_2626 : vector<16xi32>
        %and3A_2627 = arith.andi %lt3A_2621, %eq3A : vector<16xi1>
        %shift_right_logical3A_2628 = arith.constant 0 : i32
        %shift_right_logical3A_2629 = vector.broadcast %shift_right_logical3A_2628 : i32 to vector<16xi32>
        %shift_right_logical3A_2630 = arith.shrui %bitcast_convert_type3A_2616, %shift_right_logical3A_2629 : vector<16xi32>
        %and3A_2631 = arith.constant 255 : i32
        %and3A_2632 = vector.broadcast %and3A_2631 : i32 to vector<16xi32>
        %and3A_2633 = arith.andi %shift_right_logical3A_2630, %and3A_2632 : vector<16xi32>
        %add3A_2634 = arith.addi %mul3A_10, %and3A_2633 : vector<16xi32>
        tpu.vector_store_idx %arg11[%add3A_2634], %broadcast_in_dim3A_11 masked %and3A_2627 {add = true} : memref<4368xi32, #tpu.memory_space<vmem>>[vector<16xi32>], vector<16xi32>, vector<16xi1>
        %while3A_2635 = arith.constant 0 : i32
        scf.yield %while3A_2635 : i32
      }
      %while3A_1993 = arith.constant 1 : i32
      %while3A_1994 = scf.for %while3A_2610 = %while3A_1990 to %while3A_1986 step %while3A_1993 iter_args(%while3A_2611 = %while3A_1992) -> (i32)  : i32 {
        %mul3A_2612 = arith.constant 16 : i32
        %mul3A_2613 = arith.muli %while3A_2610, %mul3A_2612 : i32
        %get3A_2614 = arith.index_cast %mul3A_2613 : i32 to index
        %get3A_2615 = tpu.vector_load %arg9[%get3A_2614] {strides = array<i32>} : memref<8208xi32, #tpu.memory_space<vmem>>, vector<16xi32>,
        %bitcast_convert_type3A_2616 = tpu.bitcast %get3A_2615 : vector<16xi32> -> vector<16xi32>
        %mul3A_2617 = arith.constant 16 : i32
        %mul3A_2618 = arith.muli %while3A_2610, %mul3A_2617 : i32
        %add3A_2619 = vector.broadcast %mul3A_2618 : i32 to vector<16xi32>
        %add3A_2620 = arith.addi %iota3A, %add3A_2619 : vector<16xi32>
        %lt3A_2621 = arith.cmpi slt, %add3A_2620, %add3A_500 : vector<16xi32>
        %shift_right_logical3A = arith.constant 8 : i32
        %shift_right_logical3A_2622 = vector.broadcast %shift_right_logical3A : i32 to vector<16xi32>
        %shift_right_logical3A_2623 = arith.shrui %bitcast_convert_type3A_2616, %shift_right_logical3A_2622 : vector<16xi32>
        %shift_right_logical3A_2624 = arith.constant 8 : i32
        %shift_right_logical3A_2625 = vector.broadcast %shift_right_logical3A_2624 : i32 to vector<16xi32>
        %shift_right_logical3A_2626 = arith.shrui %or3A_1982, %shift_right_logical3A_2625 : vector<16xi32>
        %eq3A = arith.cmpi eq, %shift_right_logical3A_2623, %shift_right_logical3A_2626 : vector<16xi32>
        %and3A_2627 = arith.andi %lt3A_2621, %eq3A : vector<16xi1>
        %shift_right_logical3A_2628 = arith.constant 0 : i32
        %shift_right_logical3A_2629 = vector.broadcast %shift_right_logical3A_2628 : i32 to vector<16xi32>
        %shift_right_logical3A_2630 = arith.shrui %bitcast_convert_type3A_2616, %shift_right_logical3A_2629 : vector<16xi32>
        %and3A_2631 = arith.constant 255 : i32
        %and3A_2632 = vector.broadcast %and3A_2631 : i32 to vector<16xi32>
        %and3A_2633 = arith.andi %shift_right_logical3A_2630, %and3A_2632 : vector<16xi32>
        %add3A_2634 = arith.addi %mul3A_10, %and3A_2633 : vector<16xi32>
        tpu.vector_store_idx %arg11[%add3A_2634], %broadcast_in_dim3A_11 masked %and3A_2627 {add = true} : memref<4368xi32, #tpu.memory_space<vmem>>[vector<16xi32>], vector<16xi32>, vector<16xi1>
        %while3A_2635 = arith.constant 0 : i32
        scf.yield %while3A_2635 : i32
      }
      %broadcast_in_dim3A_1995 = arith.constant 0 : i32
      %broadcast_in_dim3A_1996 = vector.broadcast %broadcast_in_dim3A_1995 : i32 to vector<16xi32>
      %scan3A_1997 = arith.constant 0 : i32
      %scan3A_1998 = arith.constant 0 : i32
      %scan3A_1999 = arith.constant 16 : i32
      %scan3A_2000 = arith.addi %scan3A_1998, %scan3A_1999 : i32
      %scan3A_2001 = arith.constant 1 : i32
      %scan3A_2002 = scf.for %scan3A_2610 = %scan3A_1998 to %scan3A_2000 step %scan3A_2001 iter_args(%scan3A_2611 = %scan3A_1997) -> (i32)  : i32 {
        %broadcast_in_dim3A_2612 = arith.constant 0 : i32
        %broadcast_in_dim3A_2613 = vector.broadcast %broadcast_in_dim3A_2612 : i32 to vector<16xi32>
        %mul3A_2614 = arith.constant 16 : i32
        %mul3A_2615 = arith.muli %scan3A_2610, %mul3A_2614 : i32
        %add3A_2616 = arith.constant 0 : i32
        %add3A_2617 = arith.addi %add3A_2616, %mul3A_2615 : i32
        %get3A_2618 = arith.index_cast %add3A_2617 : i32 to index
        %get3A_2619 = tpu.vector_load %arg11[%get3A_2618] {strides = array<i32>} : memref<4368xi32, #tpu.memory_space<vmem>>, vector<16xi32>,
        %add3A_2620 = arith.addi %broadcast_in_dim3A_2613, %get3A_2619 : vector<16xi32>
        %swap3A_2621 = arith.index_cast %add3A_2617 : i32 to index
        %swap3A_2622 = tpu.vector_load %arg11[%swap3A_2621] {strides = array<i32>} : memref<4368xi32, #tpu.memory_space<vmem>>, vector<16xi32>,
        tpu.vector_store %arg11[%swap3A_2621], %broadcast_in_dim3A_1996 {strides = array<i32>} : memref<4368xi32, #tpu.memory_space<vmem>>, vector<16xi32>,
        %mul3A_2623 = arith.constant 16 : i32
        %mul3A_2624 = arith.muli %scan3A_2610, %mul3A_2623 : i32
        %add3A_2625 = arith.constant 273 : i32
        %add3A_2626 = arith.addi %add3A_2625, %mul3A_2624 : i32
        %get3A_2627 = arith.index_cast %add3A_2626 : i32 to index
        %get3A_2628 = tpu.vector_load %arg11[%get3A_2627] {strides = array<i32>} : memref<4368xi32, #tpu.memory_space<vmem>>, vector<16xi32>,
        %add3A_2629 = arith.addi %add3A_2620, %get3A_2628 : vector<16xi32>
        %swap3A_2630 = arith.index_cast %add3A_2626 : i32 to index
        %swap3A_2631 = tpu.vector_load %arg11[%swap3A_2630] {strides = array<i32>} : memref<4368xi32, #tpu.memory_space<vmem>>, vector<16xi32>,
        tpu.vector_store %arg11[%swap3A_2630], %broadcast_in_dim3A_1996 {strides = array<i32>} : memref<4368xi32, #tpu.memory_space<vmem>>, vector<16xi32>,
        %mul3A_2632 = arith.constant 16 : i32
        %mul3A_2633 = arith.muli %scan3A_2610, %mul3A_2632 : i32
        %add3A_2634 = arith.constant 546 : i32
        %add3A_2635 = arith.addi %add3A_2634, %mul3A_2633 : i32
        %get3A_2636 = arith.index_cast %add3A_2635 : i32 to index
        %get3A_2637 = tpu.vector_load %arg11[%get3A_2636] {strides = array<i32>} : memref<4368xi32, #tpu.memory_space<vmem>>, vector<16xi32>,
        %add3A_2638 = arith.addi %add3A_2629, %get3A_2637 : vector<16xi32>
        %swap3A_2639 = arith.index_cast %add3A_2635 : i32 to index
        %swap3A_2640 = tpu.vector_load %arg11[%swap3A_2639] {strides = array<i32>} : memref<4368xi32, #tpu.memory_space<vmem>>, vector<16xi32>,
        tpu.vector_store %arg11[%swap3A_2639], %broadcast_in_dim3A_1996 {strides = array<i32>} : memref<4368xi32, #tpu.memory_space<vmem>>, vector<16xi32>,
        %mul3A_2641 = arith.constant 16 : i32
        %mul3A_2642 = arith.muli %scan3A_2610, %mul3A_2641 : i32
        %add3A_2643 = arith.constant 819 : i32
        %add3A_2644 = arith.addi %add3A_2643, %mul3A_2642 : i32
        %get3A_2645 = arith.index_cast %add3A_2644 : i32 to index
        %get3A_2646 = tpu.vector_load %arg11[%get3A_2645] {strides = array<i32>} : memref<4368xi32, #tpu.memory_space<vmem>>, vector<16xi32>,
        %add3A_2647 = arith.addi %add3A_2638, %get3A_2646 : vector<16xi32>
        %swap3A_2648 = arith.index_cast %add3A_2644 : i32 to index
        %swap3A_2649 = tpu.vector_load %arg11[%swap3A_2648] {strides = array<i32>} : memref<4368xi32, #tpu.memory_space<vmem>>, vector<16xi32>,
        tpu.vector_store %arg11[%swap3A_2648], %broadcast_in_dim3A_1996 {strides = array<i32>} : memref<4368xi32, #tpu.memory_space<vmem>>, vector<16xi32>,
        %mul3A_2650 = arith.constant 16 : i32
        %mul3A_2651 = arith.muli %scan3A_2610, %mul3A_2650 : i32
        %add3A_2652 = arith.constant 1092 : i32
        %add3A_2653 = arith.addi %add3A_2652, %mul3A_2651 : i32
        %get3A_2654 = arith.index_cast %add3A_2653 : i32 to index
        %get3A_2655 = tpu.vector_load %arg11[%get3A_2654] {strides = array<i32>} : memref<4368xi32, #tpu.memory_space<vmem>>, vector<16xi32>,
        %add3A_2656 = arith.addi %add3A_2647, %get3A_2655 : vector<16xi32>
        %swap3A_2657 = arith.index_cast %add3A_2653 : i32 to index
        %swap3A_2658 = tpu.vector_load %arg11[%swap3A_2657] {strides = array<i32>} : memref<4368xi32, #tpu.memory_space<vmem>>, vector<16xi32>,
        tpu.vector_store %arg11[%swap3A_2657], %broadcast_in_dim3A_1996 {strides = array<i32>} : memref<4368xi32, #tpu.memory_space<vmem>>, vector<16xi32>,
        %mul3A_2659 = arith.constant 16 : i32
        %mul3A_2660 = arith.muli %scan3A_2610, %mul3A_2659 : i32
        %add3A_2661 = arith.constant 1365 : i32
        %add3A_2662 = arith.addi %add3A_2661, %mul3A_2660 : i32
        %get3A_2663 = arith.index_cast %add3A_2662 : i32 to index
        %get3A_2664 = tpu.vector_load %arg11[%get3A_2663] {strides = array<i32>} : memref<4368xi32, #tpu.memory_space<vmem>>, vector<16xi32>,
        %add3A_2665 = arith.addi %add3A_2656, %get3A_2664 : vector<16xi32>
        %swap3A_2666 = arith.index_cast %add3A_2662 : i32 to index
        %swap3A_2667 = tpu.vector_load %arg11[%swap3A_2666] {strides = array<i32>} : memref<4368xi32, #tpu.memory_space<vmem>>, vector<16xi32>,
        tpu.vector_store %arg11[%swap3A_2666], %broadcast_in_dim3A_1996 {strides = array<i32>} : memref<4368xi32, #tpu.memory_space<vmem>>, vector<16xi32>,
        %mul3A_2668 = arith.constant 16 : i32
        %mul3A_2669 = arith.muli %scan3A_2610, %mul3A_2668 : i32
        %add3A_2670 = arith.constant 1638 : i32
        %add3A_2671 = arith.addi %add3A_2670, %mul3A_2669 : i32
        %get3A_2672 = arith.index_cast %add3A_2671 : i32 to index
        %get3A_2673 = tpu.vector_load %arg11[%get3A_2672] {strides = array<i32>} : memref<4368xi32, #tpu.memory_space<vmem>>, vector<16xi32>,
        %add3A_2674 = arith.addi %add3A_2665, %get3A_2673 : vector<16xi32>
        %swap3A_2675 = arith.index_cast %add3A_2671 : i32 to index
        %swap3A_2676 = tpu.vector_load %arg11[%swap3A_2675] {strides = array<i32>} : memref<4368xi32, #tpu.memory_space<vmem>>, vector<16xi32>,
        tpu.vector_store %arg11[%swap3A_2675], %broadcast_in_dim3A_1996 {strides = array<i32>} : memref<4368xi32, #tpu.memory_space<vmem>>, vector<16xi32>,
        %mul3A_2677 = arith.constant 16 : i32
        %mul3A_2678 = arith.muli %scan3A_2610, %mul3A_2677 : i32
        %add3A_2679 = arith.constant 1911 : i32
        %add3A_2680 = arith.addi %add3A_2679, %mul3A_2678 : i32
        %get3A_2681 = arith.index_cast %add3A_2680 : i32 to index
        %get3A_2682 = tpu.vector_load %arg11[%get3A_2681] {strides = array<i32>} : memref<4368xi32, #tpu.memory_space<vmem>>, vector<16xi32>,
        %add3A_2683 = arith.addi %add3A_2674, %get3A_2682 : vector<16xi32>
        %swap3A_2684 = arith.index_cast %add3A_2680 : i32 to index
        %swap3A_2685 = tpu.vector_load %arg11[%swap3A_2684] {strides = array<i32>} : memref<4368xi32, #tpu.memory_space<vmem>>, vector<16xi32>,
        tpu.vector_store %arg11[%swap3A_2684], %broadcast_in_dim3A_1996 {strides = array<i32>} : memref<4368xi32, #tpu.memory_space<vmem>>, vector<16xi32>,
        %mul3A_2686 = arith.constant 16 : i32
        %mul3A_2687 = arith.muli %scan3A_2610, %mul3A_2686 : i32
        %add3A_2688 = arith.constant 2184 : i32
        %add3A_2689 = arith.addi %add3A_2688, %mul3A_2687 : i32
        %get3A_2690 = arith.index_cast %add3A_2689 : i32 to index
        %get3A_2691 = tpu.vector_load %arg11[%get3A_2690] {strides = array<i32>} : memref<4368xi32, #tpu.memory_space<vmem>>, vector<16xi32>,
        %add3A_2692 = arith.addi %add3A_2683, %get3A_2691 : vector<16xi32>
        %swap3A_2693 = arith.index_cast %add3A_2689 : i32 to index
        %swap3A_2694 = tpu.vector_load %arg11[%swap3A_2693] {strides = array<i32>} : memref<4368xi32, #tpu.memory_space<vmem>>, vector<16xi32>,
        tpu.vector_store %arg11[%swap3A_2693], %broadcast_in_dim3A_1996 {strides = array<i32>} : memref<4368xi32, #tpu.memory_space<vmem>>, vector<16xi32>,
        %mul3A_2695 = arith.constant 16 : i32
        %mul3A_2696 = arith.muli %scan3A_2610, %mul3A_2695 : i32
        %add3A_2697 = arith.constant 2457 : i32
        %add3A_2698 = arith.addi %add3A_2697, %mul3A_2696 : i32
        %get3A_2699 = arith.index_cast %add3A_2698 : i32 to index
        %get3A_2700 = tpu.vector_load %arg11[%get3A_2699] {strides = array<i32>} : memref<4368xi32, #tpu.memory_space<vmem>>, vector<16xi32>,
        %add3A_2701 = arith.addi %add3A_2692, %get3A_2700 : vector<16xi32>
        %swap3A_2702 = arith.index_cast %add3A_2698 : i32 to index
        %swap3A_2703 = tpu.vector_load %arg11[%swap3A_2702] {strides = array<i32>} : memref<4368xi32, #tpu.memory_space<vmem>>, vector<16xi32>,
        tpu.vector_store %arg11[%swap3A_2702], %broadcast_in_dim3A_1996 {strides = array<i32>} : memref<4368xi32, #tpu.memory_space<vmem>>, vector<16xi32>,
        %mul3A_2704 = arith.constant 16 : i32
        %mul3A_2705 = arith.muli %scan3A_2610, %mul3A_2704 : i32
        %add3A_2706 = arith.constant 2730 : i32
        %add3A_2707 = arith.addi %add3A_2706, %mul3A_2705 : i32
        %get3A_2708 = arith.index_cast %add3A_2707 : i32 to index
        %get3A_2709 = tpu.vector_load %arg11[%get3A_2708] {strides = array<i32>} : memref<4368xi32, #tpu.memory_space<vmem>>, vector<16xi32>,
        %add3A_2710 = arith.addi %add3A_2701, %get3A_2709 : vector<16xi32>
        %swap3A_2711 = arith.index_cast %add3A_2707 : i32 to index
        %swap3A_2712 = tpu.vector_load %arg11[%swap3A_2711] {strides = array<i32>} : memref<4368xi32, #tpu.memory_space<vmem>>, vector<16xi32>,
        tpu.vector_store %arg11[%swap3A_2711], %broadcast_in_dim3A_1996 {strides = array<i32>} : memref<4368xi32, #tpu.memory_space<vmem>>, vector<16xi32>,
        %mul3A_2713 = arith.constant 16 : i32
        %mul3A_2714 = arith.muli %scan3A_2610, %mul3A_2713 : i32
        %add3A_2715 = arith.constant 3003 : i32
        %add3A_2716 = arith.addi %add3A_2715, %mul3A_2714 : i32
        %get3A_2717 = arith.index_cast %add3A_2716 : i32 to index
        %get3A_2718 = tpu.vector_load %arg11[%get3A_2717] {strides = array<i32>} : memref<4368xi32, #tpu.memory_space<vmem>>, vector<16xi32>,
        %add3A_2719 = arith.addi %add3A_2710, %get3A_2718 : vector<16xi32>
        %swap3A_2720 = arith.index_cast %add3A_2716 : i32 to index
        %swap3A_2721 = tpu.vector_load %arg11[%swap3A_2720] {strides = array<i32>} : memref<4368xi32, #tpu.memory_space<vmem>>, vector<16xi32>,
        tpu.vector_store %arg11[%swap3A_2720], %broadcast_in_dim3A_1996 {strides = array<i32>} : memref<4368xi32, #tpu.memory_space<vmem>>, vector<16xi32>,
        %mul3A_2722 = arith.constant 16 : i32
        %mul3A_2723 = arith.muli %scan3A_2610, %mul3A_2722 : i32
        %add3A_2724 = arith.constant 3276 : i32
        %add3A_2725 = arith.addi %add3A_2724, %mul3A_2723 : i32
        %get3A_2726 = arith.index_cast %add3A_2725 : i32 to index
        %get3A_2727 = tpu.vector_load %arg11[%get3A_2726] {strides = array<i32>} : memref<4368xi32, #tpu.memory_space<vmem>>, vector<16xi32>,
        %add3A_2728 = arith.addi %add3A_2719, %get3A_2727 : vector<16xi32>
        %swap3A_2729 = arith.index_cast %add3A_2725 : i32 to index
        %swap3A_2730 = tpu.vector_load %arg11[%swap3A_2729] {strides = array<i32>} : memref<4368xi32, #tpu.memory_space<vmem>>, vector<16xi32>,
        tpu.vector_store %arg11[%swap3A_2729], %broadcast_in_dim3A_1996 {strides = array<i32>} : memref<4368xi32, #tpu.memory_space<vmem>>, vector<16xi32>,
        %mul3A_2731 = arith.constant 16 : i32
        %mul3A_2732 = arith.muli %scan3A_2610, %mul3A_2731 : i32
        %add3A_2733 = arith.constant 3549 : i32
        %add3A_2734 = arith.addi %add3A_2733, %mul3A_2732 : i32
        %get3A_2735 = arith.index_cast %add3A_2734 : i32 to index
        %get3A_2736 = tpu.vector_load %arg11[%get3A_2735] {strides = array<i32>} : memref<4368xi32, #tpu.memory_space<vmem>>, vector<16xi32>,
        %add3A_2737 = arith.addi %add3A_2728, %get3A_2736 : vector<16xi32>
        %swap3A_2738 = arith.index_cast %add3A_2734 : i32 to index
        %swap3A_2739 = tpu.vector_load %arg11[%swap3A_2738] {strides = array<i32>} : memref<4368xi32, #tpu.memory_space<vmem>>, vector<16xi32>,
        tpu.vector_store %arg11[%swap3A_2738], %broadcast_in_dim3A_1996 {strides = array<i32>} : memref<4368xi32, #tpu.memory_space<vmem>>, vector<16xi32>,
        %mul3A_2740 = arith.constant 16 : i32
        %mul3A_2741 = arith.muli %scan3A_2610, %mul3A_2740 : i32
        %add3A_2742 = arith.constant 3822 : i32
        %add3A_2743 = arith.addi %add3A_2742, %mul3A_2741 : i32
        %get3A_2744 = arith.index_cast %add3A_2743 : i32 to index
        %get3A_2745 = tpu.vector_load %arg11[%get3A_2744] {strides = array<i32>} : memref<4368xi32, #tpu.memory_space<vmem>>, vector<16xi32>,
        %add3A_2746 = arith.addi %add3A_2737, %get3A_2745 : vector<16xi32>
        %swap3A_2747 = arith.index_cast %add3A_2743 : i32 to index
        %swap3A_2748 = tpu.vector_load %arg11[%swap3A_2747] {strides = array<i32>} : memref<4368xi32, #tpu.memory_space<vmem>>, vector<16xi32>,
        tpu.vector_store %arg11[%swap3A_2747], %broadcast_in_dim3A_1996 {strides = array<i32>} : memref<4368xi32, #tpu.memory_space<vmem>>, vector<16xi32>,
        %mul3A_2749 = arith.constant 16 : i32
        %mul3A_2750 = arith.muli %scan3A_2610, %mul3A_2749 : i32
        %add3A_2751 = arith.constant 4095 : i32
        %add3A_2752 = arith.addi %add3A_2751, %mul3A_2750 : i32
        %get3A_2753 = arith.index_cast %add3A_2752 : i32 to index
        %get3A_2754 = tpu.vector_load %arg11[%get3A_2753] {strides = array<i32>} : memref<4368xi32, #tpu.memory_space<vmem>>, vector<16xi32>,
        %add3A_2755 = arith.addi %add3A_2746, %get3A_2754 : vector<16xi32>
        %swap3A_2756 = arith.index_cast %add3A_2752 : i32 to index
        %swap3A_2757 = tpu.vector_load %arg11[%swap3A_2756] {strides = array<i32>} : memref<4368xi32, #tpu.memory_space<vmem>>, vector<16xi32>,
        tpu.vector_store %arg11[%swap3A_2756], %broadcast_in_dim3A_1996 {strides = array<i32>} : memref<4368xi32, #tpu.memory_space<vmem>>, vector<16xi32>,
        %mul3A_2758 = arith.constant 16 : i32
        %mul3A_2759 = arith.muli %scan3A_2610, %mul3A_2758 : i32
        %swap3A_2760 = arith.index_cast %mul3A_2759 : i32 to index
        %swap3A_2761 = tpu.vector_load %arg17[%swap3A_2760] {strides = array<i32>} : memref<256xi32, #tpu.memory_space<vmem>>, vector<16xi32>,
        tpu.vector_store %arg17[%swap3A_2760], %add3A_2755 {strides = array<i32>} : memref<256xi32, #tpu.memory_space<vmem>>, vector<16xi32>,
        %scan3A_2762 = arith.constant 0 : i32
        scf.yield %scan3A_2762 : i32
      }
      %scan3A_2003 = arith.constant 16 : i32
      %broadcast_in_dim3A_2004 = arith.constant 0 : i32
      %broadcast_in_dim3A_2005 = vector.broadcast %broadcast_in_dim3A_2004 : i32 to vector<16xi32>
      %broadcast_in_dim3A_2006 = arith.constant 0 : i32
      %broadcast_in_dim3A_2007 = vector.broadcast %broadcast_in_dim3A_2006 : i32 to vector<16xi32>
      %get3A_2008 = arith.constant 240 : index
      %get3A_2009 = tpu.vector_load %arg17[%get3A_2008] {strides = array<i32>} : memref<256xi32, #tpu.memory_space<vmem>>, vector<16xi32>,
      %rev3A_2010 = arith.constant 15 : i32
      %rev3A_2011 = vector.broadcast %rev3A_2010 : i32 to vector<16xi32>
      %rev3A_2012 = tpu.iota {dimensions = array<i32: 0>} : vector<16xi32>
      %rev3A_2013 = arith.subi %rev3A_2011, %rev3A_2012 : vector<16xi32>
      %rev3A_2014 = tpu.dynamic_gather %get3A_2009[%rev3A_2013] in [0] : vector<16xi32>, vector<16xi32> -> vector<16xi32>
      %broadcast_in_dim3A_2015 = arith.constant true
      %broadcast_in_dim3A_2016 = vector.broadcast %broadcast_in_dim3A_2015 : i1 to vector<16xi1>
      %masked_cumsum3A_2017 = tpu.scan <sum>, %rev3A_2014 masked %broadcast_in_dim3A_2016 : vector<16xi32>, vector<16xi1> -> vector<16xi32>
      %add3A_2018 = arith.addi %masked_cumsum3A_2017, %broadcast_in_dim3A_2005 : vector<16xi32>
      %rev3A_2019 = arith.constant 15 : i32
      %rev3A_2020 = vector.broadcast %rev3A_2019 : i32 to vector<16xi32>
      %rev3A_2021 = tpu.iota {dimensions = array<i32: 0>} : vector<16xi32>
      %rev3A_2022 = arith.subi %rev3A_2020, %rev3A_2021 : vector<16xi32>
      %rev3A_2023 = tpu.dynamic_gather %add3A_2018[%rev3A_2022] in [0] : vector<16xi32>, vector<16xi32> -> vector<16xi32>
      %swap3A_2024 = arith.constant 240 : index
      %swap3A_2025 = tpu.vector_load %arg18[%swap3A_2024] {strides = array<i32>} : memref<256xi32, #tpu.memory_space<vmem>>, vector<16xi32>,
      tpu.vector_store %arg18[%swap3A_2024], %rev3A_2023 {strides = array<i32>} : memref<256xi32, #tpu.memory_space<vmem>>, vector<16xi32>,
      %ge3A_2026 = arith.cmpi sge, %rev3A_2023, %sub3A_1978 : vector<16xi32>
      %all_reduce_population_count3A_2027 = tpu.all_reduce %ge3A_2026 {dim = 0 : i64, kind = #tpu.reduction_kind<sum>} : vector<16xi1> -> vector<16xi32>
      %add3A_2028 = arith.addi %broadcast_in_dim3A_2007, %all_reduce_population_count3A_2027 : vector<16xi32>
      %reduce_sum3A_2029 = arith.constant true
      %reduce_sum3A_2030 = vector.broadcast %reduce_sum3A_2029 : i1 to vector<16xi1>
      %reduce_sum3A_2031 = tpu.scan <sum>, %get3A_2009 masked %reduce_sum3A_2030 : vector<16xi32>, vector<16xi1> -> vector<16xi32>
      %reduce_sum3A_2032 = vector.extract %reduce_sum3A_2031[15] : i32 from vector<16xi32>
      %add3A_2033 = vector.broadcast %reduce_sum3A_2032 : i32 to vector<16xi32>
      %add3A_2034 = arith.addi %broadcast_in_dim3A_2005, %add3A_2033 : vector<16xi32>
      %get3A_2035 = arith.constant 224 : index
      %get3A_2036 = tpu.vector_load %arg17[%get3A_2035] {strides = array<i32>} : memref<256xi32, #tpu.memory_space<vmem>>, vector<16xi32>,
      %rev3A_2037 = arith.constant 15 : i32
      %rev3A_2038 = vector.broadcast %rev3A_2037 : i32 to vector<16xi32>
      %rev3A_2039 = tpu.iota {dimensions = array<i32: 0>} : vector<16xi32>
      %rev3A_2040 = arith.subi %rev3A_2038, %rev3A_2039 : vector<16xi32>
      %rev3A_2041 = tpu.dynamic_gather %get3A_2036[%rev3A_2040] in [0] : vector<16xi32>, vector<16xi32> -> vector<16xi32>
      %broadcast_in_dim3A_2042 = arith.constant true
      %broadcast_in_dim3A_2043 = vector.broadcast %broadcast_in_dim3A_2042 : i1 to vector<16xi1>
      %masked_cumsum3A_2044 = tpu.scan <sum>, %rev3A_2041 masked %broadcast_in_dim3A_2043 : vector<16xi32>, vector<16xi1> -> vector<16xi32>
      %add3A_2045 = arith.addi %masked_cumsum3A_2044, %add3A_2034 : vector<16xi32>
      %rev3A_2046 = arith.constant 15 : i32
      %rev3A_2047 = vector.broadcast %rev3A_2046 : i32 to vector<16xi32>
      %rev3A_2048 = tpu.iota {dimensions = array<i32: 0>} : vector<16xi32>
      %rev3A_2049 = arith.subi %rev3A_2047, %rev3A_2048 : vector<16xi32>
      %rev3A_2050 = tpu.dynamic_gather %add3A_2045[%rev3A_2049] in [0] : vector<16xi32>, vector<16xi32> -> vector<16xi32>
      %swap3A_2051 = arith.constant 224 : index
      %swap3A_2052 = tpu.vector_load %arg18[%swap3A_2051] {strides = array<i32>} : memref<256xi32, #tpu.memory_space<vmem>>, vector<16xi32>,
      tpu.vector_store %arg18[%swap3A_2051], %rev3A_2050 {strides = array<i32>} : memref<256xi32, #tpu.memory_space<vmem>>, vector<16xi32>,
      %ge3A_2053 = arith.cmpi sge, %rev3A_2050, %sub3A_1978 : vector<16xi32>
      %all_reduce_population_count3A_2054 = tpu.all_reduce %ge3A_2053 {dim = 0 : i64, kind = #tpu.reduction_kind<sum>} : vector<16xi1> -> vector<16xi32>
      %add3A_2055 = arith.addi %add3A_2028, %all_reduce_population_count3A_2054 : vector<16xi32>
      %reduce_sum3A_2056 = arith.constant true
      %reduce_sum3A_2057 = vector.broadcast %reduce_sum3A_2056 : i1 to vector<16xi1>
      %reduce_sum3A_2058 = tpu.scan <sum>, %get3A_2036 masked %reduce_sum3A_2057 : vector<16xi32>, vector<16xi1> -> vector<16xi32>
      %reduce_sum3A_2059 = vector.extract %reduce_sum3A_2058[15] : i32 from vector<16xi32>
      %add3A_2060 = vector.broadcast %reduce_sum3A_2059 : i32 to vector<16xi32>
      %add3A_2061 = arith.addi %add3A_2034, %add3A_2060 : vector<16xi32>
      %get3A_2062 = arith.constant 208 : index
      %get3A_2063 = tpu.vector_load %arg17[%get3A_2062] {strides = array<i32>} : memref<256xi32, #tpu.memory_space<vmem>>, vector<16xi32>,
      %rev3A_2064 = arith.constant 15 : i32
      %rev3A_2065 = vector.broadcast %rev3A_2064 : i32 to vector<16xi32>
      %rev3A_2066 = tpu.iota {dimensions = array<i32: 0>} : vector<16xi32>
      %rev3A_2067 = arith.subi %rev3A_2065, %rev3A_2066 : vector<16xi32>
      %rev3A_2068 = tpu.dynamic_gather %get3A_2063[%rev3A_2067] in [0] : vector<16xi32>, vector<16xi32> -> vector<16xi32>
      %broadcast_in_dim3A_2069 = arith.constant true
      %broadcast_in_dim3A_2070 = vector.broadcast %broadcast_in_dim3A_2069 : i1 to vector<16xi1>
      %masked_cumsum3A_2071 = tpu.scan <sum>, %rev3A_2068 masked %broadcast_in_dim3A_2070 : vector<16xi32>, vector<16xi1> -> vector<16xi32>
      %add3A_2072 = arith.addi %masked_cumsum3A_2071, %add3A_2061 : vector<16xi32>
      %rev3A_2073 = arith.constant 15 : i32
      %rev3A_2074 = vector.broadcast %rev3A_2073 : i32 to vector<16xi32>
      %rev3A_2075 = tpu.iota {dimensions = array<i32: 0>} : vector<16xi32>
      %rev3A_2076 = arith.subi %rev3A_2074, %rev3A_2075 : vector<16xi32>
      %rev3A_2077 = tpu.dynamic_gather %add3A_2072[%rev3A_2076] in [0] : vector<16xi32>, vector<16xi32> -> vector<16xi32>
      %swap3A_2078 = arith.constant 208 : index
      %swap3A_2079 = tpu.vector_load %arg18[%swap3A_2078] {strides = array<i32>} : memref<256xi32, #tpu.memory_space<vmem>>, vector<16xi32>,
      tpu.vector_store %arg18[%swap3A_2078], %rev3A_2077 {strides = array<i32>} : memref<256xi32, #tpu.memory_space<vmem>>, vector<16xi32>,
      %ge3A_2080 = arith.cmpi sge, %rev3A_2077, %sub3A_1978 : vector<16xi32>
      %all_reduce_population_count3A_2081 = tpu.all_reduce %ge3A_2080 {dim = 0 : i64, kind = #tpu.reduction_kind<sum>} : vector<16xi1> -> vector<16xi32>
      %add3A_2082 = arith.addi %add3A_2055, %all_reduce_population_count3A_2081 : vector<16xi32>
      %reduce_sum3A_2083 = arith.constant true
      %reduce_sum3A_2084 = vector.broadcast %reduce_sum3A_2083 : i1 to vector<16xi1>
      %reduce_sum3A_2085 = tpu.scan <sum>, %get3A_2063 masked %reduce_sum3A_2084 : vector<16xi32>, vector<16xi1> -> vector<16xi32>
      %reduce_sum3A_2086 = vector.extract %reduce_sum3A_2085[15] : i32 from vector<16xi32>
      %add3A_2087 = vector.broadcast %reduce_sum3A_2086 : i32 to vector<16xi32>
      %add3A_2088 = arith.addi %add3A_2061, %add3A_2087 : vector<16xi32>
      %get3A_2089 = arith.constant 192 : index
      %get3A_2090 = tpu.vector_load %arg17[%get3A_2089] {strides = array<i32>} : memref<256xi32, #tpu.memory_space<vmem>>, vector<16xi32>,
      %rev3A_2091 = arith.constant 15 : i32
      %rev3A_2092 = vector.broadcast %rev3A_2091 : i32 to vector<16xi32>
      %rev3A_2093 = tpu.iota {dimensions = array<i32: 0>} : vector<16xi32>
      %rev3A_2094 = arith.subi %rev3A_2092, %rev3A_2093 : vector<16xi32>
      %rev3A_2095 = tpu.dynamic_gather %get3A_2090[%rev3A_2094] in [0] : vector<16xi32>, vector<16xi32> -> vector<16xi32>
      %broadcast_in_dim3A_2096 = arith.constant true
      %broadcast_in_dim3A_2097 = vector.broadcast %broadcast_in_dim3A_2096 : i1 to vector<16xi1>
      %masked_cumsum3A_2098 = tpu.scan <sum>, %rev3A_2095 masked %broadcast_in_dim3A_2097 : vector<16xi32>, vector<16xi1> -> vector<16xi32>
      %add3A_2099 = arith.addi %masked_cumsum3A_2098, %add3A_2088 : vector<16xi32>
      %rev3A_2100 = arith.constant 15 : i32
      %rev3A_2101 = vector.broadcast %rev3A_2100 : i32 to vector<16xi32>
      %rev3A_2102 = tpu.iota {dimensions = array<i32: 0>} : vector<16xi32>
      %rev3A_2103 = arith.subi %rev3A_2101, %rev3A_2102 : vector<16xi32>
      %rev3A_2104 = tpu.dynamic_gather %add3A_2099[%rev3A_2103] in [0] : vector<16xi32>, vector<16xi32> -> vector<16xi32>
      %swap3A_2105 = arith.constant 192 : index
      %swap3A_2106 = tpu.vector_load %arg18[%swap3A_2105] {strides = array<i32>} : memref<256xi32, #tpu.memory_space<vmem>>, vector<16xi32>,
      tpu.vector_store %arg18[%swap3A_2105], %rev3A_2104 {strides = array<i32>} : memref<256xi32, #tpu.memory_space<vmem>>, vector<16xi32>,
      %ge3A_2107 = arith.cmpi sge, %rev3A_2104, %sub3A_1978 : vector<16xi32>
      %all_reduce_population_count3A_2108 = tpu.all_reduce %ge3A_2107 {dim = 0 : i64, kind = #tpu.reduction_kind<sum>} : vector<16xi1> -> vector<16xi32>
      %add3A_2109 = arith.addi %add3A_2082, %all_reduce_population_count3A_2108 : vector<16xi32>
      %reduce_sum3A_2110 = arith.constant true
      %reduce_sum3A_2111 = vector.broadcast %reduce_sum3A_2110 : i1 to vector<16xi1>
      %reduce_sum3A_2112 = tpu.scan <sum>, %get3A_2090 masked %reduce_sum3A_2111 : vector<16xi32>, vector<16xi1> -> vector<16xi32>
      %reduce_sum3A_2113 = vector.extract %reduce_sum3A_2112[15] : i32 from vector<16xi32>
      %add3A_2114 = vector.broadcast %reduce_sum3A_2113 : i32 to vector<16xi32>
      %add3A_2115 = arith.addi %add3A_2088, %add3A_2114 : vector<16xi32>
      %get3A_2116 = arith.constant 176 : index
      %get3A_2117 = tpu.vector_load %arg17[%get3A_2116] {strides = array<i32>} : memref<256xi32, #tpu.memory_space<vmem>>, vector<16xi32>,
      %rev3A_2118 = arith.constant 15 : i32
      %rev3A_2119 = vector.broadcast %rev3A_2118 : i32 to vector<16xi32>
      %rev3A_2120 = tpu.iota {dimensions = array<i32: 0>} : vector<16xi32>
      %rev3A_2121 = arith.subi %rev3A_2119, %rev3A_2120 : vector<16xi32>
      %rev3A_2122 = tpu.dynamic_gather %get3A_2117[%rev3A_2121] in [0] : vector<16xi32>, vector<16xi32> -> vector<16xi32>
      %broadcast_in_dim3A_2123 = arith.constant true
      %broadcast_in_dim3A_2124 = vector.broadcast %broadcast_in_dim3A_2123 : i1 to vector<16xi1>
      %masked_cumsum3A_2125 = tpu.scan <sum>, %rev3A_2122 masked %broadcast_in_dim3A_2124 : vector<16xi32>, vector<16xi1> -> vector<16xi32>
      %add3A_2126 = arith.addi %masked_cumsum3A_2125, %add3A_2115 : vector<16xi32>
      %rev3A_2127 = arith.constant 15 : i32
      %rev3A_2128 = vector.broadcast %rev3A_2127 : i32 to vector<16xi32>
      %rev3A_2129 = tpu.iota {dimensions = array<i32: 0>} : vector<16xi32>
      %rev3A_2130 = arith.subi %rev3A_2128, %rev3A_2129 : vector<16xi32>
      %rev3A_2131 = tpu.dynamic_gather %add3A_2126[%rev3A_2130] in [0] : vector<16xi32>, vector<16xi32> -> vector<16xi32>
      %swap3A_2132 = arith.constant 176 : index
      %swap3A_2133 = tpu.vector_load %arg18[%swap3A_2132] {strides = array<i32>} : memref<256xi32, #tpu.memory_space<vmem>>, vector<16xi32>,
      tpu.vector_store %arg18[%swap3A_2132], %rev3A_2131 {strides = array<i32>} : memref<256xi32, #tpu.memory_space<vmem>>, vector<16xi32>,
      %ge3A_2134 = arith.cmpi sge, %rev3A_2131, %sub3A_1978 : vector<16xi32>
      %all_reduce_population_count3A_2135 = tpu.all_reduce %ge3A_2134 {dim = 0 : i64, kind = #tpu.reduction_kind<sum>} : vector<16xi1> -> vector<16xi32>
      %add3A_2136 = arith.addi %add3A_2109, %all_reduce_population_count3A_2135 : vector<16xi32>
      %reduce_sum3A_2137 = arith.constant true
      %reduce_sum3A_2138 = vector.broadcast %reduce_sum3A_2137 : i1 to vector<16xi1>
      %reduce_sum3A_2139 = tpu.scan <sum>, %get3A_2117 masked %reduce_sum3A_2138 : vector<16xi32>, vector<16xi1> -> vector<16xi32>
      %reduce_sum3A_2140 = vector.extract %reduce_sum3A_2139[15] : i32 from vector<16xi32>
      %add3A_2141 = vector.broadcast %reduce_sum3A_2140 : i32 to vector<16xi32>
      %add3A_2142 = arith.addi %add3A_2115, %add3A_2141 : vector<16xi32>
      %get3A_2143 = arith.constant 160 : index
      %get3A_2144 = tpu.vector_load %arg17[%get3A_2143] {strides = array<i32>} : memref<256xi32, #tpu.memory_space<vmem>>, vector<16xi32>,
      %rev3A_2145 = arith.constant 15 : i32
      %rev3A_2146 = vector.broadcast %rev3A_2145 : i32 to vector<16xi32>
      %rev3A_2147 = tpu.iota {dimensions = array<i32: 0>} : vector<16xi32>
      %rev3A_2148 = arith.subi %rev3A_2146, %rev3A_2147 : vector<16xi32>
      %rev3A_2149 = tpu.dynamic_gather %get3A_2144[%rev3A_2148] in [0] : vector<16xi32>, vector<16xi32> -> vector<16xi32>
      %broadcast_in_dim3A_2150 = arith.constant true
      %broadcast_in_dim3A_2151 = vector.broadcast %broadcast_in_dim3A_2150 : i1 to vector<16xi1>
      %masked_cumsum3A_2152 = tpu.scan <sum>, %rev3A_2149 masked %broadcast_in_dim3A_2151 : vector<16xi32>, vector<16xi1> -> vector<16xi32>
      %add3A_2153 = arith.addi %masked_cumsum3A_2152, %add3A_2142 : vector<16xi32>
      %rev3A_2154 = arith.constant 15 : i32
      %rev3A_2155 = vector.broadcast %rev3A_2154 : i32 to vector<16xi32>
      %rev3A_2156 = tpu.iota {dimensions = array<i32: 0>} : vector<16xi32>
      %rev3A_2157 = arith.subi %rev3A_2155, %rev3A_2156 : vector<16xi32>
      %rev3A_2158 = tpu.dynamic_gather %add3A_2153[%rev3A_2157] in [0] : vector<16xi32>, vector<16xi32> -> vector<16xi32>
      %swap3A_2159 = arith.constant 160 : index
      %swap3A_2160 = tpu.vector_load %arg18[%swap3A_2159] {strides = array<i32>} : memref<256xi32, #tpu.memory_space<vmem>>, vector<16xi32>,
      tpu.vector_store %arg18[%swap3A_2159], %rev3A_2158 {strides = array<i32>} : memref<256xi32, #tpu.memory_space<vmem>>, vector<16xi32>,
      %ge3A_2161 = arith.cmpi sge, %rev3A_2158, %sub3A_1978 : vector<16xi32>
      %all_reduce_population_count3A_2162 = tpu.all_reduce %ge3A_2161 {dim = 0 : i64, kind = #tpu.reduction_kind<sum>} : vector<16xi1> -> vector<16xi32>
      %add3A_2163 = arith.addi %add3A_2136, %all_reduce_population_count3A_2162 : vector<16xi32>
      %reduce_sum3A_2164 = arith.constant true
      %reduce_sum3A_2165 = vector.broadcast %reduce_sum3A_2164 : i1 to vector<16xi1>
      %reduce_sum3A_2166 = tpu.scan <sum>, %get3A_2144 masked %reduce_sum3A_2165 : vector<16xi32>, vector<16xi1> -> vector<16xi32>
      %reduce_sum3A_2167 = vector.extract %reduce_sum3A_2166[15] : i32 from vector<16xi32>
      %add3A_2168 = vector.broadcast %reduce_sum3A_2167 : i32 to vector<16xi32>
      %add3A_2169 = arith.addi %add3A_2142, %add3A_2168 : vector<16xi32>
      %get3A_2170 = arith.constant 144 : index
      %get3A_2171 = tpu.vector_load %arg17[%get3A_2170] {strides = array<i32>} : memref<256xi32, #tpu.memory_space<vmem>>, vector<16xi32>,
      %rev3A_2172 = arith.constant 15 : i32
      %rev3A_2173 = vector.broadcast %rev3A_2172 : i32 to vector<16xi32>
      %rev3A_2174 = tpu.iota {dimensions = array<i32: 0>} : vector<16xi32>
      %rev3A_2175 = arith.subi %rev3A_2173, %rev3A_2174 : vector<16xi32>
      %rev3A_2176 = tpu.dynamic_gather %get3A_2171[%rev3A_2175] in [0] : vector<16xi32>, vector<16xi32> -> vector<16xi32>
      %broadcast_in_dim3A_2177 = arith.constant true
      %broadcast_in_dim3A_2178 = vector.broadcast %broadcast_in_dim3A_2177 : i1 to vector<16xi1>
      %masked_cumsum3A_2179 = tpu.scan <sum>, %rev3A_2176 masked %broadcast_in_dim3A_2178 : vector<16xi32>, vector<16xi1> -> vector<16xi32>
      %add3A_2180 = arith.addi %masked_cumsum3A_2179, %add3A_2169 : vector<16xi32>
      %rev3A_2181 = arith.constant 15 : i32
      %rev3A_2182 = vector.broadcast %rev3A_2181 : i32 to vector<16xi32>
      %rev3A_2183 = tpu.iota {dimensions = array<i32: 0>} : vector<16xi32>
      %rev3A_2184 = arith.subi %rev3A_2182, %rev3A_2183 : vector<16xi32>
      %rev3A_2185 = tpu.dynamic_gather %add3A_2180[%rev3A_2184] in [0] : vector<16xi32>, vector<16xi32> -> vector<16xi32>
      %swap3A_2186 = arith.constant 144 : index
      %swap3A_2187 = tpu.vector_load %arg18[%swap3A_2186] {strides = array<i32>} : memref<256xi32, #tpu.memory_space<vmem>>, vector<16xi32>,
      tpu.vector_store %arg18[%swap3A_2186], %rev3A_2185 {strides = array<i32>} : memref<256xi32, #tpu.memory_space<vmem>>, vector<16xi32>,
      %ge3A_2188 = arith.cmpi sge, %rev3A_2185, %sub3A_1978 : vector<16xi32>
      %all_reduce_population_count3A_2189 = tpu.all_reduce %ge3A_2188 {dim = 0 : i64, kind = #tpu.reduction_kind<sum>} : vector<16xi1> -> vector<16xi32>
      %add3A_2190 = arith.addi %add3A_2163, %all_reduce_population_count3A_2189 : vector<16xi32>
      %reduce_sum3A_2191 = arith.constant true
      %reduce_sum3A_2192 = vector.broadcast %reduce_sum3A_2191 : i1 to vector<16xi1>
      %reduce_sum3A_2193 = tpu.scan <sum>, %get3A_2171 masked %reduce_sum3A_2192 : vector<16xi32>, vector<16xi1> -> vector<16xi32>
      %reduce_sum3A_2194 = vector.extract %reduce_sum3A_2193[15] : i32 from vector<16xi32>
      %add3A_2195 = vector.broadcast %reduce_sum3A_2194 : i32 to vector<16xi32>
      %add3A_2196 = arith.addi %add3A_2169, %add3A_2195 : vector<16xi32>
      %get3A_2197 = arith.constant 128 : index
      %get3A_2198 = tpu.vector_load %arg17[%get3A_2197] {strides = array<i32>} : memref<256xi32, #tpu.memory_space<vmem>>, vector<16xi32>,
      %rev3A_2199 = arith.constant 15 : i32
      %rev3A_2200 = vector.broadcast %rev3A_2199 : i32 to vector<16xi32>
      %rev3A_2201 = tpu.iota {dimensions = array<i32: 0>} : vector<16xi32>
      %rev3A_2202 = arith.subi %rev3A_2200, %rev3A_2201 : vector<16xi32>
      %rev3A_2203 = tpu.dynamic_gather %get3A_2198[%rev3A_2202] in [0] : vector<16xi32>, vector<16xi32> -> vector<16xi32>
      %broadcast_in_dim3A_2204 = arith.constant true
      %broadcast_in_dim3A_2205 = vector.broadcast %broadcast_in_dim3A_2204 : i1 to vector<16xi1>
      %masked_cumsum3A_2206 = tpu.scan <sum>, %rev3A_2203 masked %broadcast_in_dim3A_2205 : vector<16xi32>, vector<16xi1> -> vector<16xi32>
      %add3A_2207 = arith.addi %masked_cumsum3A_2206, %add3A_2196 : vector<16xi32>
      %rev3A_2208 = arith.constant 15 : i32
      %rev3A_2209 = vector.broadcast %rev3A_2208 : i32 to vector<16xi32>
      %rev3A_2210 = tpu.iota {dimensions = array<i32: 0>} : vector<16xi32>
      %rev3A_2211 = arith.subi %rev3A_2209, %rev3A_2210 : vector<16xi32>
      %rev3A_2212 = tpu.dynamic_gather %add3A_2207[%rev3A_2211] in [0] : vector<16xi32>, vector<16xi32> -> vector<16xi32>
      %swap3A_2213 = arith.constant 128 : index
      %swap3A_2214 = tpu.vector_load %arg18[%swap3A_2213] {strides = array<i32>} : memref<256xi32, #tpu.memory_space<vmem>>, vector<16xi32>,
      tpu.vector_store %arg18[%swap3A_2213], %rev3A_2212 {strides = array<i32>} : memref<256xi32, #tpu.memory_space<vmem>>, vector<16xi32>,
      %ge3A_2215 = arith.cmpi sge, %rev3A_2212, %sub3A_1978 : vector<16xi32>
      %all_reduce_population_count3A_2216 = tpu.all_reduce %ge3A_2215 {dim = 0 : i64, kind = #tpu.reduction_kind<sum>} : vector<16xi1> -> vector<16xi32>
      %add3A_2217 = arith.addi %add3A_2190, %all_reduce_population_count3A_2216 : vector<16xi32>
      %reduce_sum3A_2218 = arith.constant true
      %reduce_sum3A_2219 = vector.broadcast %reduce_sum3A_2218 : i1 to vector<16xi1>
      %reduce_sum3A_2220 = tpu.scan <sum>, %get3A_2198 masked %reduce_sum3A_2219 : vector<16xi32>, vector<16xi1> -> vector<16xi32>
      %reduce_sum3A_2221 = vector.extract %reduce_sum3A_2220[15] : i32 from vector<16xi32>
      %add3A_2222 = vector.broadcast %reduce_sum3A_2221 : i32 to vector<16xi32>
      %add3A_2223 = arith.addi %add3A_2196, %add3A_2222 : vector<16xi32>
      %get3A_2224 = arith.constant 112 : index
      %get3A_2225 = tpu.vector_load %arg17[%get3A_2224] {strides = array<i32>} : memref<256xi32, #tpu.memory_space<vmem>>, vector<16xi32>,
      %rev3A_2226 = arith.constant 15 : i32
      %rev3A_2227 = vector.broadcast %rev3A_2226 : i32 to vector<16xi32>
      %rev3A_2228 = tpu.iota {dimensions = array<i32: 0>} : vector<16xi32>
      %rev3A_2229 = arith.subi %rev3A_2227, %rev3A_2228 : vector<16xi32>
      %rev3A_2230 = tpu.dynamic_gather %get3A_2225[%rev3A_2229] in [0] : vector<16xi32>, vector<16xi32> -> vector<16xi32>
      %broadcast_in_dim3A_2231 = arith.constant true
      %broadcast_in_dim3A_2232 = vector.broadcast %broadcast_in_dim3A_2231 : i1 to vector<16xi1>
      %masked_cumsum3A_2233 = tpu.scan <sum>, %rev3A_2230 masked %broadcast_in_dim3A_2232 : vector<16xi32>, vector<16xi1> -> vector<16xi32>
      %add3A_2234 = arith.addi %masked_cumsum3A_2233, %add3A_2223 : vector<16xi32>
      %rev3A_2235 = arith.constant 15 : i32
      %rev3A_2236 = vector.broadcast %rev3A_2235 : i32 to vector<16xi32>
      %rev3A_2237 = tpu.iota {dimensions = array<i32: 0>} : vector<16xi32>
      %rev3A_2238 = arith.subi %rev3A_2236, %rev3A_2237 : vector<16xi32>
      %rev3A_2239 = tpu.dynamic_gather %add3A_2234[%rev3A_2238] in [0] : vector<16xi32>, vector<16xi32> -> vector<16xi32>
      %swap3A_2240 = arith.constant 112 : index
      %swap3A_2241 = tpu.vector_load %arg18[%swap3A_2240] {strides = array<i32>} : memref<256xi32, #tpu.memory_space<vmem>>, vector<16xi32>,
      tpu.vector_store %arg18[%swap3A_2240], %rev3A_2239 {strides = array<i32>} : memref<256xi32, #tpu.memory_space<vmem>>, vector<16xi32>,
      %ge3A_2242 = arith.cmpi sge, %rev3A_2239, %sub3A_1978 : vector<16xi32>
      %all_reduce_population_count3A_2243 = tpu.all_reduce %ge3A_2242 {dim = 0 : i64, kind = #tpu.reduction_kind<sum>} : vector<16xi1> -> vector<16xi32>
      %add3A_2244 = arith.addi %add3A_2217, %all_reduce_population_count3A_2243 : vector<16xi32>
      %reduce_sum3A_2245 = arith.constant true
      %reduce_sum3A_2246 = vector.broadcast %reduce_sum3A_2245 : i1 to vector<16xi1>
      %reduce_sum3A_2247 = tpu.scan <sum>, %get3A_2225 masked %reduce_sum3A_2246 : vector<16xi32>, vector<16xi1> -> vector<16xi32>
      %reduce_sum3A_2248 = vector.extract %reduce_sum3A_2247[15] : i32 from vector<16xi32>
      %add3A_2249 = vector.broadcast %reduce_sum3A_2248 : i32 to vector<16xi32>
      %add3A_2250 = arith.addi %add3A_2223, %add3A_2249 : vector<16xi32>
      %get3A_2251 = arith.constant 96 : index
      %get3A_2252 = tpu.vector_load %arg17[%get3A_2251] {strides = array<i32>} : memref<256xi32, #tpu.memory_space<vmem>>, vector<16xi32>,
      %rev3A_2253 = arith.constant 15 : i32
      %rev3A_2254 = vector.broadcast %rev3A_2253 : i32 to vector<16xi32>
      %rev3A_2255 = tpu.iota {dimensions = array<i32: 0>} : vector<16xi32>
      %rev3A_2256 = arith.subi %rev3A_2254, %rev3A_2255 : vector<16xi32>
      %rev3A_2257 = tpu.dynamic_gather %get3A_2252[%rev3A_2256] in [0] : vector<16xi32>, vector<16xi32> -> vector<16xi32>
      %broadcast_in_dim3A_2258 = arith.constant true
      %broadcast_in_dim3A_2259 = vector.broadcast %broadcast_in_dim3A_2258 : i1 to vector<16xi1>
      %masked_cumsum3A_2260 = tpu.scan <sum>, %rev3A_2257 masked %broadcast_in_dim3A_2259 : vector<16xi32>, vector<16xi1> -> vector<16xi32>
      %add3A_2261 = arith.addi %masked_cumsum3A_2260, %add3A_2250 : vector<16xi32>
      %rev3A_2262 = arith.constant 15 : i32
      %rev3A_2263 = vector.broadcast %rev3A_2262 : i32 to vector<16xi32>
      %rev3A_2264 = tpu.iota {dimensions = array<i32: 0>} : vector<16xi32>
      %rev3A_2265 = arith.subi %rev3A_2263, %rev3A_2264 : vector<16xi32>
      %rev3A_2266 = tpu.dynamic_gather %add3A_2261[%rev3A_2265] in [0] : vector<16xi32>, vector<16xi32> -> vector<16xi32>
      %swap3A_2267 = arith.constant 96 : index
      %swap3A_2268 = tpu.vector_load %arg18[%swap3A_2267] {strides = array<i32>} : memref<256xi32, #tpu.memory_space<vmem>>, vector<16xi32>,
      tpu.vector_store %arg18[%swap3A_2267], %rev3A_2266 {strides = array<i32>} : memref<256xi32, #tpu.memory_space<vmem>>, vector<16xi32>,
      %ge3A_2269 = arith.cmpi sge, %rev3A_2266, %sub3A_1978 : vector<16xi32>
      %all_reduce_population_count3A_2270 = tpu.all_reduce %ge3A_2269 {dim = 0 : i64, kind = #tpu.reduction_kind<sum>} : vector<16xi1> -> vector<16xi32>
      %add3A_2271 = arith.addi %add3A_2244, %all_reduce_population_count3A_2270 : vector<16xi32>
      %reduce_sum3A_2272 = arith.constant true
      %reduce_sum3A_2273 = vector.broadcast %reduce_sum3A_2272 : i1 to vector<16xi1>
      %reduce_sum3A_2274 = tpu.scan <sum>, %get3A_2252 masked %reduce_sum3A_2273 : vector<16xi32>, vector<16xi1> -> vector<16xi32>
      %reduce_sum3A_2275 = vector.extract %reduce_sum3A_2274[15] : i32 from vector<16xi32>
      %add3A_2276 = vector.broadcast %reduce_sum3A_2275 : i32 to vector<16xi32>
      %add3A_2277 = arith.addi %add3A_2250, %add3A_2276 : vector<16xi32>
      %get3A_2278 = arith.constant 80 : index
      %get3A_2279 = tpu.vector_load %arg17[%get3A_2278] {strides = array<i32>} : memref<256xi32, #tpu.memory_space<vmem>>, vector<16xi32>,
      %rev3A_2280 = arith.constant 15 : i32
      %rev3A_2281 = vector.broadcast %rev3A_2280 : i32 to vector<16xi32>
      %rev3A_2282 = tpu.iota {dimensions = array<i32: 0>} : vector<16xi32>
      %rev3A_2283 = arith.subi %rev3A_2281, %rev3A_2282 : vector<16xi32>
      %rev3A_2284 = tpu.dynamic_gather %get3A_2279[%rev3A_2283] in [0] : vector<16xi32>, vector<16xi32> -> vector<16xi32>
      %broadcast_in_dim3A_2285 = arith.constant true
      %broadcast_in_dim3A_2286 = vector.broadcast %broadcast_in_dim3A_2285 : i1 to vector<16xi1>
      %masked_cumsum3A_2287 = tpu.scan <sum>, %rev3A_2284 masked %broadcast_in_dim3A_2286 : vector<16xi32>, vector<16xi1> -> vector<16xi32>
      %add3A_2288 = arith.addi %masked_cumsum3A_2287, %add3A_2277 : vector<16xi32>
      %rev3A_2289 = arith.constant 15 : i32
      %rev3A_2290 = vector.broadcast %rev3A_2289 : i32 to vector<16xi32>
      %rev3A_2291 = tpu.iota {dimensions = array<i32: 0>} : vector<16xi32>
      %rev3A_2292 = arith.subi %rev3A_2290, %rev3A_2291 : vector<16xi32>
      %rev3A_2293 = tpu.dynamic_gather %add3A_2288[%rev3A_2292] in [0] : vector<16xi32>, vector<16xi32> -> vector<16xi32>
      %swap3A_2294 = arith.constant 80 : index
      %swap3A_2295 = tpu.vector_load %arg18[%swap3A_2294] {strides = array<i32>} : memref<256xi32, #tpu.memory_space<vmem>>, vector<16xi32>,
      tpu.vector_store %arg18[%swap3A_2294], %rev3A_2293 {strides = array<i32>} : memref<256xi32, #tpu.memory_space<vmem>>, vector<16xi32>,
      %ge3A_2296 = arith.cmpi sge, %rev3A_2293, %sub3A_1978 : vector<16xi32>
      %all_reduce_population_count3A_2297 = tpu.all_reduce %ge3A_2296 {dim = 0 : i64, kind = #tpu.reduction_kind<sum>} : vector<16xi1> -> vector<16xi32>
      %add3A_2298 = arith.addi %add3A_2271, %all_reduce_population_count3A_2297 : vector<16xi32>
      %reduce_sum3A_2299 = arith.constant true
      %reduce_sum3A_2300 = vector.broadcast %reduce_sum3A_2299 : i1 to vector<16xi1>
      %reduce_sum3A_2301 = tpu.scan <sum>, %get3A_2279 masked %reduce_sum3A_2300 : vector<16xi32>, vector<16xi1> -> vector<16xi32>
      %reduce_sum3A_2302 = vector.extract %reduce_sum3A_2301[15] : i32 from vector<16xi32>
      %add3A_2303 = vector.broadcast %reduce_sum3A_2302 : i32 to vector<16xi32>
      %add3A_2304 = arith.addi %add3A_2277, %add3A_2303 : vector<16xi32>
      %get3A_2305 = arith.constant 64 : index
      %get3A_2306 = tpu.vector_load %arg17[%get3A_2305] {strides = array<i32>} : memref<256xi32, #tpu.memory_space<vmem>>, vector<16xi32>,
      %rev3A_2307 = arith.constant 15 : i32
      %rev3A_2308 = vector.broadcast %rev3A_2307 : i32 to vector<16xi32>
      %rev3A_2309 = tpu.iota {dimensions = array<i32: 0>} : vector<16xi32>
      %rev3A_2310 = arith.subi %rev3A_2308, %rev3A_2309 : vector<16xi32>
      %rev3A_2311 = tpu.dynamic_gather %get3A_2306[%rev3A_2310] in [0] : vector<16xi32>, vector<16xi32> -> vector<16xi32>
      %broadcast_in_dim3A_2312 = arith.constant true
      %broadcast_in_dim3A_2313 = vector.broadcast %broadcast_in_dim3A_2312 : i1 to vector<16xi1>
      %masked_cumsum3A_2314 = tpu.scan <sum>, %rev3A_2311 masked %broadcast_in_dim3A_2313 : vector<16xi32>, vector<16xi1> -> vector<16xi32>
      %add3A_2315 = arith.addi %masked_cumsum3A_2314, %add3A_2304 : vector<16xi32>
      %rev3A_2316 = arith.constant 15 : i32
      %rev3A_2317 = vector.broadcast %rev3A_2316 : i32 to vector<16xi32>
      %rev3A_2318 = tpu.iota {dimensions = array<i32: 0>} : vector<16xi32>
      %rev3A_2319 = arith.subi %rev3A_2317, %rev3A_2318 : vector<16xi32>
      %rev3A_2320 = tpu.dynamic_gather %add3A_2315[%rev3A_2319] in [0] : vector<16xi32>, vector<16xi32> -> vector<16xi32>
      %swap3A_2321 = arith.constant 64 : index
      %swap3A_2322 = tpu.vector_load %arg18[%swap3A_2321] {strides = array<i32>} : memref<256xi32, #tpu.memory_space<vmem>>, vector<16xi32>,
      tpu.vector_store %arg18[%swap3A_2321], %rev3A_2320 {strides = array<i32>} : memref<256xi32, #tpu.memory_space<vmem>>, vector<16xi32>,
      %ge3A_2323 = arith.cmpi sge, %rev3A_2320, %sub3A_1978 : vector<16xi32>
      %all_reduce_population_count3A_2324 = tpu.all_reduce %ge3A_2323 {dim = 0 : i64, kind = #tpu.reduction_kind<sum>} : vector<16xi1> -> vector<16xi32>
      %add3A_2325 = arith.addi %add3A_2298, %all_reduce_population_count3A_2324 : vector<16xi32>
      %reduce_sum3A_2326 = arith.constant true
      %reduce_sum3A_2327 = vector.broadcast %reduce_sum3A_2326 : i1 to vector<16xi1>
      %reduce_sum3A_2328 = tpu.scan <sum>, %get3A_2306 masked %reduce_sum3A_2327 : vector<16xi32>, vector<16xi1> -> vector<16xi32>
      %reduce_sum3A_2329 = vector.extract %reduce_sum3A_2328[15] : i32 from vector<16xi32>
      %add3A_2330 = vector.broadcast %reduce_sum3A_2329 : i32 to vector<16xi32>
      %add3A_2331 = arith.addi %add3A_2304, %add3A_2330 : vector<16xi32>
      %get3A_2332 = arith.constant 48 : index
      %get3A_2333 = tpu.vector_load %arg17[%get3A_2332] {strides = array<i32>} : memref<256xi32, #tpu.memory_space<vmem>>, vector<16xi32>,
      %rev3A_2334 = arith.constant 15 : i32
      %rev3A_2335 = vector.broadcast %rev3A_2334 : i32 to vector<16xi32>
      %rev3A_2336 = tpu.iota {dimensions = array<i32: 0>} : vector<16xi32>
      %rev3A_2337 = arith.subi %rev3A_2335, %rev3A_2336 : vector<16xi32>
      %rev3A_2338 = tpu.dynamic_gather %get3A_2333[%rev3A_2337] in [0] : vector<16xi32>, vector<16xi32> -> vector<16xi32>
      %broadcast_in_dim3A_2339 = arith.constant true
      %broadcast_in_dim3A_2340 = vector.broadcast %broadcast_in_dim3A_2339 : i1 to vector<16xi1>
      %masked_cumsum3A_2341 = tpu.scan <sum>, %rev3A_2338 masked %broadcast_in_dim3A_2340 : vector<16xi32>, vector<16xi1> -> vector<16xi32>
      %add3A_2342 = arith.addi %masked_cumsum3A_2341, %add3A_2331 : vector<16xi32>
      %rev3A_2343 = arith.constant 15 : i32
      %rev3A_2344 = vector.broadcast %rev3A_2343 : i32 to vector<16xi32>
      %rev3A_2345 = tpu.iota {dimensions = array<i32: 0>} : vector<16xi32>
      %rev3A_2346 = arith.subi %rev3A_2344, %rev3A_2345 : vector<16xi32>
      %rev3A_2347 = tpu.dynamic_gather %add3A_2342[%rev3A_2346] in [0] : vector<16xi32>, vector<16xi32> -> vector<16xi32>
      %swap3A_2348 = arith.constant 48 : index
      %swap3A_2349 = tpu.vector_load %arg18[%swap3A_2348] {strides = array<i32>} : memref<256xi32, #tpu.memory_space<vmem>>, vector<16xi32>,
      tpu.vector_store %arg18[%swap3A_2348], %rev3A_2347 {strides = array<i32>} : memref<256xi32, #tpu.memory_space<vmem>>, vector<16xi32>,
      %ge3A_2350 = arith.cmpi sge, %rev3A_2347, %sub3A_1978 : vector<16xi32>
      %all_reduce_population_count3A_2351 = tpu.all_reduce %ge3A_2350 {dim = 0 : i64, kind = #tpu.reduction_kind<sum>} : vector<16xi1> -> vector<16xi32>
      %add3A_2352 = arith.addi %add3A_2325, %all_reduce_population_count3A_2351 : vector<16xi32>
      %reduce_sum3A_2353 = arith.constant true
      %reduce_sum3A_2354 = vector.broadcast %reduce_sum3A_2353 : i1 to vector<16xi1>
      %reduce_sum3A_2355 = tpu.scan <sum>, %get3A_2333 masked %reduce_sum3A_2354 : vector<16xi32>, vector<16xi1> -> vector<16xi32>
      %reduce_sum3A_2356 = vector.extract %reduce_sum3A_2355[15] : i32 from vector<16xi32>
      %add3A_2357 = vector.broadcast %reduce_sum3A_2356 : i32 to vector<16xi32>
      %add3A_2358 = arith.addi %add3A_2331, %add3A_2357 : vector<16xi32>
      %get3A_2359 = arith.constant 32 : index
      %get3A_2360 = tpu.vector_load %arg17[%get3A_2359] {strides = array<i32>} : memref<256xi32, #tpu.memory_space<vmem>>, vector<16xi32>,
      %rev3A_2361 = arith.constant 15 : i32
      %rev3A_2362 = vector.broadcast %rev3A_2361 : i32 to vector<16xi32>
      %rev3A_2363 = tpu.iota {dimensions = array<i32: 0>} : vector<16xi32>
      %rev3A_2364 = arith.subi %rev3A_2362, %rev3A_2363 : vector<16xi32>
      %rev3A_2365 = tpu.dynamic_gather %get3A_2360[%rev3A_2364] in [0] : vector<16xi32>, vector<16xi32> -> vector<16xi32>
      %broadcast_in_dim3A_2366 = arith.constant true
      %broadcast_in_dim3A_2367 = vector.broadcast %broadcast_in_dim3A_2366 : i1 to vector<16xi1>
      %masked_cumsum3A_2368 = tpu.scan <sum>, %rev3A_2365 masked %broadcast_in_dim3A_2367 : vector<16xi32>, vector<16xi1> -> vector<16xi32>
      %add3A_2369 = arith.addi %masked_cumsum3A_2368, %add3A_2358 : vector<16xi32>
      %rev3A_2370 = arith.constant 15 : i32
      %rev3A_2371 = vector.broadcast %rev3A_2370 : i32 to vector<16xi32>
      %rev3A_2372 = tpu.iota {dimensions = array<i32: 0>} : vector<16xi32>
      %rev3A_2373 = arith.subi %rev3A_2371, %rev3A_2372 : vector<16xi32>
      %rev3A_2374 = tpu.dynamic_gather %add3A_2369[%rev3A_2373] in [0] : vector<16xi32>, vector<16xi32> -> vector<16xi32>
      %swap3A_2375 = arith.constant 32 : index
      %swap3A_2376 = tpu.vector_load %arg18[%swap3A_2375] {strides = array<i32>} : memref<256xi32, #tpu.memory_space<vmem>>, vector<16xi32>,
      tpu.vector_store %arg18[%swap3A_2375], %rev3A_2374 {strides = array<i32>} : memref<256xi32, #tpu.memory_space<vmem>>, vector<16xi32>,
      %ge3A_2377 = arith.cmpi sge, %rev3A_2374, %sub3A_1978 : vector<16xi32>
      %all_reduce_population_count3A_2378 = tpu.all_reduce %ge3A_2377 {dim = 0 : i64, kind = #tpu.reduction_kind<sum>} : vector<16xi1> -> vector<16xi32>
      %add3A_2379 = arith.addi %add3A_2352, %all_reduce_population_count3A_2378 : vector<16xi32>
      %reduce_sum3A_2380 = arith.constant true
      %reduce_sum3A_2381 = vector.broadcast %reduce_sum3A_2380 : i1 to vector<16xi1>
      %reduce_sum3A_2382 = tpu.scan <sum>, %get3A_2360 masked %reduce_sum3A_2381 : vector<16xi32>, vector<16xi1> -> vector<16xi32>
      %reduce_sum3A_2383 = vector.extract %reduce_sum3A_2382[15] : i32 from vector<16xi32>
      %add3A_2384 = vector.broadcast %reduce_sum3A_2383 : i32 to vector<16xi32>
      %add3A_2385 = arith.addi %add3A_2358, %add3A_2384 : vector<16xi32>
      %get3A_2386 = arith.constant 16 : index
      %get3A_2387 = tpu.vector_load %arg17[%get3A_2386] {strides = array<i32>} : memref<256xi32, #tpu.memory_space<vmem>>, vector<16xi32>,
      %rev3A_2388 = arith.constant 15 : i32
      %rev3A_2389 = vector.broadcast %rev3A_2388 : i32 to vector<16xi32>
      %rev3A_2390 = tpu.iota {dimensions = array<i32: 0>} : vector<16xi32>
      %rev3A_2391 = arith.subi %rev3A_2389, %rev3A_2390 : vector<16xi32>
      %rev3A_2392 = tpu.dynamic_gather %get3A_2387[%rev3A_2391] in [0] : vector<16xi32>, vector<16xi32> -> vector<16xi32>
      %broadcast_in_dim3A_2393 = arith.constant true
      %broadcast_in_dim3A_2394 = vector.broadcast %broadcast_in_dim3A_2393 : i1 to vector<16xi1>
      %masked_cumsum3A_2395 = tpu.scan <sum>, %rev3A_2392 masked %broadcast_in_dim3A_2394 : vector<16xi32>, vector<16xi1> -> vector<16xi32>
      %add3A_2396 = arith.addi %masked_cumsum3A_2395, %add3A_2385 : vector<16xi32>
      %rev3A_2397 = arith.constant 15 : i32
      %rev3A_2398 = vector.broadcast %rev3A_2397 : i32 to vector<16xi32>
      %rev3A_2399 = tpu.iota {dimensions = array<i32: 0>} : vector<16xi32>
      %rev3A_2400 = arith.subi %rev3A_2398, %rev3A_2399 : vector<16xi32>
      %rev3A_2401 = tpu.dynamic_gather %add3A_2396[%rev3A_2400] in [0] : vector<16xi32>, vector<16xi32> -> vector<16xi32>
      %swap3A_2402 = arith.constant 16 : index
      %swap3A_2403 = tpu.vector_load %arg18[%swap3A_2402] {strides = array<i32>} : memref<256xi32, #tpu.memory_space<vmem>>, vector<16xi32>,
      tpu.vector_store %arg18[%swap3A_2402], %rev3A_2401 {strides = array<i32>} : memref<256xi32, #tpu.memory_space<vmem>>, vector<16xi32>,
      %ge3A_2404 = arith.cmpi sge, %rev3A_2401, %sub3A_1978 : vector<16xi32>
      %all_reduce_population_count3A_2405 = tpu.all_reduce %ge3A_2404 {dim = 0 : i64, kind = #tpu.reduction_kind<sum>} : vector<16xi1> -> vector<16xi32>
      %add3A_2406 = arith.addi %add3A_2379, %all_reduce_population_count3A_2405 : vector<16xi32>
      %reduce_sum3A_2407 = arith.constant true
      %reduce_sum3A_2408 = vector.broadcast %reduce_sum3A_2407 : i1 to vector<16xi1>
      %reduce_sum3A_2409 = tpu.scan <sum>, %get3A_2387 masked %reduce_sum3A_2408 : vector<16xi32>, vector<16xi1> -> vector<16xi32>
      %reduce_sum3A_2410 = vector.extract %reduce_sum3A_2409[15] : i32 from vector<16xi32>
      %add3A_2411 = vector.broadcast %reduce_sum3A_2410 : i32 to vector<16xi32>
      %add3A_2412 = arith.addi %add3A_2385, %add3A_2411 : vector<16xi32>
      %get3A_2413 = arith.constant 0 : index
      %get3A_2414 = tpu.vector_load %arg17[%get3A_2413] {strides = array<i32>} : memref<256xi32, #tpu.memory_space<vmem>>, vector<16xi32>,
      %rev3A_2415 = arith.constant 15 : i32
      %rev3A_2416 = vector.broadcast %rev3A_2415 : i32 to vector<16xi32>
      %rev3A_2417 = tpu.iota {dimensions = array<i32: 0>} : vector<16xi32>
      %rev3A_2418 = arith.subi %rev3A_2416, %rev3A_2417 : vector<16xi32>
      %rev3A_2419 = tpu.dynamic_gather %get3A_2414[%rev3A_2418] in [0] : vector<16xi32>, vector<16xi32> -> vector<16xi32>
      %broadcast_in_dim3A_2420 = arith.constant true
      %broadcast_in_dim3A_2421 = vector.broadcast %broadcast_in_dim3A_2420 : i1 to vector<16xi1>
      %masked_cumsum3A_2422 = tpu.scan <sum>, %rev3A_2419 masked %broadcast_in_dim3A_2421 : vector<16xi32>, vector<16xi1> -> vector<16xi32>
      %add3A_2423 = arith.addi %masked_cumsum3A_2422, %add3A_2412 : vector<16xi32>
      %rev3A_2424 = arith.constant 15 : i32
      %rev3A_2425 = vector.broadcast %rev3A_2424 : i32 to vector<16xi32>
      %rev3A_2426 = tpu.iota {dimensions = array<i32: 0>} : vector<16xi32>
      %rev3A_2427 = arith.subi %rev3A_2425, %rev3A_2426 : vector<16xi32>
      %rev3A_2428 = tpu.dynamic_gather %add3A_2423[%rev3A_2427] in [0] : vector<16xi32>, vector<16xi32> -> vector<16xi32>
      %swap3A_2429 = arith.constant 0 : index
      %swap3A_2430 = tpu.vector_load %arg18[%swap3A_2429] {strides = array<i32>} : memref<256xi32, #tpu.memory_space<vmem>>, vector<16xi32>,
      tpu.vector_store %arg18[%swap3A_2429], %rev3A_2428 {strides = array<i32>} : memref<256xi32, #tpu.memory_space<vmem>>, vector<16xi32>,
      %ge3A_2431 = arith.cmpi sge, %rev3A_2428, %sub3A_1978 : vector<16xi32>
      %all_reduce_population_count3A_2432 = tpu.all_reduce %ge3A_2431 {dim = 0 : i64, kind = #tpu.reduction_kind<sum>} : vector<16xi1> -> vector<16xi32>
      %add3A_2433 = arith.addi %add3A_2406, %all_reduce_population_count3A_2432 : vector<16xi32>
      %reduce_sum3A_2434 = arith.constant true
      %reduce_sum3A_2435 = vector.broadcast %reduce_sum3A_2434 : i1 to vector<16xi1>
      %reduce_sum3A_2436 = tpu.scan <sum>, %get3A_2414 masked %reduce_sum3A_2435 : vector<16xi32>, vector<16xi1> -> vector<16xi32>
      %reduce_sum3A_2437 = vector.extract %reduce_sum3A_2436[15] : i32 from vector<16xi32>
      %add3A_2438 = vector.broadcast %reduce_sum3A_2437 : i32 to vector<16xi32>
      %add3A_2439 = arith.addi %add3A_2412, %add3A_2438 : vector<16xi32>
      %sub3A_2440 = arith.constant 1 : i32
      %sub3A_2441 = vector.broadcast %sub3A_2440 : i32 to vector<16xi32>
      %sub3A_2442 = arith.subi %add3A_2433, %sub3A_2441 : vector<16xi32>
      %gather3A_2443 = tpu.vector_load_idx %arg18[%sub3A_2442] : memref<256xi32, #tpu.memory_space<vmem>>[vector<16xi32>], vector<16xi32>,
      %gather3A_2444 = tpu.vector_load_idx %arg17[%sub3A_2442] : memref<256xi32, #tpu.memory_space<vmem>>[vector<16xi32>], vector<16xi32>,
      %sub3A_2445 = arith.subi %gather3A_2443, %gather3A_2444 : vector<16xi32>
      %sub3A_2446 = arith.subi %sub3A_1978, %sub3A_2445 : vector<16xi32>
      %shift_left3A_2447 = arith.constant 0 : i32
      %shift_left3A_2448 = vector.broadcast %shift_left3A_2447 : i32 to vector<16xi32>
      %shift_left3A_2449 = arith.shli %sub3A_2442, %shift_left3A_2448 : vector<16xi32>
      %or3A_2450 = arith.ori %or3A_1982, %shift_left3A_2449 : vector<16xi32>
      %while3A_2451 = arith.constant 0 : i32
      %while3A_2452 = arith.subi %select_n3A_530, %while3A_2451 : i32
      %while3A_2453 = arith.addi %while3A_2451, %while3A_2452 : i32
      %while3A_2454 = arith.constant 1 : i32
      %while3A_2455 = arith.divsi %while3A_2452, %while3A_2454 : i32
      %while3A_2456 = arith.muli %while3A_2455, %while3A_2454 : i32
      %while3A_2457 = arith.addi %while3A_2451, %while3A_2456 : i32
      %while3A_2458 = arith.constant 1 : i32
      %while3A_2459:2 = scf.for %while3A_2610 = %while3A_2451 to %while3A_2457 step %while3A_2458 iter_args(%while3A_2611 = %broadcast_in_dim3A_486, %while3A_2612 = %broadcast_in_dim3A_486) -> (vector<16xi32>, vector<16xi32>)  : i32 {
        %mul3A_2613 = arith.constant 16 : i32
        %mul3A_2614 = arith.muli %while3A_2610, %mul3A_2613 : i32
        %get3A_2615 = arith.index_cast %mul3A_2614 : i32 to index
        %get3A_2616 = tpu.vector_load %arg9[%get3A_2615] {strides = array<i32>} : memref<8208xi32, #tpu.memory_space<vmem>>, vector<16xi32>,
        %bitcast_convert_type3A_2617 = tpu.bitcast %get3A_2616 : vector<16xi32> -> vector<16xi32>
        %mul3A_2618 = arith.constant 16 : i32
        %mul3A_2619 = arith.muli %while3A_2610, %mul3A_2618 : i32
        %get3A_2620 = arith.index_cast %mul3A_2619 : i32 to index
        %get3A_2621 = tpu.vector_load %arg10[%get3A_2620] {strides = array<i32>} : memref<8208xi32, #tpu.memory_space<vmem>>, vector<16xi32>,
        %mul3A_2622 = arith.constant 16 : i32
        %mul3A_2623 = arith.muli %while3A_2610, %mul3A_2622 : i32
        %add3A_2624 = vector.broadcast %mul3A_2623 : i32 to vector<16xi32>
        %add3A_2625 = arith.addi %iota3A, %add3A_2624 : vector<16xi32>
        %lt3A_2626 = arith.cmpi slt, %add3A_2625, %add3A_500 : vector<16xi32>
        %gt3A = arith.cmpi ugt, %bitcast_convert_type3A_2617, %or3A_2450 : vector<16xi32>
        %and3A_2627 = arith.andi %lt3A_2626, %gt3A : vector<16xi1>
        %eq3A = arith.cmpi eq, %bitcast_convert_type3A_2617, %or3A_2450 : vector<16xi32>
        %and3A_2628 = arith.andi %lt3A_2626, %eq3A : vector<16xi1>
        %convert_element_type3A_2629 = arith.extui %and3A_2628 : vector<16xi1> to vector<16xi32>
        %broadcast_in_dim3A_2630 = arith.constant true
        %broadcast_in_dim3A_2631 = vector.broadcast %broadcast_in_dim3A_2630 : i1 to vector<16xi1>
        %masked_cumsum3A_2632 = tpu.scan <sum>, %convert_element_type3A_2629 masked %broadcast_in_dim3A_2631 : vector<16xi32>, vector<16xi1> -> vector<16xi32>
        %add3A_2633 = arith.addi %while3A_2612, %masked_cumsum3A_2632 : vector<16xi32>
        %le3A = arith.cmpi sle, %add3A_2633, %sub3A_2446 : vector<16xi32>
        %and3A_2634 = arith.andi %and3A_2628, %le3A : vector<16xi1>
        %or3A_2635 = arith.ori %and3A_2627, %and3A_2634 : vector<16xi1>
        %convert_element_type3A_2636 = arith.extui %or3A_2635 : vector<16xi1> to vector<16xi32>
        %broadcast_in_dim3A_2637 = arith.constant true
        %broadcast_in_dim3A_2638 = vector.broadcast %broadcast_in_dim3A_2637 : i1 to vector<16xi1>
        %masked_cumsum3A_2639 = tpu.scan <sum>, %convert_element_type3A_2636 masked %broadcast_in_dim3A_2638 : vector<16xi32>, vector<16xi1> -> vector<16xi32>
        %add3A_2640 = arith.addi %while3A_2611, %masked_cumsum3A_2639 : vector<16xi32>
        %sub3A_2641 = arith.constant 1 : i32
        %sub3A_2642 = vector.broadcast %sub3A_2641 : i32 to vector<16xi32>
        %sub3A_2643 = arith.subi %add3A_2640, %sub3A_2642 : vector<16xi32>
        tpu.vector_store_idx %arg19[%sub3A_2643], %get3A_2621 masked %or3A_2635 : memref<64xi32, #tpu.memory_space<vmem>>[vector<16xi32>], vector<16xi32>, vector<16xi1>
        %all_reduce_population_count3A_2644 = tpu.all_reduce %or3A_2635 {dim = 0 : i64, kind = #tpu.reduction_kind<sum>} : vector<16xi1> -> vector<16xi32>
        %add3A_2645 = arith.addi %while3A_2611, %all_reduce_population_count3A_2644 : vector<16xi32>
        %all_reduce_population_count3A_2646 = tpu.all_reduce %and3A_2628 {dim = 0 : i64, kind = #tpu.reduction_kind<sum>} : vector<16xi1> -> vector<16xi32>
        %add3A_2647 = arith.addi %while3A_2612, %all_reduce_population_count3A_2646 : vector<16xi32>
        scf.yield %add3A_2645, %add3A_2647 : vector<16xi32>, vector<16xi32>
      }
      %while3A_2460 = arith.constant 1 : i32
      %while3A_2461:2 = scf.for %while3A_2610 = %while3A_2457 to %while3A_2453 step %while3A_2460 iter_args(%while3A_2611 = %while3A_2459#0, %while3A_2612 = %while3A_2459#1) -> (vector<16xi32>, vector<16xi32>)  : i32 {
        %mul3A_2613 = arith.constant 16 : i32
        %mul3A_2614 = arith.muli %while3A_2610, %mul3A_2613 : i32
        %get3A_2615 = arith.index_cast %mul3A_2614 : i32 to index
        %get3A_2616 = tpu.vector_load %arg9[%get3A_2615] {strides = array<i32>} : memref<8208xi32, #tpu.memory_space<vmem>>, vector<16xi32>,
        %bitcast_convert_type3A_2617 = tpu.bitcast %get3A_2616 : vector<16xi32> -> vector<16xi32>
        %mul3A_2618 = arith.constant 16 : i32
        %mul3A_2619 = arith.muli %while3A_2610, %mul3A_2618 : i32
        %get3A_2620 = arith.index_cast %mul3A_2619 : i32 to index
        %get3A_2621 = tpu.vector_load %arg10[%get3A_2620] {strides = array<i32>} : memref<8208xi32, #tpu.memory_space<vmem>>, vector<16xi32>,
        %mul3A_2622 = arith.constant 16 : i32
        %mul3A_2623 = arith.muli %while3A_2610, %mul3A_2622 : i32
        %add3A_2624 = vector.broadcast %mul3A_2623 : i32 to vector<16xi32>
        %add3A_2625 = arith.addi %iota3A, %add3A_2624 : vector<16xi32>
        %lt3A_2626 = arith.cmpi slt, %add3A_2625, %add3A_500 : vector<16xi32>
        %gt3A = arith.cmpi ugt, %bitcast_convert_type3A_2617, %or3A_2450 : vector<16xi32>
        %and3A_2627 = arith.andi %lt3A_2626, %gt3A : vector<16xi1>
        %eq3A = arith.cmpi eq, %bitcast_convert_type3A_2617, %or3A_2450 : vector<16xi32>
        %and3A_2628 = arith.andi %lt3A_2626, %eq3A : vector<16xi1>
        %convert_element_type3A_2629 = arith.extui %and3A_2628 : vector<16xi1> to vector<16xi32>
        %broadcast_in_dim3A_2630 = arith.constant true
        %broadcast_in_dim3A_2631 = vector.broadcast %broadcast_in_dim3A_2630 : i1 to vector<16xi1>
        %masked_cumsum3A_2632 = tpu.scan <sum>, %convert_element_type3A_2629 masked %broadcast_in_dim3A_2631 : vector<16xi32>, vector<16xi1> -> vector<16xi32>
        %add3A_2633 = arith.addi %while3A_2612, %masked_cumsum3A_2632 : vector<16xi32>
        %le3A = arith.cmpi sle, %add3A_2633, %sub3A_2446 : vector<16xi32>
        %and3A_2634 = arith.andi %and3A_2628, %le3A : vector<16xi1>
        %or3A_2635 = arith.ori %and3A_2627, %and3A_2634 : vector<16xi1>
        %convert_element_type3A_2636 = arith.extui %or3A_2635 : vector<16xi1> to vector<16xi32>
        %broadcast_in_dim3A_2637 = arith.constant true
        %broadcast_in_dim3A_2638 = vector.broadcast %broadcast_in_dim3A_2637 : i1 to vector<16xi1>
        %masked_cumsum3A_2639 = tpu.scan <sum>, %convert_element_type3A_2636 masked %broadcast_in_dim3A_2638 : vector<16xi32>, vector<16xi1> -> vector<16xi32>
        %add3A_2640 = arith.addi %while3A_2611, %masked_cumsum3A_2639 : vector<16xi32>
        %sub3A_2641 = arith.constant 1 : i32
        %sub3A_2642 = vector.broadcast %sub3A_2641 : i32 to vector<16xi32>
        %sub3A_2643 = arith.subi %add3A_2640, %sub3A_2642 : vector<16xi32>
        tpu.vector_store_idx %arg19[%sub3A_2643], %get3A_2621 masked %or3A_2635 : memref<64xi32, #tpu.memory_space<vmem>>[vector<16xi32>], vector<16xi32>, vector<16xi1>
        %all_reduce_population_count3A_2644 = tpu.all_reduce %or3A_2635 {dim = 0 : i64, kind = #tpu.reduction_kind<sum>} : vector<16xi1> -> vector<16xi32>
        %add3A_2645 = arith.addi %while3A_2611, %all_reduce_population_count3A_2644 : vector<16xi32>
        %all_reduce_population_count3A_2646 = tpu.all_reduce %and3A_2628 {dim = 0 : i64, kind = #tpu.reduction_kind<sum>} : vector<16xi1> -> vector<16xi32>
        %add3A_2647 = arith.addi %while3A_2612, %all_reduce_population_count3A_2646 : vector<16xi32>
        scf.yield %add3A_2645, %add3A_2647 : vector<16xi32>, vector<16xi32>
      }
      %dma_start3A_2462 = arith.constant 0 : i32
      %dma_start3A_2463 = arith.constant 0 : i32
      %dma_start3A_2464 = tpu.memref_slice %arg21[%dma_start3A_2462, %dma_start3A_2463] : memref<64x1024xf32, #tpu.memory_space<vmem>> -> memref<32x1024xf32, #tpu.memory_space<vmem>>
      %dma_start3A_2465 = arith.constant 0 : i32
      %dma_start3A_2466 = tpu.memref_slice %arg19[%dma_start3A_2465] : memref<64xi32, #tpu.memory_space<vmem>> -> memref<32xi32, #tpu.memory_space<vmem>>
      %dma_start3A_2467 = arith.constant 0 : i32
      %dma_start3A_2468 = arith.constant 0 : i32
      %dma_start3A_2469 = tpu.memref_slice %arg3[%add3A, %dma_start3A_2467, %dma_start3A_2468] : memref<16x8192x1024xf32, #tpu.memory_space<hbm>> -> memref<1x8192x1024xf32, #tpu.memory_space<hbm>>
      %dma_start3A_2470 = tpu.memref_squeeze %dma_start3A_2469 : memref<1x8192x1024xf32, #tpu.memory_space<hbm>> -> memref<8192x1024xf32, #tpu.memory_space<hbm>>
      %dma_start3A_2471 = arith.constant 0 : i32
      %dma_start3A_2472 = arith.constant 0 : i32
      %dma_start3A_2473 = tpu.memref_slice %dma_start3A_2470[%dma_start3A_2471, %dma_start3A_2472] : memref<8192x1024xf32, #tpu.memory_space<hbm>> -> memref<8192x1024xf32, #tpu.memory_space<hbm>>
      tpu.enqueue_indirect_dma source(%dma_start3A_2473 : memref<8192x1024xf32, #tpu.memory_space<hbm>>) target(%dma_start3A_2464 : memref<32x1024xf32, #tpu.memory_space<vmem>>) offsets(%dma_start3A_2466 : memref<32xi32, #tpu.memory_space<vmem>>) semaphore(%arg22 : memref<!tpu.dma_semaphore, #tpu.memory_space<semaphore_mem>>)
      %dma_start3A_2474 = arith.constant 32 : i32
      %dma_start3A_2475 = arith.constant 0 : i32
      %dma_start3A_2476 = tpu.memref_slice %arg21[%dma_start3A_2474, %dma_start3A_2475] : memref<64x1024xf32, #tpu.memory_space<vmem>> -> memref<32x1024xf32, #tpu.memory_space<vmem>>
      %dma_start3A_2477 = arith.constant 32 : i32
      %dma_start3A_2478 = tpu.memref_slice %arg19[%dma_start3A_2477] : memref<64xi32, #tpu.memory_space<vmem>> -> memref<32xi32, #tpu.memory_space<vmem>>
      %dma_start3A_2479 = arith.constant 0 : i32
      %dma_start3A_2480 = arith.constant 0 : i32
      %dma_start3A_2481 = tpu.memref_slice %arg3[%add3A, %dma_start3A_2479, %dma_start3A_2480] : memref<16x8192x1024xf32, #tpu.memory_space<hbm>> -> memref<1x8192x1024xf32, #tpu.memory_space<hbm>>
      %dma_start3A_2482 = tpu.memref_squeeze %dma_start3A_2481 : memref<1x8192x1024xf32, #tpu.memory_space<hbm>> -> memref<8192x1024xf32, #tpu.memory_space<hbm>>
      %dma_start3A_2483 = arith.constant 0 : i32
      %dma_start3A_2484 = arith.constant 0 : i32
      %dma_start3A_2485 = tpu.memref_slice %dma_start3A_2482[%dma_start3A_2483, %dma_start3A_2484] : memref<8192x1024xf32, #tpu.memory_space<hbm>> -> memref<8192x1024xf32, #tpu.memory_space<hbm>>
      tpu.enqueue_indirect_dma source(%dma_start3A_2485 : memref<8192x1024xf32, #tpu.memory_space<hbm>>) target(%dma_start3A_2476 : memref<32x1024xf32, #tpu.memory_space<vmem>>) offsets(%dma_start3A_2478 : memref<32xi32, #tpu.memory_space<vmem>>) semaphore(%arg23 : memref<!tpu.dma_semaphore, #tpu.memory_space<semaphore_mem>>)
      %get3A_2486 = arith.constant 0 : index
      %get3A_2487 = tpu.vector_load %arg19[%get3A_2486] {strides = array<i32>} : memref<64xi32, #tpu.memory_space<vmem>>, vector<16xi32>,
      %gather3A_2488 = tpu.vector_load_idx %arg7[%get3A_2487] : memref<8192xf32, #tpu.memory_space<vmem>>[vector<16xi32>], vector<16xf32>,
      %swap3A_2489 = arith.constant 0 : index
      %swap3A_2490 = tpu.vector_load %arg20[%swap3A_2489] {strides = array<i32>} : memref<64xf32, #tpu.memory_space<vmem>>, vector<16xf32>,
      tpu.vector_store %arg20[%swap3A_2489], %gather3A_2488 {strides = array<i32>} : memref<64xf32, #tpu.memory_space<vmem>>, vector<16xf32>,
      %get3A_2491 = arith.constant 16 : index
      %get3A_2492 = tpu.vector_load %arg19[%get3A_2491] {strides = array<i32>} : memref<64xi32, #tpu.memory_space<vmem>>, vector<16xi32>,
      %gather3A_2493 = tpu.vector_load_idx %arg7[%get3A_2492] : memref<8192xf32, #tpu.memory_space<vmem>>[vector<16xi32>], vector<16xf32>,
      %swap3A_2494 = arith.constant 16 : index
      %swap3A_2495 = tpu.vector_load %arg20[%swap3A_2494] {strides = array<i32>} : memref<64xf32, #tpu.memory_space<vmem>>, vector<16xf32>,
      tpu.vector_store %arg20[%swap3A_2494], %gather3A_2493 {strides = array<i32>} : memref<64xf32, #tpu.memory_space<vmem>>, vector<16xf32>,
      %get3A_2496 = arith.constant 32 : index
      %get3A_2497 = tpu.vector_load %arg19[%get3A_2496] {strides = array<i32>} : memref<64xi32, #tpu.memory_space<vmem>>, vector<16xi32>,
      %gather3A_2498 = tpu.vector_load_idx %arg7[%get3A_2497] : memref<8192xf32, #tpu.memory_space<vmem>>[vector<16xi32>], vector<16xf32>,
      %swap3A_2499 = arith.constant 32 : index
      %swap3A_2500 = tpu.vector_load %arg20[%swap3A_2499] {strides = array<i32>} : memref<64xf32, #tpu.memory_space<vmem>>, vector<16xf32>,
      tpu.vector_store %arg20[%swap3A_2499], %gather3A_2498 {strides = array<i32>} : memref<64xf32, #tpu.memory_space<vmem>>, vector<16xf32>,
      %get3A_2501 = arith.constant 48 : index
      %get3A_2502 = tpu.vector_load %arg19[%get3A_2501] {strides = array<i32>} : memref<64xi32, #tpu.memory_space<vmem>>, vector<16xi32>,
      %gather3A_2503 = tpu.vector_load_idx %arg7[%get3A_2502] : memref<8192xf32, #tpu.memory_space<vmem>>[vector<16xi32>], vector<16xf32>,
      %swap3A_2504 = arith.constant 48 : index
      %swap3A_2505 = tpu.vector_load %arg20[%swap3A_2504] {strides = array<i32>} : memref<64xf32, #tpu.memory_space<vmem>>, vector<16xf32>,
      tpu.vector_store %arg20[%swap3A_2504], %gather3A_2503 {strides = array<i32>} : memref<64xf32, #tpu.memory_space<vmem>>, vector<16xf32>,
      "tpu.region"() ({
        %run_scoped3A = tpu.sem_alloc : memref<!tpu.dma_semaphore, #tpu.memory_space<semaphore_mem>>
        %dma_start3A_2610 = arith.constant 0 : i32
        %dma_start3A_2611 = tpu.memref_slice %arg4[%add3A, %dma_start3A_2610] : memref<16x64xi32, #tpu.memory_space<hbm>> -> memref<1x64xi32, #tpu.memory_space<hbm>>
        %dma_start3A_2612 = tpu.memref_squeeze %dma_start3A_2611 : memref<1x64xi32, #tpu.memory_space<hbm>> -> memref<64xi32, #tpu.memory_space<hbm>>
        %dma_start3A_2613 = arith.constant 0 : i32
        %dma_start3A_2614 = tpu.memref_slice %arg4[%add3A, %dma_start3A_2613] : memref<16x64xi32, #tpu.memory_space<hbm>> -> memref<1x64xi32, #tpu.memory_space<hbm>>
        %dma_start3A_2615 = tpu.memref_squeeze %dma_start3A_2614 : memref<1x64xi32, #tpu.memory_space<hbm>> -> memref<64xi32, #tpu.memory_space<hbm>>
        tpu.enqueue_dma source(%arg19 : memref<64xi32, #tpu.memory_space<vmem>>) target(%dma_start3A_2615 : memref<64xi32, #tpu.memory_space<hbm>>) target_semaphore(%run_scoped3A : memref<!tpu.dma_semaphore, #tpu.memory_space<semaphore_mem>>)
        %dma_wait3A_2616 = arith.constant 0 : i32
        %dma_wait3A_2617 = tpu.memref_slice %arg4[%add3A, %dma_wait3A_2616] : memref<16x64xi32, #tpu.memory_space<hbm>> -> memref<1x64xi32, #tpu.memory_space<hbm>>
        %dma_wait3A_2618 = tpu.memref_squeeze %dma_wait3A_2617 : memref<1x64xi32, #tpu.memory_space<hbm>> -> memref<64xi32, #tpu.memory_space<hbm>>
        %dma_wait3A_2619 = arith.constant 0 : i32
        %dma_wait3A_2620 = tpu.memref_slice %arg4[%add3A, %dma_wait3A_2619] : memref<16x64xi32, #tpu.memory_space<hbm>> -> memref<1x64xi32, #tpu.memory_space<hbm>>
        %dma_wait3A_2621 = tpu.memref_squeeze %dma_wait3A_2620 : memref<1x64xi32, #tpu.memory_space<hbm>> -> memref<64xi32, #tpu.memory_space<hbm>>
        tpu.wait_dma2 semaphore(%run_scoped3A : memref<!tpu.dma_semaphore, #tpu.memory_space<semaphore_mem>>) src(%arg19 : memref<64xi32, #tpu.memory_space<vmem>>) dst(%dma_wait3A_2621 : memref<64xi32, #tpu.memory_space<hbm>>)
        tpu.yield
      }) : () -> ()
      "tpu.region"() ({
        %run_scoped3A = tpu.sem_alloc : memref<!tpu.dma_semaphore, #tpu.memory_space<semaphore_mem>>
        %dma_start3A_2610 = arith.constant 0 : i32
        %dma_start3A_2611 = tpu.memref_slice %arg6[%add3A, %dma_start3A_2610] : memref<16x64xf32, #tpu.memory_space<hbm>> -> memref<1x64xf32, #tpu.memory_space<hbm>>
        %dma_start3A_2612 = tpu.memref_squeeze %dma_start3A_2611 : memref<1x64xf32, #tpu.memory_space<hbm>> -> memref<64xf32, #tpu.memory_space<hbm>>
        %dma_start3A_2613 = arith.constant 0 : i32
        %dma_start3A_2614 = tpu.memref_slice %arg6[%add3A, %dma_start3A_2613] : memref<16x64xf32, #tpu.memory_space<hbm>> -> memref<1x64xf32, #tpu.memory_space<hbm>>
        %dma_start3A_2615 = tpu.memref_squeeze %dma_start3A_2614 : memref<1x64xf32, #tpu.memory_space<hbm>> -> memref<64xf32, #tpu.memory_space<hbm>>
        tpu.enqueue_dma source(%arg20 : memref<64xf32, #tpu.memory_space<vmem>>) target(%dma_start3A_2615 : memref<64xf32, #tpu.memory_space<hbm>>) target_semaphore(%run_scoped3A : memref<!tpu.dma_semaphore, #tpu.memory_space<semaphore_mem>>)
        %dma_wait3A_2616 = arith.constant 0 : i32
        %dma_wait3A_2617 = tpu.memref_slice %arg6[%add3A, %dma_wait3A_2616] : memref<16x64xf32, #tpu.memory_space<hbm>> -> memref<1x64xf32, #tpu.memory_space<hbm>>
        %dma_wait3A_2618 = tpu.memref_squeeze %dma_wait3A_2617 : memref<1x64xf32, #tpu.memory_space<hbm>> -> memref<64xf32, #tpu.memory_space<hbm>>
        %dma_wait3A_2619 = arith.constant 0 : i32
        %dma_wait3A_2620 = tpu.memref_slice %arg6[%add3A, %dma_wait3A_2619] : memref<16x64xf32, #tpu.memory_space<hbm>> -> memref<1x64xf32, #tpu.memory_space<hbm>>
        %dma_wait3A_2621 = tpu.memref_squeeze %dma_wait3A_2620 : memref<1x64xf32, #tpu.memory_space<hbm>> -> memref<64xf32, #tpu.memory_space<hbm>>
        tpu.wait_dma2 semaphore(%run_scoped3A : memref<!tpu.dma_semaphore, #tpu.memory_space<semaphore_mem>>) src(%arg20 : memref<64xf32, #tpu.memory_space<vmem>>) dst(%dma_wait3A_2621 : memref<64xf32, #tpu.memory_space<hbm>>)
        tpu.yield
      }) : () -> ()
      %dma_wait3A_2506 = arith.constant 0 : i32
      %dma_wait3A_2507 = arith.constant 0 : i32
      %dma_wait3A_2508 = tpu.memref_slice %arg21[%dma_wait3A_2506, %dma_wait3A_2507] : memref<64x1024xf32, #tpu.memory_space<vmem>> -> memref<32x1024xf32, #tpu.memory_space<vmem>>
      %dma_wait3A_2509 = arith.constant 0 : i32
      %dma_wait3A_2510 = tpu.memref_slice %arg19[%dma_wait3A_2509] : memref<64xi32, #tpu.memory_space<vmem>> -> memref<32xi32, #tpu.memory_space<vmem>>
      %dma_wait3A_2511 = arith.constant 0 : i32
      %dma_wait3A_2512 = arith.constant 0 : i32
      %dma_wait3A_2513 = tpu.memref_slice %arg3[%add3A, %dma_wait3A_2511, %dma_wait3A_2512] : memref<16x8192x1024xf32, #tpu.memory_space<hbm>> -> memref<1x8192x1024xf32, #tpu.memory_space<hbm>>
      %dma_wait3A_2514 = tpu.memref_squeeze %dma_wait3A_2513 : memref<1x8192x1024xf32, #tpu.memory_space<hbm>> -> memref<8192x1024xf32, #tpu.memory_space<hbm>>
      %dma_wait3A_2515 = arith.constant 0 : i32
      %dma_wait3A_2516 = arith.constant 0 : i32
      %dma_wait3A_2517 = tpu.memref_slice %dma_wait3A_2514[%dma_wait3A_2515, %dma_wait3A_2516] : memref<8192x1024xf32, #tpu.memory_space<hbm>> -> memref<8192x1024xf32, #tpu.memory_space<hbm>>
      tpu.wait_indirect_dma semaphore(%arg22 : memref<!tpu.dma_semaphore, #tpu.memory_space<semaphore_mem>>) src(%dma_wait3A_2517 : memref<8192x1024xf32, #tpu.memory_space<hbm>>) dst(%dma_wait3A_2508 : memref<32x1024xf32, #tpu.memory_space<vmem>>)
      %dma_start3A_2518 = arith.constant 0 : i32
      %dma_start3A_2519 = arith.constant 0 : i32
      %dma_start3A_2520 = tpu.memref_slice %arg21[%dma_start3A_2518, %dma_start3A_2519] : memref<64x1024xf32, #tpu.memory_space<vmem>> -> memref<32x1024xf32, #tpu.memory_space<vmem>>
      %dma_start3A_2521 = arith.constant 0 : i32
      %dma_start3A_2522 = arith.constant 0 : i32
      %dma_start3A_2523 = tpu.memref_slice %arg5[%add3A, %dma_start3A_2521, %dma_start3A_2522] : memref<16x64x1024xf32, #tpu.memory_space<hbm>> -> memref<1x64x1024xf32, #tpu.memory_space<hbm>>
      %dma_start3A_2524 = tpu.memref_squeeze %dma_start3A_2523 : memref<1x64x1024xf32, #tpu.memory_space<hbm>> -> memref<64x1024xf32, #tpu.memory_space<hbm>>
      %dma_start3A_2525 = arith.constant 0 : i32
      %dma_start3A_2526 = arith.constant 0 : i32
      %dma_start3A_2527 = tpu.memref_slice %dma_start3A_2524[%dma_start3A_2525, %dma_start3A_2526] : memref<64x1024xf32, #tpu.memory_space<hbm>> -> memref<32x1024xf32, #tpu.memory_space<hbm>>
      %dma_start3A_2528 = arith.constant 0 : i32
      %dma_start3A_2529 = arith.constant 0 : i32
      %dma_start3A_2530 = tpu.memref_slice %arg5[%add3A, %dma_start3A_2528, %dma_start3A_2529] : memref<16x64x1024xf32, #tpu.memory_space<hbm>> -> memref<1x64x1024xf32, #tpu.memory_space<hbm>>
      %dma_start3A_2531 = tpu.memref_squeeze %dma_start3A_2530 : memref<1x64x1024xf32, #tpu.memory_space<hbm>> -> memref<64x1024xf32, #tpu.memory_space<hbm>>
      %dma_start3A_2532 = arith.constant 0 : i32
      %dma_start3A_2533 = arith.constant 0 : i32
      %dma_start3A_2534 = tpu.memref_slice %dma_start3A_2531[%dma_start3A_2532, %dma_start3A_2533] : memref<64x1024xf32, #tpu.memory_space<hbm>> -> memref<32x1024xf32, #tpu.memory_space<hbm>>
      %dma_start3A_2535 = arith.constant 0 : i32
      %dma_start3A_2536 = arith.constant 0 : i32
      %dma_start3A_2537 = tpu.memref_slice %arg21[%dma_start3A_2535, %dma_start3A_2536] : memref<64x1024xf32, #tpu.memory_space<vmem>> -> memref<32x1024xf32, #tpu.memory_space<vmem>>
      tpu.enqueue_dma source(%dma_start3A_2537 : memref<32x1024xf32, #tpu.memory_space<vmem>>) target(%dma_start3A_2534 : memref<32x1024xf32, #tpu.memory_space<hbm>>) target_semaphore(%arg24 : memref<!tpu.dma_semaphore, #tpu.memory_space<semaphore_mem>>)
      %dma_wait3A_2538 = arith.constant 32 : i32
      %dma_wait3A_2539 = arith.constant 0 : i32
      %dma_wait3A_2540 = tpu.memref_slice %arg21[%dma_wait3A_2538, %dma_wait3A_2539] : memref<64x1024xf32, #tpu.memory_space<vmem>> -> memref<32x1024xf32, #tpu.memory_space<vmem>>
      %dma_wait3A_2541 = arith.constant 32 : i32
      %dma_wait3A_2542 = tpu.memref_slice %arg19[%dma_wait3A_2541] : memref<64xi32, #tpu.memory_space<vmem>> -> memref<32xi32, #tpu.memory_space<vmem>>
      %dma_wait3A_2543 = arith.constant 0 : i32
      %dma_wait3A_2544 = arith.constant 0 : i32
      %dma_wait3A_2545 = tpu.memref_slice %arg3[%add3A, %dma_wait3A_2543, %dma_wait3A_2544] : memref<16x8192x1024xf32, #tpu.memory_space<hbm>> -> memref<1x8192x1024xf32, #tpu.memory_space<hbm>>
      %dma_wait3A_2546 = tpu.memref_squeeze %dma_wait3A_2545 : memref<1x8192x1024xf32, #tpu.memory_space<hbm>> -> memref<8192x1024xf32, #tpu.memory_space<hbm>>
      %dma_wait3A_2547 = arith.constant 0 : i32
      %dma_wait3A_2548 = arith.constant 0 : i32
      %dma_wait3A_2549 = tpu.memref_slice %dma_wait3A_2546[%dma_wait3A_2547, %dma_wait3A_2548] : memref<8192x1024xf32, #tpu.memory_space<hbm>> -> memref<8192x1024xf32, #tpu.memory_space<hbm>>
      tpu.wait_indirect_dma semaphore(%arg23 : memref<!tpu.dma_semaphore, #tpu.memory_space<semaphore_mem>>) src(%dma_wait3A_2549 : memref<8192x1024xf32, #tpu.memory_space<hbm>>) dst(%dma_wait3A_2540 : memref<32x1024xf32, #tpu.memory_space<vmem>>)
      %dma_start3A_2550 = arith.constant 32 : i32
      %dma_start3A_2551 = arith.constant 0 : i32
      %dma_start3A_2552 = tpu.memref_slice %arg21[%dma_start3A_2550, %dma_start3A_2551] : memref<64x1024xf32, #tpu.memory_space<vmem>> -> memref<32x1024xf32, #tpu.memory_space<vmem>>
      %dma_start3A_2553 = arith.constant 0 : i32
      %dma_start3A_2554 = arith.constant 0 : i32
      %dma_start3A_2555 = tpu.memref_slice %arg5[%add3A, %dma_start3A_2553, %dma_start3A_2554] : memref<16x64x1024xf32, #tpu.memory_space<hbm>> -> memref<1x64x1024xf32, #tpu.memory_space<hbm>>
      %dma_start3A_2556 = tpu.memref_squeeze %dma_start3A_2555 : memref<1x64x1024xf32, #tpu.memory_space<hbm>> -> memref<64x1024xf32, #tpu.memory_space<hbm>>
      %dma_start3A_2557 = arith.constant 32 : i32
      %dma_start3A_2558 = arith.constant 0 : i32
      %dma_start3A_2559 = tpu.memref_slice %dma_start3A_2556[%dma_start3A_2557, %dma_start3A_2558] : memref<64x1024xf32, #tpu.memory_space<hbm>> -> memref<32x1024xf32, #tpu.memory_space<hbm>>
      %dma_start3A_2560 = arith.constant 0 : i32
      %dma_start3A_2561 = arith.constant 0 : i32
      %dma_start3A_2562 = tpu.memref_slice %arg5[%add3A, %dma_start3A_2560, %dma_start3A_2561] : memref<16x64x1024xf32, #tpu.memory_space<hbm>> -> memref<1x64x1024xf32, #tpu.memory_space<hbm>>
      %dma_start3A_2563 = tpu.memref_squeeze %dma_start3A_2562 : memref<1x64x1024xf32, #tpu.memory_space<hbm>> -> memref<64x1024xf32, #tpu.memory_space<hbm>>
      %dma_start3A_2564 = arith.constant 32 : i32
      %dma_start3A_2565 = arith.constant 0 : i32
      %dma_start3A_2566 = tpu.memref_slice %dma_start3A_2563[%dma_start3A_2564, %dma_start3A_2565] : memref<64x1024xf32, #tpu.memory_space<hbm>> -> memref<32x1024xf32, #tpu.memory_space<hbm>>
      %dma_start3A_2567 = arith.constant 32 : i32
      %dma_start3A_2568 = arith.constant 0 : i32
      %dma_start3A_2569 = tpu.memref_slice %arg21[%dma_start3A_2567, %dma_start3A_2568] : memref<64x1024xf32, #tpu.memory_space<vmem>> -> memref<32x1024xf32, #tpu.memory_space<vmem>>
      tpu.enqueue_dma source(%dma_start3A_2569 : memref<32x1024xf32, #tpu.memory_space<vmem>>) target(%dma_start3A_2566 : memref<32x1024xf32, #tpu.memory_space<hbm>>) target_semaphore(%arg24 : memref<!tpu.dma_semaphore, #tpu.memory_space<semaphore_mem>>)
      %dma_wait3A_2570 = arith.constant 0 : i32
      %dma_wait3A_2571 = arith.constant 0 : i32
      %dma_wait3A_2572 = tpu.memref_slice %arg21[%dma_wait3A_2570, %dma_wait3A_2571] : memref<64x1024xf32, #tpu.memory_space<vmem>> -> memref<32x1024xf32, #tpu.memory_space<vmem>>
      %dma_wait3A_2573 = arith.constant 0 : i32
      %dma_wait3A_2574 = arith.constant 0 : i32
      %dma_wait3A_2575 = tpu.memref_slice %arg5[%add3A, %dma_wait3A_2573, %dma_wait3A_2574] : memref<16x64x1024xf32, #tpu.memory_space<hbm>> -> memref<1x64x1024xf32, #tpu.memory_space<hbm>>
      %dma_wait3A_2576 = tpu.memref_squeeze %dma_wait3A_2575 : memref<1x64x1024xf32, #tpu.memory_space<hbm>> -> memref<64x1024xf32, #tpu.memory_space<hbm>>
      %dma_wait3A_2577 = arith.constant 0 : i32
      %dma_wait3A_2578 = arith.constant 0 : i32
      %dma_wait3A_2579 = tpu.memref_slice %dma_wait3A_2576[%dma_wait3A_2577, %dma_wait3A_2578] : memref<64x1024xf32, #tpu.memory_space<hbm>> -> memref<32x1024xf32, #tpu.memory_space<hbm>>
      %dma_wait3A_2580 = arith.constant 0 : i32
      %dma_wait3A_2581 = arith.constant 0 : i32
      %dma_wait3A_2582 = tpu.memref_slice %arg5[%add3A, %dma_wait3A_2580, %dma_wait3A_2581] : memref<16x64x1024xf32, #tpu.memory_space<hbm>> -> memref<1x64x1024xf32, #tpu.memory_space<hbm>>
      %dma_wait3A_2583 = tpu.memref_squeeze %dma_wait3A_2582 : memref<1x64x1024xf32, #tpu.memory_space<hbm>> -> memref<64x1024xf32, #tpu.memory_space<hbm>>
      %dma_wait3A_2584 = arith.constant 0 : i32
      %dma_wait3A_2585 = arith.constant 0 : i32
      %dma_wait3A_2586 = tpu.memref_slice %dma_wait3A_2583[%dma_wait3A_2584, %dma_wait3A_2585] : memref<64x1024xf32, #tpu.memory_space<hbm>> -> memref<32x1024xf32, #tpu.memory_space<hbm>>
      %dma_wait3A_2587 = arith.constant 0 : i32
      %dma_wait3A_2588 = arith.constant 0 : i32
      %dma_wait3A_2589 = tpu.memref_slice %arg21[%dma_wait3A_2587, %dma_wait3A_2588] : memref<64x1024xf32, #tpu.memory_space<vmem>> -> memref<32x1024xf32, #tpu.memory_space<vmem>>
      tpu.wait_dma2 semaphore(%arg24 : memref<!tpu.dma_semaphore, #tpu.memory_space<semaphore_mem>>) src(%dma_wait3A_2589 : memref<32x1024xf32, #tpu.memory_space<vmem>>) dst(%dma_wait3A_2586 : memref<32x1024xf32, #tpu.memory_space<hbm>>)
      %dma_wait3A_2590 = arith.constant 32 : i32
      %dma_wait3A_2591 = arith.constant 0 : i32
      %dma_wait3A_2592 = tpu.memref_slice %arg21[%dma_wait3A_2590, %dma_wait3A_2591] : memref<64x1024xf32, #tpu.memory_space<vmem>> -> memref<32x1024xf32, #tpu.memory_space<vmem>>
      %dma_wait3A_2593 = arith.constant 0 : i32
      %dma_wait3A_2594 = arith.constant 0 : i32
      %dma_wait3A_2595 = tpu.memref_slice %arg5[%add3A, %dma_wait3A_2593, %dma_wait3A_2594] : memref<16x64x1024xf32, #tpu.memory_space<hbm>> -> memref<1x64x1024xf32, #tpu.memory_space<hbm>>
      %dma_wait3A_2596 = tpu.memref_squeeze %dma_wait3A_2595 : memref<1x64x1024xf32, #tpu.memory_space<hbm>> -> memref<64x1024xf32, #tpu.memory_space<hbm>>
      %dma_wait3A_2597 = arith.constant 32 : i32
      %dma_wait3A_2598 = arith.constant 0 : i32
      %dma_wait3A_2599 = tpu.memref_slice %dma_wait3A_2596[%dma_wait3A_2597, %dma_wait3A_2598] : memref<64x1024xf32, #tpu.memory_space<hbm>> -> memref<32x1024xf32, #tpu.memory_space<hbm>>
      %dma_wait3A_2600 = arith.constant 0 : i32
      %dma_wait3A_2601 = arith.constant 0 : i32
      %dma_wait3A_2602 = tpu.memref_slice %arg5[%add3A, %dma_wait3A_2600, %dma_wait3A_2601] : memref<16x64x1024xf32, #tpu.memory_space<hbm>> -> memref<1x64x1024xf32, #tpu.memory_space<hbm>>
      %dma_wait3A_2603 = tpu.memref_squeeze %dma_wait3A_2602 : memref<1x64x1024xf32, #tpu.memory_space<hbm>> -> memref<64x1024xf32, #tpu.memory_space<hbm>>
      %dma_wait3A_2604 = arith.constant 32 : i32
      %dma_wait3A_2605 = arith.constant 0 : i32
      %dma_wait3A_2606 = tpu.memref_slice %dma_wait3A_2603[%dma_wait3A_2604, %dma_wait3A_2605] : memref<64x1024xf32, #tpu.memory_space<hbm>> -> memref<32x1024xf32, #tpu.memory_space<hbm>>
      %dma_wait3A_2607 = arith.constant 32 : i32
      %dma_wait3A_2608 = arith.constant 0 : i32
      %dma_wait3A_2609 = tpu.memref_slice %arg21[%dma_wait3A_2607, %dma_wait3A_2608] : memref<64x1024xf32, #tpu.memory_space<vmem>> -> memref<32x1024xf32, #tpu.memory_space<vmem>>
      tpu.wait_dma2 semaphore(%arg24 : memref<!tpu.dma_semaphore, #tpu.memory_space<semaphore_mem>>) src(%dma_wait3A_2609 : memref<32x1024xf32, #tpu.memory_space<vmem>>) dst(%dma_wait3A_2606 : memref<32x1024xf32, #tpu.memory_space<hbm>>)
    } else {
    }
    return
  }
}

</mosaic_0001>

<sc_bundles>
// kernel: kernel.3.cloned.1.call-start
scs
__scs_entry_jumppad:
0x0: {  	(pc) =	sbr.rel $0x88, $3  }
0x1: {  	(tag) =	ssettag $0x0;
	lr =	simm.s32 $0x1  }
0x2: {  	[smem:$0x3F9F] =	sst lr;
	_ =	strace $0xD0000000  }
0x3: {  	_ = 	snop  }
0x4: {  	_ = 	snop  }
0x5: {  	_ = 	snop  }
0x6: {  	_ = 	snop  }
0x7: {  	_ = 	snop  }
__scs_overlays_trampoline_lowered:
0x8: {  	[smem:$0x3FAE] =	sst s0  }
0x9: {  	[smem:$0x3FAF] =	sst s1  }
0xa: {  	[smem:$0x3FB0] =	sst s2  }
0xb: {  	[smem:$0x3FB1] =	sst s3  }
0xc: {  	[smem:$0x3FB2] =	sst s4  }
0xd: {  	[smem:$0x3FB3] =	sst s5  }
0xe: {  	[smem:$0x3FB4] =	sst s6  }
0xf: {  	[smem:$0x3FB5] =	sst s7  }
0x10: {  	[smem:$0x3FB6] =	sst s8  }
0x11: {  	[smem:$0x3FB7] =	sst s9;
	s0 =	simm.s32 @!p0 $0x0  }
0x12: {  	s1 =	sld [smem:$0x3F9D];
	s0 =	simm.s32 @p0 $0x1  }
0x13: {  	[smem:$0x3FB8] =	sst s0;
	s0 =	simm.s32 @!p1 $0x0  }
0x14: {  	s2 =	sld [smem:$0x3F9C];
	s0 =	simm.s32 @p1 $0x1  }
0x15: {  	[smem:$0x3FB9] =	sst s0;
	s0 =	simm.s32 @!p2 $0x0  }
0x16: {  	s3 =	sld [smem:$0x3FDB];
	s0 =	simm.s32 @p2 $0x1  }
0x17: {  	s4 =	simm.s32 $0x1BF5;
	[smem:$0x3FBB] =	sst s0  }
0x18: {  	s0 =	sld [smem:$0x3F9E];
	_ =	swait.ge [sflag:s4], $0x0  }
0x19: {  	s7 =	sld [smem:$0x3F9F]  }
0x1a: {  	s8 =	sadd.s32 $0xFFFFE003, lr  }
0x1b: {  	s9 =	sadd.s32 $0xFFFFFEF7, lr;
	s5 =	simm.s32 $0xFFFFFFFF;
	p2 =	slt.u32 s8, $0xFFFFF086  }
0x1c: {  	p1 =	slt.u32 s9, $0xF7A;
	s5 =	simm.s32 @!p2 $0x0  }
0x1d: {  	s5 =	simm.s32 @p1 $0x1;
	p0 =	seq.s32 s7, s2  }
0x1e: {  	s7 =	smul.u32 @!p0 $0xF7A, s2;
	p2 =	seq.s32 @!p0 s5, $0x0  }
0x1f: {  	s9 =	smul.u32 $0xF7A, s1;
	s8 =	simm.s32 @!p0 $0x1BF5;
	p2 =	por !p2, p0  }
0x20: {  	[sflag:s8] =	ssyncset.s32 @!p0 $0xFFFFF086;
	s6 =	sadd.s32 @!p0 s3, s7;
	s7 =	simm.s32 @!p0 $0x108  }
0x21: {  	s3 =	sadd.s32 s3, s9;
	s6 =	sadd.s32 @!p0 $0x88, s6;
	s7 =	simm.s32 @p2 $0x1082  }
0x22: {  	[simem:s7], [sflag:s8] =	dma.local @!p0 [hbm:s6], $0xF7A  }
0x23: {  	s9 =	sor.u32 $0xD0000000, s2;
	s6 =	simm.s32 $0x108;
	_ =	swait.ge @!p0 [sflag:s8], $0x0  }
0x24: {  	s3 =	sadd.s32 $0x88, s3;
	s6 =	simm.s32 @!p1 $0x1082;
	[sflag:s4] =	ssyncset.s32 $0xFFFFF086  }
0x25: {  	[simem:s6], [sflag:s4] =	dma.local [hbm:s3], $0xF7A  }
0x26: {  	[smem:$0x3F9F] =	sst s1;
	(tag) =	ssettag s2;
	_ =	strace s9  }
0x27: {  	s1 =	sld [smem:$0x3FAF]  }
0x28: {  	s2 =	sld [smem:$0x3FB0]  }
0x29: {  	s4 =	sld [smem:$0x3FB2]  }
0x2a: {  	p0 =	seq.s32 s5, $0x0;
	s5 =	sld [smem:$0x3FB3]  }
0x2b: {  	s6 =	sld [smem:$0x3FB4]  }
0x2c: {  	s7 =	sld [smem:$0x3FB5]  }
0x2d: {  	s3 =	simm.s32 $0x108;
	s8 =	sld [smem:$0x3FB6]  }
0x2e: {  	s3 =	simm.s32 @!p0 $0x1082;
	s9 =	sld [smem:$0x3FB7]  }
0x2f: {  	lr =	sadd.s32 s0, s3;
	s0 =	sld [smem:$0x3FAE]  }
0x30: {  	s3 =	sld [smem:$0x3FB1]  }
0x31: {  	[smem:$0x3FBA] =	sst s10  }
0x32: {  	s10 =	sld [smem:$0x3FB8];
	_ =	sdelay $0x3  }
0x33: {  	p0 =	seq.s32 s10, $0x1;
	s10 =	sld [smem:$0x3FBA];
	_ =	sdelay $0x3  }
0x34: {  	[smem:$0x3FBA] =	sst s10  }
0x35: {  	s10 =	sld [smem:$0x3FB9];
	_ =	sdelay $0x3  }
0x36: {  	p1 =	seq.s32 s10, $0x1;
	s10 =	sld [smem:$0x3FBA];
	_ =	sdelay $0x3  }
0x37: {  	[smem:$0x3FBA] =	sst s10  }
0x38: {  	s10 =	sld [smem:$0x3FBB]  }
0x39: {  	_ = 	snop;
	(pc) =	sbr.ind lr, $3  }
0x3a: {  	_ = 	snop  }
0x3b: {  	_ = 	snop  }
0x3c: {  	p2 =	seq.s32 s10, $0x1;
	s10 =	sld [smem:$0x3FBA]  }
0x3d: {  	_ =	shalt  }
0x3e: {  	_ =	shalt  }
0x3f: {  	_ =	shalt  }
0x40: {  	_ =	shalt  }
0x41: {  	_ =	shalt  }
0x42: {  	_ =	shalt  }
0x43: {  	_ =	shalt  }
0x44: {  	_ =	shalt  }
0x45: {  	_ =	shalt  }
0x46: {  	_ =	shalt  }
0x47: {  	_ =	shalt  }
0x48: {  	_ =	shalt  }
0x49: {  	_ =	shalt  }
0x4a: {  	_ =	shalt  }
0x4b: {  	_ =	shalt  }
0x4c: {  	_ =	shalt  }
0x4d: {  	_ =	shalt  }
0x4e: {  	_ =	shalt  }
0x4f: {  	_ =	shalt  }
0x50: {  	_ =	shalt  }
0x51: {  	_ =	shalt  }
0x52: {  	_ =	shalt  }
0x53: {  	_ =	shalt  }
0x54: {  	_ =	shalt  }
0x55: {  	_ =	shalt  }
0x56: {  	_ =	shalt  }
0x57: {  	_ =	shalt  }
0x58: {  	_ =	shalt  }
0x59: {  	_ =	shalt  }
0x5a: {  	_ =	shalt  }
0x5b: {  	_ =	shalt  }
0x5c: {  	_ =	shalt  }
0x5d: {  	_ =	shalt  }
0x5e: {  	_ =	shalt  }
0x5f: {  	_ =	shalt  }
0x60: {  	_ =	shalt  }
0x61: {  	_ =	shalt  }
0x62: {  	_ =	shalt  }
0x63: {  	_ =	shalt  }
0x64: {  	_ =	shalt  }
0x65: {  	_ =	shalt  }
0x66: {  	_ =	shalt  }
0x67: {  	_ =	shalt  }
0x68: {  	_ =	shalt  }
0x69: {  	_ =	shalt  }
0x6a: {  	_ =	shalt  }
0x6b: {  	_ =	shalt  }
0x6c: {  	_ =	shalt  }
0x6d: {  	_ =	shalt  }
0x6e: {  	_ =	shalt  }
0x6f: {  	_ =	shalt  }
0x70: {  	_ =	shalt  }
0x71: {  	_ =	shalt  }
0x72: {  	_ =	shalt  }
0x73: {  	_ =	shalt  }
0x74: {  	_ =	shalt  }
0x75: {  	_ =	shalt  }
0x76: {  	_ =	shalt  }
0x77: {  	_ =	shalt  }
0x78: {  	_ =	shalt  }
0x79: {  	_ =	shalt  }
0x7a: {  	_ =	shalt  }
0x7b: {  	_ =	shalt  }
0x7c: {  	_ =	shalt  }
0x7d: {  	_ =	shalt  }
0x7e: {  	_ =	shalt  }
0x7f: {  	_ =	shalt  }
0x80: {  	_ =	shalt  }
0x81: {  	_ =	shalt  }
0x82: {  	_ =	shalt  }
0x83: {  	_ =	shalt  }
0x84: {  	_ =	shalt  }
0x85: {  	_ =	shalt  }
0x86: {  	_ =	shalt  }
0x87: {  	_ =	shalt  }
.Lfunc_end0:
.L_simem_size_0:
called_computation_lowered:
.L_overlay_start_0:
0x88: {  	s2 =	sld [smem:$0x3FD9]  }
0x89: {  	s3 =	sld [smem:$0x3FFE];
	_ =	sdelay $0x1  }
0x8a: {  	s1 =	srdreg.scid  }
0x8b: {  	s0 =	sand.u32 $0x1, s1  }
0x8c: {  	s15 =	sshll.u32 s0, $0xA;
	s2 =	sadd.s32 s3, s2  }
0x8d: {  	s2 =	sadd.s32 s2, s15  }
0x8e: {  	[smem:$0x3FC6] =	sst s2  }
0x8f: {  	_ = 	snop  }
0x90: {  	s2 =	sld [smem:$0x3FD0];
	_ =	sdelay $0x1  }
0x91: {  	s16 =	sld [smem:$0x3FC9]  }
0x92: {  	s5 =	simm.s32 $0xA;
	s6 =	simm.s32 $0x10;
	s4 =	sld [smem:$0x3FC8]  }
0x93: {  	[smem:s6], [sflag:s5] =	dma.local [hbm:s2], $0x1  }
0x94: {  	_ =	swait.eq [sflag:s5], $0x1  }
0x95: {  	s17 =	sld [smem:$0x10];
	[sflag:s5] =	ssyncset.done $0x0  }
0x96: {  	s18 =	sld [smem:$0x11];
	[sflag:s5] =	ssyncadd.s32 $0xFFFFFFFF  }
0x97: {  	s19 =	sld [smem:$0x12];
	(tm) =	ssettm $0x1  }
0x98: {  	s7 =	sld [smem:$0x3FFB];
	_ =	sdelay $0x3  }
0x99: {  	_ =	strace s7  }
0x9a: {  	s7 =	sld [smem:$0x3FFC];
	_ =	sdelay $0x3  }
0x9b: {  	_ =	strace s7  }
0x9c: {  	s7 =	sld [smem:$0x3FFD];
	_ =	sdelay $0x3  }
0x9d: {  	_ =	strace s7  }
0x9e: {  	_ =	strace $0x8FFFFFFF  }
0x9f: {  	s20 =	sld [smem:$0x3FDB];
	_ =	sdelay $0x1  }
0xa0: {  	s8 =	simm.s32 $_scs_section_size  }
0xa1: {  	s9 =	simm.s32 $_size__tile_overlayer_lowered;
	s10 =	simm.s32 $_tile_overlayer_lowered  }
0xa2: {  	s23 =	simm.s32 $0x1BFF;
	s22 =	sshll.u32 s10, $0x1;
	s7 =	sadd.s32 s8, s20  }
0xa3: {  	s11 =	simm.s32 $0x0;
	s21 =	sshll.u32 s9, $0x1;
	s9 =	sadd.s32 s22, s7  }
0xa4: {  	[timem:s11], [sflag:s23] =	dma.local [hbm:s9], s21  }
0xa5: {  	_ =	swait.ge [sflag:s23], s21  }
0xa6: {  	s8 =	ssub.s32 $0x0, s21;
	[sflag:s23] =	ssyncset.done $0x0  }
0xa7: {  	[sflag:s23] =	ssyncadd.s32 s8;
	_ =	sdelay $0x1  }
0xa8: {  	s24 =	simm.s32 $0x1B8B  }
0xa9: {  	_ =	swait.ge [sflag:s24], $0x1  }
0xaa: {  	[sflag:s24] =	ssyncset.done $0x0  }
0xab: {  	s25 =	simm.s32 $0x1B8E;
	[sflag:s24] =	ssyncadd.s32 $0xFFFFFFFF  }
0xac: {  	s26 =	simm.s32 $execute0_lowered;
	[smem:$0x3FD2] =	sst s25  }
0xad: {  	s8 =	sshll.u32 s26, $0x1;
	_ =	strace $0x80000046;
	[dreg:$0x1] =	wrdreg $0xFFFFFFFF  }
0xae: {  	s28 =	simm.s32 $_size_execute0_lowered;
	s7 =	sadd.s32 s7, s8;
	[dreg:$0x0] =	wrdreg $0x0  }
0xaf: {  	s8 =	sshll.u32 s28, $0x1;
	[dreg:$0x2] =	wrdreg s7  }
0xb0: {  	[dreg:$0x3] =	wrdreg s8  }
0xb1: {  	[dreg:$0x4] =	wrdreg $0xC0  }
0xb2: {  	_ =	task [dreg:s11], $0x5FFFF  }
0xb3: {  	[dreg:$0x1] =	wrdreg $0xFFFFFFFF  }
0xb4: {  	[dreg:$0x0] =	wrdreg $0x60  }
0xb5: {  	[dreg:$0x2] =	wrdreg s16  }
0xb6: {  	[dreg:$0x3] =	wrdreg s4  }
0xb7: {  	[dreg:$0x4] =	wrdreg s17  }
0xb8: {  	[dreg:$0x5] =	wrdreg s18  }
0xb9: {  	[dreg:$0x6] =	wrdreg s19  }
0xba: {  	[dreg:$0x7] =	wrdreg $0x9  }
0xbb: {  	_ =	task.clear_ibuf [dreg:s11], $0x8FFFF;
	_ =	strace $0x90000046  }
0xbc: {  	s29 =	simm.s32 $0x9;
	_ =	strace $0x80000048  }
0xbd: {  	_ =	swait.ge [sflag:s29], $0x1  }
0xbe: {  	[sflag:s29] =	ssyncadd.s32 $0xFFFFFFFF  }
0xbf: {  	_ =	strace $0x90000048  }
0xc0: {  	_ =	sfence  }
0xc1: {  	s30 =	sld [smem:$0x0];
	_ =	sdelay $0x2  }
0xc2: {  	s31 =	sshll.u32 s1, $0xD;
	s1 =	sshrl.u32 s1, $0x2  }
0xc3: {  	s3 =	sand.u32 $0x4000, s31;
	s1 =	sadd.s32 s1, s30  }
0xc4: {  	s0 =	sor.u32 s3, s0;
	s1 =	sshll.u32 s1, $0x11  }
0xc5: {  	s0 =	sor.u32 s1, s0  }
0xc6: {  	s0 =	sadd.s32 $0x8F2B, s0  }
0xc7: {  	[sflag:s0] =	ssyncadd.remote.s32 $0x1  }
0xc8: {  	_ =	sfence.sel $0xFFFF  }
0xc9: {  	[dreg:$0x0] =	wrdreg $0xFFFFFFFF;
	(pc) =	sbr.abs _section_cstart, $3  }
0xca: {  	[dreg:$0x1] =	wrdreg $0xFFFFFFFF  }
0xcb: {  	_ =	task.clear_ibuf [dreg:s11], $0x2FFFF;
	_ =	strace $0x9FFFFFFF  }
0xcc: {  	(tm) =	ssettm $0x7FFFFFFF  }
0xcd: {  	_ =	shalt  }
tec
execute0_lowered:
.L_overlay_start_1:
0x0: {  	(tag) =	ssettag $0x1  }
0x1: {  	s6 =	stileid.u32  }
0x2: {  	s0 =	rddreg [dreg:$0x0];
	p0 =	sgt.u32 s6, $0x7  }
.Ltmp0:
0x3: {  	s3 =	rddreg [dreg:$0x1];
	(pc) =	sbr.rel @p0 .LBB2_62-.Ltmp0, $4  }
0x4: {  	s5 =	rddreg [dreg:$0x2]  }
0x5: {  	s1 =	rddreg [dreg:$0x3];
	s2 =	simm.s32 $0x0  }
0x6: {  	[smem:$0x7FF] =	sst s2  }
0x7: {  	s4 =	rddreg [dreg:$0x4];
	_ =	strace $0x80000047  }
0x8: {  	s6 =	srdreg.scid  }
0x9: {  	s8 =	stileid.u32;
	s12 =	simm.s32 $0x8180;
	s13 =	simm.s32 $0x9300  }
0xa: {  	s14 =	simm.s32 $0xA480;
	s15 =	simm.s32 $0xB600;
	s16 =	simm.s32 $0x2000  }
0xb: {  	s17 =	simm.s32 $0x6100;
	s18 =	simm.s32 $0xC780;
	s19 =	simm.s32 $0xD780  }
0xc: {  	s20 =	simm.s32 $0xE880;
	s21 =	simm.s32 $0xE780;
	s22 =	simm.s32 $0xE980  }
0xd: {  	s25 =	simm.s32 $0x2;
	s6 =	sand.u32 $0x1, s6;
	s7 =	sshll.u32 s8, $0x1  }
0xe: {  	s26 =	simm.s32 $0x3;
	s8 =	sshrl.u32 s8, $0x2;
	s7 =	sor.u32 s6, s7  }
0xf: {  	s28 =	simm.s32 $0x0;
	s10 =	sshll.u32 s8, $0xA;
	s9 =	sshll.u32 s7, $0x7  }
0x10: {  	s6 =	ssub.s32 $0x2, s6;
	s8 =	sshll.u32 s8, $0x10;
	s9 =	sand.u32 $0x380, s9  }
0x11: {  	s11 =	sshll.u32 s7, $0x14;
	s31 =	sshrl.u32 s6, $0x1;
	s10 =	sor.u32 s10, s9  }
.Ltmp1:
0x12: {  	s7 =	sshll.u32 s7, $0xD;
	s10 =	sshrl.u32 s10, $0x3;
	(pc) =	sbr.rel .LBB2_2-.Ltmp1, $4  }
0x13: {  	v0 =	vlaneseq.u32;
	s3 =	sadd.s32 s3, s11;
	s8 =	sor.u32 s8, s9;
	s5 =	sadd.s32 s5, s10  }
0x14: {  	v4 =	vmul.u32 $0xFFFFFFFF, v0;
	s11 =	simm.s32 $0x1;
	s8 =	sshrl.u32 s8, $0x3;
	[dreg:$0x6] =	wrdreg s5  }
0x15: {  	v1 =	vimm.s32 $0x0;
	s5 =	sadd.s32 s4, s10;
	s4 =	ssub.s32 s6, s31;
	s6 =	sadd.s32 s1, s7  }
0x16: {  	v3 =	vimm.s32 $0x1;
	v2 =	vmul.u32 $0x111, v0;
	v4 =	vadd.s32 $0xF, v4;
	s7 =	sadd.s32 s0, s8;
	s10 =	simm.s32 $0x4;
	s8 =	smax.u32 s4, $0x1  }
.LBB2_55:
0x17: {  	s31 =	simm.s32 $0x0;
	v8 =	vimm.s32 $0x0;
	s30 =	simm.s32 $0x6100  }
.LBB2_60:
0x18: {  	s4 =	sadd.s32 @p0 $0x10, s31  }
0x19: {  	s1 =	smov.u32 @p0 s4  }
0x1a: {  	v9 =	vor.u32 s1, v0  }
0x1b: {  	vm0 =	vlt.s32 v9, v5;
	vm1 =	veq.s32 v10, v6  }
0x1c: {  	vm1 =	vmand vm0, vm1  }
0x1d: {  	v5 =	vsel vm1, $0x1, v1  }
0x1e: {  	(xrf0) =	vadd.scan.msk.s32 $0xffff, v5;
	_ =	sdelay $0x5  }
0x1f: {  	v5, _, _ =	vpop (xrf0)  }
0x20: {  	v5 =	vadd.s32 v11, v5  }
0x21: {  	vm2 =	vgt.u32 v10, v6;
	vm3 =	vle.s32 v5, v7  }
0x22: {  	vm0 =	vmand vm0, vm2;
	vm1 =	vmand vm1, vm3  }
0x23: {  	vm0 =	vmor vm0, vm1  }
0x24: {  	v5 =	vsel vm0, $0x1, v1  }
0x25: {  	(xrf0) =	vadd.scan.msk.s32 $0xffff, v5;
	_ =	sdelay $0x5  }
0x26: {  	s1 =	sadd.s32 @p0 $0x10, s30;
	v5, _, _ =	vpop (xrf0)  }
0x27: {  	s0 =	smov.u32 @p0 s1;
	v5 =	vadd.s32 v5, v8  }
0x28: {  	v6 =	vld [tilespmem:s0+$0x0];
	v5 =	vadd.s32 $0xFFFFFFFF, v5;
	_ =	sdelay $0x4  }
0x29: {  	[tilespmem:v5+s22+$0x0] =	vst.idx.msk vm0, v6  }
.LBB2_61:
0x2a: {  	v5 =	vld [tilespmem:$0xE980];
	_ =	sdelay $0x4  }
0x2b: {  	v6 =	vshll.u32 v5, $0x3  }
0x2c: {  	v5 =	vand.u32 $0x7, v5;
	v6 =	vand.u32 $0xFFFFFFC0, v6  }
0x2d: {  	v7 =	vshrl.u32 v0, $0x3;
	v5 =	vor.u32 v5, v6;
	v6 =	vand.u32 $0x7, v0  }
0x2e: {  	v7 =	vmul.u32 $0x8, v7;
	v8 =	vperm.xlane v5, v6;
	_ =	sdelay $0x1  }
0x2f: {  	v8 =	vadd.s32 v7, v8;
	_ =	sdelay $0x3  }
0x30: {  	vm0 =	vmmov $0xffff;
	s9 =	simm.s32 $0xEA80  }
0x31: {  	v9 =	vor.u32 $0x8, v0;
	[tilespmem:s9], [sflag:$0x1] =	stream.indirect_vreg.gather [hbm4b:s3+s2], $0x80, v8, vm0, $0xb8;
	[tilespmem:$0x1EA80] =	vst v63  }
0x32: {  	s0 =	sadd.s32 $0x100, s3;
	s1 =	simm.s32 $0xF280;
	v5 =	vperm.xlane v5, v9  }
0x33: {  	[tilespmem:s1], [sflag:$0x1] =	stream.indirect_vreg.gather [hbm4b:s0+s2], $0x80, v8, vm0, $0xb8;
	[tilespmem:$0x1EA80] =	vst v63  }
0x34: {  	s4 =	simm.s32 $0xFA80;
	v5 =	vadd.s32 v7, v5;
	s1 =	sadd.s32 $0x200, s3  }
0x35: {  	[tilespmem:s4], [sflag:$0x1] =	stream.indirect_vreg.gather [hbm4b:s1+s2], $0x80, v8, vm0, $0xb8;
	[tilespmem:$0x1EA80] =	vst v63  }
0x36: {  	s23 =	simm.s32 $0x10280;
	s4 =	sadd.s32 $0x300, s3  }
0x37: {  	[tilespmem:s23], [sflag:$0x1] =	stream.indirect_vreg.gather [hbm4b:s4+s2], $0x80, v8, vm0, $0xb8;
	[tilespmem:$0x1EA80] =	vst v63  }
0x38: {  	s31 =	simm.s32 $0x10A80  }
0x39: {  	[tilespmem:s31], [sflag:$0x1] =	stream.indirect_vreg.gather [hbm4b:s3+s2], $0x80, v5, vm0, $0xb8;
	[tilespmem:$0x1EA80] =	vst v63  }
0x3a: {  	s24 =	simm.s32 $0x11280  }
0x3b: {  	[tilespmem:s24], [sflag:$0x1] =	stream.indirect_vreg.gather [hbm4b:s0+s2], $0x80, v5, vm0, $0xb8;
	[tilespmem:$0x1EA80] =	vst v63  }
0x3c: {  	s29 =	simm.s32 $0x11A80  }
0x3d: {  	[tilespmem:s29], [sflag:$0x1] =	stream.indirect_vreg.gather [hbm4b:s1+s2], $0x80, v5, vm0, $0xb8;
	[tilespmem:$0x1EA80] =	vst v63  }
0x3e: {  	s30 =	simm.s32 $0x12280  }
0x3f: {  	[tilespmem:s30], [sflag:$0x1] =	stream.indirect_vreg.gather [hbm4b:s4+s2], $0x80, v5, vm0, $0xb8;
	[tilespmem:$0x1EA80] =	vst v63  }
0x40: {  	v5 =	vld [tilespmem:$0xE990];
	_ =	sdelay $0x4  }
0x41: {  	v61 =	vshll.u32 v5, $0x3  }
0x42: {  	v5 =	vand.u32 $0x7, v5;
	v8 =	vand.u32 $0xFFFFFFC0, v61  }
0x43: {  	v5 =	vor.u32 v5, v8  }
0x44: {  	v8 =	vperm.xlane v5, v6;
	_ =	sdelay $0x1  }
0x45: {  	v8 =	vadd.s32 v7, v8;
	_ =	sdelay $0x3  }
0x46: {  	s31 =	simm.s32 $0x12A80  }
0x47: {  	[tilespmem:s31], [sflag:$0x1] =	stream.indirect_vreg.gather [hbm4b:s3+s2], $0x80, v8, vm0, $0xb8;
	[tilespmem:$0x1EA80] =	vst v63  }
0x48: {  	s24 =	simm.s32 $0x13280;
	v5 =	vperm.xlane v5, v9  }
0x49: {  	[tilespmem:s24], [sflag:$0x1] =	stream.indirect_vreg.gather [hbm4b:s0+s2], $0x80, v8, vm0, $0xb8;
	[tilespmem:$0x1EA80] =	vst v63  }
0x4a: {  	s29 =	simm.s32 $0x13A80;
	v5 =	vadd.s32 v7, v5  }
0x4b: {  	[tilespmem:s29], [sflag:$0x1] =	stream.indirect_vreg.gather [hbm4b:s1+s2], $0x80, v8, vm0, $0xb8;
	[tilespmem:$0x1EA80] =	vst v63  }
0x4c: {  	s30 =	simm.s32 $0x14280  }
0x4d: {  	[tilespmem:s30], [sflag:$0x1] =	stream.indirect_vreg.gather [hbm4b:s4+s2], $0x80, v8, vm0, $0xb8;
	[tilespmem:$0x1EA80] =	vst v63  }
0x4e: {  	s31 =	simm.s32 $0x14A80  }
0x4f: {  	[tilespmem:s31], [sflag:$0x1] =	stream.indirect_vreg.gather [hbm4b:s3+s2], $0x80, v5, vm0, $0xb8;
	[tilespmem:$0x1EA80] =	vst v63  }
0x50: {  	s24 =	simm.s32 $0x15280  }
0x51: {  	[tilespmem:s24], [sflag:$0x1] =	stream.indirect_vreg.gather [hbm4b:s0+s2], $0x80, v5, vm0, $0xb8;
	[tilespmem:$0x1EA80] =	vst v63  }
0x52: {  	s29 =	simm.s32 $0x15A80  }
0x53: {  	[tilespmem:s29], [sflag:$0x1] =	stream.indirect_vreg.gather [hbm4b:s1+s2], $0x80, v5, vm0, $0xb8;
	[tilespmem:$0x1EA80] =	vst v63  }
0x54: {  	s30 =	simm.s32 $0x16280  }
0x55: {  	[tilespmem:s30], [sflag:$0x1] =	stream.indirect_vreg.gather [hbm4b:s4+s2], $0x80, v5, vm0, $0xb8;
	[tilespmem:$0x1EA80] =	vst v63  }
0x56: {  	v5 =	vld [tilespmem:$0xE9A0];
	_ =	sdelay $0x4  }
0x57: {  	v62 =	vshll.u32 v5, $0x3  }
0x58: {  	v5 =	vand.u32 $0x7, v5;
	v8 =	vand.u32 $0xFFFFFFC0, v62  }
0x59: {  	v5 =	vor.u32 v5, v8  }
0x5a: {  	v8 =	vperm.xlane v5, v6;
	_ =	sdelay $0x1  }
0x5b: {  	v8 =	vadd.s32 v7, v8;
	_ =	sdelay $0x3  }
0x5c: {  	s23 =	simm.s32 $0x16A80  }
0x5d: {  	[tilespmem:s23], [sflag:$0x2] =	stream.indirect_vreg.gather [hbm4b:s3+s2], $0x80, v8, vm0, $0xb8;
	[tilespmem:$0x1EA80] =	vst v63  }
0x5e: {  	s24 =	simm.s32 $0x17280;
	v5 =	vperm.xlane v5, v9  }
0x5f: {  	[tilespmem:s24], [sflag:$0x2] =	stream.indirect_vreg.gather [hbm4b:s0+s2], $0x80, v8, vm0, $0xb8;
	[tilespmem:$0x1EA80] =	vst v63  }
0x60: {  	s31 =	simm.s32 $0x17A80;
	v5 =	vadd.s32 v7, v5  }
0x61: {  	[tilespmem:s31], [sflag:$0x2] =	stream.indirect_vreg.gather [hbm4b:s1+s2], $0x80, v8, vm0, $0xb8;
	[tilespmem:$0x1EA80] =	vst v63  }
0x62: {  	s29 =	simm.s32 $0x18280  }
0x63: {  	[tilespmem:s29], [sflag:$0x2] =	stream.indirect_vreg.gather [hbm4b:s4+s2], $0x80, v8, vm0, $0xb8;
	[tilespmem:$0x1EA80] =	vst v63  }
0x64: {  	s30 =	simm.s32 $0x18A80  }
0x65: {  	[tilespmem:s30], [sflag:$0x2] =	stream.indirect_vreg.gather [hbm4b:s3+s2], $0x80, v5, vm0, $0xb8;
	[tilespmem:$0x1EA80] =	vst v63  }
0x66: {  	s31 =	simm.s32 $0x19280  }
0x67: {  	[tilespmem:s31], [sflag:$0x2] =	stream.indirect_vreg.gather [hbm4b:s0+s2], $0x80, v5, vm0, $0xb8;
	[tilespmem:$0x1EA80] =	vst v63  }
0x68: {  	s29 =	simm.s32 $0x19A80  }
0x69: {  	[tilespmem:s29], [sflag:$0x2] =	stream.indirect_vreg.gather [hbm4b:s1+s2], $0x80, v5, vm0, $0xb8;
	[tilespmem:$0x1EA80] =	vst v63  }
0x6a: {  	s30 =	simm.s32 $0x1A280  }
0x6b: {  	[tilespmem:s30], [sflag:$0x2] =	stream.indirect_vreg.gather [hbm4b:s4+s2], $0x80, v5, vm0, $0xb8;
	[tilespmem:$0x1EA80] =	vst v63  }
0x6c: {  	v5 =	vld [tilespmem:$0xE9B0];
	_ =	sdelay $0x4  }
0x6d: {  	v63 =	vshll.u32 v5, $0x3  }
0x6e: {  	v5 =	vand.u32 $0x7, v5;
	v8 =	vand.u32 $0xFFFFFFC0, v63  }
0x6f: {  	v5 =	vor.u32 v5, v8  }
0x70: {  	v6 =	vperm.xlane v5, v6;
	_ =	sdelay $0x1  }
0x71: {  	v6 =	vadd.s32 v7, v6;
	_ =	sdelay $0x3  }
0x72: {  	s31 =	simm.s32 $0x1AA80  }
0x73: {  	[tilespmem:s31], [sflag:$0x2] =	stream.indirect_vreg.gather [hbm4b:s3+s2], $0x80, v6, vm0, $0xb8;
	[tilespmem:$0x1EA80] =	vst v63  }
0x74: {  	s29 =	simm.s32 $0x1B280;
	v5 =	vperm.xlane v5, v9  }
0x75: {  	[tilespmem:s29], [sflag:$0x2] =	stream.indirect_vreg.gather [hbm4b:s0+s2], $0x80, v6, vm0, $0xb8;
	[tilespmem:$0x1EA80] =	vst v63  }
0x76: {  	s30 =	simm.s32 $0x1BA80;
	v5 =	vadd.s32 v7, v5  }
0x77: {  	[tilespmem:s30], [sflag:$0x2] =	stream.indirect_vreg.gather [hbm4b:s1+s2], $0x80, v6, vm0, $0xb8;
	[tilespmem:$0x1EA80] =	vst v63  }
0x78: {  	s31 =	simm.s32 $0x1C280  }
0x79: {  	[tilespmem:s31], [sflag:$0x2] =	stream.indirect_vreg.gather [hbm4b:s4+s2], $0x80, v6, vm0, $0xb8;
	[tilespmem:$0x1EA80] =	vst v63  }
0x7a: {  	s29 =	simm.s32 $0x1CA80  }
0x7b: {  	[tilespmem:s29], [sflag:$0x2] =	stream.indirect_vreg.gather [hbm4b:s3+s2], $0x80, v5, vm0, $0xb8;
	[tilespmem:$0x1EA80] =	vst v63  }
0x7c: {  	s30 =	simm.s32 $0x1D280  }
0x7d: {  	[tilespmem:s30], [sflag:$0x2] =	stream.indirect_vreg.gather [hbm4b:s0+s2], $0x80, v5, vm0, $0xb8;
	[tilespmem:$0x1EA80] =	vst v63  }
0x7e: {  	s31 =	simm.s32 $0x1DA80  }
0x7f: {  	[tilespmem:s31], [sflag:$0x2] =	stream.indirect_vreg.gather [hbm4b:s1+s2], $0x80, v5, vm0, $0xb8;
	[tilespmem:$0x1EA80] =	vst v63  }
0x80: {  	s24 =	simm.s32 $0x1E280  }
0x81: {  	[tilespmem:s24], [sflag:$0x2] =	stream.indirect_vreg.gather [hbm4b:s4+s2], $0x80, v5, vm0, $0xb8;
	[tilespmem:$0x1EA80] =	vst v63  }
0x82: {  	v5 =	vld [tilespmem:$0xE980];
	_ =	sdelay $0x5  }
0x83: {  	v6 =	vld [tilespmem:$0xE990];
	_ =	sdelay $0x1  }
0x84: {  	v5 =	vld.idx.msk [tilespmem:v5+s2+$0x0], $0xffff;
	_ =	sdelay $0x3  }
0x85: {  	v7 =	vld [tilespmem:$0xE9A0]  }
0x86: {  	[tilespmem:$0xEA00] =	vst v5  }
0x87: {  	v5 =	vld.idx.msk [tilespmem:v6+s2+$0x0], $0xffff;
	_ =	sdelay $0x3  }
0x88: {  	v6 =	vld [tilespmem:$0xE9B0]  }
0x89: {  	[tilespmem:$0xEA10] =	vst v5  }
0x8a: {  	v5 =	vld.idx.msk [tilespmem:v7+s2+$0x0], $0xffff;
	_ =	sdelay $0x4  }
0x8b: {  	[tilespmem:$0xEA20] =	vst v5  }
0x8c: {  	v5 =	vld.idx.msk [tilespmem:v6+s2+$0x0], $0xffff;
	_ =	sdelay $0x4  }
0x8d: {  	s29 =	rddreg [dreg:$0x6];
	[tilespmem:$0xEA30] =	vst v5  }
0x8e: {  	[hbm4b:s29+s2] =	stream.linear.scatter [tilespmem:s22], [sflag:$0x4], $0x80, $0x38;
	[tilespmem:$0x1EA80] =	vst v63  }
0x8f: {  	_ =	swait.ge [sflag:s10], $0x80  }
0x90: {  	[sflag:s10] =	ssyncset.done $0x0  }
0x91: {  	s30 =	simm.s32 $0xEA00;
	[sflag:s10] =	ssyncadd.s32 $0xFFFFFF80  }
0x92: {  	[hbm4b:s5+s2] =	stream.linear.scatter [tilespmem:s30], [sflag:$0x4], $0x80, $0x38;
	[tilespmem:$0x1EA80] =	vst v63  }
0x93: {  	_ =	swait.ge [sflag:s10], $0x80  }
0x94: {  	[sflag:s10] =	ssyncset.done $0x0  }
0x95: {  	[sflag:s10] =	ssyncadd.s32 $0xFFFFFF80  }
0x96: {  	_ =	swait.ge [sflag:s11], $0x8000  }
0x97: {  	[sflag:s11] =	ssyncset.done $0x0  }
0x98: {  	[sflag:s11] =	ssyncadd.s32 $0xFFFF8000  }
0x99: {  	[hbm4b:s6+s2] =	stream.linear.scatter [tilespmem:s9], [sflag:$0x3], $0x8000, $0x38;
	[tilespmem:$0x1EA80] =	vst v63  }
0x9a: {  	_ =	swait.ge [sflag:s25], $0x8000  }
0x9b: {  	[sflag:s25] =	ssyncset.done $0x0  }
0x9c: {  	s28 =	sadd.s32 $0x1, s28;
	s31 =	sadd.s32 $0x1000, s6;
	[sflag:s25] =	ssyncadd.s32 $0xFFFF8000  }
0x9d: {  	[hbm4b:s31+s2] =	stream.linear.scatter [tilespmem:s23], [sflag:$0x3], $0x8000, $0x38;
	[tilespmem:$0x1EA80] =	vst v63  }
0x9e: {  	p0 =	sne.s32 s28, s8;
	_ =	swait.ge [sflag:s26], $0x8000  }
.Ltmp2:
0x9f: {  	[sflag:s26] =	ssyncset.done $0x0;
	(pc) =	sbr.rel @!p0 .LBB2_62-.Ltmp2, $4  }
0xa0: {  	[sflag:s26] =	ssyncadd.s32 $0xFFFF8000  }
0xa1: {  	_ =	swait.ge [sflag:s26], $0x8000  }
0xa2: {  	[sflag:s26] =	ssyncset.done $0x0  }
0xa3: {  	[sflag:s26] =	ssyncadd.s32 $0xFFFF8000  }
.LBB2_2:
0xa4: {  	s0 =	simm.s32 $0x0;
	s1 =	simm.s32 $0x80;
	s4 =	simm.s32 $0x400  }
0xa5: {  	[tilespmem:s0], [sflag:$0x1] =	stream.strided.gather [hbm4b:s7+s1], $0x2000, s4, s1, $0x38;
	[tilespmem:$0x1EA80] =	vst v63  }
0xa6: {  	s1 =	simm.s32 $0x40;
	s0 =	simm.s32 $0x0  }
.LBB2_3:
0xa7: {  	p0 =	sne.s32 s1, $0x4400;
	[tilespmem:s0+$0xB600] =	vst v1;
	s4 =	smov.u32 s1;
	s1 =	sadd.s32 $0x40, s1  }
.Ltmp3:
0xa8: {  	[tilespmem:s0+$0xA480] =	vst v1;
	(pc) =	sbr.rel @p0 .LBB2_3-.Ltmp3, $3  }
0xa9: {  	[tilespmem:s0+$0x8180] =	vst v1  }
0xaa: {  	[tilespmem:s0+$0x9300] =	vst v1;
	_ =	sdelay $0x1  }
0xab: {  	s0 =	sshra.s32 s4, $0x2  }
0xac: {  	[tilespmem:s0+$0xB600] =	vst v1  }
0xad: {  	[tilespmem:s0+$0xA480] =	vst v1  }
0xae: {  	[tilespmem:s0+$0x8180] =	vst v1  }
0xaf: {  	[tilespmem:s0+$0x9300] =	vst v1  }
0xb0: {  	_ =	swait.ge [sflag:s11], $0x2000  }
0xb1: {  	[sflag:s11] =	ssyncset.done $0x0  }
0xb2: {  	s0 =	simm.s32 $0x0;
	[sflag:s11] =	ssyncadd.s32 $0xFFFFE000  }
.LBB2_5:
0xb3: {  	s1 =	sshra.s32 s0, $0x2  }
0xb4: {  	v5 =	vld [tilespmem:s1+$0x0];
	_ =	sdelay $0x4  }
0xb5: {  	v6 =	vshra.s32 v5, $0x1F  }
0xb6: {  	v6 =	vor.u32 $0x80000000, v6  }
0xb7: {  	v5 =	vxor.u32 v5, v6  }
0xb8: {  	v5 =	vshrl.u32 v5, $0x18  }
0xb9: {  	v5 =	vadd.s32 v2, v5;
	_ =	sdelay $0x4  }
0xba: {  	[tilespmem:v5+s12+$0x0] =	vst.idx.add.s32.msk $0xffff, v3  }
0xbb: {  	v5 =	vld [tilespmem:s1+$0x20];
	_ =	sdelay $0x4  }
0xbc: {  	v6 =	vshra.s32 v5, $0x1F  }
0xbd: {  	v6 =	vor.u32 $0x80000000, v6  }
0xbe: {  	v5 =	vxor.u32 v5, v6  }
0xbf: {  	v5 =	vshrl.u32 v5, $0x18  }
0xc0: {  	v5 =	vadd.s32 v2, v5;
	_ =	sdelay $0x4  }
0xc1: {  	[tilespmem:v5+s13+$0x0] =	vst.idx.add.s32.msk $0xffff, v3  }
0xc2: {  	v5 =	vld [tilespmem:s1+$0x40];
	_ =	sdelay $0x4  }
0xc3: {  	v6 =	vshra.s32 v5, $0x1F  }
0xc4: {  	v6 =	vor.u32 $0x80000000, v6  }
0xc5: {  	v5 =	vxor.u32 v5, v6  }
0xc6: {  	v5 =	vshrl.u32 v5, $0x18  }
0xc7: {  	v5 =	vadd.s32 v2, v5;
	_ =	sdelay $0x4  }
0xc8: {  	[tilespmem:v5+s14+$0x0] =	vst.idx.add.s32.msk $0xffff, v3  }
0xc9: {  	v5 =	vld [tilespmem:s1+$0x60];
	_ =	sdelay $0x4  }
0xca: {  	v6 =	vshra.s32 v5, $0x1F  }
0xcb: {  	v6 =	vor.u32 $0x80000000, v6  }
0xcc: {  	v5 =	vxor.u32 v5, v6  }
0xcd: {  	v5 =	vshrl.u32 v5, $0x18  }
0xce: {  	p0 =	sne.s32 s0, $0x7E00;
	v5 =	vadd.s32 v2, v5  }
.Ltmp4:
0xcf: {  	_ = 	snop;
	(pc) =	sbr.rel @p0 .LBB2_5-.Ltmp4, $2  }
0xd0: {  	_ =	sdelay $0x2  }
0xd1: {  	s0 =	sadd.s32 $0x200, s0;
	[tilespmem:v5+s15+$0x0] =	vst.idx.add.s32.msk $0xffff, v3  }
0xd2: {  	s30 =	simm.s32 $0x0  }
0xd3: {  	v7 =	vld [tilespmem:s30+$0x8180]  }
0xd4: {  	v8 =	vld [tilespmem:s30+$0x8291]  }
0xd5: {  	v9 =	vld [tilespmem:s30+$0x83A2]  }
0xd6: {  	v10 =	vld [tilespmem:s30+$0x84B3]  }
0xd7: {  	v11 =	vld [tilespmem:s30+$0x85C4]  }
0xd8: {  	v12 =	vld [tilespmem:s30+$0x86D5]  }
0xd9: {  	v13 =	vld [tilespmem:s30+$0x87E6]  }
0xda: {  	v14 =	vld [tilespmem:s30+$0x88F7]  }
0xdb: {  	v15 =	vld [tilespmem:s30+$0x8A08]  }
0xdc: {  	v16 =	vld [tilespmem:s30+$0x8B19]  }
0xdd: {  	v18 =	vld [tilespmem:s30+$0x8C2A]  }
0xde: {  	v28 =	vld [tilespmem:s30+$0x8D3B]  }
0xdf: {  	v29 =	vld [tilespmem:s30+$0x8E4C]  }
0xe0: {  	v30 =	vld [tilespmem:s30+$0x8F5D]  }
0xe1: {  	v5 =	vld [tilespmem:s30+$0x906E]  }
0xe2: {  	v6 =	vld [tilespmem:s30+$0x917F]  }
0xe3: {  	v17 =	vld [tilespmem:s30+$0x9300]  }
0xe4: {  	v19 =	vld [tilespmem:s30+$0xA480]  }
0xe5: {  	v20 =	vld [tilespmem:s30+$0xB600]  }
0xe6: {  	v21 =	vld [tilespmem:s30+$0x9411]  }
0xe7: {  	v22 =	vld [tilespmem:s30+$0xA591]  }
0xe8: {  	v23 =	vld [tilespmem:s30+$0xB711];
	v7 =	vadd.s32 v7, v17  }
0xe9: {  	v24 =	vld [tilespmem:s30+$0x9522];
	v7 =	vadd.s32 v19, v7  }
0xea: {  	v25 =	vld [tilespmem:s30+$0xA6A2];
	v7 =	vadd.s32 v20, v7  }
0xeb: {  	v26 =	vld [tilespmem:s30+$0xB822];
	v7 =	vadd.s32 v8, v7  }
0xec: {  	v27 =	vld [tilespmem:s30+$0x9633];
	v7 =	vadd.s32 v21, v7  }
0xed: {  	v31 =	vld [tilespmem:s30+$0xA7B3];
	v7 =	vadd.s32 v22, v7  }
0xee: {  	v32 =	vld [tilespmem:s30+$0xB933];
	v7 =	vadd.s32 v23, v7  }
0xef: {  	v33 =	vld [tilespmem:s30+$0x9744];
	v7 =	vadd.s32 v9, v7  }
0xf0: {  	v34 =	vld [tilespmem:s30+$0xA8C4];
	v7 =	vadd.s32 v24, v7  }
0xf1: {  	v35 =	vld [tilespmem:s30+$0xBA44];
	v7 =	vadd.s32 v25, v7  }
0xf2: {  	v36 =	vld [tilespmem:s30+$0x9855];
	v7 =	vadd.s32 v26, v7  }
0xf3: {  	v37 =	vld [tilespmem:s30+$0x9B88];
	v7 =	vadd.s32 v10, v7  }
0xf4: {  	v38 =	vld [tilespmem:s30+$0xAD08];
	v7 =	vadd.s32 v27, v7  }
0xf5: {  	v39 =	vld [tilespmem:s30+$0xBE88];
	v7 =	vadd.s32 v31, v7  }
0xf6: {  	v40 =	vld [tilespmem:s30+$0xAE19];
	v7 =	vadd.s32 v32, v7  }
0xf7: {  	v58 =	vld [tilespmem:s30+$0xBF99];
	v7 =	vadd.s32 v11, v7  }
0xf8: {  	v17 =	vld [tilespmem:s30+$0xA9D5];
	v7 =	vadd.s32 v33, v7  }
0xf9: {  	v19 =	vld [tilespmem:s30+$0xBB55];
	v7 =	vadd.s32 v34, v7  }
0xfa: {  	v59 =	vld [tilespmem:s30+$0x9DAA];
	v7 =	vadd.s32 v35, v7  }
0xfb: {  	v20 =	vld [tilespmem:s30+$0x9966];
	v7 =	vadd.s32 v12, v7  }
0xfc: {  	v8 =	vld [tilespmem:s30+$0xAAE6];
	v7 =	vadd.s32 v36, v7  }
0xfd: {  	v21 =	vld [tilespmem:s30+$0xBC66];
	v7 =	vadd.s32 v17, v7  }
0xfe: {  	v60 =	vld [tilespmem:s30+$0xC0AA];
	v7 =	vadd.s32 v19, v7  }
0xff: {  	v22 =	vld [tilespmem:s30+$0x9A77];
	v7 =	vadd.s32 v13, v7  }
0x100: {  	[tilespmem:s30+$0x8180] =	vst v1;
	v23 =	vld [tilespmem:s30+$0xABF7];
	v7 =	vadd.s32 v20, v7  }
0x101: {  	[tilespmem:s30+$0x8291] =	vst v1;
	v9 =	vld [tilespmem:s30+$0xBD77];
	v7 =	vadd.s32 v8, v7  }
0x102: {  	[tilespmem:s30+$0x83A2] =	vst v1;
	v61 =	vld [tilespmem:s30+$0x9EBB];
	v7 =	vadd.s32 v21, v7  }
0x103: {  	[tilespmem:s30+$0x84B3] =	vst v1;
	v62 =	vld [tilespmem:s30+$0xB03B];
	v7 =	vadd.s32 v14, v7  }
0x104: {  	[tilespmem:s30+$0x85C4] =	vst v1;
	v41 =	vld [tilespmem:s30+$0xC1BB];
	v7 =	vadd.s32 v22, v7  }
0x105: {  	[tilespmem:s30+$0x86D5] =	vst v1;
	v63 =	vld [tilespmem:s30+$0x9FCC];
	v7 =	vadd.s32 v23, v7  }
0x106: {  	[tilespmem:s30+$0x87E6] =	vst v1;
	v42 =	vld [tilespmem:s30+$0xB14C];
	v7 =	vadd.s32 v9, v7  }
0x107: {  	[tilespmem:s30+$0x88F7] =	vst v1;
	v10 =	vld [tilespmem:s30+$0x9C99];
	v7 =	vadd.s32 v15, v7  }
0x108: {  	[tilespmem:s30+$0x8A08] =	vst v1;
	v43 =	vld [tilespmem:s30+$0xC2CC];
	v7 =	vadd.s32 v37, v7  }
0x109: {  	[tilespmem:s30+$0x8B19] =	vst v1;
	v44 =	vld [tilespmem:s30+$0xA0DD];
	v7 =	vadd.s32 v38, v7  }
0x10a: {  	[tilespmem:s30+$0x8C2A] =	vst v1;
	v45 =	vld [tilespmem:s30+$0xB25D];
	v7 =	vadd.s32 v39, v7  }
0x10b: {  	[tilespmem:s30+$0x8D3B] =	vst v1;
	v24 =	vld [tilespmem:s30+$0xC4EE];
	v7 =	vadd.s32 v16, v7  }
0x10c: {  	[tilespmem:s30+$0x8E4C] =	vst v1;
	v11 =	vld [tilespmem:s30+$0xAF2A];
	v7 =	vadd.s32 v10, v7  }
0x10d: {  	[tilespmem:s30+$0x8F5D] =	vst v1;
	v25 =	vld [tilespmem:s30+$0xB36E];
	v7 =	vadd.s32 v40, v7  }
0x10e: {  	[tilespmem:s30+$0x906E] =	vst v1;
	v26 =	vld [tilespmem:s30+$0xA1EE];
	v7 =	vadd.s32 v58, v7  }
0x10f: {  	s0 =	simm.s32 $0x10;
	[tilespmem:s30+$0x917F] =	vst v1;
	v27 =	vld [tilespmem:s30+$0xC3DD];
	v7 =	vadd.s32 v18, v7  }
0x110: {  	v20 =	vld [tilespmem:s0+$0x8180];
	v7 =	vadd.s32 v59, v7  }
0x111: {  	v21 =	vld [tilespmem:s30+$0xA2FF];
	v7 =	vadd.s32 v11, v7  }
0x112: {  	v22 =	vld [tilespmem:s30+$0xB47F];
	v7 =	vadd.s32 v60, v7  }
0x113: {  	v23 =	vld [tilespmem:s30+$0xC5FF];
	[tilespmem:s0+$0x8180] =	vst v1;
	v7 =	vadd.s32 v28, v7  }
0x114: {  	v19 =	vld [tilespmem:s0+$0x8291];
	[tilespmem:s0+$0x8291] =	vst v1;
	v7 =	vadd.s32 v61, v7  }
0x115: {  	v17 =	vld [tilespmem:s0+$0x83A2];
	[tilespmem:s0+$0x83A2] =	vst v1;
	v7 =	vadd.s32 v62, v7  }
0x116: {  	v13 =	vld [tilespmem:s0+$0x85C4];
	[tilespmem:s0+$0x85C4] =	vst v1;
	v7 =	vadd.s32 v41, v7  }
0x117: {  	v12 =	vld [tilespmem:s0+$0x86D5];
	[tilespmem:s0+$0x86D5] =	vst v1;
	v7 =	vadd.s32 v29, v7  }
0x118: {  	v8 =	vld [tilespmem:s0+$0x8B19];
	[tilespmem:s0+$0x8B19] =	vst v1;
	v7 =	vadd.s32 v63, v7  }
0x119: {  	v9 =	vld [tilespmem:s0+$0x8A08];
	[tilespmem:s0+$0x8A08] =	vst v1;
	v7 =	vadd.s32 v42, v7  }
0x11a: {  	v15 =	vld [tilespmem:s0+$0x84B3];
	[tilespmem:s0+$0x84B3] =	vst v1;
	v7 =	vadd.s32 v43, v7  }
0x11b: {  	v10 =	vld [tilespmem:s0+$0x88F7];
	[tilespmem:s0+$0x88F7] =	vst v1;
	v7 =	vadd.s32 v30, v7  }
0x11c: {  	v11 =	vld [tilespmem:s0+$0x87E6];
	[tilespmem:s0+$0x87E6] =	vst v1;
	v14 =	vadd.s32 v44, v7  }
0x11d: {  	s31 =	simm.s32 $0x80;
	s1 =	simm.s32 $0xC0;
	v7 =	vld [tilespmem:s0+$0x8C2A];
	[tilespmem:s0+$0x8C2A] =	vst v1;
	v14 =	vadd.s32 v45, v14  }
.LBB2_7:
0x11e: {  	p0 =	sne.s32 s1, $0x3C0;
	v18 =	vld [tilespmem:s0+$0x8D3B];
	[tilespmem:s0+$0x8D3B] =	vst v1;
	v14 =	vadd.s32 v27, v14  }
0x11f: {  	v16 =	vld [tilespmem:s0+$0x8E4C];
	[tilespmem:s0+$0x8E4C] =	vst v1;
	v5 =	vadd.s32 v5, v14  }
0x120: {  	v14 =	vld [tilespmem:s0+$0x8F5D];
	[tilespmem:s0+$0x8F5D] =	vst v1;
	v26 =	vadd.s32 v26, v5  }
0x121: {  	v5 =	vld [tilespmem:s0+$0x906E];
	[tilespmem:s0+$0x906E] =	vst v1;
	v25 =	vadd.s32 v25, v26  }
0x122: {  	v26 =	vld [tilespmem:s0+$0x917F];
	[tilespmem:s0+$0x917F] =	vst v1;
	v24 =	vadd.s32 v24, v25  }
0x123: {  	v25 =	vld [tilespmem:s0+$0x9300];
	v6 =	vadd.s32 v6, v24  }
0x124: {  	v24 =	vld [tilespmem:s0+$0xA480];
	v6 =	vadd.s32 v21, v6  }
0x125: {  	v21 =	vld [tilespmem:s0+$0xB600];
	v28 =	vadd.s32 v22, v6  }
0x126: {  	v22 =	vld [tilespmem:s0+$0x9411];
	v27 =	vadd.s32 v23, v28  }
0x127: {  	v23 =	vld [tilespmem:s0+$0xA591];
	[tilespmem:s30+$0xE780] =	vst v27;
	v6 =	vmov v26;
	s30 =	smov.u32 s0  }
0x128: {  	v20 =	vadd.s32 v20, v25;
	v25 =	vld [tilespmem:s30+$0xB711]  }
0x129: {  	v20 =	vadd.s32 v24, v20;
	v24 =	vld [tilespmem:s30+$0x9522]  }
0x12a: {  	v20 =	vadd.s32 v21, v20;
	v21 =	vld [tilespmem:s30+$0xA6A2]  }
0x12b: {  	v19 =	vadd.s32 v19, v20;
	v20 =	vld [tilespmem:s30+$0xB822]  }
0x12c: {  	v19 =	vadd.s32 v22, v19;
	v22 =	vld [tilespmem:s30+$0x9633]  }
0x12d: {  	v19 =	vadd.s32 v23, v19;
	v23 =	vld [tilespmem:s30+$0xA7B3]  }
0x12e: {  	v19 =	vadd.s32 v25, v19;
	v25 =	vld [tilespmem:s30+$0xB933]  }
0x12f: {  	v17 =	vadd.s32 v17, v19;
	v19 =	vld [tilespmem:s30+$0x9744]  }
0x130: {  	v17 =	vadd.s32 v24, v17;
	v24 =	vld [tilespmem:s30+$0xA8C4]  }
0x131: {  	v17 =	vadd.s32 v21, v17;
	v21 =	vld [tilespmem:s30+$0xBA44]  }
0x132: {  	v17 =	vadd.s32 v20, v17;
	v20 =	vld [tilespmem:s30+$0x9855]  }
0x133: {  	v15 =	vadd.s32 v15, v17;
	v17 =	vld [tilespmem:s30+$0xA9D5]  }
0x134: {  	v15 =	vadd.s32 v22, v15;
	v22 =	vld [tilespmem:s30+$0xBB55]  }
0x135: {  	v15 =	vadd.s32 v23, v15;
	v23 =	vld [tilespmem:s30+$0x9966]  }
0x136: {  	v15 =	vadd.s32 v25, v15;
	v25 =	vld [tilespmem:s30+$0xAAE6]  }
0x137: {  	v13 =	vadd.s32 v13, v15;
	v15 =	vld [tilespmem:s30+$0xBC66]  }
0x138: {  	v13 =	vadd.s32 v19, v13;
	v19 =	vld [tilespmem:s30+$0x9A77]  }
0x139: {  	v13 =	vadd.s32 v24, v13;
	v24 =	vld [tilespmem:s30+$0xABF7]  }
0x13a: {  	v13 =	vadd.s32 v21, v13;
	v21 =	vld [tilespmem:s30+$0xBD77]  }
0x13b: {  	v12 =	vadd.s32 v12, v13;
	v13 =	vld [tilespmem:s30+$0x9B88]  }
0x13c: {  	v12 =	vadd.s32 v20, v12;
	v20 =	vld [tilespmem:s30+$0xAD08]  }
0x13d: {  	v12 =	vadd.s32 v17, v12;
	v17 =	vld [tilespmem:s30+$0xBE88]  }
0x13e: {  	v12 =	vadd.s32 v22, v12;
	v22 =	vld [tilespmem:s30+$0x9C99]  }
0x13f: {  	v11 =	vadd.s32 v11, v12;
	v12 =	vld [tilespmem:s30+$0xAE19]  }
0x140: {  	v11 =	vadd.s32 v23, v11;
	v23 =	vld [tilespmem:s30+$0xBF99]  }
0x141: {  	v11 =	vadd.s32 v25, v11;
	v28 =	vld [tilespmem:s30+$0x9DAA]  }
0x142: {  	v11 =	vadd.s32 v15, v11;
	v15 =	vld [tilespmem:s30+$0xAF2A]  }
0x143: {  	v10 =	vadd.s32 v10, v11;
	v11 =	vld [tilespmem:s30+$0xC0AA]  }
0x144: {  	v10 =	vadd.s32 v19, v10;
	v29 =	vld [tilespmem:s30+$0x9EBB]  }
0x145: {  	v10 =	vadd.s32 v24, v10;
	v30 =	vld [tilespmem:s30+$0xB03B]  }
0x146: {  	v10 =	vadd.s32 v21, v10;
	v31 =	vld [tilespmem:s30+$0xC1BB]  }
0x147: {  	v9 =	vadd.s32 v9, v10;
	v10 =	vld [tilespmem:s30+$0x9FCC]  }
0x148: {  	v9 =	vadd.s32 v13, v9;
	v32 =	vld [tilespmem:s30+$0xB14C]  }
0x149: {  	v9 =	vadd.s32 v20, v9;
	v33 =	vld [tilespmem:s30+$0xC2CC]  }
0x14a: {  	v9 =	vadd.s32 v17, v9;
	v34 =	vld [tilespmem:s30+$0xA0DD]  }
0x14b: {  	v8 =	vadd.s32 v8, v9;
	v35 =	vld [tilespmem:s30+$0xB25D]  }
0x14c: {  	v8 =	vadd.s32 v22, v8;
	v27 =	vld [tilespmem:s30+$0xC3DD]  }
0x14d: {  	v8 =	vadd.s32 v12, v8;
	v26 =	vld [tilespmem:s30+$0xA1EE]  }
0x14e: {  	v8 =	vadd.s32 v23, v8;
	v25 =	vld [tilespmem:s30+$0xB36E]  }
0x14f: {  	v7 =	vadd.s32 v7, v8;
	v24 =	vld [tilespmem:s30+$0xC4EE]  }
0x150: {  	v7 =	vadd.s32 v28, v7;
	v21 =	vld [tilespmem:s30+$0xA2FF]  }
0x151: {  	v7 =	vadd.s32 v15, v7;
	v22 =	vld [tilespmem:s30+$0xB47F]  }
0x152: {  	s0 =	sshra.s32 s31, $0x2;
	s31 =	smov.u32 s1;
	v7 =	vadd.s32 v11, v7;
	v23 =	vld [tilespmem:s30+$0xC5FF]  }
0x153: {  	v20 =	vld [tilespmem:s0+$0x8180];
	[tilespmem:s0+$0x8180] =	vst v1;
	v7 =	vadd.s32 v18, v7  }
0x154: {  	v19 =	vld [tilespmem:s0+$0x8291];
	[tilespmem:s0+$0x8291] =	vst v1;
	v7 =	vadd.s32 v29, v7  }
0x155: {  	v17 =	vld [tilespmem:s0+$0x83A2];
	[tilespmem:s0+$0x83A2] =	vst v1;
	v7 =	vadd.s32 v30, v7  }
0x156: {  	v15 =	vld [tilespmem:s0+$0x84B3];
	[tilespmem:s0+$0x84B3] =	vst v1;
	v7 =	vadd.s32 v31, v7  }
0x157: {  	v13 =	vld [tilespmem:s0+$0x85C4];
	[tilespmem:s0+$0x85C4] =	vst v1;
	v7 =	vadd.s32 v16, v7  }
0x158: {  	v12 =	vld [tilespmem:s0+$0x86D5];
	[tilespmem:s0+$0x86D5] =	vst v1;
	v7 =	vadd.s32 v10, v7  }
.Ltmp5:
0x159: {  	v11 =	vld [tilespmem:s0+$0x87E6];
	[tilespmem:s0+$0x87E6] =	vst v1;
	v7 =	vadd.s32 v32, v7;
	(pc) =	sbr.rel @p0 .LBB2_7-.Ltmp5, $4  }
0x15a: {  	v10 =	vld [tilespmem:s0+$0x88F7];
	[tilespmem:s0+$0x88F7] =	vst v1;
	v7 =	vadd.s32 v33, v7  }
0x15b: {  	v9 =	vld [tilespmem:s0+$0x8A08];
	[tilespmem:s0+$0x8A08] =	vst v1;
	v7 =	vadd.s32 v14, v7  }
0x15c: {  	v8 =	vld [tilespmem:s0+$0x8B19];
	[tilespmem:s0+$0x8B19] =	vst v1;
	v14 =	vadd.s32 v34, v7  }
0x15d: {  	s1 =	sadd.s32 $0x40, s1;
	v7 =	vld [tilespmem:s0+$0x8C2A];
	[tilespmem:s0+$0x8C2A] =	vst v1;
	v14 =	vadd.s32 v35, v14  }
0x15e: {  	v18 =	vld [tilespmem:s0+$0x8D3B];
	v27 =	vadd.s32 v27, v14  }
0x15f: {  	v28 =	vld [tilespmem:s0+$0x8E4C];
	v5 =	vadd.s32 v5, v27  }
0x160: {  	v16 =	vld [tilespmem:s0+$0x8F5D];
	v26 =	vadd.s32 v26, v5  }
0x161: {  	v14 =	vld [tilespmem:s0+$0x906E];
	v25 =	vadd.s32 v25, v26  }
0x162: {  	[tilespmem:s0+$0x8D3B] =	vst v1;
	v56 =	vld [tilespmem:s0+$0x9300];
	v24 =	vadd.s32 v24, v25  }
0x163: {  	[tilespmem:s0+$0x8E4C] =	vst v1;
	v57 =	vld [tilespmem:s0+$0xA480];
	v6 =	vadd.s32 v6, v24  }
0x164: {  	[tilespmem:s0+$0x8F5D] =	vst v1;
	v58 =	vld [tilespmem:s0+$0xB600];
	v6 =	vadd.s32 v21, v6  }
0x165: {  	[tilespmem:s0+$0x906E] =	vst v1;
	v59 =	vld [tilespmem:s0+$0x9411];
	v6 =	vadd.s32 v22, v6  }
0x166: {  	v5 =	vld [tilespmem:s0+$0x917F];
	[tilespmem:s0+$0x917F] =	vst v1;
	v6 =	vadd.s32 v23, v6  }
0x167: {  	v60 =	vld [tilespmem:s0+$0xA591];
	[tilespmem:s30+$0xE780] =	vst v6  }
0x168: {  	v20 =	vadd.s32 v20, v56;
	v6 =	vld [tilespmem:s0+$0xB711]  }
0x169: {  	v20 =	vadd.s32 v57, v20;
	v61 =	vld [tilespmem:s0+$0x9522]  }
0x16a: {  	v20 =	vadd.s32 v58, v20;
	v62 =	vld [tilespmem:s0+$0xA6A2]  }
0x16b: {  	v19 =	vadd.s32 v19, v20;
	v63 =	vld [tilespmem:s0+$0xB822]  }
0x16c: {  	v19 =	vadd.s32 v59, v19;
	v29 =	vld [tilespmem:s0+$0x9633]  }
0x16d: {  	v30 =	vld [tilespmem:s0+$0xA7B3];
	v19 =	vadd.s32 v60, v19  }
0x16e: {  	v31 =	vld [tilespmem:s0+$0xB933];
	v6 =	vadd.s32 v6, v19  }
0x16f: {  	v32 =	vld [tilespmem:s0+$0x9744];
	v6 =	vadd.s32 v17, v6  }
0x170: {  	v33 =	vld [tilespmem:s0+$0xA8C4];
	v6 =	vadd.s32 v61, v6  }
0x171: {  	v34 =	vld [tilespmem:s0+$0xBA44];
	v6 =	vadd.s32 v62, v6  }
0x172: {  	v35 =	vld [tilespmem:s0+$0x9855];
	v6 =	vadd.s32 v63, v6  }
0x173: {  	v36 =	vld [tilespmem:s0+$0xA9D5];
	v6 =	vadd.s32 v15, v6  }
0x174: {  	v37 =	vld [tilespmem:s0+$0xBB55];
	v6 =	vadd.s32 v29, v6  }
0x175: {  	v38 =	vld [tilespmem:s0+$0x9966];
	v6 =	vadd.s32 v30, v6  }
0x176: {  	v39 =	vld [tilespmem:s0+$0xAAE6];
	v6 =	vadd.s32 v31, v6  }
0x177: {  	v40 =	vld [tilespmem:s0+$0xBC66];
	v6 =	vadd.s32 v13, v6  }
0x178: {  	v41 =	vld [tilespmem:s0+$0x9A77];
	v6 =	vadd.s32 v32, v6  }
0x179: {  	v42 =	vld [tilespmem:s0+$0xABF7];
	v6 =	vadd.s32 v33, v6  }
0x17a: {  	v43 =	vld [tilespmem:s0+$0xBD77];
	v6 =	vadd.s32 v34, v6  }
0x17b: {  	v44 =	vld [tilespmem:s0+$0x9B88];
	v6 =	vadd.s32 v12, v6  }
0x17c: {  	v45 =	vld [tilespmem:s0+$0xAD08];
	v6 =	vadd.s32 v35, v6  }
0x17d: {  	v46 =	vld [tilespmem:s0+$0xBE88];
	v6 =	vadd.s32 v36, v6  }
0x17e: {  	v47 =	vld [tilespmem:s0+$0x9C99];
	v6 =	vadd.s32 v37, v6  }
0x17f: {  	v48 =	vld [tilespmem:s0+$0xAE19];
	v6 =	vadd.s32 v11, v6  }
0x180: {  	v49 =	vld [tilespmem:s0+$0xBF99];
	v6 =	vadd.s32 v38, v6  }
0x181: {  	v50 =	vld [tilespmem:s0+$0x9DAA];
	v6 =	vadd.s32 v39, v6  }
0x182: {  	v51 =	vld [tilespmem:s0+$0xAF2A];
	v6 =	vadd.s32 v40, v6  }
0x183: {  	v52 =	vld [tilespmem:s0+$0xC0AA];
	v6 =	vadd.s32 v10, v6  }
0x184: {  	v53 =	vld [tilespmem:s0+$0x9EBB];
	v6 =	vadd.s32 v41, v6  }
0x185: {  	v54 =	vld [tilespmem:s0+$0xB03B];
	v6 =	vadd.s32 v42, v6  }
0x186: {  	v55 =	vld [tilespmem:s0+$0xC1BB];
	v6 =	vadd.s32 v43, v6  }
0x187: {  	v56 =	vld [tilespmem:s0+$0x9FCC];
	v6 =	vadd.s32 v9, v6  }
0x188: {  	v57 =	vld [tilespmem:s0+$0xB14C];
	v6 =	vadd.s32 v44, v6  }
0x189: {  	v58 =	vld [tilespmem:s0+$0xC2CC];
	v6 =	vadd.s32 v45, v6  }
0x18a: {  	v59 =	vld [tilespmem:s0+$0xA0DD];
	v6 =	vadd.s32 v46, v6  }
0x18b: {  	v60 =	vld [tilespmem:s0+$0xB25D];
	v6 =	vadd.s32 v8, v6  }
0x18c: {  	v61 =	vld [tilespmem:s0+$0xA1EE];
	v6 =	vadd.s32 v47, v6  }
0x18d: {  	v62 =	vld [tilespmem:s0+$0xB36E];
	v6 =	vadd.s32 v48, v6  }
0x18e: {  	v63 =	vld [tilespmem:s0+$0xC4EE];
	v6 =	vadd.s32 v49, v6  }
0x18f: {  	v29 =	vld [tilespmem:s0+$0xB47F];
	v6 =	vadd.s32 v7, v6  }
0x190: {  	s1 =	sshra.s32 s31, $0x2;
	v30 =	vld [tilespmem:s0+$0xC5FF];
	v6 =	vadd.s32 v50, v6  }
0x191: {  	v31 =	vld [tilespmem:s1+$0x8180];
	v6 =	vadd.s32 v51, v6  }
0x192: {  	v32 =	vld [tilespmem:s1+$0x8291];
	v6 =	vadd.s32 v52, v6  }
0x193: {  	v33 =	vld [tilespmem:s1+$0x83A2];
	v6 =	vadd.s32 v18, v6  }
0x194: {  	v34 =	vld [tilespmem:s1+$0x84B3];
	v6 =	vadd.s32 v53, v6  }
0x195: {  	v35 =	vld [tilespmem:s1+$0x85C4];
	v6 =	vadd.s32 v54, v6  }
0x196: {  	v8 =	vld [tilespmem:s0+$0xC3DD];
	v6 =	vadd.s32 v55, v6  }
0x197: {  	v7 =	vld [tilespmem:s0+$0xA2FF];
	[tilespmem:s1+$0x8180] =	vst v1;
	v6 =	vadd.s32 v28, v6  }
0x198: {  	v36 =	vld [tilespmem:s1+$0x86D5];
	[tilespmem:s1+$0x8291] =	vst v1;
	v6 =	vadd.s32 v56, v6  }
0x199: {  	v37 =	vld [tilespmem:s1+$0x87E6];
	[tilespmem:s1+$0x83A2] =	vst v1;
	v6 =	vadd.s32 v57, v6  }
0x19a: {  	v38 =	vld [tilespmem:s1+$0x88F7];
	[tilespmem:s1+$0x84B3] =	vst v1;
	v6 =	vadd.s32 v58, v6  }
0x19b: {  	v39 =	vld [tilespmem:s1+$0x8A08];
	[tilespmem:s1+$0x85C4] =	vst v1;
	v6 =	vadd.s32 v16, v6  }
0x19c: {  	v40 =	vld [tilespmem:s1+$0x8B19];
	[tilespmem:s1+$0x86D5] =	vst v1;
	v6 =	vadd.s32 v59, v6  }
0x19d: {  	v41 =	vld [tilespmem:s1+$0x8C2A];
	[tilespmem:s1+$0x87E6] =	vst v1;
	v6 =	vadd.s32 v60, v6  }
0x19e: {  	v42 =	vld [tilespmem:s1+$0x8D3B];
	[tilespmem:s1+$0x88F7] =	vst v1;
	v6 =	vadd.s32 v8, v6  }
0x19f: {  	v43 =	vld [tilespmem:s1+$0x8F5D];
	[tilespmem:s1+$0x8A08] =	vst v1;
	v6 =	vadd.s32 v14, v6  }
0x1a0: {  	v44 =	vld [tilespmem:s1+$0x906E];
	[tilespmem:s1+$0x8B19] =	vst v1;
	v6 =	vadd.s32 v61, v6  }
0x1a1: {  	v45 =	vld [tilespmem:s1+$0x917F];
	[tilespmem:s1+$0x8C2A] =	vst v1;
	v6 =	vadd.s32 v62, v6  }
0x1a2: {  	v46 =	vld [tilespmem:s1+$0x9300];
	[tilespmem:s1+$0x8D3B] =	vst v1;
	v6 =	vadd.s32 v63, v6  }
0x1a3: {  	[tilespmem:s1+$0x8F5D] =	vst v1;
	v5 =	vadd.s32 v5, v6;
	v6 =	vld [tilespmem:s1+$0xA480]  }
0x1a4: {  	[tilespmem:s1+$0x906E] =	vst v1;
	v5 =	vadd.s32 v7, v5;
	v7 =	vld [tilespmem:s1+$0xB600]  }
0x1a5: {  	v47 =	vld [tilespmem:s1+$0x9411];
	[tilespmem:s1+$0x917F] =	vst v1;
	v5 =	vadd.s32 v29, v5  }
0x1a6: {  	v8 =	vld [tilespmem:s1+$0x8E4C];
	[tilespmem:s1+$0x8E4C] =	vst v1;
	v5 =	vadd.s32 v30, v5  }
0x1a7: {  	v48 =	vld [tilespmem:s1+$0xA591];
	[tilespmem:s0+$0xE780] =	vst v5;
	v5 =	vadd.s32 v31, v46  }
0x1a8: {  	v49 =	vld [tilespmem:s1+$0xB711];
	v5 =	vadd.s32 v6, v5  }
0x1a9: {  	v5 =	vadd.s32 v7, v5  }
0x1aa: {  	v6 =	vld [tilespmem:s1+$0x9522];
	v5 =	vadd.s32 v32, v5  }
0x1ab: {  	v7 =	vld [tilespmem:s1+$0xA6A2];
	v5 =	vadd.s32 v47, v5  }
0x1ac: {  	v50 =	vld [tilespmem:s1+$0xB822];
	v5 =	vadd.s32 v48, v5  }
0x1ad: {  	v5 =	vadd.s32 v49, v5  }
0x1ae: {  	v51 =	vld [tilespmem:s1+$0x9633];
	v5 =	vadd.s32 v33, v5  }
0x1af: {  	v52 =	vld [tilespmem:s1+$0xA7B3];
	v5 =	vadd.s32 v6, v5  }
0x1b0: {  	v6 =	vld [tilespmem:s1+$0xB933];
	v5 =	vadd.s32 v7, v5  }
0x1b1: {  	v5 =	vadd.s32 v50, v5  }
0x1b2: {  	v7 =	vld [tilespmem:s1+$0x9744];
	v5 =	vadd.s32 v34, v5  }
0x1b3: {  	v53 =	vld [tilespmem:s1+$0xA8C4];
	v5 =	vadd.s32 v51, v5  }
0x1b4: {  	v54 =	vld [tilespmem:s1+$0xBA44];
	v5 =	vadd.s32 v52, v5  }
0x1b5: {  	v5 =	vadd.s32 v6, v5  }
0x1b6: {  	v6 =	vld [tilespmem:s1+$0x9855];
	v5 =	vadd.s32 v35, v5  }
0x1b7: {  	v55 =	vld [tilespmem:s1+$0xA9D5];
	v5 =	vadd.s32 v7, v5  }
0x1b8: {  	v7 =	vld [tilespmem:s1+$0xBB55];
	v5 =	vadd.s32 v53, v5  }
0x1b9: {  	v5 =	vadd.s32 v54, v5  }
0x1ba: {  	v56 =	vld [tilespmem:s1+$0x9966];
	v5 =	vadd.s32 v36, v5  }
0x1bb: {  	v57 =	vld [tilespmem:s1+$0xAAE6];
	v5 =	vadd.s32 v6, v5  }
0x1bc: {  	v6 =	vld [tilespmem:s1+$0xBC66];
	v5 =	vadd.s32 v55, v5  }
0x1bd: {  	v5 =	vadd.s32 v7, v5  }
0x1be: {  	v7 =	vld [tilespmem:s1+$0x9A77];
	v5 =	vadd.s32 v37, v5  }
0x1bf: {  	v58 =	vld [tilespmem:s1+$0xABF7];
	v5 =	vadd.s32 v56, v5  }
0x1c0: {  	v59 =	vld [tilespmem:s1+$0xBD77];
	v5 =	vadd.s32 v57, v5  }
0x1c1: {  	v5 =	vadd.s32 v6, v5  }
0x1c2: {  	v6 =	vld [tilespmem:s1+$0x9B88];
	v5 =	vadd.s32 v38, v5  }
0x1c3: {  	v60 =	vld [tilespmem:s1+$0xAD08];
	v5 =	vadd.s32 v7, v5  }
0x1c4: {  	v7 =	vld [tilespmem:s1+$0xBE88];
	v5 =	vadd.s32 v58, v5  }
0x1c5: {  	v5 =	vadd.s32 v59, v5  }
0x1c6: {  	v61 =	vld [tilespmem:s1+$0x9C99];
	v5 =	vadd.s32 v39, v5  }
0x1c7: {  	v62 =	vld [tilespmem:s1+$0xAE19];
	v5 =	vadd.s32 v6, v5  }
0x1c8: {  	v6 =	vld [tilespmem:s1+$0xBF99];
	v5 =	vadd.s32 v60, v5  }
0x1c9: {  	v5 =	vadd.s32 v7, v5  }
0x1ca: {  	v7 =	vld [tilespmem:s1+$0x9DAA];
	v5 =	vadd.s32 v40, v5  }
0x1cb: {  	v63 =	vld [tilespmem:s1+$0xAF2A];
	v5 =	vadd.s32 v61, v5  }
0x1cc: {  	v13 =	vld [tilespmem:s1+$0xC0AA];
	v5 =	vadd.s32 v62, v5  }
0x1cd: {  	v5 =	vadd.s32 v6, v5  }
0x1ce: {  	v6 =	vld [tilespmem:s1+$0x9EBB];
	v5 =	vadd.s32 v41, v5  }
0x1cf: {  	v16 =	vld [tilespmem:s1+$0xB03B];
	v5 =	vadd.s32 v7, v5  }
0x1d0: {  	v7 =	vld [tilespmem:s1+$0xC1BB];
	v5 =	vadd.s32 v63, v5  }
0x1d1: {  	v5 =	vadd.s32 v13, v5  }
0x1d2: {  	v17 =	vld [tilespmem:s1+$0x9FCC];
	v5 =	vadd.s32 v42, v5  }
0x1d3: {  	v18 =	vld [tilespmem:s1+$0xB14C];
	v5 =	vadd.s32 v6, v5  }
0x1d4: {  	v6 =	vld [tilespmem:s1+$0xC2CC];
	v5 =	vadd.s32 v16, v5  }
0x1d5: {  	v5 =	vadd.s32 v7, v5  }
0x1d6: {  	v7 =	vld [tilespmem:s1+$0xA0DD];
	v5 =	vadd.s32 v8, v5  }
0x1d7: {  	v8 =	vld [tilespmem:s1+$0xB25D];
	v5 =	vadd.s32 v17, v5  }
0x1d8: {  	v19 =	vld [tilespmem:s1+$0xC3DD];
	v5 =	vadd.s32 v18, v5  }
0x1d9: {  	v5 =	vadd.s32 v6, v5  }
0x1da: {  	v6 =	vld [tilespmem:s1+$0xA1EE];
	v5 =	vadd.s32 v43, v5  }
0x1db: {  	v20 =	vld [tilespmem:s1+$0xB36E];
	v5 =	vadd.s32 v7, v5  }
0x1dc: {  	v7 =	vld [tilespmem:s1+$0xC4EE];
	v5 =	vadd.s32 v8, v5  }
0x1dd: {  	v5 =	vadd.s32 v19, v5  }
0x1de: {  	v8 =	vld [tilespmem:s1+$0xA2FF];
	v5 =	vadd.s32 v44, v5  }
0x1df: {  	v22 =	vld [tilespmem:s1+$0xB47F];
	v5 =	vadd.s32 v6, v5  }
0x1e0: {  	v6 =	vld [tilespmem:s1+$0xC5FF];
	v5 =	vadd.s32 v20, v5  }
0x1e1: {  	v5 =	vadd.s32 v7, v5  }
0x1e2: {  	v5 =	vadd.s32 v45, v5  }
0x1e3: {  	v5 =	vadd.s32 v8, v5  }
0x1e4: {  	v5 =	vadd.s32 v22, v5  }
0x1e5: {  	v5 =	vadd.s32 v6, v5  }
0x1e6: {  	[tilespmem:s1+$0xE780] =	vst v5  }
0x1e7: {  	v5 =	vld [tilespmem:$0xE870];
	_ =	sdelay $0x1  }
0x1e8: {  	v6 =	vld [tilespmem:$0xE860];
	_ =	sdelay $0x1  }
0x1e9: {  	v7 =	vld [tilespmem:$0xE850]  }
0x1ea: {  	v8 =	vperm.xlane v5, v4  }
0x1eb: {  	v23 =	vld [tilespmem:$0xE820]  }
0x1ec: {  	v29 =	vld [tilespmem:$0xE810];
	(xrf0) =	vadd.scan.msk.s32 $0xffff, v8;
	v8 =	vperm.xlane v6, v4  }
0x1ed: {  	v32 =	vld [tilespmem:$0xE800];
	(xrf0) =	vadd.scan.msk.s32 $0xffff, v5  }
0x1ee: {  	v5 =	vld [tilespmem:$0xE840];
	(xrf0) =	vadd.scan.msk.s32 $0xffff, v8;
	v8 =	vperm.xlane v7, v4  }
0x1ef: {  	v35 =	vld [tilespmem:$0xE7F0];
	(xrf0) =	vadd.scan.msk.s32 $0xffff, v6  }
0x1f0: {  	(xrf0) =	vadd.scan.msk.s32 $0xffff, v8;
	v8 =	vld [tilespmem:$0xE830]  }
0x1f1: {  	v39 =	vld [tilespmem:$0xE7E0]  }
0x1f2: {  	v48 =	vld [tilespmem:$0xE7D0];
	(xrf0) =	vadd.scan.msk.s32 $0xffff, v7  }
0x1f3: {  	v6, _, _ =	vpop (xrf0);
	v7 =	vperm.xlane v5, v4  }
0x1f4: {  	v31 =	vperm.xlane v23, v4;
	v37 =	vperm.xlane v29, v4;
	v24, _, _ =	vpop (xrf0)  }
0x1f5: {  	v53 =	vld [tilespmem:$0xE7C0];
	v42 =	vperm.xlane v32, v4;
	v25, _, _ =	vpop (xrf0);
	(xrf0) =	vadd.scan.msk.s32 $0xffff, v7;
	v27 =	vperm.xlane v8, v4  }
0x1f6: {  	v47 =	vperm.xlane v35, v4;
	v7 =	vbroadcast v24, $0xF;
	v26, _, _ =	vpop (xrf0);
	(xrf0) =	vadd.scan.msk.s32 $0xffff, v5  }
0x1f7: {  	v52 =	vperm.xlane v39, v4;
	v60 =	vperm.xlane v48, v4;
	v28, _, _ =	vpop (xrf0);
	(xrf0) =	vadd.scan.msk.s32 $0xffff, v27  }
0x1f8: {  	v63 =	vld [tilespmem:$0xE7A0];
	v5 =	vperm.xlane v6, v4;
	v6 =	vadd.s32 v7, v25;
	v7 =	vadd.s32 v24, v26;
	v30, _, _ =	vpop (xrf0);
	(xrf0) =	vadd.scan.msk.s32 $0xffff, v8  }
0x1f9: {  	v6 =	vperm.xlane v6, v4;
	v12 =	vbroadcast v7, $0xF;
	v10 =	vadd.s32 v7, v30;
	(xrf0) =	vadd.scan.msk.s32 $0xffff, v31  }
0x1fa: {  	v26 =	vperm.xlane v53, v4;
	vm0 =	vgt.s32 v5, $0x3F;
	v8 =	vbroadcast v10, $0xF;
	(xrf0) =	vadd.scan.msk.s32 $0xffff, v23  }
0x1fb: {  	v33 =	vmpcnt.ones.xlane vm0;
	vm12 =	vgt.s32 v6, $0x3F;
	v7 =	vadd.s32 v12, v28;
	v34, _, _ =	vpop (xrf0)  }
0x1fc: {  	v7 =	vperm.xlane v7, v4;
	v38 =	vmpcnt.ones.xlane vm12;
	v8 =	vadd.s32 v8, v34;
	v36, _, _ =	vpop (xrf0);
	(xrf0) =	vadd.scan.msk.s32 $0xffff, v37  }
0x1fd: {  	v58 =	vld [tilespmem:$0xE7B0];
	v37 =	vperm.xlane v63, v4;
	v8 =	vperm.xlane v8, v4;
	v10 =	vadd.s32 v10, v36;
	v41, _, _ =	vpop (xrf0);
	(xrf0) =	vadd.scan.msk.s32 $0xffff, v29  }
0x1fe: {  	vm13 =	vgt.s32 v7, $0x3F;
	v11 =	vadd.s32 v33, v38;
	v40 =	vbroadcast v10, $0xF;
	v44, _, _ =	vpop (xrf0);
	(xrf0) =	vadd.scan.msk.s32 $0xffff, v42  }
0x1ff: {  	v43 =	vmpcnt.ones.xlane vm13;
	vm14 =	vgt.s32 v8, $0x3F;
	v46, _, _ =	vpop (xrf0);
	v10 =	vadd.s32 v10, v44;
	(xrf0) =	vadd.scan.msk.s32 $0xffff, v32  }
0x200: {  	v45 =	vadd.s32 v40, v41;
	v49 =	vmpcnt.ones.xlane vm14;
	v50, _, _ =	vpop (xrf0);
	v51 =	vbroadcast v10, $0xF;
	(xrf0) =	vadd.scan.msk.s32 $0xffff, v47  }
0x201: {  	v29 =	vld [tilespmem:$0xE790];
	v11 =	vadd.s32 v43, v11;
	v15 =	vperm.xlane v45, v4;
	v10 =	vadd.s32 v10, v50;
	(xrf0) =	vadd.scan.msk.s32 $0xffff, v35  }
0x202: {  	v32 =	vperm.xlane v58, v4;
	v57, _, _ =	vpop (xrf0);
	v54 =	vbroadcast v10, $0xF;
	v13 =	vadd.s32 v51, v46;
	(xrf0) =	vadd.scan.msk.s32 $0xffff, v52  }
0x203: {  	v55 =	vadd.s32 v49, v11;
	vm15 =	vgt.s32 v15, $0x3F;
	v13 =	vperm.xlane v13, v4;
	v59, _, _ =	vpop (xrf0);
	(xrf0) =	vadd.scan.msk.s32 $0xffff, v39  }
0x204: {  	v56 =	vmpcnt.ones.xlane vm15;
	v39 =	vld [tilespmem:$0xE780];
	v16 =	vadd.s32 v54, v57;
	v10 =	vadd.s32 v10, v59;
	v62, _, _ =	vpop (xrf0)  }
0x205: {  	v61 =	vperm.xlane v16, v4;
	vm4 =	vgt.s32 v13, $0x3F;
	v24 =	vbroadcast v10, $0xF;
	v25, _, _ =	vpop (xrf0);
	(xrf0) =	vadd.scan.msk.s32 $0xffff, v60  }
0x206: {  	v41 =	vperm.xlane v29, v4;
	v9 =	vadd.s32 v56, v55;
	v27 =	vmpcnt.ones.xlane vm4;
	v28, _, _ =	vpop (xrf0);
	(xrf0) =	vadd.scan.msk.s32 $0xffff, v48  }
0x207: {  	v10 =	vadd.s32 v10, v25;
	vm5 =	vgt.s32 v61, $0x3F;
	v16 =	vadd.s32 v24, v62;
	v31, _, _ =	vpop (xrf0);
	(xrf0) =	vadd.scan.msk.s32 $0xffff, v26  }
0x208: {  	v30 =	vbroadcast v10, $0xF;
	v9 =	vadd.s32 v27, v9;
	v33 =	vmpcnt.ones.xlane vm5;
	v34, _, _ =	vpop (xrf0);
	(xrf0) =	vadd.scan.msk.s32 $0xffff, v53  }
0x209: {  	v16 =	vperm.xlane v16, v4;
	v10 =	vadd.s32 v10, v31;
	v14 =	vperm.xlane v39, v4;
	v36, _, _ =	vpop (xrf0);
	(xrf0) =	vadd.scan.msk.s32 $0xffff, v32  }
0x20a: {  	v35 =	vadd.s32 v30, v28;
	v38 =	vbroadcast v10, $0xF;
	v10 =	vadd.s32 v10, v36;
	(xrf0) =	vadd.scan.msk.s32 $0xffff, v58  }
0x20b: {  	v19 =	vperm.xlane v35, v4;
	vm6 =	vgt.s32 v16, $0x3F;
	v20 =	vbroadcast v10, $0xF;
	v40, _, _ =	vpop (xrf0);
	(xrf0) =	vadd.scan.msk.s32 $0xffff, v37  }
0x20c: {  	v9 =	vadd.s32 v33, v9;
	v42 =	vmpcnt.ones.xlane vm6;
	v21 =	vadd.s32 v38, v34;
	v43, _, _ =	vpop (xrf0);
	(xrf0) =	vadd.scan.msk.s32 $0xffff, v63  }
0x20d: {  	vm7 =	vgt.s32 v19, $0x3F;
	v44 =	vperm.xlane v21, v4;
	v20 =	vadd.s32 v20, v40;
	v45, _, _ =	vpop (xrf0);
	(xrf0) =	vadd.scan.msk.s32 $0xffff, v41  }
0x20e: {  	v46 =	vmpcnt.ones.xlane vm7;
	v10 =	vadd.s32 v10, v43;
	v9 =	vadd.s32 v42, v9;
	v47, _, _ =	vpop (xrf0);
	(xrf0) =	vadd.scan.msk.s32 $0xffff, v29  }
0x20f: {  	v20 =	vperm.xlane v20, v4;
	vm8 =	vgt.s32 v44, $0x3F;
	v24 =	vbroadcast v10, $0xF;
	v48, _, _ =	vpop (xrf0)  }
0x210: {  	v50 =	vmpcnt.ones.xlane vm8;
	v9 =	vadd.s32 v46, v9;
	v49, _, _ =	vpop (xrf0)  }
0x211: {  	v10 =	vadd.s32 v10, v47;
	vm9 =	vgt.s32 v20, $0x3F;
	v21 =	vadd.s32 v24, v45;
	v52, _, _ =	vpop (xrf0);
	(xrf0) =	vadd.scan.msk.s32 $0xffff, v14  }
0x212: {  	[tilespmem:$0xE970] =	vst v5;
	v55 =	vbroadcast v10, $0xF;
	v51 =	vmpcnt.ones.xlane vm9;
	v10 =	vadd.s32 v10, v49;
	v53, _, _ =	vpop (xrf0)  }
0x213: {  	[tilespmem:$0xE960] =	vst v6;
	v9 =	vadd.s32 v50, v9;
	v21 =	vperm.xlane v21, v4;
	v6 =	vbroadcast v10, $0xF;
	v54, _, _ =	vpop (xrf0)  }
0x214: {  	[tilespmem:$0xE950] =	vst v7;
	v7 =	vadd.s32 v55, v48;
	v5 =	vadd.s32 v51, v9;
	v10 =	vadd.s32 v10, v53;
	v56, _, _ =	vpop (xrf0)  }
0x215: {  	vm10 =	vgt.s32 v21, $0x3F;
	v57 =	vbroadcast v10, $0xF;
	v10 =	vadd.s32 v10, v56  }
0x216: {  	[tilespmem:$0xE940] =	vst v8;
	v7 =	vperm.xlane v7, v4;
	v6 =	vadd.s32 v6, v52;
	v8 =	vbroadcast v10, $0xF  }
0x217: {  	[tilespmem:$0xE930] =	vst v15;
	v58 =	vmpcnt.ones.xlane vm10;
	v6 =	vperm.xlane v6, v4;
	v9 =	vadd.s32 v57, v54;
	v59, _, _ =	vpop (xrf0)  }
0x218: {  	[tilespmem:$0xE920] =	vst v13;
	vm11 =	vgt.s32 v7, $0x3F;
	v9 =	vperm.xlane v9, v4;
	v8 =	vadd.s32 v8, v59  }
0x219: {  	[tilespmem:$0xE910] =	vst v61;
	v60 =	vmpcnt.ones.xlane vm11;
	vm12 =	vgt.s32 v6, $0x3F;
	v8 =	vperm.xlane v8, v4  }
0x21a: {  	[tilespmem:$0xE900] =	vst v16;
	v5 =	vadd.s32 v58, v5;
	v61 =	vmpcnt.ones.xlane vm12;
	vm13 =	vgt.s32 v9, $0x3F  }
0x21b: {  	[tilespmem:$0xE8F0] =	vst v19;
	v5 =	vadd.s32 v60, v5;
	v62 =	vmpcnt.ones.xlane vm13;
	vm14 =	vgt.s32 v8, $0x3F  }
0x21c: {  	[tilespmem:$0xE8E0] =	vst v44;
	v5 =	vadd.s32 v61, v5;
	v63 =	vmpcnt.ones.xlane vm14  }
0x21d: {  	[tilespmem:$0xE8D0] =	vst v20;
	v5 =	vadd.s32 v62, v5  }
0x21e: {  	[tilespmem:$0xE8C0] =	vst v21;
	v5 =	vadd.s32 v63, v5  }
0x21f: {  	[tilespmem:$0xE8B0] =	vst v7;
	v5 =	vshll.u32 v5, $0x18  }
0x220: {  	[tilespmem:$0xE8A0] =	vst v6;
	v6 =	vadd.s32 $0xFF000000, v5  }
0x221: {  	[tilespmem:$0xE890] =	vst v9;
	v7 =	vadd.s32 $0x7F000000, v5;
	v5 =	vsub.s32 $0xFFFFFF, v5;
	vm15 =	vlt.s32 v6, $0x0  }
0x222: {  	s0 =	simm.s32 $0x0;
	s1 =	simm.s32 $0x10;
	[tilespmem:$0xE880] =	vst v8;
	v6 =	vimm.s32 $0x0;
	v5 =	vsel vm15, v7, v5;
	v7 =	vimm.s32 $0x0  }
.LBB2_9:
0x223: {  	s4 =	sadd.s32 $0x1000, s0  }
0x224: {  	v8 =	vld [tilespmem:s1+$0xFFFFFFF0];
	s23 =	sand.u32 $0x60, s0;
	s9 =	sand.u32 $0x1F80, s4  }
0x225: {  	s9 =	sor.u32 s23, s9  }
0x226: {  	v9 =	vld [tilespmem:s9+$0x0];
	_ =	sdelay $0x2  }
0x227: {  	vm0 =	vge.f32 v8, v5  }
0x228: {  	v10 =	vsel vm0, $0x1, v1  }
0x229: {  	(xrf0) =	vadd.scan.msk.s32 $0xffff, v10;
	vm1 =	vge.f32 v9, v5  }
0x22a: {  	v55 =	vsel vm1, $0x1, v1  }
0x22b: {  	(xrf0) =	vadd.scan.msk.s32 $0xffff, v55;
	_ =	sdelay $0x3  }
0x22c: {  	v56, _, _ =	vpop (xrf0)  }
0x22d: {  	v10 =	vadd.s32 v56, v7  }
0x22e: {  	v10 =	vadd.s32 $0xFFFFFFFF, v10;
	v11, _, _ =	vpop (xrf0)  }
0x22f: {  	v11 =	vadd.s32 v11, v6  }
0x230: {  	v11 =	vadd.s32 $0xFFFFFFFF, v11;
	_ =	sdelay $0x2  }
0x231: {  	[tilespmem:v10+s16+$0x0] =	vst.idx.msk vm0, v8;
	v8 =	vor.u32 s0, v0  }
0x232: {  	[tilespmem:v10+s17+$0x0] =	vst.idx.msk vm0, v8  }
0x233: {  	v8 =	vor.u32 s4, v0;
	[tilespmem:v11+s18+$0x0] =	vst.idx.msk vm1, v9  }
0x234: {  	[tilespmem:v11+s19+$0x0] =	vst.idx.msk vm1, v8  }
0x235: {  	v8 =	vld [tilespmem:s1+$0x0];
	_ =	sdelay $0x1  }
0x236: {  	v9 =	vld [tilespmem:s1+$0x1000];
	_ =	sdelay $0x2  }
0x237: {  	vm2 =	vge.f32 v8, v5  }
0x238: {  	v57 =	vsel vm2, $0x1, v1  }
0x239: {  	vm3 =	vge.f32 v9, v5;
	(xrf0) =	vadd.scan.msk.s32 $0xffff, v57  }
0x23a: {  	v58 =	vsel vm3, $0x1, v1  }
0x23b: {  	(xrf0) =	vadd.scan.msk.s32 $0xffff, v58;
	_ =	sdelay $0x1  }
0x23c: {  	v59 =	vmpcnt.ones.xlane vm0;
	_ =	sdelay $0x1  }
0x23d: {  	v12 =	vmpcnt.ones.xlane vm1;
	v7 =	vadd.s32 v7, v59;
	v60, _, _ =	vpop (xrf0)  }
0x23e: {  	v10 =	vadd.s32 v60, v7  }
0x23f: {  	v6 =	vadd.s32 v6, v12;
	v61, _, _ =	vpop (xrf0);
	v10 =	vadd.s32 $0xFFFFFFFF, v10  }
0x240: {  	v11 =	vadd.s32 v61, v6  }
0x241: {  	v11 =	vadd.s32 $0xFFFFFFFF, v11  }
0x242: {  	p0 =	sne.s32 s0, $0xFE0  }
.Ltmp6:
0x243: {  	s30 =	sadd.s32 $0x10, s0;
	(pc) =	sbr.rel @p0 .LBB2_9-.Ltmp6, $4  }
0x244: {  	[tilespmem:v10+s16+$0x0] =	vst.idx.msk vm2, v8;
	v8 =	vor.u32 s30, v0  }
0x245: {  	s31 =	sadd.s32 $0x1010, s0;
	v62 =	vmpcnt.ones.xlane vm3;
	[tilespmem:v10+s17+$0x0] =	vst.idx.msk vm2, v8;
	v8 =	vmpcnt.ones.xlane vm2  }
0x246: {  	v63 =	vor.u32 s31, v0;
	[tilespmem:v11+s18+$0x0] =	vst.idx.msk vm3, v9  }
0x247: {  	s0 =	sadd.s32 $0x20, s0;
	s1 =	sadd.s32 $0x20, s1;
	v6 =	vadd.s32 v6, v62;
	[tilespmem:v11+s19+$0x0] =	vst.idx.msk vm3, v63;
	v7 =	vadd.s32 v7, v8  }
0x248: {  	v8 =	vxor.u32 $0x80000000, v7;
	v5 =	vadd.s32 v7, v6  }
0x249: {  	(xrf0) =	vmax.scan.msk.u32 $0xffff, v8;
	v7 =	vxor.u32 $0x80000000, v5  }
0x24a: {  	v6 =	vxor.u32 $0x80000000, v6;
	(xrf0) =	vmax.scan.msk.u32 $0xffff, v7  }
0x24b: {  	(xrf0) =	vmax.scan.msk.u32 $0xffff, v6;
	_ =	sdelay $0x3  }
0x24c: {  	v6, _, _ =	vpop (xrf0)  }
0x24d: {  	v7, _, _ =	vpop (xrf0);
	(v2sf) =	vpush v6, $0xF  }
0x24e: {  	(v2sf) =	vpush v7, $0xF;
	v6, _, _ =	vpop (xrf0)  }
0x24f: {  	(v2sf) =	vpush v6, $0xF;
	_ =	sdelay $0xc  }
0x250: {  	s1 =	spop (v2sf)  }
0x251: {  	s0 =	spop (v2sf)  }
0x252: {  	s4 =	spop (v2sf)  }
0x253: {  	s4 =	sadd.s32 $0x8000000F, s4  }
0x254: {  	s9 =	sand.u32 $0xF, s4  }
0x255: {  	s31 =	sshra.s32 s4, $0x1F;
	p1 =	slt.s32 s4, $0x1;
	p0 =	sne.s32 s9, $0x0  }
0x256: {  	s9 =	sshrl.u32 s31, $0x1C;
	p0 =	por !p1, !p0  }
0x257: {  	s4 =	sadd.s32 s9, s4;
	s9 =	simm.s32 $0x1;
	p0 =	por !p0, !p0  }
0x258: {  	s4 =	sshra.s32 s4, $0x4;
	s9 =	simm.s32 @!p0 $0x0  }
0x259: {  	s4 =	ssub.s32 s4, s9  }
0x25a: {  	p0 =	slt.s32 s4, $0x1  }
.Ltmp7:
0x25b: {  	_ = 	snop;
	(pc) =	sbr.rel @p0 .LBB2_13-.Ltmp7, $1  }
0x25c: {  	_ =	sdelay $0x3  }
0x25d: {  	p1 =	seq.s32 s4, $0x1  }
.Ltmp8:
0x25e: {  	_ = 	snop;
	(pc) =	sbr.rel @p1 .LBB2_12-.Ltmp8, $4  }
0x25f: {  	_ = 	snop  }
0x260: {  	s1 =	sshll.u32 s1, $0x2;
	s23 =	simm.s32 $0xC780  }
0x261: {  	s24 =	simm.s32 $0xD780;
	s4 =	sadd.s32 $0xFFFFFFFF, s4;
	s1 =	sshra.s32 s1, $0x2  }
0x262: {  	p0 =	por $0x0, $0x0;
	v6 =	vld [tilespmem:s23+$0x0];
	s9 =	sadd.s32 $0x2000, s1;
	s1 =	sadd.s32 $0x6100, s1  }
0x263: {  	_ =	sdelay $0x3  }
0x264: {  	[tilespmem:s9+$0x0] =	vst v6  }
0x265: {  	v6 =	vld [tilespmem:s24+$0x0]  }
0x266: {  	p1 =	seq.s32 s4, $0x1  }
.Ltmp9:
0x267: {  	_ = 	snop;
	(pc) =	sbr.rel @p1 .LBB2_17-.Ltmp9, $3  }
0x268: {  	_ =	sdelay $0x1  }
0x269: {  	s29 =	simm.s32 $0xC790;
	s4 =	sadd.s32 $0xFFFFFFFF, s4;
	p0 =	por $0x1, $0x1;
	[tilespmem:s1+$0x0] =	vst v6  }
0x26a: {  	s23 =	smov.u32 s9;
	s31 =	simm.s32 $0xD780;
	s30 =	smov.u32 s1;
	v6 =	vld [tilespmem:s29+$0x0]  }
.LBB2_18:
0x26b: {  	p1 =	seq.s32 s4, $0x1;
	_ =	sdelay $0x2  }
0x26c: {  	s23 =	sadd.s32 $0x10, s23  }
0x26d: {  	s31 =	sadd.s32 $0x10, s31;
	[tilespmem:s23+$0x0] =	vst v6  }
0x26e: {  	v6 =	vld [tilespmem:s31+$0x0];
	_ =	sdelay $0x1  }
.Ltmp10:
0x26f: {  	(pc) =	sbr.rel @!p1 .LBB2_18-.Ltmp10, $4  }
0x270: {  	_ = 	snop  }
0x271: {  	s30 =	sadd.s32 $0x10, s30  }
0x272: {  	s29 =	sadd.s32 $0x10, s29;
	[tilespmem:s30+$0x0] =	vst v6  }
0x273: {  	s4 =	sadd.s32 $0xFFFFFFFF, s4;
	v6 =	vld [tilespmem:s29+$0x0]  }
.LBB2_19:
0x274: {  	_ =	sdelay $0x1  }
0x275: {  	s4 =	sadd.s32 @p0 $0x10, s23  }
0x276: {  	s9 =	smov.u32 @p0 s4;
	s4 =	sadd.s32 @p0 $0x10, s31  }
0x277: {  	s24 =	smov.u32 @p0 s4;
	[tilespmem:s9+$0x0] =	vst v6  }
0x278: {  	v6 =	vld [tilespmem:s24+$0x0];
	_ =	sdelay $0x2  }
0x279: {  	s4 =	sadd.s32 @p0 $0x10, s30  }
0x27a: {  	s1 =	smov.u32 @p0 s4  }
0x27b: {  	[tilespmem:s1+$0x0] =	vst v6  }
.LBB2_13:
0x27c: {  	s0 =	sadd.s32 $0x8000000F, s0  }
0x27d: {  	s1 =	sand.u32 $0xF, s0  }
0x27e: {  	s4 =	sshra.s32 s0, $0x1F;
	p0 =	slt.s32 s0, $0x1;
	p1 =	sne.s32 s1, $0x0  }
0x27f: {  	s31 =	sshrl.u32 s4, $0x1C;
	p0 =	por !p0, !p1  }
0x280: {  	s1 =	simm.s32 $0x1;
	s0 =	sadd.s32 s31, s0;
	p0 =	por !p0, !p0  }
0x281: {  	s0 =	sshra.s32 s0, $0x4;
	s1 =	simm.s32 @!p0 $0x0  }
0x282: {  	s30 =	ssub.s32 s0, s1  }
0x283: {  	p0 =	sgt.s32 s30, $0x0  }
.Ltmp11:
0x284: {  	_ = 	snop;
	(pc) =	sbr.rel @!p0 .LBB2_24-.Ltmp11, $1  }
0x285: {  	_ =	sdelay $0x3  }
0x286: {  	p1 =	sne.s32 s30, $0x1  }
.Ltmp12:
0x287: {  	_ = 	snop;
	(pc) =	sbr.rel @!p1 .LBB2_15-.Ltmp12, $3  }
0x288: {  	_ =	sdelay $0x1  }
0x289: {  	s4 =	simm.s32 $0x2000;
	s0 =	simm.s32 $0x4080  }
0x28a: {  	s1 =	simm.s32 $0x0;
	p0 =	por $0x0, $0x0;
	v6 =	vld [tilespmem:s4+$0x0];
	s4 =	sadd.s32 $0xFFFFFFFF, s30  }
0x28b: {  	_ =	sdelay $0x3  }
0x28c: {  	v7 =	vshra.s32 v6, $0x1F  }
0x28d: {  	v7 =	vor.u32 $0x80000000, v7  }
0x28e: {  	v6 =	vxor.u32 v6, v7;
	v7 =	vor.u32 s1, v0  }
0x28f: {  	vm0 =	vlt.s32 v7, v5;
	v7 =	vshrl.u32 v6, $0x18  }
0x290: {  	v7 =	vadd.s32 v2, v7  }
0x291: {  	p1 =	sne.s32 s4, $0x1  }
.Ltmp13:
0x292: {  	_ = 	snop;
	(pc) =	sbr.rel @!p1 .LBB2_21-.Ltmp13, $4  }
0x293: {  	_ = 	snop  }
0x294: {  	[tilespmem:s0+$0x0] =	vst v6  }
0x295: {  	s31 =	simm.s32 $0x2010;
	s23 =	sadd.s32 $0xFFFFFFFF, s4;
	[tilespmem:v7+s12+$0x0] =	vst.idx.add.s32.msk vm0, v3  }
0x296: {  	p0 =	por $0x1, $0x1;
	s24 =	simm.s32 $0x0;
	s9 =	simm.s32 $0x4080;
	v6 =	vld [tilespmem:s31+$0x0]  }
.LBB2_22:
0x297: {  	p1 =	sne.s32 s23, $0x1;
	_ =	sdelay $0x3  }
0x298: {  	v7 =	vshra.s32 v6, $0x1F  }
0x299: {  	s24 =	sadd.s32 $0x10, s24;
	v7 =	vor.u32 $0x80000000, v7  }
0x29a: {  	s9 =	sadd.s32 $0x10, s9;
	v6 =	vxor.u32 v6, v7;
	v7 =	vor.u32 s24, v0  }
0x29b: {  	[tilespmem:s9+$0x0] =	vst v6;
	vm0 =	vlt.s32 v7, v5;
	v6 =	vshrl.u32 v6, $0x18  }
0x29c: {  	v6 =	vadd.s32 v2, v6;
	_ =	sdelay $0x1  }
.Ltmp14:
0x29d: {  	(pc) =	sbr.rel @p1 .LBB2_22-.Ltmp14, $3  }
0x29e: {  	_ =	sdelay $0x1  }
0x29f: {  	s31 =	sadd.s32 $0x10, s31;
	[tilespmem:v6+s12+$0x0] =	vst.idx.add.s32.msk vm0, v3  }
0x2a0: {  	s23 =	sadd.s32 $0xFFFFFFFF, s23;
	v6 =	vld [tilespmem:s31+$0x0]  }
.LBB2_23:
0x2a1: {  	_ =	sdelay $0x3  }
0x2a2: {  	s4 =	sadd.s32 @p0 $0x10, s24;
	v7 =	vshra.s32 v6, $0x1F  }
0x2a3: {  	s1 =	smov.u32 @p0 s4;
	v7 =	vor.u32 $0x80000000, v7  }
0x2a4: {  	v6 =	vxor.u32 v6, v7;
	v7 =	vor.u32 s1, v0  }
0x2a5: {  	vm0 =	vlt.s32 v7, v5;
	v7 =	vshrl.u32 v6, $0x18  }
0x2a6: {  	v7 =	vadd.s32 v2, v7;
	_ =	sdelay $0x1  }
0x2a7: {  	s1 =	sadd.s32 @p0 $0x10, s9  }
0x2a8: {  	s0 =	smov.u32 @p0 s1  }
0x2a9: {  	[tilespmem:s0+$0x0] =	vst v6  }
0x2aa: {  	[tilespmem:v7+s12+$0x0] =	vst.idx.add.s32.msk vm0, v3  }
.LBB2_24:
0x2ab: {  	s1 =	simm.s32 $0x0  }
0x2ac: {  	v6 =	vld [tilespmem:s1+$0x8180];
	[tilespmem:s1+$0x8180] =	vst v1  }
0x2ad: {  	v7 =	vld [tilespmem:s1+$0x8291];
	[tilespmem:s1+$0x8291] =	vst v1  }
0x2ae: {  	v8 =	vld [tilespmem:s1+$0x83A2];
	[tilespmem:s1+$0x83A2] =	vst v1  }
0x2af: {  	v9 =	vld [tilespmem:s1+$0x84B3];
	[tilespmem:s1+$0x84B3] =	vst v1  }
0x2b0: {  	v10 =	vld [tilespmem:s1+$0x85C4];
	[tilespmem:s1+$0x85C4] =	vst v1  }
0x2b1: {  	v11 =	vld [tilespmem:s1+$0x86D5];
	[tilespmem:s1+$0x86D5] =	vst v1  }
0x2b2: {  	v12 =	vld [tilespmem:s1+$0x87E6];
	[tilespmem:s1+$0x87E6] =	vst v1  }
0x2b3: {  	v13 =	vld [tilespmem:s1+$0x88F7];
	[tilespmem:s1+$0x88F7] =	vst v1  }
0x2b4: {  	v14 =	vld [tilespmem:s1+$0x8A08];
	[tilespmem:s1+$0x8A08] =	vst v1  }
0x2b5: {  	v15 =	vld [tilespmem:s1+$0x8B19];
	[tilespmem:s1+$0x8B19] =	vst v1  }
0x2b6: {  	v16 =	vld [tilespmem:s1+$0x8C2A];
	[tilespmem:s1+$0x8C2A] =	vst v1  }
0x2b7: {  	v17 =	vld [tilespmem:s1+$0x8D3B];
	[tilespmem:s1+$0x8D3B] =	vst v1  }
0x2b8: {  	v18 =	vld [tilespmem:s1+$0x8E4C];
	[tilespmem:s1+$0x8E4C] =	vst v1  }
0x2b9: {  	v19 =	vld [tilespmem:s1+$0x8F5D];
	[tilespmem:s1+$0x8F5D] =	vst v1  }
0x2ba: {  	v20 =	vld [tilespmem:s1+$0x906E];
	[tilespmem:s1+$0x906E] =	vst v1  }
0x2bb: {  	s0 =	simm.s32 $0x10;
	v21 =	vld [tilespmem:s1+$0x917F];
	[tilespmem:s1+$0x917F] =	vst v1;
	v6 =	vadd.s32 v6, v7  }
0x2bc: {  	v22 =	vld [tilespmem:s0+$0x8180];
	v6 =	vadd.s32 v8, v6  }
0x2bd: {  	v23 =	vld [tilespmem:s0+$0x8291];
	v6 =	vadd.s32 v9, v6  }
0x2be: {  	[tilespmem:s0+$0x8180] =	vst v1;
	v24 =	vld [tilespmem:s0+$0x83A2];
	v6 =	vadd.s32 v10, v6  }
0x2bf: {  	[tilespmem:s0+$0x8291] =	vst v1;
	v25 =	vld [tilespmem:s0+$0x84B3];
	v6 =	vadd.s32 v11, v6  }
0x2c0: {  	[tilespmem:s0+$0x83A2] =	vst v1;
	v26 =	vld [tilespmem:s0+$0x85C4];
	v7 =	vadd.s32 v12, v6  }
0x2c1: {  	[tilespmem:s0+$0x84B3] =	vst v1;
	v27 =	vld [tilespmem:s0+$0x86D5];
	v7 =	vadd.s32 v13, v7  }
0x2c2: {  	[tilespmem:s0+$0x85C4] =	vst v1;
	v10 =	vadd.s32 v22, v23;
	v8 =	vadd.s32 v14, v7  }
0x2c3: {  	[tilespmem:s0+$0x86D5] =	vst v1;
	v28 =	vld [tilespmem:s0+$0x87E6];
	v10 =	vadd.s32 v24, v10;
	v8 =	vadd.s32 v15, v8  }
0x2c4: {  	[tilespmem:s0+$0x87E6] =	vst v1;
	v6 =	vld [tilespmem:s0+$0x88F7];
	v10 =	vadd.s32 v25, v10;
	v9 =	vadd.s32 v16, v8  }
0x2c5: {  	[tilespmem:s0+$0x88F7] =	vst v1;
	v10 =	vadd.s32 v26, v10;
	v7 =	vld [tilespmem:s0+$0x8A08];
	v9 =	vadd.s32 v17, v9  }
0x2c6: {  	[tilespmem:s0+$0x8A08] =	vst v1;
	v12 =	vadd.s32 v27, v10;
	v10 =	vld [tilespmem:s0+$0x8D3B];
	v11 =	vadd.s32 v18, v9  }
0x2c7: {  	[tilespmem:s0+$0x8D3B] =	vst v1;
	v8 =	vld [tilespmem:s0+$0x8B19];
	v11 =	vadd.s32 v19, v11  }
0x2c8: {  	[tilespmem:s0+$0x8B19] =	vst v1;
	v9 =	vld [tilespmem:s0+$0x8C2A];
	v11 =	vadd.s32 v20, v11  }
0x2c9: {  	s31 =	simm.s32 $0x80;
	s9 =	simm.s32 $0xC0;
	v12 =	vadd.s32 v28, v12;
	[tilespmem:s0+$0x8C2A] =	vst v1;
	v11 =	vadd.s32 v21, v11  }
.LBB2_25:
0x2ca: {  	p0 =	sne.s32 s9, $0x3C0;
	v6 =	vadd.s32 v6, v12;
	v12 =	vld [tilespmem:s0+$0x8E4C];
	[tilespmem:s0+$0x8E4C] =	vst v1  }
0x2cb: {  	v6 =	vadd.s32 v7, v6;
	v7 =	vld [tilespmem:s0+$0x8F5D];
	[tilespmem:s0+$0x8F5D] =	vst v1  }
0x2cc: {  	v6 =	vadd.s32 v8, v6;
	v8 =	vld [tilespmem:s0+$0x906E];
	[tilespmem:s0+$0x906E] =	vst v1  }
0x2cd: {  	v6 =	vadd.s32 v9, v6;
	v9 =	vld [tilespmem:s0+$0x917F];
	[tilespmem:s0+$0x917F] =	vst v1  }
0x2ce: {  	v6 =	vadd.s32 v10, v6;
	[tilespmem:s1+$0xE780] =	vst v11;
	s1 =	smov.u32 s0;
	s0 =	sshra.s32 s31, $0x2;
	s31 =	smov.u32 s9  }
0x2cf: {  	v10 =	vld [tilespmem:s0+$0x8180];
	[tilespmem:s0+$0x8180] =	vst v1;
	v6 =	vadd.s32 v12, v6  }
0x2d0: {  	v12 =	vld [tilespmem:s0+$0x8291];
	[tilespmem:s0+$0x8291] =	vst v1;
	v6 =	vadd.s32 v7, v6  }
0x2d1: {  	v7 =	vld [tilespmem:s0+$0x83A2];
	[tilespmem:s0+$0x83A2] =	vst v1;
	v6 =	vadd.s32 v8, v6  }
0x2d2: {  	v8 =	vld [tilespmem:s0+$0x84B3];
	[tilespmem:s0+$0x84B3] =	vst v1;
	v11 =	vadd.s32 v9, v6  }
0x2d3: {  	v9 =	vld [tilespmem:s0+$0x85C4];
	[tilespmem:s0+$0x85C4] =	vst v1  }
0x2d4: {  	v13 =	vld [tilespmem:s0+$0x86D5];
	[tilespmem:s0+$0x86D5] =	vst v1  }
0x2d5: {  	v6 =	vadd.s32 v10, v12;
	v10 =	vld [tilespmem:s0+$0x87E6];
	[tilespmem:s0+$0x87E6] =	vst v1  }
.Ltmp15:
0x2d6: {  	v7 =	vadd.s32 v7, v6;
	v6 =	vld [tilespmem:s0+$0x88F7];
	[tilespmem:s0+$0x88F7] =	vst v1;
	(pc) =	sbr.rel @p0 .LBB2_25-.Ltmp15, $4  }
0x2d7: {  	v8 =	vadd.s32 v8, v7;
	v7 =	vld [tilespmem:s0+$0x8A08];
	[tilespmem:s0+$0x8A08] =	vst v1  }
0x2d8: {  	v9 =	vadd.s32 v9, v8;
	v8 =	vld [tilespmem:s0+$0x8B19];
	[tilespmem:s0+$0x8B19] =	vst v1  }
0x2d9: {  	v12 =	vadd.s32 v13, v9;
	v9 =	vld [tilespmem:s0+$0x8C2A];
	[tilespmem:s0+$0x8C2A] =	vst v1  }
0x2da: {  	s9 =	sadd.s32 $0x40, s9;
	v12 =	vadd.s32 v10, v12;
	v10 =	vld [tilespmem:s0+$0x8D3B];
	[tilespmem:s0+$0x8D3B] =	vst v1  }
0x2db: {  	v13 =	vld [tilespmem:s0+$0x8E4C];
	[tilespmem:s0+$0x8E4C] =	vst v1  }
0x2dc: {  	v14 =	vld [tilespmem:s0+$0x8F5D];
	[tilespmem:s0+$0x8F5D] =	vst v1  }
0x2dd: {  	v15 =	vld [tilespmem:s0+$0x906E];
	[tilespmem:s0+$0x906E] =	vst v1  }
0x2de: {  	v16 =	vld [tilespmem:s0+$0x917F];
	[tilespmem:s0+$0x917F] =	vst v1  }
0x2df: {  	s4 =	sshra.s32 s31, $0x2;
	[tilespmem:s1+$0xE780] =	vst v11  }
0x2e0: {  	v11 =	vld [tilespmem:s4+$0x8180]  }
0x2e1: {  	v17 =	vld [tilespmem:s4+$0x8291]  }
0x2e2: {  	v18 =	vld [tilespmem:s4+$0x83A2]  }
0x2e3: {  	v19 =	vld [tilespmem:s4+$0x84B3]  }
0x2e4: {  	[tilespmem:s4+$0x8180] =	vst v1;
	v20 =	vld [tilespmem:s4+$0x85C4]  }
0x2e5: {  	[tilespmem:s4+$0x8291] =	vst v1;
	v21 =	vld [tilespmem:s4+$0x86D5]  }
0x2e6: {  	[tilespmem:s4+$0x83A2] =	vst v1;
	v38 =	vld [tilespmem:s4+$0x87E6];
	v11 =	vadd.s32 v11, v17  }
0x2e7: {  	[tilespmem:s4+$0x84B3] =	vst v1;
	v39 =	vld [tilespmem:s4+$0x88F7];
	v11 =	vadd.s32 v18, v11  }
0x2e8: {  	[tilespmem:s4+$0x85C4] =	vst v1;
	v40 =	vld [tilespmem:s4+$0x8A08];
	v11 =	vadd.s32 v19, v11  }
0x2e9: {  	[tilespmem:s4+$0x86D5] =	vst v1;
	v41 =	vld [tilespmem:s4+$0x8B19];
	v11 =	vadd.s32 v20, v11  }
0x2ea: {  	[tilespmem:s4+$0x87E6] =	vst v1;
	v42 =	vld [tilespmem:s4+$0x8C2A];
	v11 =	vadd.s32 v21, v11  }
0x2eb: {  	v6 =	vadd.s32 v6, v12;
	[tilespmem:s4+$0x88F7] =	vst v1;
	v43 =	vld [tilespmem:s4+$0x8D3B];
	v11 =	vadd.s32 v38, v11  }
0x2ec: {  	v6 =	vadd.s32 v7, v6;
	[tilespmem:s4+$0x8A08] =	vst v1;
	v7 =	vadd.s32 v39, v11;
	v11 =	vld [tilespmem:s4+$0x8E4C]  }
0x2ed: {  	v6 =	vadd.s32 v8, v6;
	[tilespmem:s4+$0x8B19] =	vst v1;
	v8 =	vld [tilespmem:s4+$0x8F5D];
	v7 =	vadd.s32 v40, v7  }
0x2ee: {  	[tilespmem:s4+$0x8C2A] =	vst v1;
	v6 =	vadd.s32 v9, v6;
	v9 =	vld [tilespmem:s4+$0x906E];
	v7 =	vadd.s32 v41, v7  }
0x2ef: {  	[tilespmem:s4+$0x8D3B] =	vst v1;
	v6 =	vadd.s32 v10, v6;
	v10 =	vld [tilespmem:s4+$0x917F];
	v7 =	vadd.s32 v42, v7  }
0x2f0: {  	[tilespmem:s4+$0x8F5D] =	vst v1;
	v6 =	vadd.s32 v13, v6;
	v7 =	vadd.s32 v43, v7  }
0x2f1: {  	[tilespmem:s4+$0x906E] =	vst v1;
	v6 =	vadd.s32 v14, v6;
	v7 =	vadd.s32 v11, v7  }
0x2f2: {  	[tilespmem:s4+$0x917F] =	vst v1;
	v6 =	vadd.s32 v15, v6;
	v7 =	vadd.s32 v8, v7  }
0x2f3: {  	v6 =	vadd.s32 v16, v6;
	[tilespmem:s4+$0x8E4C] =	vst v1;
	v7 =	vadd.s32 v9, v7  }
0x2f4: {  	[tilespmem:s0+$0xE780] =	vst v6;
	v6 =	vadd.s32 v10, v7  }
0x2f5: {  	[tilespmem:s4+$0xE780] =	vst v6  }
0x2f6: {  	v6 =	vld [tilespmem:$0xE870];
	_ =	sdelay $0x1  }
0x2f7: {  	v7 =	vld [tilespmem:$0xE860];
	_ =	sdelay $0x1  }
0x2f8: {  	v8 =	vld [tilespmem:$0xE850]  }
0x2f9: {  	v9 =	vperm.xlane v6, v4  }
0x2fa: {  	v10 =	vld [tilespmem:$0xE840]  }
0x2fb: {  	(xrf0) =	vadd.scan.msk.s32 $0xffff, v9;
	v9 =	vperm.xlane v7, v4  }
0x2fc: {  	(xrf0) =	vadd.scan.msk.s32 $0xffff, v6;
	v6 =	vld [tilespmem:$0xE830]  }
0x2fd: {  	(xrf0) =	vadd.scan.msk.s32 $0xffff, v9;
	v9 =	vperm.xlane v8, v4  }
0x2fe: {  	(xrf0) =	vadd.scan.msk.s32 $0xffff, v7;
	v7 =	vld [tilespmem:$0xE820]  }
0x2ff: {  	(xrf0) =	vadd.scan.msk.s32 $0xffff, v9;
	v9 =	vperm.xlane v10, v4  }
0x300: {  	(xrf0) =	vadd.scan.msk.s32 $0xffff, v8;
	v8 =	vld [tilespmem:$0xE810]  }
0x301: {  	v11, _, _ =	vpop (xrf0);
	(xrf0) =	vadd.scan.msk.s32 $0xffff, v9;
	v9 =	vperm.xlane v6, v4  }
0x302: {  	v44, _, _ =	vpop (xrf0);
	(xrf0) =	vadd.scan.msk.s32 $0xffff, v10;
	v10 =	vld [tilespmem:$0xE800]  }
0x303: {  	v45, _, _ =	vpop (xrf0);
	(xrf0) =	vadd.scan.msk.s32 $0xffff, v9;
	v9 =	vperm.xlane v7, v4  }
0x304: {  	v46, _, _ =	vpop (xrf0);
	(xrf0) =	vadd.scan.msk.s32 $0xffff, v6;
	v6 =	vld [tilespmem:$0xE7F0]  }
0x305: {  	v47, _, _ =	vpop (xrf0);
	(xrf0) =	vadd.scan.msk.s32 $0xffff, v9;
	v9 =	vperm.xlane v8, v4  }
0x306: {  	v48, _, _ =	vpop (xrf0);
	(xrf0) =	vadd.scan.msk.s32 $0xffff, v7;
	v7 =	vld [tilespmem:$0xE7E0]  }
0x307: {  	v49, _, _ =	vpop (xrf0);
	(xrf0) =	vadd.scan.msk.s32 $0xffff, v9;
	v9 =	vperm.xlane v10, v4  }
0x308: {  	v11 =	vperm.xlane v11, v4;
	v12 =	vadd.s32 v44, v46;
	v50, _, _ =	vpop (xrf0);
	(xrf0) =	vadd.scan.msk.s32 $0xffff, v8;
	v8 =	vld [tilespmem:$0xE7D0]  }
0x309: {  	v26 =	vbroadcast v12, $0xF;
	v12 =	vadd.s32 v12, v48;
	v51, _, _ =	vpop (xrf0);
	(xrf0) =	vadd.scan.msk.s32 $0xffff, v9;
	v9 =	vperm.xlane v6, v4  }
0x30a: {  	v25 =	vbroadcast v44, $0xF;
	vm0 =	vgt.s32 v11, $0x3F;
	v56 =	vbroadcast v12, $0xF;
	v52, _, _ =	vpop (xrf0);
	(xrf0) =	vadd.scan.msk.s32 $0xffff, v10;
	v10 =	vld [tilespmem:$0xE7C0]  }
0x30b: {  	v34 =	vmpcnt.ones.xlane vm0;
	v15 =	vadd.s32 v26, v47;
	v53, _, _ =	vpop (xrf0);
	(xrf0) =	vadd.scan.msk.s32 $0xffff, v9;
	v9 =	vperm.xlane v7, v4  }
0x30c: {  	v12 =	vadd.s32 v12, v50;
	v15 =	vperm.xlane v15, v4;
	v13 =	vadd.s32 v56, v49;
	v22, _, _ =	vpop (xrf0);
	(xrf0) =	vadd.scan.msk.s32 $0xffff, v6;
	v6 =	vld [tilespmem:$0xE7B0]  }
0x30d: {  	v59 =	vadd.s32 v12, v52;
	v12 =	vbroadcast v12, $0xF;
	v23, _, _ =	vpop (xrf0);
	(xrf0) =	vadd.scan.msk.s32 $0xffff, v9;
	v9 =	vperm.xlane v8, v4  }
0x30e: {  	vm14 =	vgt.s32 v15, $0x3F;
	v13 =	vperm.xlane v13, v4;
	v61 =	vbroadcast v59, $0xF;
	v24, _, _ =	vpop (xrf0);
	(xrf0) =	vadd.scan.msk.s32 $0xffff, v7;
	v7 =	vld [tilespmem:$0xE7A0]  }
0x30f: {  	v47 =	vmpcnt.ones.xlane vm14;
	v54, _, _ =	vpop (xrf0);
	(xrf0) =	vadd.scan.msk.s32 $0xffff, v9;
	v9 =	vperm.xlane v10, v4  }
0x310: {  	v17 =	vadd.s32 v59, v22;
	v12 =	vadd.s32 v12, v51;
	v63 =	vadd.s32 v61, v53;
	v55, _, _ =	vpop (xrf0);
	(xrf0) =	vadd.scan.msk.s32 $0xffff, v8  }
0x311: {  	v12 =	vperm.xlane v12, v4;
	v8 =	vadd.s32 v25, v45;
	v57, _, _ =	vpop (xrf0);
	(xrf0) =	vadd.scan.msk.s32 $0xffff, v9;
	v9 =	vperm.xlane v6, v4  }
0x312: {  	vm15 =	vgt.s32 v13, $0x3F;
	v19 =	vperm.xlane v63, v4;
	v8 =	vperm.xlane v8, v4;
	v58, _, _ =	vpop (xrf0);
	(xrf0) =	vadd.scan.msk.s32 $0xffff, v10  }
0x313: {  	v49 =	vmpcnt.ones.xlane vm15;
	vm4 =	vgt.s32 v12, $0x3F;
	v10 =	vld [tilespmem:$0xE790];
	v60, _, _ =	vpop (xrf0);
	(xrf0) =	vadd.scan.msk.s32 $0xffff, v9;
	v9 =	vperm.xlane v7, v4  }
0x314: {  	v50 =	vmpcnt.ones.xlane vm4;
	vm5 =	vgt.s32 v19, $0x3F;
	vm13 =	vgt.s32 v8, $0x3F;
	v62, _, _ =	vpop (xrf0);
	(xrf0) =	vadd.scan.msk.s32 $0xffff, v6  }
0x315: {  	v44 =	vmpcnt.ones.xlane vm13;
	v6, _, _ =	vpop (xrf0);
	(xrf0) =	vadd.scan.msk.s32 $0xffff, v9;
	v9 =	vadd.s32 v17, v24;
	v17 =	vbroadcast v17, $0xF  }
0x316: {  	v51 =	vmpcnt.ones.xlane vm5;
	v28 =	vbroadcast v9, $0xF  }
0x317: {  	v9 =	vadd.s32 v9, v55;
	v16 =	vadd.s32 v44, v34;
	v17 =	vadd.s32 v17, v23  }
0x318: {  	v30 =	vperm.xlane v10, v4;
	v32 =	vbroadcast v9, $0xF;
	v9 =	vadd.s32 v9, v58  }
0x319: {  	v29, _, _ =	vpop (xrf0);
	v16 =	vadd.s32 v47, v16;
	v14 =	vadd.s32 v28, v54;
	v22 =	vadd.s32 v9, v62  }
0x31a: {  	(xrf0) =	vadd.scan.msk.s32 $0xffff, v7;
	v7, _, _ =	vpop (xrf0);
	v9 =	vbroadcast v9, $0xF;
	v17 =	vperm.xlane v17, v4;
	v16 =	vadd.s32 v49, v16  }
0x31b: {  	v31, _, _ =	vpop (xrf0);
	v21 =	vadd.s32 v32, v57;
	v24 =	vadd.s32 v22, v29;
	v36 =	vbroadcast v22, $0xF  }
0x31c: {  	v48 =	vld [tilespmem:$0xE780];
	v33, _, _ =	vpop (xrf0);
	v14 =	vperm.xlane v14, v4;
	v16 =	vadd.s32 v50, v16;
	v9 =	vadd.s32 v9, v60  }
0x31d: {  	(xrf0) =	vadd.scan.msk.s32 $0xffff, v30;
	v35, _, _ =	vpop (xrf0);
	v37 =	vadd.s32 v24, v31;
	v24 =	vbroadcast v24, $0xF;
	vm6 =	vgt.s32 v17, $0x3F  }
0x31e: {  	v21 =	vperm.xlane v21, v4;
	v16 =	vadd.s32 v51, v16;
	v25 =	vadd.s32 v37, v35  }
0x31f: {  	v6 =	vadd.s32 v36, v6;
	v39 =	vbroadcast v37, $0xF;
	v52 =	vmpcnt.ones.xlane vm6  }
0x320: {  	(xrf0) =	vadd.scan.msk.s32 $0xffff, v10;
	v10, _, _ =	vpop (xrf0);
	vm7 =	vgt.s32 v14, $0x3F;
	v9 =	vperm.xlane v9, v4;
	v41 =	vbroadcast v25, $0xF  }
0x321: {  	v38, _, _ =	vpop (xrf0);
	v7 =	vadd.s32 v24, v7;
	v24 =	vperm.xlane v48, v4;
	v53 =	vmpcnt.ones.xlane vm7  }
0x322: {  	vm8 =	vgt.s32 v21, $0x3F;
	v6 =	vperm.xlane v6, v4;
	v40 =	vadd.s32 v25, v38  }
0x323: {  	v18 =	vadd.s32 v39, v33;
	v16 =	vadd.s32 v52, v16;
	v54 =	vmpcnt.ones.xlane vm8;
	v43, _, _ =	vpop (xrf0);
	(xrf0) =	vadd.scan.msk.s32 $0xffff, v24  }
0x324: {  	vm9 =	vgt.s32 v9, $0x3F;
	v7 =	vperm.xlane v7, v4;
	v42 =	vbroadcast v40, $0xF  }
0x325: {  	[tilespmem:$0xE970] =	vst v11;
	v10 =	vadd.s32 v41, v10;
	v11 =	vmpcnt.ones.xlane vm9;
	vm10 =	vgt.s32 v6, $0x3F  }
0x326: {  	[tilespmem:$0xE960] =	vst v8;
	v18 =	vperm.xlane v18, v4;
	v8 =	vadd.s32 v53, v16;
	v55 =	vmpcnt.ones.xlane vm10;
	v46, _, _ =	vpop (xrf0)  }
0x327: {  	vm11 =	vgt.s32 v7, $0x3F;
	v10 =	vperm.xlane v10, v4;
	v22 =	vadd.s32 v40, v46  }
0x328: {  	[tilespmem:$0xE950] =	vst v15;
	v8 =	vadd.s32 v54, v8;
	v45 =	vadd.s32 v42, v43;
	v57 =	vbroadcast v22, $0xF  }
0x329: {  	[tilespmem:$0xE940] =	vst v13;
	v56 =	vmpcnt.ones.xlane vm11;
	vm12 =	vgt.s32 v18, $0x3F;
	v8 =	vadd.s32 v11, v8;
	v59, _, _ =	vpop (xrf0)  }
0x32a: {  	[tilespmem:$0xE930] =	vst v12;
	v58 =	vmpcnt.ones.xlane vm12;
	v60 =	vperm.xlane v45, v4;
	v20 =	vadd.s32 v57, v59  }
0x32b: {  	[tilespmem:$0xE920] =	vst v19;
	vm13 =	vgt.s32 v10, $0x3F;
	v8 =	vadd.s32 v55, v8;
	v11 =	vperm.xlane v20, v4  }
0x32c: {  	[tilespmem:$0xE910] =	vst v17;
	v61 =	vmpcnt.ones.xlane vm13;
	v8 =	vadd.s32 v56, v8;
	vm14 =	vgt.s32 v60, $0x3F  }
0x32d: {  	[tilespmem:$0xE900] =	vst v14;
	v8 =	vadd.s32 v58, v8;
	v62 =	vmpcnt.ones.xlane vm14;
	vm15 =	vgt.s32 v11, $0x3F  }
0x32e: {  	[tilespmem:$0xE8F0] =	vst v21;
	v8 =	vadd.s32 v61, v8;
	v63 =	vmpcnt.ones.xlane vm15  }
0x32f: {  	[tilespmem:$0xE8E0] =	vst v9;
	v8 =	vadd.s32 v62, v8  }
0x330: {  	[tilespmem:$0xE8D0] =	vst v6;
	v6 =	vadd.s32 v63, v8  }
0x331: {  	[tilespmem:$0xE8C0] =	vst v7;
	v6 =	vadd.s32 $0xFFFFFFFF, v6  }
0x332: {  	p0 =	slt.s32 s30, $0x1;
	[tilespmem:$0xE8B0] =	vst v18  }
.Ltmp16:
0x333: {  	[tilespmem:$0xE8A0] =	vst v10;
	(pc) =	sbr.rel @p0 .LBB2_33-.Ltmp16, $4  }
0x334: {  	[tilespmem:$0xE890] =	vst v60  }
0x335: {  	[tilespmem:$0xE880] =	vst v11  }
0x336: {  	v7 =	vld.idx.msk [tilespmem:v6+s20+$0x0], $0xffff  }
0x337: {  	v8 =	vld.idx.msk [tilespmem:v6+s21+$0x0], $0xffff  }
0x338: {  	p2 =	sne.s32 s30, $0x1  }
.Ltmp17:
0x339: {  	_ = 	snop;
	(pc) =	sbr.rel @!p2 .LBB2_28-.Ltmp17, $3  }
0x33a: {  	_ =	sdelay $0x1  }
0x33b: {  	s1 =	simm.s32 $0x4080  }
0x33c: {  	v9 =	vand.u32 $0xFF, v6;
	s0 =	simm.s32 $0x0;
	p1 =	por $0x0, $0x0;
	v10 =	vld [tilespmem:s1+$0x0];
	s1 =	sadd.s32 $0xFFFFFFFF, s30  }
0x33d: {  	_ =	sdelay $0x3  }
0x33e: {  	v11 =	vor.u32 s0, v0;
	v12 =	vshrl.u32 v10, $0x18  }
0x33f: {  	vm0 =	vlt.s32 v11, v5;
	v10 =	vshrl.u32 v10, $0x10;
	vm1 =	veq.s32 v12, v9  }
0x340: {  	v10 =	vand.u32 $0xFF, v10;
	vm0 =	vmand vm0, vm1  }
0x341: {  	v10 =	vadd.s32 v2, v10  }
0x342: {  	p2 =	sne.s32 s1, $0x1  }
.Ltmp18:
0x343: {  	_ = 	snop;
	(pc) =	sbr.rel @!p2 .LBB2_30-.Ltmp18, $3  }
0x344: {  	_ =	sdelay $0x1  }
0x345: {  	s9 =	simm.s32 $0x4090;
	[tilespmem:v10+s12+$0x0] =	vst.idx.add.s32.msk vm0, v3  }
0x346: {  	s23 =	sadd.s32 $0xFFFFFFFF, s1;
	p1 =	por $0x1, $0x1;
	s1 =	simm.s32 $0x0;
	v10 =	vld [tilespmem:s9+$0x0]  }
.LBB2_31:
0x347: {  	p2 =	sne.s32 s23, $0x1;
	_ =	sdelay $0x2  }
0x348: {  	s1 =	sadd.s32 $0x10, s1  }
0x349: {  	v11 =	vor.u32 s1, v0;
	v12 =	vshrl.u32 v10, $0x18  }
0x34a: {  	vm0 =	vlt.s32 v11, v5;
	v10 =	vshrl.u32 v10, $0x10;
	vm1 =	veq.s32 v12, v9  }
0x34b: {  	v10 =	vand.u32 $0xFF, v10;
	vm0 =	vmand vm0, vm1  }
0x34c: {  	v10 =	vadd.s32 v2, v10;
	_ =	sdelay $0x1  }
.Ltmp19:
0x34d: {  	(pc) =	sbr.rel @p2 .LBB2_31-.Ltmp19, $3  }
0x34e: {  	_ =	sdelay $0x1  }
0x34f: {  	s9 =	sadd.s32 $0x10, s9;
	[tilespmem:v10+s12+$0x0] =	vst.idx.add.s32.msk vm0, v3  }
0x350: {  	s23 =	sadd.s32 $0xFFFFFFFF, s23;
	v10 =	vld [tilespmem:s9+$0x0]  }
.LBB2_32:
0x351: {  	_ =	sdelay $0x1  }
0x352: {  	s1 =	sadd.s32 @p1 $0x10, s1  }
0x353: {  	s0 =	smov.u32 @p1 s1  }
0x354: {  	v11 =	vor.u32 s0, v0;
	v12 =	vshrl.u32 v10, $0x18  }
0x355: {  	vm0 =	vlt.s32 v11, v5;
	vm1 =	veq.s32 v12, v9;
	v9 =	vshrl.u32 v10, $0x10  }
0x356: {  	vm0 =	vmand vm0, vm1;
	v9 =	vand.u32 $0xFF, v9  }
0x357: {  	v9 =	vadd.s32 v2, v9;
	_ =	sdelay $0x4  }
0x358: {  	[tilespmem:v9+s12+$0x0] =	vst.idx.add.s32.msk vm0, v3  }
.LBB2_33:
0x359: {  	s1 =	simm.s32 $0x0  }
0x35a: {  	v9 =	vld [tilespmem:s1+$0x8180];
	[tilespmem:s1+$0x8180] =	vst v1  }
0x35b: {  	v10 =	vld [tilespmem:s1+$0x8291];
	[tilespmem:s1+$0x8291] =	vst v1  }
0x35c: {  	v11 =	vld [tilespmem:s1+$0x83A2];
	[tilespmem:s1+$0x83A2] =	vst v1  }
0x35d: {  	v12 =	vld [tilespmem:s1+$0x84B3];
	[tilespmem:s1+$0x84B3] =	vst v1  }
0x35e: {  	v13 =	vld [tilespmem:s1+$0x85C4];
	[tilespmem:s1+$0x85C4] =	vst v1  }
0x35f: {  	v14 =	vld [tilespmem:s1+$0x86D5];
	[tilespmem:s1+$0x86D5] =	vst v1  }
0x360: {  	v15 =	vld [tilespmem:s1+$0x87E6];
	[tilespmem:s1+$0x87E6] =	vst v1  }
0x361: {  	v16 =	vld [tilespmem:s1+$0x88F7];
	[tilespmem:s1+$0x88F7] =	vst v1  }
0x362: {  	v17 =	vld [tilespmem:s1+$0x8A08];
	[tilespmem:s1+$0x8A08] =	vst v1  }
0x363: {  	v18 =	vld [tilespmem:s1+$0x8B19];
	[tilespmem:s1+$0x8B19] =	vst v1  }
0x364: {  	v19 =	vld [tilespmem:s1+$0x8C2A];
	[tilespmem:s1+$0x8C2A] =	vst v1  }
0x365: {  	v20 =	vld [tilespmem:s1+$0x8D3B];
	[tilespmem:s1+$0x8D3B] =	vst v1  }
0x366: {  	v21 =	vld [tilespmem:s1+$0x8E4C];
	[tilespmem:s1+$0x8E4C] =	vst v1  }
0x367: {  	v22 =	vld [tilespmem:s1+$0x8F5D];
	[tilespmem:s1+$0x8F5D] =	vst v1;
	v9 =	vadd.s32 v9, v10  }
0x368: {  	v23 =	vld [tilespmem:s1+$0x906E];
	[tilespmem:s1+$0x906E] =	vst v1;
	v9 =	vadd.s32 v11, v9  }
0x369: {  	s0 =	simm.s32 $0x10;
	v24 =	vld [tilespmem:s1+$0x917F];
	[tilespmem:s1+$0x917F] =	vst v1;
	v9 =	vadd.s32 v12, v9  }
0x36a: {  	v25 =	vld [tilespmem:s0+$0x8180];
	v9 =	vadd.s32 v13, v9  }
0x36b: {  	[tilespmem:s0+$0x8180] =	vst v1;
	v26 =	vld [tilespmem:s0+$0x8291];
	v9 =	vadd.s32 v14, v9  }
0x36c: {  	[tilespmem:s0+$0x8291] =	vst v1;
	v27 =	vld [tilespmem:s0+$0x83A2];
	v9 =	vadd.s32 v15, v9  }
0x36d: {  	[tilespmem:s0+$0x83A2] =	vst v1;
	v28 =	vld [tilespmem:s0+$0x84B3];
	v10 =	vadd.s32 v16, v9  }
0x36e: {  	[tilespmem:s0+$0x84B3] =	vst v1;
	v29 =	vld [tilespmem:s0+$0x85C4];
	v10 =	vadd.s32 v17, v10  }
0x36f: {  	[tilespmem:s0+$0x85C4] =	vst v1;
	v30 =	vld [tilespmem:s0+$0x86D5];
	v11 =	vadd.s32 v18, v10  }
0x370: {  	[tilespmem:s0+$0x86D5] =	vst v1;
	v7 =	vsub.s32 v8, v7;
	v8 =	vld [tilespmem:s0+$0x8D3B];
	v11 =	vadd.s32 v19, v11  }
0x371: {  	[tilespmem:s0+$0x8D3B] =	vst v1;
	v13 =	vadd.s32 v25, v26;
	v14 =	vld [tilespmem:s0+$0x87E6];
	v12 =	vadd.s32 v20, v11  }
0x372: {  	[tilespmem:s0+$0x87E6] =	vst v1;
	v13 =	vadd.s32 v27, v13;
	v9 =	vld [tilespmem:s0+$0x88F7];
	v12 =	vadd.s32 v21, v12  }
0x373: {  	v13 =	vadd.s32 v28, v13;
	[tilespmem:s0+$0x88F7] =	vst v1;
	v10 =	vld [tilespmem:s0+$0x8A08];
	v15 =	vadd.s32 v22, v12  }
0x374: {  	v63 =	vadd.s32 v29, v13;
	[tilespmem:s0+$0x8A08] =	vst v1;
	v11 =	vld [tilespmem:s0+$0x8B19];
	v15 =	vadd.s32 v23, v15  }
0x375: {  	[tilespmem:s0+$0x8B19] =	vst v1;
	v12 =	vld [tilespmem:s0+$0x8C2A];
	v13 =	vadd.s32 v24, v15;
	v15 =	vadd.s32 v30, v63  }
0x376: {  	v6 =	vshll.u32 v6, $0x18;
	s31 =	simm.s32 $0x80;
	s9 =	simm.s32 $0xC0;
	v7 =	vadd.s32 $0x40, v7;
	[tilespmem:s0+$0x8C2A] =	vst v1;
	v14 =	vadd.s32 v14, v15  }
.LBB2_34:
0x377: {  	p1 =	sne.s32 s9, $0x3C0;
	v9 =	vadd.s32 v9, v14;
	v14 =	vld [tilespmem:s0+$0x8E4C];
	[tilespmem:s0+$0x8E4C] =	vst v1  }
0x378: {  	v9 =	vadd.s32 v10, v9;
	v10 =	vld [tilespmem:s0+$0x8F5D];
	[tilespmem:s0+$0x8F5D] =	vst v1  }
0x379: {  	v9 =	vadd.s32 v11, v9;
	v11 =	vld [tilespmem:s0+$0x906E];
	[tilespmem:s0+$0x906E] =	vst v1  }
0x37a: {  	v9 =	vadd.s32 v12, v9;
	v12 =	vld [tilespmem:s0+$0x917F];
	[tilespmem:s0+$0x917F] =	vst v1  }
0x37b: {  	v8 =	vadd.s32 v8, v9;
	[tilespmem:s1+$0xE780] =	vst v13;
	s1 =	smov.u32 s0;
	s0 =	sshra.s32 s31, $0x2;
	s31 =	smov.u32 s9  }
0x37c: {  	v9 =	vld [tilespmem:s0+$0x8180];
	[tilespmem:s0+$0x8180] =	vst v1;
	v8 =	vadd.s32 v14, v8  }
0x37d: {  	v14 =	vld [tilespmem:s0+$0x8291];
	[tilespmem:s0+$0x8291] =	vst v1;
	v8 =	vadd.s32 v10, v8  }
0x37e: {  	v10 =	vld [tilespmem:s0+$0x83A2];
	[tilespmem:s0+$0x83A2] =	vst v1;
	v8 =	vadd.s32 v11, v8  }
0x37f: {  	v11 =	vld [tilespmem:s0+$0x84B3];
	[tilespmem:s0+$0x84B3] =	vst v1;
	v13 =	vadd.s32 v12, v8  }
0x380: {  	v8 =	vld [tilespmem:s0+$0x85C4];
	[tilespmem:s0+$0x85C4] =	vst v1  }
0x381: {  	v12 =	vld [tilespmem:s0+$0x86D5];
	[tilespmem:s0+$0x86D5] =	vst v1  }
0x382: {  	v9 =	vadd.s32 v9, v14;
	v14 =	vld [tilespmem:s0+$0x87E6];
	[tilespmem:s0+$0x87E6] =	vst v1  }
.Ltmp20:
0x383: {  	v10 =	vadd.s32 v10, v9;
	v9 =	vld [tilespmem:s0+$0x88F7];
	[tilespmem:s0+$0x88F7] =	vst v1;
	(pc) =	sbr.rel @p1 .LBB2_34-.Ltmp20, $4  }
0x384: {  	v11 =	vadd.s32 v11, v10;
	v10 =	vld [tilespmem:s0+$0x8A08];
	[tilespmem:s0+$0x8A08] =	vst v1  }
0x385: {  	v8 =	vadd.s32 v8, v11;
	v11 =	vld [tilespmem:s0+$0x8B19];
	[tilespmem:s0+$0x8B19] =	vst v1  }
0x386: {  	v8 =	vadd.s32 v12, v8;
	v12 =	vld [tilespmem:s0+$0x8C2A];
	[tilespmem:s0+$0x8C2A] =	vst v1  }
0x387: {  	s9 =	sadd.s32 $0x40, s9;
	v14 =	vadd.s32 v14, v8;
	v8 =	vld [tilespmem:s0+$0x8D3B];
	[tilespmem:s0+$0x8D3B] =	vst v1  }
0x388: {  	v15 =	vld [tilespmem:s0+$0x8E4C];
	[tilespmem:s0+$0x8E4C] =	vst v1  }
0x389: {  	v16 =	vld [tilespmem:s0+$0x8F5D];
	[tilespmem:s0+$0x8F5D] =	vst v1  }
0x38a: {  	v17 =	vld [tilespmem:s0+$0x906E];
	[tilespmem:s0+$0x906E] =	vst v1  }
0x38b: {  	v18 =	vld [tilespmem:s0+$0x917F];
	[tilespmem:s0+$0x917F] =	vst v1  }
0x38c: {  	s4 =	sshra.s32 s31, $0x2;
	[tilespmem:s1+$0xE780] =	vst v13  }
0x38d: {  	v13 =	vld [tilespmem:s4+$0x8180]  }
0x38e: {  	v19 =	vld [tilespmem:s4+$0x8291]  }
0x38f: {  	v20 =	vld [tilespmem:s4+$0x83A2]  }
0x390: {  	v21 =	vld [tilespmem:s4+$0x84B3]  }
0x391: {  	[tilespmem:s4+$0x8180] =	vst v1;
	v22 =	vld [tilespmem:s4+$0x85C4]  }
0x392: {  	[tilespmem:s4+$0x8291] =	vst v1;
	v23 =	vld [tilespmem:s4+$0x86D5]  }
0x393: {  	[tilespmem:s4+$0x83A2] =	vst v1;
	v27 =	vld [tilespmem:s4+$0x87E6];
	v13 =	vadd.s32 v13, v19  }
0x394: {  	[tilespmem:s4+$0x84B3] =	vst v1;
	v28 =	vld [tilespmem:s4+$0x88F7];
	v13 =	vadd.s32 v20, v13  }
0x395: {  	[tilespmem:s4+$0x85C4] =	vst v1;
	v29 =	vld [tilespmem:s4+$0x8A08];
	v13 =	vadd.s32 v21, v13  }
0x396: {  	[tilespmem:s4+$0x86D5] =	vst v1;
	v30 =	vld [tilespmem:s4+$0x8B19];
	v13 =	vadd.s32 v22, v13  }
0x397: {  	[tilespmem:s4+$0x87E6] =	vst v1;
	v31 =	vld [tilespmem:s4+$0x8C2A];
	v13 =	vadd.s32 v23, v13  }
0x398: {  	v9 =	vadd.s32 v9, v14;
	[tilespmem:s4+$0x88F7] =	vst v1;
	v32 =	vld [tilespmem:s4+$0x8D3B];
	v13 =	vadd.s32 v27, v13  }
0x399: {  	v9 =	vadd.s32 v10, v9;
	[tilespmem:s4+$0x8A08] =	vst v1;
	v33 =	vld [tilespmem:s4+$0x8E4C];
	v10 =	vadd.s32 v28, v13  }
0x39a: {  	v9 =	vadd.s32 v11, v9;
	[tilespmem:s4+$0x8B19] =	vst v1;
	v11 =	vld [tilespmem:s4+$0x8F5D];
	v10 =	vadd.s32 v29, v10  }
0x39b: {  	[tilespmem:s4+$0x8C2A] =	vst v1;
	v34 =	vld [tilespmem:s4+$0x906E];
	v9 =	vadd.s32 v12, v9;
	v10 =	vadd.s32 v30, v10  }
0x39c: {  	[tilespmem:s4+$0x8D3B] =	vst v1;
	v8 =	vadd.s32 v8, v9;
	v9 =	vadd.s32 v31, v10;
	v10 =	vld [tilespmem:s4+$0x917F]  }
0x39d: {  	[tilespmem:s4+$0x8E4C] =	vst v1;
	v8 =	vadd.s32 v15, v8;
	v9 =	vadd.s32 v32, v9  }
0x39e: {  	[tilespmem:s4+$0x8F5D] =	vst v1;
	v8 =	vadd.s32 v16, v8;
	v9 =	vadd.s32 v33, v9  }
0x39f: {  	[tilespmem:s4+$0x906E] =	vst v1;
	v8 =	vadd.s32 v17, v8;
	v9 =	vadd.s32 v11, v9  }
0x3a0: {  	v8 =	vadd.s32 v18, v8;
	[tilespmem:s4+$0x917F] =	vst v1;
	v9 =	vadd.s32 v34, v9  }
0x3a1: {  	[tilespmem:s0+$0xE780] =	vst v8;
	v8 =	vadd.s32 v10, v9  }
0x3a2: {  	[tilespmem:s4+$0xE780] =	vst v8  }
0x3a3: {  	v8 =	vld [tilespmem:$0xE870];
	_ =	sdelay $0x1  }
0x3a4: {  	v9 =	vld [tilespmem:$0xE860];
	_ =	sdelay $0x1  }
0x3a5: {  	v10 =	vld [tilespmem:$0xE850]  }
0x3a6: {  	v11 =	vperm.xlane v8, v4  }
0x3a7: {  	v35 =	vld [tilespmem:$0xE840]  }
0x3a8: {  	(xrf0) =	vadd.scan.msk.s32 $0xffff, v11;
	v11 =	vperm.xlane v9, v4  }
0x3a9: {  	(xrf0) =	vadd.scan.msk.s32 $0xffff, v8;
	v8 =	vld [tilespmem:$0xE830]  }
0x3aa: {  	(xrf0) =	vadd.scan.msk.s32 $0xffff, v11;
	v11 =	vperm.xlane v10, v4  }
0x3ab: {  	(xrf0) =	vadd.scan.msk.s32 $0xffff, v9;
	v9 =	vld [tilespmem:$0xE820]  }
0x3ac: {  	(xrf0) =	vadd.scan.msk.s32 $0xffff, v11;
	v11 =	vperm.xlane v35, v4  }
0x3ad: {  	(xrf0) =	vadd.scan.msk.s32 $0xffff, v10;
	v10 =	vld [tilespmem:$0xE810]  }
0x3ae: {  	v36, _, _ =	vpop (xrf0);
	(xrf0) =	vadd.scan.msk.s32 $0xffff, v11;
	v11 =	vperm.xlane v8, v4  }
0x3af: {  	v38 =	vld [tilespmem:$0xE800];
	v37, _, _ =	vpop (xrf0);
	(xrf0) =	vadd.scan.msk.s32 $0xffff, v35  }
0x3b0: {  	v54 =	vld [tilespmem:$0xE790];
	v39, _, _ =	vpop (xrf0);
	(xrf0) =	vadd.scan.msk.s32 $0xffff, v11;
	v11 =	vperm.xlane v9, v4  }
0x3b1: {  	v40, _, _ =	vpop (xrf0);
	(xrf0) =	vadd.scan.msk.s32 $0xffff, v8;
	v8 =	vld [tilespmem:$0xE7F0]  }
0x3b2: {  	v41, _, _ =	vpop (xrf0);
	(xrf0) =	vadd.scan.msk.s32 $0xffff, v11;
	v11 =	vperm.xlane v10, v4  }
0x3b3: {  	v42, _, _ =	vpop (xrf0);
	(xrf0) =	vadd.scan.msk.s32 $0xffff, v9;
	v9 =	vld [tilespmem:$0xE7E0]  }
0x3b4: {  	v43, _, _ =	vpop (xrf0);
	(xrf0) =	vadd.scan.msk.s32 $0xffff, v11;
	v11 =	vperm.xlane v38, v4  }
0x3b5: {  	v62 =	vperm.xlane v54, v4;
	v44, _, _ =	vpop (xrf0);
	(xrf0) =	vadd.scan.msk.s32 $0xffff, v10;
	v10 =	vld [tilespmem:$0xE7D0]  }
0x3b6: {  	v13 =	vperm.xlane v36, v4;
	v14 =	vadd.s32 v37, v40;
	v45, _, _ =	vpop (xrf0);
	(xrf0) =	vadd.scan.msk.s32 $0xffff, v11;
	v11 =	vperm.xlane v8, v4  }
0x3b7: {  	v47 =	vld [tilespmem:$0xE7C0];
	v27 =	vbroadcast v37, $0xF;
	v28 =	vbroadcast v14, $0xF;
	v46, _, _ =	vpop (xrf0);
	(xrf0) =	vadd.scan.msk.s32 $0xffff, v38  }
0x3b8: {  	vm0 =	vge.s32 v13, v7;
	v14 =	vadd.s32 v14, v42;
	v48, _, _ =	vpop (xrf0);
	(xrf0) =	vadd.scan.msk.s32 $0xffff, v11;
	v11 =	vperm.xlane v9, v4  }
0x3b9: {  	v31 =	vmpcnt.ones.xlane vm0;
	v51 =	vbroadcast v14, $0xF;
	v17 =	vadd.s32 v28, v41;
	v24, _, _ =	vpop (xrf0);
	(xrf0) =	vadd.scan.msk.s32 $0xffff, v8;
	v8 =	vld [tilespmem:$0xE7B0]  }
0x3ba: {  	v14 =	vadd.s32 v14, v44;
	v17 =	vperm.xlane v17, v4;
	v25, _, _ =	vpop (xrf0);
	(xrf0) =	vadd.scan.msk.s32 $0xffff, v11;
	v11 =	vperm.xlane v10, v4  }
0x3bb: {  	v15 =	vadd.s32 v51, v43;
	v55 =	vadd.s32 v14, v46;
	v14 =	vbroadcast v14, $0xF;
	v26, _, _ =	vpop (xrf0);
	(xrf0) =	vadd.scan.msk.s32 $0xffff, v9;
	v9 =	vld [tilespmem:$0xE7A0]  }
0x3bc: {  	vm14 =	vge.s32 v17, v7;
	v15 =	vperm.xlane v15, v4;
	v49, _, _ =	vpop (xrf0);
	(xrf0) =	vadd.scan.msk.s32 $0xffff, v11;
	v11 =	vperm.xlane v47, v4  }
0x3bd: {  	v57 =	vbroadcast v55, $0xF;
	v19 =	vadd.s32 v55, v24;
	v14 =	vadd.s32 v14, v45;
	v50, _, _ =	vpop (xrf0);
	(xrf0) =	vadd.scan.msk.s32 $0xffff, v10  }
0x3be: {  	v14 =	vperm.xlane v14, v4;
	v10 =	vadd.s32 v27, v39;
	v52, _, _ =	vpop (xrf0);
	(xrf0) =	vadd.scan.msk.s32 $0xffff, v11;
	v11 =	vperm.xlane v8, v4  }
0x3bf: {  	v45 =	vmpcnt.ones.xlane vm14;
	vm15 =	vge.s32 v15, v7;
	v10 =	vperm.xlane v10, v4;
	v53, _, _ =	vpop (xrf0);
	(xrf0) =	vadd.scan.msk.s32 $0xffff, v47  }
0x3c0: {  	v59 =	vadd.s32 v57, v48;
	vm4 =	vge.s32 v14, v7;
	v56, _, _ =	vpop (xrf0);
	(xrf0) =	vadd.scan.msk.s32 $0xffff, v11;
	v11 =	vperm.xlane v9, v4  }
0x3c1: {  	v21 =	vperm.xlane v59, v4;
	v48 =	vmpcnt.ones.xlane vm4;
	vm13 =	vge.s32 v10, v7;
	v58, _, _ =	vpop (xrf0);
	(xrf0) =	vadd.scan.msk.s32 $0xffff, v8  }
0x3c2: {  	v42 =	vmpcnt.ones.xlane vm13;
	v8, _, _ =	vpop (xrf0);
	(xrf0) =	vadd.scan.msk.s32 $0xffff, v11;
	v11 =	vadd.s32 v19, v26;
	v19 =	vbroadcast v19, $0xF  }
0x3c3: {  	vm5 =	vge.s32 v21, v7;
	v47 =	vmpcnt.ones.xlane vm15;
	v60 =	vbroadcast v11, $0xF  }
0x3c4: {  	v11 =	vadd.s32 v11, v50;
	v18 =	vadd.s32 v42, v31;
	v19 =	vadd.s32 v19, v25  }
0x3c5: {  	v29 =	vbroadcast v11, $0xF;
	v11 =	vadd.s32 v11, v53;
	v18 =	vadd.s32 v45, v18  }
0x3c6: {  	v61, _, _ =	vpop (xrf0);
	v16 =	vadd.s32 v60, v49;
	v24 =	vadd.s32 v11, v58;
	v11 =	vbroadcast v11, $0xF  }
0x3c7: {  	(xrf0) =	vadd.scan.msk.s32 $0xffff, v9;
	v9, _, _ =	vpop (xrf0);
	v19 =	vperm.xlane v19, v4;
	v18 =	vadd.s32 v47, v18;
	v49 =	vmpcnt.ones.xlane vm5  }
0x3c8: {  	v63, _, _ =	vpop (xrf0);
	v23 =	vadd.s32 v29, v52;
	v26 =	vadd.s32 v24, v61;
	v34 =	vbroadcast v24, $0xF  }
0x3c9: {  	v46 =	vld [tilespmem:$0xE780];
	v30, _, _ =	vpop (xrf0);
	v16 =	vperm.xlane v16, v4;
	v18 =	vadd.s32 v48, v18;
	v11 =	vadd.s32 v11, v56  }
0x3ca: {  	(xrf0) =	vadd.scan.msk.s32 $0xffff, v62;
	v32, _, _ =	vpop (xrf0);
	v35 =	vadd.s32 v26, v63;
	v26 =	vbroadcast v26, $0xF;
	vm6 =	vge.s32 v19, v7  }
0x3cb: {  	v23 =	vperm.xlane v23, v4;
	v18 =	vadd.s32 v49, v18;
	v27 =	vadd.s32 v35, v32  }
0x3cc: {  	v8 =	vadd.s32 v34, v8;
	v37 =	vbroadcast v35, $0xF;
	v50 =	vmpcnt.ones.xlane vm6  }
0x3cd: {  	(xrf0) =	vadd.scan.msk.s32 $0xffff, v54;
	v33, _, _ =	vpop (xrf0);
	vm7 =	vge.s32 v16, v7;
	v11 =	vperm.xlane v11, v4;
	v39 =	vbroadcast v27, $0xF  }
0x3ce: {  	v36, _, _ =	vpop (xrf0);
	v9 =	vadd.s32 v26, v9;
	v26 =	vperm.xlane v46, v4;
	v51 =	vmpcnt.ones.xlane vm7  }
0x3cf: {  	vm8 =	vge.s32 v23, v7;
	v8 =	vperm.xlane v8, v4;
	v38 =	vadd.s32 v27, v36  }
0x3d0: {  	v20 =	vadd.s32 v37, v30;
	v18 =	vadd.s32 v50, v18;
	v52 =	vmpcnt.ones.xlane vm8;
	v41, _, _ =	vpop (xrf0);
	(xrf0) =	vadd.scan.msk.s32 $0xffff, v26  }
0x3d1: {  	vm9 =	vge.s32 v11, v7;
	v9 =	vperm.xlane v9, v4;
	v40 =	vbroadcast v38, $0xF  }
0x3d2: {  	v12 =	vadd.s32 v39, v33;
	v53 =	vmpcnt.ones.xlane vm9;
	vm10 =	vge.s32 v8, v7  }
0x3d3: {  	[tilespmem:$0xE960] =	vst v10;
	v20 =	vperm.xlane v20, v4;
	v10 =	vadd.s32 v51, v18;
	v54 =	vmpcnt.ones.xlane vm10;
	v44, _, _ =	vpop (xrf0)  }
0x3d4: {  	[tilespmem:$0xE970] =	vst v13;
	vm11 =	vge.s32 v9, v7;
	v12 =	vperm.xlane v12, v4;
	v24 =	vadd.s32 v38, v44  }
0x3d5: {  	[tilespmem:$0xE950] =	vst v17;
	v10 =	vadd.s32 v52, v10;
	v43 =	vadd.s32 v40, v41;
	v56 =	vbroadcast v24, $0xF  }
0x3d6: {  	[tilespmem:$0xE940] =	vst v15;
	v55 =	vmpcnt.ones.xlane vm11;
	vm12 =	vge.s32 v20, v7;
	v10 =	vadd.s32 v53, v10;
	v58, _, _ =	vpop (xrf0)  }
0x3d7: {  	[tilespmem:$0xE930] =	vst v14;
	v57 =	vmpcnt.ones.xlane vm12;
	v59 =	vperm.xlane v43, v4;
	v22 =	vadd.s32 v56, v58  }
0x3d8: {  	[tilespmem:$0xE920] =	vst v21;
	vm13 =	vge.s32 v12, v7;
	v10 =	vadd.s32 v54, v10;
	v60 =	vperm.xlane v22, v4  }
0x3d9: {  	[tilespmem:$0xE910] =	vst v19;
	v61 =	vmpcnt.ones.xlane vm13;
	v10 =	vadd.s32 v55, v10;
	vm14 =	vge.s32 v59, v7  }
0x3da: {  	[tilespmem:$0xE900] =	vst v16;
	v10 =	vadd.s32 v57, v10;
	v62 =	vmpcnt.ones.xlane vm14;
	vm15 =	vge.s32 v60, v7  }
0x3db: {  	[tilespmem:$0xE8F0] =	vst v23;
	v10 =	vadd.s32 v61, v10;
	v63 =	vmpcnt.ones.xlane vm15  }
0x3dc: {  	[tilespmem:$0xE8E0] =	vst v11;
	v10 =	vadd.s32 v62, v10  }
0x3dd: {  	[tilespmem:$0xE8D0] =	vst v8;
	v8 =	vadd.s32 v63, v10  }
0x3de: {  	[tilespmem:$0xE8C0] =	vst v9;
	v9 =	vadd.s32 $0xFFFFFFFF, v8  }
0x3df: {  	[tilespmem:$0xE8B0] =	vst v20  }
.Ltmp21:
0x3e0: {  	[tilespmem:$0xE8A0] =	vst v12;
	(pc) =	sbr.rel @p0 .LBB2_42-.Ltmp21, $4  }
0x3e1: {  	[tilespmem:$0xE890] =	vst v59  }
0x3e2: {  	[tilespmem:$0xE880] =	vst v60  }
0x3e3: {  	v10 =	vshll.u32 v9, $0x10;
	v8 =	vld.idx.msk [tilespmem:v9+s20+$0x0], $0xffff  }
0x3e4: {  	v6 =	vor.u32 v6, v10;
	v9 =	vld.idx.msk [tilespmem:v9+s21+$0x0], $0xffff  }
0x3e5: {  	p2 =	sne.s32 s30, $0x1  }
.Ltmp22:
0x3e6: {  	_ = 	snop;
	(pc) =	sbr.rel @!p2 .LBB2_37-.Ltmp22, $3  }
0x3e7: {  	_ =	sdelay $0x1  }
0x3e8: {  	s1 =	simm.s32 $0x4080  }
0x3e9: {  	s0 =	simm.s32 $0x0;
	p1 =	por $0x0, $0x0;
	v10 =	vld [tilespmem:s1+$0x0];
	s1 =	sadd.s32 $0xFFFFFFFF, s30  }
0x3ea: {  	_ =	sdelay $0x3  }
0x3eb: {  	v11 =	vor.u32 s0, v0;
	v12 =	vxor.u32 v6, v10  }
0x3ec: {  	vm0 =	vlt.s32 v11, v5;
	v10 =	vshrl.u32 v10, $0x8;
	vm1 =	vlt.u32 v12, $0x10000  }
0x3ed: {  	v10 =	vand.u32 $0xFF, v10;
	vm0 =	vmand vm0, vm1  }
0x3ee: {  	v10 =	vadd.s32 v2, v10  }
0x3ef: {  	p2 =	sne.s32 s1, $0x1  }
.Ltmp23:
0x3f0: {  	_ = 	snop;
	(pc) =	sbr.rel @!p2 .LBB2_39-.Ltmp23, $3  }
0x3f1: {  	_ =	sdelay $0x1  }
0x3f2: {  	s9 =	simm.s32 $0x4090;
	[tilespmem:v10+s12+$0x0] =	vst.idx.add.s32.msk vm0, v3  }
0x3f3: {  	s23 =	sadd.s32 $0xFFFFFFFF, s1;
	p1 =	por $0x1, $0x1;
	s1 =	simm.s32 $0x0;
	v10 =	vld [tilespmem:s9+$0x0]  }
.LBB2_40:
0x3f4: {  	p2 =	sne.s32 s23, $0x1;
	_ =	sdelay $0x2  }
0x3f5: {  	s1 =	sadd.s32 $0x10, s1  }
0x3f6: {  	v11 =	vor.u32 s1, v0;
	v12 =	vxor.u32 v6, v10  }
0x3f7: {  	vm0 =	vlt.s32 v11, v5;
	v10 =	vshrl.u32 v10, $0x8;
	vm1 =	vlt.u32 v12, $0x10000  }
0x3f8: {  	v10 =	vand.u32 $0xFF, v10;
	vm0 =	vmand vm0, vm1  }
0x3f9: {  	v10 =	vadd.s32 v2, v10;
	_ =	sdelay $0x1  }
.Ltmp24:
0x3fa: {  	(pc) =	sbr.rel @p2 .LBB2_40-.Ltmp24, $3  }
0x3fb: {  	_ =	sdelay $0x1  }
0x3fc: {  	s9 =	sadd.s32 $0x10, s9;
	[tilespmem:v10+s12+$0x0] =	vst.idx.add.s32.msk vm0, v3  }
0x3fd: {  	s23 =	sadd.s32 $0xFFFFFFFF, s23;
	v10 =	vld [tilespmem:s9+$0x0]  }
.LBB2_41:
0x3fe: {  	_ =	sdelay $0x1  }
0x3ff: {  	s1 =	sadd.s32 @p1 $0x10, s1  }
0x400: {  	s0 =	smov.u32 @p1 s1  }
0x401: {  	v11 =	vor.u32 s0, v0;
	v12 =	vxor.u32 v6, v10  }
0x402: {  	vm0 =	vlt.s32 v11, v5;
	v10 =	vshrl.u32 v10, $0x8;
	vm1 =	vlt.u32 v12, $0x10000  }
0x403: {  	v10 =	vand.u32 $0xFF, v10;
	vm0 =	vmand vm0, vm1  }
0x404: {  	v10 =	vadd.s32 v2, v10;
	_ =	sdelay $0x4  }
0x405: {  	[tilespmem:v10+s12+$0x0] =	vst.idx.add.s32.msk vm0, v3  }
.LBB2_42:
0x406: {  	s1 =	simm.s32 $0x0  }
0x407: {  	v10 =	vld [tilespmem:s1+$0x8180];
	[tilespmem:s1+$0x8180] =	vst v1  }
0x408: {  	v11 =	vld [tilespmem:s1+$0x8291];
	[tilespmem:s1+$0x8291] =	vst v1  }
0x409: {  	v12 =	vld [tilespmem:s1+$0x83A2];
	[tilespmem:s1+$0x83A2] =	vst v1  }
0x40a: {  	v13 =	vld [tilespmem:s1+$0x84B3];
	[tilespmem:s1+$0x84B3] =	vst v1  }
0x40b: {  	v14 =	vld [tilespmem:s1+$0x85C4];
	[tilespmem:s1+$0x85C4] =	vst v1  }
0x40c: {  	v15 =	vld [tilespmem:s1+$0x86D5];
	[tilespmem:s1+$0x86D5] =	vst v1  }
0x40d: {  	v16 =	vld [tilespmem:s1+$0x87E6];
	[tilespmem:s1+$0x87E6] =	vst v1  }
0x40e: {  	v17 =	vld [tilespmem:s1+$0x88F7];
	[tilespmem:s1+$0x88F7] =	vst v1  }
0x40f: {  	v18 =	vld [tilespmem:s1+$0x8A08];
	[tilespmem:s1+$0x8A08] =	vst v1  }
0x410: {  	v19 =	vld [tilespmem:s1+$0x8B19];
	[tilespmem:s1+$0x8B19] =	vst v1  }
0x411: {  	v20 =	vld [tilespmem:s1+$0x8C2A];
	[tilespmem:s1+$0x8C2A] =	vst v1  }
0x412: {  	v21 =	vld [tilespmem:s1+$0x8D3B];
	[tilespmem:s1+$0x8D3B] =	vst v1  }
0x413: {  	v22 =	vld [tilespmem:s1+$0x8E4C];
	[tilespmem:s1+$0x8E4C] =	vst v1  }
0x414: {  	v23 =	vld [tilespmem:s1+$0x8F5D];
	[tilespmem:s1+$0x8F5D] =	vst v1  }
0x415: {  	v24 =	vld [tilespmem:s1+$0x906E];
	[tilespmem:s1+$0x906E] =	vst v1;
	v10 =	vadd.s32 v10, v11  }
0x416: {  	s0 =	simm.s32 $0x10;
	v25 =	vld [tilespmem:s1+$0x917F];
	[tilespmem:s1+$0x917F] =	vst v1;
	v10 =	vadd.s32 v12, v10  }
0x417: {  	v26 =	vld [tilespmem:s0+$0x8180];
	v10 =	vadd.s32 v13, v10  }
0x418: {  	[tilespmem:s0+$0x8180] =	vst v1;
	v27 =	vld [tilespmem:s0+$0x8291];
	v10 =	vadd.s32 v14, v10  }
0x419: {  	[tilespmem:s0+$0x8291] =	vst v1;
	v28 =	vld [tilespmem:s0+$0x83A2];
	v10 =	vadd.s32 v15, v10  }
0x41a: {  	[tilespmem:s0+$0x83A2] =	vst v1;
	v29 =	vld [tilespmem:s0+$0x84B3];
	v11 =	vadd.s32 v16, v10  }
0x41b: {  	[tilespmem:s0+$0x84B3] =	vst v1;
	v30 =	vld [tilespmem:s0+$0x85C4];
	v11 =	vadd.s32 v17, v11  }
0x41c: {  	[tilespmem:s0+$0x85C4] =	vst v1;
	v31 =	vld [tilespmem:s0+$0x86D5];
	v12 =	vadd.s32 v18, v11  }
0x41d: {  	[tilespmem:s0+$0x86D5] =	vst v1;
	v9 =	vsub.s32 v9, v8;
	v8 =	vld [tilespmem:s0+$0x8D3B];
	v12 =	vadd.s32 v19, v12  }
0x41e: {  	[tilespmem:s0+$0x8D3B] =	vst v1;
	v14 =	vld [tilespmem:s0+$0x87E6];
	v15 =	vadd.s32 v26, v27;
	v13 =	vadd.s32 v20, v12  }
0x41f: {  	[tilespmem:s0+$0x87E6] =	vst v1;
	v10 =	vld [tilespmem:s0+$0x88F7];
	v15 =	vadd.s32 v28, v15;
	v13 =	vadd.s32 v21, v13  }
0x420: {  	[tilespmem:s0+$0x88F7] =	vst v1;
	v15 =	vadd.s32 v29, v15;
	v11 =	vld [tilespmem:s0+$0x8A08];
	v63 =	vadd.s32 v22, v13  }
0x421: {  	[tilespmem:s0+$0x8A08] =	vst v1;
	v15 =	vadd.s32 v30, v15;
	v12 =	vld [tilespmem:s0+$0x8B19];
	v16 =	vadd.s32 v23, v63  }
0x422: {  	v15 =	vadd.s32 v31, v15;
	[tilespmem:s0+$0x8B19] =	vst v1;
	v13 =	vld [tilespmem:s0+$0x8C2A];
	v16 =	vadd.s32 v24, v16  }
0x423: {  	s31 =	simm.s32 $0x80;
	s9 =	simm.s32 $0xC0;
	v7 =	vadd.s32 v7, v9;
	v14 =	vadd.s32 v14, v15;
	[tilespmem:s0+$0x8C2A] =	vst v1;
	v9 =	vadd.s32 v25, v16  }
.LBB2_43:
0x424: {  	p1 =	sne.s32 s9, $0x3C0;
	v10 =	vadd.s32 v10, v14;
	v14 =	vld [tilespmem:s0+$0x8E4C];
	[tilespmem:s0+$0x8E4C] =	vst v1  }
0x425: {  	v10 =	vadd.s32 v11, v10;
	v11 =	vld [tilespmem:s0+$0x8F5D];
	[tilespmem:s0+$0x8F5D] =	vst v1  }
0x426: {  	v10 =	vadd.s32 v12, v10;
	v12 =	vld [tilespmem:s0+$0x906E];
	[tilespmem:s0+$0x906E] =	vst v1  }
0x427: {  	v10 =	vadd.s32 v13, v10;
	v13 =	vld [tilespmem:s0+$0x917F];
	[tilespmem:s0+$0x917F] =	vst v1  }
0x428: {  	v8 =	vadd.s32 v8, v10;
	[tilespmem:s1+$0xE780] =	vst v9;
	s1 =	smov.u32 s0;
	s0 =	sshra.s32 s31, $0x2;
	s31 =	smov.u32 s9  }
0x429: {  	v10 =	vld [tilespmem:s0+$0x8180];
	[tilespmem:s0+$0x8180] =	vst v1;
	v8 =	vadd.s32 v14, v8  }
0x42a: {  	v14 =	vld [tilespmem:s0+$0x8291];
	[tilespmem:s0+$0x8291] =	vst v1;
	v8 =	vadd.s32 v11, v8  }
0x42b: {  	v11 =	vld [tilespmem:s0+$0x83A2];
	[tilespmem:s0+$0x83A2] =	vst v1;
	v8 =	vadd.s32 v12, v8  }
0x42c: {  	v12 =	vld [tilespmem:s0+$0x84B3];
	[tilespmem:s0+$0x84B3] =	vst v1;
	v9 =	vadd.s32 v13, v8  }
0x42d: {  	v8 =	vld [tilespmem:s0+$0x85C4];
	[tilespmem:s0+$0x85C4] =	vst v1  }
0x42e: {  	v13 =	vld [tilespmem:s0+$0x86D5];
	[tilespmem:s0+$0x86D5] =	vst v1  }
0x42f: {  	v10 =	vadd.s32 v10, v14;
	v14 =	vld [tilespmem:s0+$0x87E6];
	[tilespmem:s0+$0x87E6] =	vst v1  }
.Ltmp25:
0x430: {  	v11 =	vadd.s32 v11, v10;
	v10 =	vld [tilespmem:s0+$0x88F7];
	[tilespmem:s0+$0x88F7] =	vst v1;
	(pc) =	sbr.rel @p1 .LBB2_43-.Ltmp25, $4  }
0x431: {  	v12 =	vadd.s32 v12, v11;
	v11 =	vld [tilespmem:s0+$0x8A08];
	[tilespmem:s0+$0x8A08] =	vst v1  }
0x432: {  	v8 =	vadd.s32 v8, v12;
	v12 =	vld [tilespmem:s0+$0x8B19];
	[tilespmem:s0+$0x8B19] =	vst v1  }
0x433: {  	v8 =	vadd.s32 v13, v8;
	v13 =	vld [tilespmem:s0+$0x8C2A];
	[tilespmem:s0+$0x8C2A] =	vst v1  }
0x434: {  	s9 =	sadd.s32 $0x40, s9;
	v14 =	vadd.s32 v14, v8;
	v8 =	vld [tilespmem:s0+$0x8D3B];
	[tilespmem:s0+$0x8D3B] =	vst v1  }
0x435: {  	v15 =	vld [tilespmem:s0+$0x8E4C];
	[tilespmem:s0+$0x8E4C] =	vst v1  }
0x436: {  	v16 =	vld [tilespmem:s0+$0x8F5D];
	[tilespmem:s0+$0x8F5D] =	vst v1  }
0x437: {  	v17 =	vld [tilespmem:s0+$0x906E];
	[tilespmem:s0+$0x906E] =	vst v1  }
0x438: {  	v18 =	vld [tilespmem:s0+$0x917F];
	[tilespmem:s0+$0x917F] =	vst v1  }
0x439: {  	s4 =	sshra.s32 s31, $0x2;
	[tilespmem:s1+$0xE780] =	vst v9  }
0x43a: {  	v9 =	vld [tilespmem:s4+$0x8180]  }
0x43b: {  	v19 =	vld [tilespmem:s4+$0x8291]  }
0x43c: {  	v20 =	vld [tilespmem:s4+$0x83A2]  }
0x43d: {  	v21 =	vld [tilespmem:s4+$0x84B3]  }
0x43e: {  	[tilespmem:s4+$0x8180] =	vst v1;
	v22 =	vld [tilespmem:s4+$0x85C4]  }
0x43f: {  	[tilespmem:s4+$0x8291] =	vst v1;
	v23 =	vld [tilespmem:s4+$0x86D5]  }
0x440: {  	[tilespmem:s4+$0x83A2] =	vst v1;
	v27 =	vld [tilespmem:s4+$0x87E6];
	v9 =	vadd.s32 v9, v19  }
0x441: {  	[tilespmem:s4+$0x84B3] =	vst v1;
	v28 =	vld [tilespmem:s4+$0x88F7];
	v9 =	vadd.s32 v20, v9  }
0x442: {  	[tilespmem:s4+$0x85C4] =	vst v1;
	v29 =	vld [tilespmem:s4+$0x8A08];
	v9 =	vadd.s32 v21, v9  }
0x443: {  	[tilespmem:s4+$0x86D5] =	vst v1;
	v30 =	vld [tilespmem:s4+$0x8B19];
	v9 =	vadd.s32 v22, v9  }
0x444: {  	[tilespmem:s4+$0x87E6] =	vst v1;
	v31 =	vld [tilespmem:s4+$0x8C2A];
	v9 =	vadd.s32 v23, v9  }
0x445: {  	v10 =	vadd.s32 v10, v14;
	[tilespmem:s4+$0x88F7] =	vst v1;
	v32 =	vld [tilespmem:s4+$0x8D3B];
	v9 =	vadd.s32 v27, v9  }
0x446: {  	v10 =	vadd.s32 v11, v10;
	[tilespmem:s4+$0x8A08] =	vst v1;
	v11 =	vld [tilespmem:s4+$0x8E4C];
	v9 =	vadd.s32 v28, v9  }
0x447: {  	v10 =	vadd.s32 v12, v10;
	[tilespmem:s4+$0x8B19] =	vst v1;
	v33 =	vld [tilespmem:s4+$0x8F5D];
	v9 =	vadd.s32 v29, v9  }
0x448: {  	[tilespmem:s4+$0x8C2A] =	vst v1;
	v34 =	vld [tilespmem:s4+$0x906E];
	v10 =	vadd.s32 v13, v10;
	v9 =	vadd.s32 v30, v9  }
0x449: {  	[tilespmem:s4+$0x8D3B] =	vst v1;
	v8 =	vadd.s32 v8, v10;
	v10 =	vld [tilespmem:s4+$0x917F];
	v9 =	vadd.s32 v31, v9  }
0x44a: {  	[tilespmem:s4+$0x8E4C] =	vst v1;
	v8 =	vadd.s32 v15, v8;
	v9 =	vadd.s32 v32, v9  }
0x44b: {  	[tilespmem:s4+$0x8F5D] =	vst v1;
	v8 =	vadd.s32 v16, v8;
	v9 =	vadd.s32 v11, v9  }
0x44c: {  	[tilespmem:s4+$0x906E] =	vst v1;
	v8 =	vadd.s32 v17, v8;
	v9 =	vadd.s32 v33, v9  }
0x44d: {  	[tilespmem:s4+$0x917F] =	vst v1;
	v8 =	vadd.s32 v18, v8;
	v9 =	vadd.s32 v34, v9  }
0x44e: {  	[tilespmem:s0+$0xE780] =	vst v8;
	v8 =	vadd.s32 v10, v9  }
0x44f: {  	[tilespmem:s4+$0xE780] =	vst v8  }
0x450: {  	v8 =	vld [tilespmem:$0xE870];
	_ =	sdelay $0x1  }
0x451: {  	v9 =	vld [tilespmem:$0xE860];
	_ =	sdelay $0x1  }
0x452: {  	v10 =	vld [tilespmem:$0xE850]  }
0x453: {  	v11 =	vperm.xlane v8, v4  }
0x454: {  	v35 =	vld [tilespmem:$0xE840]  }
0x455: {  	(xrf0) =	vadd.scan.msk.s32 $0xffff, v11;
	v11 =	vperm.xlane v9, v4  }
0x456: {  	(xrf0) =	vadd.scan.msk.s32 $0xffff, v8;
	v8 =	vld [tilespmem:$0xE830]  }
0x457: {  	(xrf0) =	vadd.scan.msk.s32 $0xffff, v11;
	v11 =	vperm.xlane v10, v4  }
0x458: {  	(xrf0) =	vadd.scan.msk.s32 $0xffff, v9;
	v9 =	vld [tilespmem:$0xE820]  }
0x459: {  	(xrf0) =	vadd.scan.msk.s32 $0xffff, v11;
	v11 =	vperm.xlane v35, v4  }
0x45a: {  	(xrf0) =	vadd.scan.msk.s32 $0xffff, v10;
	v10 =	vld [tilespmem:$0xE810]  }
0x45b: {  	v36, _, _ =	vpop (xrf0);
	(xrf0) =	vadd.scan.msk.s32 $0xffff, v11;
	v11 =	vperm.xlane v8, v4  }
0x45c: {  	v38 =	vld [tilespmem:$0xE800];
	v37, _, _ =	vpop (xrf0);
	(xrf0) =	vadd.scan.msk.s32 $0xffff, v35  }
0x45d: {  	v54 =	vld [tilespmem:$0xE790];
	v39, _, _ =	vpop (xrf0);
	(xrf0) =	vadd.scan.msk.s32 $0xffff, v11;
	v11 =	vperm.xlane v9, v4  }
0x45e: {  	v40, _, _ =	vpop (xrf0);
	(xrf0) =	vadd.scan.msk.s32 $0xffff, v8;
	v8 =	vld [tilespmem:$0xE7F0]  }
0x45f: {  	v41, _, _ =	vpop (xrf0);
	(xrf0) =	vadd.scan.msk.s32 $0xffff, v11;
	v11 =	vperm.xlane v10, v4  }
0x460: {  	v42, _, _ =	vpop (xrf0);
	(xrf0) =	vadd.scan.msk.s32 $0xffff, v9;
	v9 =	vld [tilespmem:$0xE7E0]  }
0x461: {  	v43, _, _ =	vpop (xrf0);
	(xrf0) =	vadd.scan.msk.s32 $0xffff, v11;
	v11 =	vperm.xlane v38, v4  }
0x462: {  	v62 =	vperm.xlane v54, v4;
	v44, _, _ =	vpop (xrf0);
	(xrf0) =	vadd.scan.msk.s32 $0xffff, v10;
	v10 =	vld [tilespmem:$0xE7D0]  }
0x463: {  	v13 =	vperm.xlane v36, v4;
	v14 =	vadd.s32 v37, v40;
	v45, _, _ =	vpop (xrf0);
	(xrf0) =	vadd.scan.msk.s32 $0xffff, v11;
	v11 =	vperm.xlane v8, v4  }
0x464: {  	v47 =	vld [tilespmem:$0xE7C0];
	v27 =	vbroadcast v37, $0xF;
	v28 =	vbroadcast v14, $0xF;
	v46, _, _ =	vpop (xrf0);
	(xrf0) =	vadd.scan.msk.s32 $0xffff, v38  }
0x465: {  	vm0 =	vge.s32 v13, v7;
	v14 =	vadd.s32 v14, v42;
	v48, _, _ =	vpop (xrf0);
	(xrf0) =	vadd.scan.msk.s32 $0xffff, v11;
	v11 =	vperm.xlane v9, v4  }
0x466: {  	v31 =	vmpcnt.ones.xlane vm0;
	v51 =	vbroadcast v14, $0xF;
	v17 =	vadd.s32 v28, v41;
	v24, _, _ =	vpop (xrf0);
	(xrf0) =	vadd.scan.msk.s32 $0xffff, v8;
	v8 =	vld [tilespmem:$0xE7B0]  }
0x467: {  	v14 =	vadd.s32 v14, v44;
	v17 =	vperm.xlane v17, v4;
	v25, _, _ =	vpop (xrf0);
	(xrf0) =	vadd.scan.msk.s32 $0xffff, v11;
	v11 =	vperm.xlane v10, v4  }
0x468: {  	v15 =	vadd.s32 v51, v43;
	v55 =	vadd.s32 v14, v46;
	v14 =	vbroadcast v14, $0xF;
	v26, _, _ =	vpop (xrf0);
	(xrf0) =	vadd.scan.msk.s32 $0xffff, v9;
	v9 =	vld [tilespmem:$0xE7A0]  }
0x469: {  	vm14 =	vge.s32 v17, v7;
	v15 =	vperm.xlane v15, v4;
	v49, _, _ =	vpop (xrf0);
	(xrf0) =	vadd.scan.msk.s32 $0xffff, v11;
	v11 =	vperm.xlane v47, v4  }
0x46a: {  	v57 =	vbroadcast v55, $0xF;
	v19 =	vadd.s32 v55, v24;
	v14 =	vadd.s32 v14, v45;
	v50, _, _ =	vpop (xrf0);
	(xrf0) =	vadd.scan.msk.s32 $0xffff, v10  }
0x46b: {  	v14 =	vperm.xlane v14, v4;
	v10 =	vadd.s32 v27, v39;
	v52, _, _ =	vpop (xrf0);
	(xrf0) =	vadd.scan.msk.s32 $0xffff, v11;
	v11 =	vperm.xlane v8, v4  }
0x46c: {  	v45 =	vmpcnt.ones.xlane vm14;
	vm15 =	vge.s32 v15, v7;
	v10 =	vperm.xlane v10, v4;
	v53, _, _ =	vpop (xrf0);
	(xrf0) =	vadd.scan.msk.s32 $0xffff, v47  }
0x46d: {  	v59 =	vadd.s32 v57, v48;
	vm4 =	vge.s32 v14, v7;
	v56, _, _ =	vpop (xrf0);
	(xrf0) =	vadd.scan.msk.s32 $0xffff, v11;
	v11 =	vperm.xlane v9, v4  }
0x46e: {  	v21 =	vperm.xlane v59, v4;
	v48 =	vmpcnt.ones.xlane vm4;
	vm13 =	vge.s32 v10, v7;
	v58, _, _ =	vpop (xrf0);
	(xrf0) =	vadd.scan.msk.s32 $0xffff, v8  }
0x46f: {  	v42 =	vmpcnt.ones.xlane vm13;
	v8, _, _ =	vpop (xrf0);
	(xrf0) =	vadd.scan.msk.s32 $0xffff, v11;
	v11 =	vadd.s32 v19, v26;
	v19 =	vbroadcast v19, $0xF  }
0x470: {  	vm5 =	vge.s32 v21, v7;
	v47 =	vmpcnt.ones.xlane vm15;
	v60 =	vbroadcast v11, $0xF  }
0x471: {  	v11 =	vadd.s32 v11, v50;
	v18 =	vadd.s32 v42, v31;
	v19 =	vadd.s32 v19, v25  }
0x472: {  	v29 =	vbroadcast v11, $0xF;
	v11 =	vadd.s32 v11, v53;
	v18 =	vadd.s32 v45, v18  }
0x473: {  	v61, _, _ =	vpop (xrf0);
	v16 =	vadd.s32 v60, v49;
	v24 =	vadd.s32 v11, v58;
	v11 =	vbroadcast v11, $0xF  }
0x474: {  	(xrf0) =	vadd.scan.msk.s32 $0xffff, v9;
	v9, _, _ =	vpop (xrf0);
	v19 =	vperm.xlane v19, v4;
	v18 =	vadd.s32 v47, v18;
	v49 =	vmpcnt.ones.xlane vm5  }
0x475: {  	v63, _, _ =	vpop (xrf0);
	v23 =	vadd.s32 v29, v52;
	v26 =	vadd.s32 v24, v61;
	v34 =	vbroadcast v24, $0xF  }
0x476: {  	v46 =	vld [tilespmem:$0xE780];
	v30, _, _ =	vpop (xrf0);
	v16 =	vperm.xlane v16, v4;
	v18 =	vadd.s32 v48, v18;
	v11 =	vadd.s32 v11, v56  }
0x477: {  	(xrf0) =	vadd.scan.msk.s32 $0xffff, v62;
	v32, _, _ =	vpop (xrf0);
	v35 =	vadd.s32 v26, v63;
	v26 =	vbroadcast v26, $0xF;
	vm6 =	vge.s32 v19, v7  }
0x478: {  	v23 =	vperm.xlane v23, v4;
	v18 =	vadd.s32 v49, v18;
	v27 =	vadd.s32 v35, v32  }
0x479: {  	v8 =	vadd.s32 v34, v8;
	v37 =	vbroadcast v35, $0xF;
	v50 =	vmpcnt.ones.xlane vm6  }
0x47a: {  	(xrf0) =	vadd.scan.msk.s32 $0xffff, v54;
	v33, _, _ =	vpop (xrf0);
	vm7 =	vge.s32 v16, v7;
	v11 =	vperm.xlane v11, v4;
	v39 =	vbroadcast v27, $0xF  }
0x47b: {  	v36, _, _ =	vpop (xrf0);
	v9 =	vadd.s32 v26, v9;
	v26 =	vperm.xlane v46, v4;
	v51 =	vmpcnt.ones.xlane vm7  }
0x47c: {  	vm8 =	vge.s32 v23, v7;
	v8 =	vperm.xlane v8, v4;
	v38 =	vadd.s32 v27, v36  }
0x47d: {  	v20 =	vadd.s32 v37, v30;
	v18 =	vadd.s32 v50, v18;
	v52 =	vmpcnt.ones.xlane vm8;
	v41, _, _ =	vpop (xrf0);
	(xrf0) =	vadd.scan.msk.s32 $0xffff, v26  }
0x47e: {  	vm9 =	vge.s32 v11, v7;
	v9 =	vperm.xlane v9, v4;
	v40 =	vbroadcast v38, $0xF  }
0x47f: {  	v12 =	vadd.s32 v39, v33;
	v53 =	vmpcnt.ones.xlane vm9;
	vm10 =	vge.s32 v8, v7  }
0x480: {  	[tilespmem:$0xE960] =	vst v10;
	v20 =	vperm.xlane v20, v4;
	v10 =	vadd.s32 v51, v18;
	v54 =	vmpcnt.ones.xlane vm10;
	v44, _, _ =	vpop (xrf0)  }
0x481: {  	[tilespmem:$0xE970] =	vst v13;
	vm11 =	vge.s32 v9, v7;
	v12 =	vperm.xlane v12, v4;
	v24 =	vadd.s32 v38, v44  }
0x482: {  	[tilespmem:$0xE950] =	vst v17;
	v10 =	vadd.s32 v52, v10;
	v43 =	vadd.s32 v40, v41;
	v56 =	vbroadcast v24, $0xF  }
0x483: {  	[tilespmem:$0xE940] =	vst v15;
	v55 =	vmpcnt.ones.xlane vm11;
	vm12 =	vge.s32 v20, v7;
	v10 =	vadd.s32 v53, v10;
	v58, _, _ =	vpop (xrf0)  }
0x484: {  	[tilespmem:$0xE930] =	vst v14;
	v57 =	vmpcnt.ones.xlane vm12;
	v59 =	vperm.xlane v43, v4;
	v22 =	vadd.s32 v56, v58  }
0x485: {  	[tilespmem:$0xE920] =	vst v21;
	vm13 =	vge.s32 v12, v7;
	v10 =	vadd.s32 v54, v10;
	v60 =	vperm.xlane v22, v4  }
0x486: {  	[tilespmem:$0xE910] =	vst v19;
	v61 =	vmpcnt.ones.xlane vm13;
	v10 =	vadd.s32 v55, v10;
	vm14 =	vge.s32 v59, v7  }
0x487: {  	[tilespmem:$0xE900] =	vst v16;
	v10 =	vadd.s32 v57, v10;
	v62 =	vmpcnt.ones.xlane vm14;
	vm15 =	vge.s32 v60, v7  }
0x488: {  	[tilespmem:$0xE8F0] =	vst v23;
	v10 =	vadd.s32 v61, v10;
	v63 =	vmpcnt.ones.xlane vm15  }
0x489: {  	[tilespmem:$0xE8E0] =	vst v11;
	v10 =	vadd.s32 v62, v10  }
0x48a: {  	[tilespmem:$0xE8D0] =	vst v8;
	v8 =	vadd.s32 v63, v10  }
0x48b: {  	[tilespmem:$0xE8C0] =	vst v9;
	v9 =	vadd.s32 $0xFFFFFFFF, v8  }
0x48c: {  	[tilespmem:$0xE8B0] =	vst v20  }
.Ltmp26:
0x48d: {  	[tilespmem:$0xE8A0] =	vst v12;
	(pc) =	sbr.rel @p0 .LBB2_51-.Ltmp26, $4  }
0x48e: {  	[tilespmem:$0xE890] =	vst v59  }
0x48f: {  	[tilespmem:$0xE880] =	vst v60  }
0x490: {  	v10 =	vshll.u32 v9, $0x8;
	v8 =	vld.idx.msk [tilespmem:v9+s20+$0x0], $0xffff  }
0x491: {  	v6 =	vor.u32 v6, v10;
	v9 =	vld.idx.msk [tilespmem:v9+s21+$0x0], $0xffff  }
0x492: {  	p2 =	sne.s32 s30, $0x1  }
.Ltmp27:
0x493: {  	_ = 	snop;
	(pc) =	sbr.rel @!p2 .LBB2_46-.Ltmp27, $3  }
0x494: {  	_ =	sdelay $0x1  }
0x495: {  	s1 =	simm.s32 $0x4080  }
0x496: {  	s0 =	simm.s32 $0x0;
	p1 =	por $0x0, $0x0;
	v10 =	vld [tilespmem:s1+$0x0];
	s1 =	sadd.s32 $0xFFFFFFFF, s30  }
0x497: {  	_ =	sdelay $0x3  }
0x498: {  	v11 =	vor.u32 s0, v0;
	v12 =	vxor.u32 v6, v10  }
0x499: {  	vm0 =	vlt.s32 v11, v5;
	vm1 =	vlt.u32 v12, $0x100  }
0x49a: {  	v10 =	vand.u32 $0xFF, v10;
	vm0 =	vmand vm0, vm1  }
0x49b: {  	v10 =	vadd.s32 v2, v10  }
0x49c: {  	p2 =	sne.s32 s1, $0x1  }
.Ltmp28:
0x49d: {  	_ = 	snop;
	(pc) =	sbr.rel @!p2 .LBB2_48-.Ltmp28, $3  }
0x49e: {  	_ =	sdelay $0x1  }
0x49f: {  	s9 =	simm.s32 $0x4090;
	[tilespmem:v10+s12+$0x0] =	vst.idx.add.s32.msk vm0, v3  }
0x4a0: {  	s23 =	sadd.s32 $0xFFFFFFFF, s1;
	p1 =	por $0x1, $0x1;
	s1 =	simm.s32 $0x0;
	v10 =	vld [tilespmem:s9+$0x0]  }
.LBB2_49:
0x4a1: {  	p2 =	sne.s32 s23, $0x1;
	_ =	sdelay $0x2  }
0x4a2: {  	s1 =	sadd.s32 $0x10, s1  }
0x4a3: {  	v11 =	vor.u32 s1, v0;
	v12 =	vxor.u32 v6, v10  }
0x4a4: {  	vm0 =	vlt.s32 v11, v5;
	vm1 =	vlt.u32 v12, $0x100  }
0x4a5: {  	v10 =	vand.u32 $0xFF, v10;
	vm0 =	vmand vm0, vm1  }
0x4a6: {  	v10 =	vadd.s32 v2, v10;
	_ =	sdelay $0x1  }
.Ltmp29:
0x4a7: {  	(pc) =	sbr.rel @p2 .LBB2_49-.Ltmp29, $3  }
0x4a8: {  	_ =	sdelay $0x1  }
0x4a9: {  	s9 =	sadd.s32 $0x10, s9;
	[tilespmem:v10+s12+$0x0] =	vst.idx.add.s32.msk vm0, v3  }
0x4aa: {  	s23 =	sadd.s32 $0xFFFFFFFF, s23;
	v10 =	vld [tilespmem:s9+$0x0]  }
.LBB2_50:
0x4ab: {  	_ =	sdelay $0x1  }
0x4ac: {  	s1 =	sadd.s32 @p1 $0x10, s1  }
0x4ad: {  	s0 =	smov.u32 @p1 s1  }
0x4ae: {  	v11 =	vor.u32 s0, v0;
	v12 =	vxor.u32 v6, v10  }
0x4af: {  	vm0 =	vlt.s32 v11, v5;
	vm1 =	vlt.u32 v12, $0x100  }
0x4b0: {  	v10 =	vand.u32 $0xFF, v10;
	vm0 =	vmand vm0, vm1  }
0x4b1: {  	v10 =	vadd.s32 v2, v10;
	_ =	sdelay $0x4  }
0x4b2: {  	[tilespmem:v10+s12+$0x0] =	vst.idx.add.s32.msk vm0, v3  }
.LBB2_51:
0x4b3: {  	s1 =	simm.s32 $0x0  }
0x4b4: {  	v10 =	vld [tilespmem:s1+$0x8180];
	[tilespmem:s1+$0x8180] =	vst v1  }
0x4b5: {  	v11 =	vld [tilespmem:s1+$0x8291];
	[tilespmem:s1+$0x8291] =	vst v1  }
0x4b6: {  	v12 =	vld [tilespmem:s1+$0x83A2];
	[tilespmem:s1+$0x83A2] =	vst v1  }
0x4b7: {  	v13 =	vld [tilespmem:s1+$0x84B3];
	[tilespmem:s1+$0x84B3] =	vst v1  }
0x4b8: {  	v14 =	vld [tilespmem:s1+$0x85C4];
	[tilespmem:s1+$0x85C4] =	vst v1  }
0x4b9: {  	v15 =	vld [tilespmem:s1+$0x86D5];
	[tilespmem:s1+$0x86D5] =	vst v1  }
0x4ba: {  	v16 =	vld [tilespmem:s1+$0x87E6];
	[tilespmem:s1+$0x87E6] =	vst v1  }
0x4bb: {  	v17 =	vld [tilespmem:s1+$0x88F7];
	[tilespmem:s1+$0x88F7] =	vst v1  }
0x4bc: {  	v18 =	vld [tilespmem:s1+$0x8A08];
	[tilespmem:s1+$0x8A08] =	vst v1  }
0x4bd: {  	v19 =	vld [tilespmem:s1+$0x8B19];
	[tilespmem:s1+$0x8B19] =	vst v1  }
0x4be: {  	v20 =	vld [tilespmem:s1+$0x8C2A];
	[tilespmem:s1+$0x8C2A] =	vst v1  }
0x4bf: {  	v21 =	vld [tilespmem:s1+$0x8D3B];
	[tilespmem:s1+$0x8D3B] =	vst v1  }
0x4c0: {  	v22 =	vld [tilespmem:s1+$0x8E4C];
	[tilespmem:s1+$0x8E4C] =	vst v1  }
0x4c1: {  	v23 =	vld [tilespmem:s1+$0x8F5D];
	[tilespmem:s1+$0x8F5D] =	vst v1  }
0x4c2: {  	v24 =	vld [tilespmem:s1+$0x906E];
	[tilespmem:s1+$0x906E] =	vst v1;
	v10 =	vadd.s32 v10, v11  }
0x4c3: {  	s0 =	simm.s32 $0x10;
	v25 =	vld [tilespmem:s1+$0x917F];
	[tilespmem:s1+$0x917F] =	vst v1;
	v10 =	vadd.s32 v12, v10  }
0x4c4: {  	v26 =	vld [tilespmem:s0+$0x8180];
	v10 =	vadd.s32 v13, v10  }
0x4c5: {  	[tilespmem:s0+$0x8180] =	vst v1;
	v27 =	vld [tilespmem:s0+$0x8291];
	v10 =	vadd.s32 v14, v10  }
0x4c6: {  	[tilespmem:s0+$0x8291] =	vst v1;
	v28 =	vld [tilespmem:s0+$0x83A2];
	v10 =	vadd.s32 v15, v10  }
0x4c7: {  	[tilespmem:s0+$0x83A2] =	vst v1;
	v29 =	vld [tilespmem:s0+$0x84B3];
	v11 =	vadd.s32 v16, v10  }
0x4c8: {  	[tilespmem:s0+$0x84B3] =	vst v1;
	v30 =	vld [tilespmem:s0+$0x85C4];
	v11 =	vadd.s32 v17, v11  }
0x4c9: {  	[tilespmem:s0+$0x85C4] =	vst v1;
	v31 =	vld [tilespmem:s0+$0x86D5];
	v12 =	vadd.s32 v18, v11  }
0x4ca: {  	[tilespmem:s0+$0x86D5] =	vst v1;
	v9 =	vsub.s32 v9, v8;
	v8 =	vld [tilespmem:s0+$0x8D3B];
	v12 =	vadd.s32 v19, v12  }
0x4cb: {  	[tilespmem:s0+$0x8D3B] =	vst v1;
	v14 =	vld [tilespmem:s0+$0x87E6];
	v15 =	vadd.s32 v26, v27;
	v13 =	vadd.s32 v20, v12  }
0x4cc: {  	[tilespmem:s0+$0x87E6] =	vst v1;
	v10 =	vld [tilespmem:s0+$0x88F7];
	v15 =	vadd.s32 v28, v15;
	v13 =	vadd.s32 v21, v13  }
0x4cd: {  	[tilespmem:s0+$0x88F7] =	vst v1;
	v15 =	vadd.s32 v29, v15;
	v11 =	vld [tilespmem:s0+$0x8A08];
	v63 =	vadd.s32 v22, v13  }
0x4ce: {  	[tilespmem:s0+$0x8A08] =	vst v1;
	v15 =	vadd.s32 v30, v15;
	v12 =	vld [tilespmem:s0+$0x8B19];
	v16 =	vadd.s32 v23, v63  }
0x4cf: {  	v15 =	vadd.s32 v31, v15;
	[tilespmem:s0+$0x8B19] =	vst v1;
	v13 =	vld [tilespmem:s0+$0x8C2A];
	v16 =	vadd.s32 v24, v16  }
0x4d0: {  	s31 =	simm.s32 $0x80;
	s9 =	simm.s32 $0xC0;
	v7 =	vadd.s32 v7, v9;
	v14 =	vadd.s32 v14, v15;
	[tilespmem:s0+$0x8C2A] =	vst v1;
	v9 =	vadd.s32 v25, v16  }
.LBB2_52:
0x4d1: {  	p1 =	sne.s32 s9, $0x3C0;
	v10 =	vadd.s32 v10, v14;
	v14 =	vld [tilespmem:s0+$0x8E4C];
	[tilespmem:s0+$0x8E4C] =	vst v1  }
0x4d2: {  	v10 =	vadd.s32 v11, v10;
	v11 =	vld [tilespmem:s0+$0x8F5D];
	[tilespmem:s0+$0x8F5D] =	vst v1  }
0x4d3: {  	v10 =	vadd.s32 v12, v10;
	v12 =	vld [tilespmem:s0+$0x906E];
	[tilespmem:s0+$0x906E] =	vst v1  }
0x4d4: {  	v10 =	vadd.s32 v13, v10;
	v13 =	vld [tilespmem:s0+$0x917F];
	[tilespmem:s0+$0x917F] =	vst v1  }
0x4d5: {  	v8 =	vadd.s32 v8, v10;
	[tilespmem:s1+$0xE780] =	vst v9;
	s1 =	smov.u32 s0;
	s0 =	sshra.s32 s31, $0x2;
	s31 =	smov.u32 s9  }
0x4d6: {  	v10 =	vld [tilespmem:s0+$0x8180];
	[tilespmem:s0+$0x8180] =	vst v1;
	v8 =	vadd.s32 v14, v8  }
0x4d7: {  	v14 =	vld [tilespmem:s0+$0x8291];
	[tilespmem:s0+$0x8291] =	vst v1;
	v8 =	vadd.s32 v11, v8  }
0x4d8: {  	v11 =	vld [tilespmem:s0+$0x83A2];
	[tilespmem:s0+$0x83A2] =	vst v1;
	v8 =	vadd.s32 v12, v8  }
0x4d9: {  	v12 =	vld [tilespmem:s0+$0x84B3];
	[tilespmem:s0+$0x84B3] =	vst v1;
	v9 =	vadd.s32 v13, v8  }
0x4da: {  	v8 =	vld [tilespmem:s0+$0x85C4];
	[tilespmem:s0+$0x85C4] =	vst v1  }
0x4db: {  	v13 =	vld [tilespmem:s0+$0x86D5];
	[tilespmem:s0+$0x86D5] =	vst v1  }
0x4dc: {  	v10 =	vadd.s32 v10, v14;
	v14 =	vld [tilespmem:s0+$0x87E6];
	[tilespmem:s0+$0x87E6] =	vst v1  }
.Ltmp30:
0x4dd: {  	v11 =	vadd.s32 v11, v10;
	v10 =	vld [tilespmem:s0+$0x88F7];
	[tilespmem:s0+$0x88F7] =	vst v1;
	(pc) =	sbr.rel @p1 .LBB2_52-.Ltmp30, $4  }
0x4de: {  	v12 =	vadd.s32 v12, v11;
	v11 =	vld [tilespmem:s0+$0x8A08];
	[tilespmem:s0+$0x8A08] =	vst v1  }
0x4df: {  	v8 =	vadd.s32 v8, v12;
	v12 =	vld [tilespmem:s0+$0x8B19];
	[tilespmem:s0+$0x8B19] =	vst v1  }
0x4e0: {  	v8 =	vadd.s32 v13, v8;
	v13 =	vld [tilespmem:s0+$0x8C2A];
	[tilespmem:s0+$0x8C2A] =	vst v1  }
0x4e1: {  	s9 =	sadd.s32 $0x40, s9;
	v14 =	vadd.s32 v14, v8;
	v8 =	vld [tilespmem:s0+$0x8D3B];
	[tilespmem:s0+$0x8D3B] =	vst v1  }
0x4e2: {  	v15 =	vld [tilespmem:s0+$0x8E4C];
	[tilespmem:s0+$0x8E4C] =	vst v1  }
0x4e3: {  	v16 =	vld [tilespmem:s0+$0x8F5D];
	[tilespmem:s0+$0x8F5D] =	vst v1  }
0x4e4: {  	v17 =	vld [tilespmem:s0+$0x906E];
	[tilespmem:s0+$0x906E] =	vst v1  }
0x4e5: {  	v18 =	vld [tilespmem:s0+$0x917F];
	[tilespmem:s0+$0x917F] =	vst v1  }
0x4e6: {  	s4 =	sshra.s32 s31, $0x2;
	[tilespmem:s1+$0xE780] =	vst v9  }
0x4e7: {  	v9 =	vld [tilespmem:s4+$0x8180]  }
0x4e8: {  	v19 =	vld [tilespmem:s4+$0x8291]  }
0x4e9: {  	v20 =	vld [tilespmem:s4+$0x83A2]  }
0x4ea: {  	v21 =	vld [tilespmem:s4+$0x84B3]  }
0x4eb: {  	v22 =	vld [tilespmem:s4+$0x85C4]  }
0x4ec: {  	[tilespmem:s4+$0x8180] =	vst v1;
	v23 =	vld [tilespmem:s4+$0x86D5]  }
0x4ed: {  	v10 =	vadd.s32 v10, v14;
	[tilespmem:s4+$0x8291] =	vst v1;
	v14 =	vld [tilespmem:s4+$0x8D3B]  }
0x4ee: {  	[tilespmem:s4+$0x83A2] =	vst v1;
	v9 =	vadd.s32 v9, v19;
	v19 =	vld [tilespmem:s4+$0x87E6]  }
0x4ef: {  	[tilespmem:s4+$0x84B3] =	vst v1;
	v9 =	vadd.s32 v20, v9;
	v20 =	vld [tilespmem:s4+$0x88F7]  }
0x4f0: {  	[tilespmem:s4+$0x85C4] =	vst v1;
	v9 =	vadd.s32 v21, v9;
	v21 =	vld [tilespmem:s4+$0x8A08]  }
0x4f1: {  	[tilespmem:s4+$0x86D5] =	vst v1;
	v9 =	vadd.s32 v22, v9;
	v22 =	vld [tilespmem:s4+$0x8B19]  }
0x4f2: {  	[tilespmem:s4+$0x8D3B] =	vst v1;
	v9 =	vadd.s32 v23, v9;
	v23 =	vld [tilespmem:s4+$0x8C2A]  }
0x4f3: {  	v10 =	vadd.s32 v11, v10;
	v11 =	vld [tilespmem:s4+$0x8E4C];
	[tilespmem:s4+$0x8E4C] =	vst v1;
	v9 =	vadd.s32 v19, v9  }
0x4f4: {  	v10 =	vadd.s32 v12, v10;
	v12 =	vld [tilespmem:s4+$0x8F5D];
	[tilespmem:s4+$0x8F5D] =	vst v1;
	v9 =	vadd.s32 v20, v9  }
0x4f5: {  	v10 =	vadd.s32 v13, v10;
	v13 =	vld [tilespmem:s4+$0x906E];
	[tilespmem:s4+$0x906E] =	vst v1;
	v9 =	vadd.s32 v21, v9  }
0x4f6: {  	v8 =	vadd.s32 v8, v10;
	v10 =	vld [tilespmem:s4+$0x917F];
	[tilespmem:s4+$0x917F] =	vst v1;
	v9 =	vadd.s32 v22, v9  }
0x4f7: {  	[tilespmem:s4+$0x87E6] =	vst v1;
	v9 =	vadd.s32 v23, v9  }
0x4f8: {  	v8 =	vadd.s32 v15, v8;
	[tilespmem:s4+$0x88F7] =	vst v1;
	v9 =	vadd.s32 v14, v9  }
0x4f9: {  	v8 =	vadd.s32 v16, v8;
	[tilespmem:s4+$0x8A08] =	vst v1;
	v9 =	vadd.s32 v11, v9  }
0x4fa: {  	v8 =	vadd.s32 v17, v8;
	[tilespmem:s4+$0x8B19] =	vst v1;
	v9 =	vadd.s32 v12, v9  }
0x4fb: {  	v8 =	vadd.s32 v18, v8;
	[tilespmem:s4+$0x8C2A] =	vst v1;
	v9 =	vadd.s32 v13, v9  }
0x4fc: {  	[tilespmem:s0+$0xE780] =	vst v8;
	v8 =	vadd.s32 v10, v9  }
0x4fd: {  	[tilespmem:s4+$0xE780] =	vst v8  }
0x4fe: {  	v8 =	vld [tilespmem:$0xE870];
	_ =	sdelay $0x1  }
0x4ff: {  	v9 =	vld [tilespmem:$0xE860];
	_ =	sdelay $0x1  }
0x500: {  	v10 =	vld [tilespmem:$0xE850]  }
0x501: {  	v11 =	vperm.xlane v8, v4  }
0x502: {  	v12 =	vld [tilespmem:$0xE840]  }
0x503: {  	(xrf0) =	vadd.scan.msk.s32 $0xffff, v11;
	v11 =	vperm.xlane v9, v4  }
0x504: {  	(xrf0) =	vadd.scan.msk.s32 $0xffff, v8;
	v8 =	vld [tilespmem:$0xE830]  }
0x505: {  	(xrf0) =	vadd.scan.msk.s32 $0xffff, v11;
	v11 =	vperm.xlane v10, v4  }
0x506: {  	(xrf0) =	vadd.scan.msk.s32 $0xffff, v9;
	v9 =	vld [tilespmem:$0xE820]  }
0x507: {  	(xrf0) =	vadd.scan.msk.s32 $0xffff, v11;
	v11 =	vperm.xlane v12, v4  }
0x508: {  	(xrf0) =	vadd.scan.msk.s32 $0xffff, v10  }
0x509: {  	v10 =	vld [tilespmem:$0xE810];
	v13, _, _ =	vpop (xrf0);
	(xrf0) =	vadd.scan.msk.s32 $0xffff, v11;
	v11 =	vperm.xlane v8, v4  }
0x50a: {  	v14, _, _ =	vpop (xrf0);
	(xrf0) =	vadd.scan.msk.s32 $0xffff, v12  }
0x50b: {  	v12 =	vld [tilespmem:$0xE800];
	v15, _, _ =	vpop (xrf0);
	(xrf0) =	vadd.scan.msk.s32 $0xffff, v11;
	v11 =	vperm.xlane v9, v4;
	_ =	sdelay $0x1  }
0x50c: {  	v17 =	vld [tilespmem:$0xE7F0];
	v16, _, _ =	vpop (xrf0);
	(xrf0) =	vadd.scan.msk.s32 $0xffff, v8  }
0x50d: {  	v18, _, _ =	vpop (xrf0);
	(xrf0) =	vadd.scan.msk.s32 $0xffff, v11;
	v8 =	vperm.xlane v10, v4  }
0x50e: {  	v19 =	vld [tilespmem:$0xE7E0];
	v11, _, _ =	vpop (xrf0);
	(xrf0) =	vadd.scan.msk.s32 $0xffff, v9  }
0x50f: {  	v20, _, _ =	vpop (xrf0);
	(xrf0) =	vadd.scan.msk.s32 $0xffff, v8;
	v8 =	vperm.xlane v12, v4  }
0x510: {  	v22 =	vld [tilespmem:$0xE7D0];
	v21, _, _ =	vpop (xrf0);
	(xrf0) =	vadd.scan.msk.s32 $0xffff, v10  }
0x511: {  	v9 =	vbroadcast v14, $0xF;
	v23, _, _ =	vpop (xrf0);
	(xrf0) =	vadd.scan.msk.s32 $0xffff, v8;
	v8 =	vperm.xlane v17, v4  }
0x512: {  	v10 =	vadd.s32 v14, v16;
	v14, _, _ =	vpop (xrf0);
	(xrf0) =	vadd.scan.msk.s32 $0xffff, v12  }
0x513: {  	v24 =	vperm.xlane v19, v4;
	v9 =	vadd.s32 v9, v15;
	v15 =	vbroadcast v10, $0xF;
	v12 =	vld [tilespmem:$0xE7C0];
	v16, _, _ =	vpop (xrf0);
	(xrf0) =	vadd.scan.msk.s32 $0xffff, v8  }
0x514: {  	v8 =	vperm.xlane v13, v4;
	v13, _, _ =	vpop (xrf0);
	(xrf0) =	vadd.scan.msk.s32 $0xffff, v17  }
0x515: {  	v53 =	vperm.xlane v22, v4;
	v11 =	vadd.s32 v10, v11;
	v15 =	vadd.s32 v15, v18;
	v17 =	vld [tilespmem:$0xE7B0];
	v18, _, _ =	vpop (xrf0);
	(xrf0) =	vadd.scan.msk.s32 $0xffff, v24  }
0x516: {  	v10 =	vperm.xlane v15, v4;
	v15 =	vbroadcast v11, $0xF;
	v25, _, _ =	vpop (xrf0);
	(xrf0) =	vadd.scan.msk.s32 $0xffff, v19  }
0x517: {  	v11 =	vadd.s32 v11, v21;
	v19 =	vld [tilespmem:$0xE7A0];
	v26, _, _ =	vpop (xrf0);
	(xrf0) =	vadd.scan.msk.s32 $0xffff, v53  }
0x518: {  	v15 =	vadd.s32 v15, v20;
	v54 =	vperm.xlane v12, v4;
	v20, _, _ =	vpop (xrf0);
	(xrf0) =	vadd.scan.msk.s32 $0xffff, v22;
	v22 =	vbroadcast v11, $0xF  }
0x519: {  	v21 =	vld [tilespmem:$0xE790]  }
0x51a: {  	v14 =	vadd.s32 v11, v14;
	v27, _, _ =	vpop (xrf0);
	(xrf0) =	vadd.scan.msk.s32 $0xffff, v54;
	v55 =	vperm.xlane v17, v4  }
0x51b: {  	v11 =	vperm.xlane v15, v4;
	v15 =	vbroadcast v14, $0xF;
	v28, _, _ =	vpop (xrf0);
	(xrf0) =	vadd.scan.msk.s32 $0xffff, v12  }
0x51c: {  	v13 =	vadd.s32 v14, v13;
	v12 =	vadd.s32 v22, v23;
	v23 =	vperm.xlane v19, v4;
	v22, _, _ =	vpop (xrf0);
	(xrf0) =	vadd.scan.msk.s32 $0xffff, v55  }
0x51d: {  	v9 =	vperm.xlane v9, v4;
	v14 =	vbroadcast v13, $0xF;
	v15 =	vadd.s32 v15, v16;
	v16, _, _ =	vpop (xrf0);
	(xrf0) =	vadd.scan.msk.s32 $0xffff, v17  }
0x51e: {  	v13 =	vadd.s32 v13, v25;
	v57, _, _ =	vpop (xrf0);
	(xrf0) =	vadd.scan.msk.s32 $0xffff, v23;
	v23 =	vperm.xlane v21, v4  }
0x51f: {  	[tilespmem:$0xE960] =	vst v9;
	v20 =	vadd.s32 v13, v20;
	v18 =	vadd.s32 v14, v18  }
0x520: {  	v56 =	vbroadcast v13, $0xF;
	v13 =	vperm.xlane v18, v4;
	v18 =	vadd.s32 v20, v28;
	v17 =	vld [tilespmem:$0xE780];
	v29, _, _ =	vpop (xrf0);
	(xrf0) =	vadd.scan.msk.s32 $0xffff, v19  }
0x521: {  	[tilespmem:$0xE970] =	vst v8;
	v16 =	vadd.s32 v18, v16;
	v19, _, _ =	vpop (xrf0);
	(xrf0) =	vadd.scan.msk.s32 $0xffff, v23  }
0x522: {  	v14 =	vperm.xlane v12, v4;
	v18 =	vbroadcast v18, $0xF;
	v58 =	vadd.s32 v16, v29;
	v23, _, _ =	vpop (xrf0);
	(xrf0) =	vadd.scan.msk.s32 $0xffff, v21  }
0x523: {  	[tilespmem:$0xE950] =	vst v10;
	v12 =	vperm.xlane v15, v4;
	v20 =	vbroadcast v20, $0xF;
	v21, _, _ =	vpop (xrf0);
	v23 =	vadd.s32 v58, v23  }
0x524: {  	[tilespmem:$0xE940] =	vst v11;
	v16 =	vbroadcast v16, $0xF;
	v18 =	vadd.s32 v18, v22;
	v59, _, _ =	vpop (xrf0);
	v22 =	vbroadcast v23, $0xF  }
0x525: {  	v15 =	vadd.s32 v56, v26;
	[tilespmem:$0xE930] =	vst v14;
	v17 =	vperm.xlane v17, v4;
	v60, _, _ =	vpop (xrf0)  }
0x526: {  	v15 =	vperm.xlane v15, v4;
	[tilespmem:$0xE920] =	vst v12;
	v20 =	vadd.s32 v20, v27;
	v25 =	vadd.s32 v16, v57;
	v61, _, _ =	vpop (xrf0)  }
0x527: {  	v16 =	vperm.xlane v20, v4;
	(xrf0) =	vadd.scan.msk.s32 $0xffff, v17;
	v20 =	vadd.s32 v22, v21;
	v21 =	vadd.s32 v23, v59;
	v62, _, _ =	vpop (xrf0)  }
0x528: {  	[tilespmem:$0xE910] =	vst v13;
	v24 =	vbroadcast v58, $0xF;
	v23 =	vadd.s32 v21, v61;
	v22, _, _ =	vpop (xrf0)  }
0x529: {  	[tilespmem:$0xE900] =	vst v15;
	v17 =	vperm.xlane v18, v4;
	v22 =	vadd.s32 v23, v22;
	v23 =	vbroadcast v23, $0xF  }
0x52a: {  	v19 =	vadd.s32 v24, v19;
	[tilespmem:$0xE8F0] =	vst v16;
	v18 =	vperm.xlane v25, v4;
	v21 =	vbroadcast v21, $0xF  }
0x52b: {  	v19 =	vperm.xlane v19, v4;
	[tilespmem:$0xE8E0] =	vst v17  }
0x52c: {  	[tilespmem:$0xE8D0] =	vst v18;
	v20 =	vperm.xlane v20, v4;
	v21 =	vadd.s32 v21, v60;
	v63 =	vbroadcast v22, $0xF  }
.Ltmp31:
0x52d: {  	[tilespmem:$0xE8C0] =	vst v19;
	v21 =	vperm.xlane v21, v4;
	v22 =	vadd.s32 v23, v62;
	v23, _, _ =	vpop (xrf0);
	(pc) =	sbr.rel @p0 .LBB2_61-.Ltmp31, $4  }
0x52e: {  	[tilespmem:$0xE8B0] =	vst v20;
	v22 =	vperm.xlane v22, v4;
	v23 =	vadd.s32 v63, v23  }
0x52f: {  	[tilespmem:$0xE8A0] =	vst v21;
	v23 =	vperm.xlane v23, v4  }
0x530: {  	[tilespmem:$0xE890] =	vst v22  }
0x531: {  	[tilespmem:$0xE880] =	vst v23  }
0x532: {  	vm0 =	vge.s32 v8, v7;
	vm1 =	vge.s32 v9, v7  }
0x533: {  	vm14 =	vge.s32 v10, v7;
	v8 =	vmpcnt.ones.xlane vm0;
	v9 =	vmpcnt.ones.xlane vm1  }
0x534: {  	vm15 =	vge.s32 v11, v7;
	v10 =	vmpcnt.ones.xlane vm14  }
0x535: {  	vm4 =	vge.s32 v14, v7;
	v11 =	vmpcnt.ones.xlane vm15;
	v8 =	vadd.s32 v9, v8  }
0x536: {  	vm5 =	vge.s32 v12, v7;
	v9 =	vmpcnt.ones.xlane vm4;
	v8 =	vadd.s32 v10, v8  }
0x537: {  	vm6 =	vge.s32 v13, v7;
	v10 =	vmpcnt.ones.xlane vm5;
	v8 =	vadd.s32 v11, v8  }
0x538: {  	vm7 =	vge.s32 v15, v7;
	v11 =	vmpcnt.ones.xlane vm6;
	v8 =	vadd.s32 v9, v8  }
0x539: {  	vm8 =	vge.s32 v16, v7;
	v9 =	vmpcnt.ones.xlane vm7;
	v8 =	vadd.s32 v10, v8  }
0x53a: {  	vm9 =	vge.s32 v17, v7;
	v10 =	vmpcnt.ones.xlane vm8;
	v8 =	vadd.s32 v11, v8  }
0x53b: {  	vm10 =	vge.s32 v18, v7;
	v11 =	vmpcnt.ones.xlane vm9;
	v8 =	vadd.s32 v9, v8  }
0x53c: {  	vm11 =	vge.s32 v19, v7;
	v9 =	vmpcnt.ones.xlane vm10;
	v8 =	vadd.s32 v10, v8  }
0x53d: {  	vm12 =	vge.s32 v20, v7;
	v10 =	vmpcnt.ones.xlane vm11;
	v8 =	vadd.s32 v11, v8  }
0x53e: {  	vm13 =	vge.s32 v21, v7;
	v11 =	vmpcnt.ones.xlane vm12;
	v8 =	vadd.s32 v9, v8  }
0x53f: {  	vm14 =	vge.s32 v22, v7;
	v9 =	vmpcnt.ones.xlane vm13;
	v8 =	vadd.s32 v10, v8  }
0x540: {  	vm15 =	vge.s32 v23, v7;
	v10 =	vmpcnt.ones.xlane vm14;
	v8 =	vadd.s32 v11, v8  }
0x541: {  	v11 =	vmpcnt.ones.xlane vm15;
	v8 =	vadd.s32 v9, v8  }
0x542: {  	v8 =	vadd.s32 v10, v8  }
0x543: {  	v8 =	vadd.s32 v11, v8  }
0x544: {  	v8 =	vadd.s32 $0xFFFFFFFF, v8;
	_ =	sdelay $0x4  }
0x545: {  	v9 =	vld.idx.msk [tilespmem:v8+s20+$0x0], $0xffff  }
0x546: {  	v10 =	vld.idx.msk [tilespmem:v8+s21+$0x0], $0xffff  }
0x547: {  	p1 =	sne.s32 s30, $0x1  }
.Ltmp32:
0x548: {  	_ = 	snop;
	(pc) =	sbr.rel @!p1 .LBB2_55-.Ltmp32, $4  }
0x549: {  	_ = 	snop  }
0x54a: {  	s4 =	simm.s32 $0x4080;
	v7 =	vsub.s32 v7, v9  }
0x54b: {  	s0 =	simm.s32 $0x6100;
	v7 =	vadd.s32 v10, v7;
	v10 =	vld [tilespmem:s4+$0x0]  }
0x54c: {  	s1 =	simm.s32 $0x0;
	s23 =	sadd.s32 $0xFFFFFFFF, s30;
	p0 =	por $0x0, $0x0;
	v11 =	vimm.s32 $0x0;
	v6 =	vor.u32 v6, v8  }
0x54d: {  	_ =	sdelay $0x1  }
0x54e: {  	v8 =	vor.u32 s1, v0  }
0x54f: {  	vm0 =	vlt.s32 v8, v5;
	vm1 =	veq.s32 v10, v6  }
0x550: {  	vm1 =	vmand vm0, vm1  }
0x551: {  	v8 =	vsel vm1, $0x1, v1  }
0x552: {  	(xrf0) =	vadd.scan.msk.s32 $0xffff, v8;
	_ =	sdelay $0x5  }
0x553: {  	v8, _, _ =	vpop (xrf0)  }
0x554: {  	v8 =	vadd.s32 v11, v8  }
0x555: {  	vm2 =	vgt.u32 v10, v6;
	vm3 =	vle.s32 v8, v7  }
0x556: {  	vm0 =	vmand vm0, vm2;
	vm15 =	vmand vm1, vm3  }
0x557: {  	vm0 =	vmor vm0, vm15  }
0x558: {  	v8 =	vsel vm0, $0x1, v1  }
0x559: {  	(xrf0) =	vadd.scan.msk.s32 $0xffff, v8;
	_ =	sdelay $0x5  }
0x55a: {  	v8, _, _ =	vpop (xrf0)  }
0x55b: {  	v8 =	vadd.s32 v8, v11  }
0x55c: {  	v10 =	vld [tilespmem:s0+$0x0];
	v12 =	vadd.s32 $0xFFFFFFFF, v8;
	_ =	sdelay $0x1  }
0x55d: {  	p1 =	sne.s32 s23, $0x1  }
.Ltmp33:
0x55e: {  	_ = 	snop;
	(pc) =	sbr.rel @!p1 .LBB2_57-.Ltmp33, $4  }
0x55f: {  	v13 =	vmpcnt.ones.xlane vm0;
	v8 =	vmpcnt.ones.xlane vm1  }
0x560: {  	s9 =	simm.s32 $0x4090;
	[tilespmem:v12+s22+$0x0] =	vst.idx.msk vm0, v10  }
0x561: {  	s24 =	sadd.s32 $0xFFFFFFFF, s23;
	v9 =	vadd.s32 v11, v8;
	v8 =	vadd.s32 v11, v13;
	v10 =	vld [tilespmem:s9+$0x0]  }
0x562: {  	p0 =	por $0x1, $0x1;
	s31 =	simm.s32 $0x0;
	s30 =	simm.s32 $0x6100;
	v11 =	vmov v9;
	v12 =	vmov v8  }
.LBB2_58:
0x563: {  	p1 =	sne.s32 s24, $0x1;
	_ =	sdelay $0x1  }
0x564: {  	s31 =	sadd.s32 $0x10, s31  }
0x565: {  	v13 =	vor.u32 s31, v0  }
0x566: {  	vm0 =	vlt.s32 v13, v5;
	vm1 =	veq.s32 v10, v6  }
0x567: {  	vm1 =	vmand vm0, vm1  }
0x568: {  	v13 =	vsel vm1, $0x1, v1;
	v14 =	vmpcnt.ones.xlane vm1  }
0x569: {  	(xrf0) =	vadd.scan.msk.s32 $0xffff, v13  }
0x56a: {  	v11 =	vadd.s32 v11, v14;
	_ =	sdelay $0x4  }
0x56b: {  	v13, _, _ =	vpop (xrf0)  }
0x56c: {  	v13 =	vadd.s32 v9, v13;
	v9 =	vmov v11  }
0x56d: {  	vm2 =	vgt.u32 v10, v6;
	vm3 =	vle.s32 v13, v7  }
0x56e: {  	vm0 =	vmand vm0, vm2;
	vm1 =	vmand vm1, vm3  }
0x56f: {  	vm0 =	vmor vm0, vm1  }
0x570: {  	v10 =	vsel vm0, $0x1, v1;
	v13 =	vmpcnt.ones.xlane vm0  }
0x571: {  	(xrf0) =	vadd.scan.msk.s32 $0xffff, v10  }
0x572: {  	v12 =	vadd.s32 v12, v13;
	_ =	sdelay $0x4  }
0x573: {  	v10, _, _ =	vpop (xrf0)  }
0x574: {  	s30 =	sadd.s32 $0x10, s30;
	v10 =	vadd.s32 v10, v8;
	v8 =	vmov v12  }
0x575: {  	v13 =	vld [tilespmem:s30+$0x0];
	v10 =	vadd.s32 $0xFFFFFFFF, v10;
	_ =	sdelay $0x1  }
.Ltmp34:
0x576: {  	(pc) =	sbr.rel @p1 .LBB2_58-.Ltmp34, $3  }
0x577: {  	_ =	sdelay $0x1  }
0x578: {  	s9 =	sadd.s32 $0x10, s9;
	[tilespmem:v10+s22+$0x0] =	vst.idx.msk vm0, v13  }
0x579: {  	s24 =	sadd.s32 $0xFFFFFFFF, s24;
	v10 =	vld [tilespmem:s9+$0x0]  }
.Ltmp35:
0x57a: {  	(pc) =	sbr.rel .LBB2_60-.Ltmp35, $2  }
0x57b: {  	_ =	sdelay $0x2  }
0x57c: {  	v11 =	vmov v9  }
.LBB2_12:
.Ltmp36:
0x57d: {  	(pc) =	sbr.rel .LBB2_19-.Ltmp36, $2  }
0x57e: {  	_ =	sdelay $0x2  }
0x57f: {  	s23 =	smov.u32 s9;
	s31 =	simm.s32 $0xD780;
	s30 =	smov.u32 s1  }
.LBB2_15:
.Ltmp37:
0x580: {  	(pc) =	sbr.rel .LBB2_23-.Ltmp37, $2  }
0x581: {  	_ =	sdelay $0x2  }
0x582: {  	s24 =	simm.s32 $0x0;
	s9 =	simm.s32 $0x4080  }
.LBB2_28:
.Ltmp38:
0x583: {  	(pc) =	sbr.rel .LBB2_32-.Ltmp38, $2  }
0x584: {  	_ =	sdelay $0x2  }
0x585: {  	s1 =	simm.s32 $0x0  }
.LBB2_37:
.Ltmp39:
0x586: {  	(pc) =	sbr.rel .LBB2_41-.Ltmp39, $2  }
0x587: {  	_ =	sdelay $0x2  }
0x588: {  	s1 =	simm.s32 $0x0  }
.LBB2_46:
.Ltmp40:
0x589: {  	(pc) =	sbr.rel .LBB2_50-.Ltmp40, $2  }
0x58a: {  	_ =	sdelay $0x2  }
0x58b: {  	s1 =	simm.s32 $0x0  }
.LBB2_17:
.Ltmp41:
0x58c: {  	(pc) =	sbr.rel .LBB2_19-.Ltmp41, $2  }
0x58d: {  	_ =	sdelay $0x2  }
0x58e: {  	s23 =	smov.u32 s9;
	s31 =	simm.s32 $0xD780;
	s30 =	smov.u32 s1  }
.LBB2_21:
.Ltmp42:
0x58f: {  	(pc) =	sbr.rel .LBB2_23-.Ltmp42, $2  }
0x590: {  	_ =	sdelay $0x2  }
0x591: {  	s24 =	simm.s32 $0x0;
	s9 =	simm.s32 $0x4080  }
.LBB2_30:
.Ltmp43:
0x592: {  	(pc) =	sbr.rel .LBB2_32-.Ltmp43, $2  }
0x593: {  	_ =	sdelay $0x2  }
0x594: {  	s1 =	simm.s32 $0x0  }
.LBB2_39:
.Ltmp44:
0x595: {  	(pc) =	sbr.rel .LBB2_41-.Ltmp44, $2  }
0x596: {  	_ =	sdelay $0x2  }
0x597: {  	s1 =	simm.s32 $0x0  }
.LBB2_48:
.Ltmp45:
0x598: {  	(pc) =	sbr.rel .LBB2_50-.Ltmp45, $2  }
0x599: {  	_ =	sdelay $0x2  }
0x59a: {  	s1 =	simm.s32 $0x0  }
.LBB2_57:
.Ltmp46:
0x59b: {  	(pc) =	sbr.rel .LBB2_60-.Ltmp46, $2  }
0x59c: {  	_ =	sdelay $0x2  }
0x59d: {  	s31 =	simm.s32 $0x0;
	v11 =	vmov v9;
	s30 =	simm.s32 $0x6100  }
.LBB2_62:
0x59e: {  	_ =	sfence.sel $0x180000  }
0x59f: {  	[bflag:$0x0] =	sbarrier.arrive $0xFFFF  }
0x5a0: {  	_ =	strace $0x90000047  }
0x5a1: {  	s0 =	stileid.u32;
	[bflag:$0x2] =	sbarrier.arrive $0xFFFF  }
0x5a2: {  	p0 =	sne.s32 s0, $0x0;
	s0 =	rddreg [dreg:$0x5]  }
0x5a3: {  	s0 =	sadd.s32 @!p0 $0x100000, s0  }
0x5a4: {  	[sflag:s0] =	ssyncadd.tile.s32 @!p0 $0x1;
	_ =	shalt  }
.Lfunc_end2:
_tile_overlayer_lowered:
.L_overlay_start_2:
0x5a5: {  	(tag) =	ssettag $0x2  }
0x5a6: {  	s0 =	rddreg [dreg:$0x0];
	s2 =	stileid.u32  }
0x5a7: {  	s1 =	rddreg [dreg:$0x1];
	p0 =	sne.s32 s2, $0x0  }
0x5a8: {  	s3 =	rddreg [dreg:$0x2];
	[bflag:$0x3] =	sbarrier.arrive $0xFFFF;
	s2 =	simm.s32 @!p0 $0x1C04  }
0x5a9: {  	[timem:s3], [sflag:s2] =	dma.local @!p0 [hbm:s0], s1  }
0x5aa: {  	s0 =	simm.s32 @!p0 $0x4  }
0x5ab: {  	_ =	swait.ge @!p0 [sflag:s0], s1  }
0x5ac: {  	s1 =	ssub.s32 @!p0 $0x0, s1;
	[sflag:s0] =	ssyncset.done @!p0 $0x0  }
0x5ad: {  	[sflag:s0] =	ssyncadd.s32 @!p0 s1  }
0x5ae: {  	[bflag:$0x3] =	sbarrier.arrive $0xFFFF  }
0x5af: {  	_ =	shalt  }

</sc_bundles>
